<compile_context>
chip_gen: v7x
topology: tpu7x:2x2x1
jax: 0.10.2.dev20260603
libtpu: 0.0.44.dev20260713+nightly
codegen_flags: <defaults>
</compile_context>

<pallas_src>
import functools

import jax
import jax.numpy as jnp
from jax import lax
from jax.experimental import pallas as pl
from jax.experimental.pallas import tpu as pltpu
from jax.experimental.pallas import tpu_sc as plsc

N = 10000
E = 320000
D = 128
C = 40
G = 64

NC = 2
NS = 16
NW = NC * NS
EDGES_PER_TILE = E // NW
CHUNK = 80
NCHUNKS = EDGES_PER_TILE // CHUNK
ROW0 = 640
STAGE = 80
NSTAGE0 = ROW0 // STAGE

_MESH = plsc.VectorSubcoreMesh(core_axis_name="c", subcore_axis_name="s")


def _zero_fill(ref, rows, width):
    def body(i, _):
        for j in range(width // 16):
            ref[i, pl.ds(j * 16, 16)] = jnp.zeros((16,), jnp.float32)
        return 0
    lax.fori_loop(0, rows, body, 0, unroll=False)


NPAD = NS * ROW0


def _deg_body(dst_hbm, out_lo, out_hi, idxv, hist, stage_v, sh):
    c = lax.axis_index("c")
    s = lax.axis_index("s")
    w = c * NS + s

    def z(i, _):
        hist[pl.ds(i * 16, 16)] = jnp.zeros((16,), jnp.float32)
        return 0
    lax.fori_loop(0, NPAD // 16, z, 0, unroll=False)

    pltpu.sync_copy(dst_hbm.at[pl.ds(w * EDGES_PER_TILE, EDGES_PER_TILE)], idxv)
    ones16 = jnp.ones((16,), jnp.float32)
    def body(i, _):
        v = idxv[pl.ds(i * 16, 16)]
        plsc.addupdate_scatter(hist, [v], ones16)
        return 0
    lax.fori_loop(0, EDGES_PER_TILE // 16, body, 0, unroll=False)

    pltpu.sync_copy(hist, sh.at[pl.ds(s * NPAD, NPAD)])
    plsc.subcore_barrier()
    for t in range(NS):
        pltpu.sync_copy(sh.at[pl.ds(t * NPAD + s * ROW0, ROW0)],
                        hist.at[pl.ds(t * ROW0, ROW0)])
    def red(j, _):
        acc = hist[pl.ds(j * 16, 16)]
        for t in range(1, NS):
            acc = acc + hist[pl.ds(t * ROW0 + j * 16, 16)]
        stage_v[pl.ds(j * 16, 16)] = acc
        return 0
    lax.fori_loop(0, ROW0 // 16, red, 0, unroll=False)

    @pl.when(c == 0)
    def _():
        pltpu.sync_copy(stage_v, out_lo.at[pl.ds(s * ROW0, ROW0)])

    @pl.when(c == 1)
    def _():
        pltpu.sync_copy(stage_v, out_hi.at[pl.ds(s * ROW0, ROW0)])


_deg_kernel = functools.partial(
    pl.kernel,
    mesh=_MESH,
    compiler_params=pltpu.CompilerParams(needs_layout_passes=False),
    out_type=[jax.ShapeDtypeStruct((NPAD,), jnp.float32),
              jax.ShapeDtypeStruct((NPAD,), jnp.float32)],
    scratch_types=[
        pltpu.VMEM((EDGES_PER_TILE,), jnp.int32),
        pltpu.VMEM((NPAD,), jnp.float32),
        pltpu.VMEM((ROW0,), jnp.float32),
        pltpu.VMEM_SHARED((NS * NPAD,), jnp.float32),
    ],
)(_deg_body)


def _agg_body(y_hbm, src_hbm, dst3_hbm, out_hbm, srcall, dstv0, dstv1, dstv2,
              rows0, rows1, rows2, agg_sh,
              gsem0, gsem1, gsem2, ssem0, ssem1, ssem2, dsem0, dsem1, dsem2):
    c = lax.axis_index("c")
    s = lax.axis_index("s")
    w = c * NS + s
    nstage = jnp.where(s == NS - 1, 5, NSTAGE0)

    _zero_fill(rows0, STAGE, D)
    def zc(k, _):
        pltpu.sync_copy(rows0, agg_sh.at[pl.ds(s * ROW0 + k * STAGE, STAGE)])
        return 0
    lax.fori_loop(0, nstage, zc, 0, unroll=False)

    pltpu.sync_copy(src_hbm.at[pl.ds(w * EDGES_PER_TILE, EDGES_PER_TILE)], srcall)
    plsc.subcore_barrier()

    rows = (rows0, rows1, rows2)
    dstv = (dstv0, dstv1, dstv2)
    gs = (gsem0, gsem1, gsem2)
    ss = (ssem0, ssem1, ssem2)
    dsm = (dsem0, dsem1, dsem2)

    def g_start(k, b):
        pltpu.async_copy(y_hbm.at[srcall.at[pl.ds(k * CHUNK, CHUNK)]], rows[b], gs[b])
    def g_wait(b):
        pltpu.make_async_copy(y_hbm.at[srcall.at[pl.ds(0, CHUNK)]], rows[b], gs[b]).wait()
    def d_start(k, b):
        pltpu.async_copy(dst3_hbm.at[w, k], dstv[b], dsm[b])
    def d_wait(b):
        pltpu.make_async_copy(dst3_hbm.at[w, 0], dstv[b], dsm[b]).wait()
    def s_start(b):
        pltpu.async_copy(rows[b], agg_sh.at[dstv[b]], ss[b], add=True)
    def s_wait(b):
        pltpu.make_async_copy(rows[b], agg_sh.at[dstv[b]], ss[b]).wait()

    d_start(0, 0); g_start(0, 0); d_start(1, 1); g_start(1, 1)
    g_wait(0); d_wait(0); s_start(0); d_start(2, 2); g_start(2, 2)
    g_wait(1); d_wait(1); s_start(1); s_wait(0); d_start(3, 0); g_start(3, 0)
    g_wait(2); d_wait(2); s_start(2); s_wait(1); d_start(4, 1); g_start(4, 1)

    def triple(p, _):
        for b in (0, 1, 2):
            k = 3 * p + b
            bn = (b + 2) % 3
            g_wait(b); d_wait(b); s_start(b)
            s_wait(bn); d_start(k + 2, bn); g_start(k + 2, bn)
        return 0
    lax.fori_loop(1, (NCHUNKS - 2) // 3, triple, 0, unroll=False)

    g_wait(0); d_wait(0); s_start(0)
    g_wait(1); d_wait(1); s_start(1)
    s_wait(2); s_wait(0); s_wait(1)
    plsc.subcore_barrier()

    outb = (rows0, rows1)
    def ld_start(k, b):
        pltpu.async_copy(agg_sh.at[pl.ds(s * ROW0 + k * STAGE, STAGE)],
                         outb[b], gs[b])
    def ld_wait(b):
        pltpu.make_async_copy(agg_sh.at[pl.ds(s * ROW0, STAGE)],
                              outb[b], gs[b]).wait()
    def st_start(k, b):
        pltpu.async_copy(outb[b], out_hbm.at[pl.ds(c * N + s * ROW0 + k * STAGE,
                                                   STAGE)], ss[b])
    def st_wait(b):
        pltpu.make_async_copy(outb[b], out_hbm.at[pl.ds(c * N + s * ROW0,
                                                        STAGE)], ss[b]).wait()

    ld_start(0, 0)
    for k in range(NSTAGE0):
        b = k % 2
        @pl.when(k < nstage)
        def _():
            ld_wait(b)
            @pl.when(k + 1 < nstage)
            def _():
                if k >= 1:
                    st_wait(1 - b)
                ld_start(k + 1, 1 - b)
            st_start(k, b)
    st_wait(0); st_wait(1)


_agg_kernel = functools.partial(
    pl.kernel,
    mesh=_MESH,
    out_type=jax.ShapeDtypeStruct((NC * N, D), jnp.float32),
    scratch_types=[
        pltpu.VMEM((EDGES_PER_TILE,), jnp.int32),
        pltpu.VMEM((CHUNK,), jnp.int32),
        pltpu.VMEM((CHUNK,), jnp.int32),
        pltpu.VMEM((CHUNK,), jnp.int32),
        pltpu.VMEM((CHUNK, D), jnp.float32),
        pltpu.VMEM((CHUNK, D), jnp.float32),
        pltpu.VMEM((CHUNK, D), jnp.float32),
        pltpu.VMEM_SHARED((N, D), jnp.float32),
        pltpu.SemaphoreType.DMA, pltpu.SemaphoreType.DMA, pltpu.SemaphoreType.DMA,
        pltpu.SemaphoreType.DMA, pltpu.SemaphoreType.DMA, pltpu.SemaphoreType.DMA,
        pltpu.SemaphoreType.DMA, pltpu.SemaphoreType.DMA, pltpu.SemaphoreType.DMA,
    ],
)(_agg_body)


RB = 1000
NRB = N // RB

_f32 = jnp.float32
_HI = lax.Precision.HIGHEST


def _prep_body(deg_lo, deg_hi, x_ref, w_ref, y_out, dinv_out):
    deg = deg_lo[...] + deg_hi[...] + 1.0
    dinv = lax.rsqrt(deg)
    xw = lax.dot_general(x_ref[...], w_ref[...], (((1,), (1,)), ((), ())),
                         preferred_element_type=_f32, precision=_HI)
    y_out[...] = xw * dinv
    dinv_out[...] = dinv


def _prep_tc(deg_lo, deg_hi, x, W1):
    return pl.pallas_call(
        _prep_body,
        grid=(NRB,),
        in_specs=[
            pl.BlockSpec((RB, 1), lambda i: (i, 0)),
            pl.BlockSpec((RB, 1), lambda i: (i, 0)),
            pl.BlockSpec((RB, D), lambda i: (i, 0)),
            pl.BlockSpec((D, D), lambda i: (0, 0)),
        ],
        out_specs=[
            pl.BlockSpec((RB, D), lambda i: (i, 0)),
            pl.BlockSpec((RB, 1), lambda i: (i, 0)),
        ],
        out_shape=[
            jax.ShapeDtypeStruct((N, D), _f32),
            jax.ShapeDtypeStruct((N, 1), _f32),
        ],
    )(deg_lo, deg_hi, x, W1)


def _mid_body(y_ref, agg_lo, agg_hi, dinv_ref, b_ref, w_ref, out_ref):
    dinv = dinv_ref[...]
    h = dinv * (agg_lo[...] + agg_hi[...] + y_ref[...]) + b_ref[...]
    h = jnp.maximum(h, 0.0)
    xw = lax.dot_general(h, w_ref[...], (((1,), (1,)), ((), ())),
                         preferred_element_type=_f32, precision=_HI)
    out_ref[...] = xw * dinv


def _mid_tc(y, agg, dinv, b, Wn):
    return pl.pallas_call(
        _mid_body,
        grid=(NRB,),
        in_specs=[
            pl.BlockSpec((RB, D), lambda i: (i, 0)),
            pl.BlockSpec((RB, D), lambda i: (i, 0)),
            pl.BlockSpec((RB, D), lambda i: (i + NRB, 0)),
            pl.BlockSpec((RB, 1), lambda i: (i, 0)),
            pl.BlockSpec((1, D), lambda i: (0, 0)),
            pl.BlockSpec((D, D), lambda i: (0, 0)),
        ],
        out_specs=pl.BlockSpec((RB, D), lambda i: (i, 0)),
        out_shape=jax.ShapeDtypeStruct((N, D), _f32),
    )(y, agg, agg, dinv, b, Wn)


def _final_body(y_ref, agg_lo, agg_hi, dinv_ref, b_ref, bv_ref, wl_ref,
                bl_ref, out_ref, sums, cnts):
    i = pl.program_id(0)

    @pl.when(i == 0)
    def _():
        sums[...] = jnp.zeros_like(sums)
        cnts[...] = jnp.zeros_like(cnts)

    h = dinv_ref[...] * (agg_lo[...] + agg_hi[...] + y_ref[...]) + b_ref[...]
    onehot = (bv_ref[...] == lax.broadcasted_iota(jnp.int32, (RB, G), 1))
    onehot = onehot.astype(_f32)
    sums[...] += lax.dot_general(onehot, h, (((0,), (0,)), ((), ())),
                                 preferred_element_type=_f32, precision=_HI)
    cnts[...] += lax.dot_general(onehot, jnp.ones((RB, D), _f32),
                                 (((0,), (0,)), ((), ())),
                                 preferred_element_type=_f32, precision=_HI)

    @pl.when(i == NRB - 1)
    def _():
        pool = sums[...] / jnp.maximum(cnts[...], 1.0)
        out_ref[...] = lax.dot_general(
            pool, wl_ref[...], (((1,), (1,)), ((), ())),
            preferred_element_type=_f32, precision=_HI) + bl_ref[...]


def _final_tc(y, agg, dinv, b3, bv2d, Wl, bl):
    return pl.pallas_call(
        _final_body,
        grid=(NRB,),
        in_specs=[
            pl.BlockSpec((RB, D), lambda i: (i, 0)),
            pl.BlockSpec((RB, D), lambda i: (i, 0)),
            pl.BlockSpec((RB, D), lambda i: (i + NRB, 0)),
            pl.BlockSpec((RB, 1), lambda i: (i, 0)),
            pl.BlockSpec((1, D), lambda i: (0, 0)),
            pl.BlockSpec((RB, 1), lambda i: (i, 0)),
            pl.BlockSpec((C, D), lambda i: (0, 0)),
            pl.BlockSpec((1, C), lambda i: (0, 0)),
        ],
        out_specs=pl.BlockSpec((G, C), lambda i: (0, 0)),
        out_shape=jax.ShapeDtypeStruct((G, C), _f32),
        scratch_shapes=[
            pltpu.VMEM((G, D), _f32),
            pltpu.VMEM((G, D), _f32),
        ],
    )(y, agg, agg, dinv, b3, bv2d, Wl, bl)


def kernel(x, edge_index, batch_vec, W1, b1, W2, b2, W3, b3, Wl, bl):
    src = edge_index[0]
    dst = edge_index[1]
    dst3 = dst.reshape(NW, NCHUNKS, CHUNK)
    bv2d = batch_vec.reshape(N, 1)

    deg_lo, deg_hi = _deg_kernel(dst)
    y1, dinv = _prep_tc(deg_lo.reshape(NPAD, 1), deg_hi.reshape(NPAD, 1), x, W1)
    agg1 = _agg_kernel(y1, src, dst3)
    y2 = _mid_tc(y1, agg1, dinv, b1.reshape(1, D), W2)
    agg2 = _agg_kernel(y2, src, dst3)
    y3 = _mid_tc(y2, agg2, dinv, b2.reshape(1, D), W3)
    agg3 = _agg_kernel(y3, src, dst3)
    return _final_tc(y3, agg3, dinv, b3.reshape(1, D), bv2d, Wl,
                     bl.reshape(1, C))

# --- scband reference (transcript-rebuilt; emitter-appended) ---
"""Pipeline reference for scband-classifier-32521492365559 (READ-ONLY COPY).

The authoritative reference and input builder live on the scoring server;
editing this copy changes nothing except your own understanding.
"""

import jax, jax.numpy as jnp
import numpy as np

N = 10000
E = 320000
D = 128
H = 128
C = 40
G = 64


def gcn_conv(x, edge_index, W, b):
    n = x.shape[0]
    loop = jnp.arange(n, dtype=edge_index.dtype)
    src = jnp.concatenate([edge_index[0], loop])
    dst = jnp.concatenate([edge_index[1], loop])
    deg = jax.ops.segment_sum(jnp.ones_like(src, dtype=x.dtype), dst, num_segments=n)
    dinv = jnp.where(deg > 0, jax.lax.rsqrt(deg), 0.0)
    norm = dinv[src] * dinv[dst]
    xw = x @ W.T
    msg = xw[src] * norm[:, None]
    out = jax.ops.segment_sum(msg, dst, num_segments=n)
    return out + b


def global_mean_pool(x, batch_vec, num_graphs):
    s = jax.ops.segment_sum(x, batch_vec, num_segments=num_graphs)
    cnt = jax.ops.segment_sum(jnp.ones((x.shape[0],), dtype=x.dtype), batch_vec, num_segments=num_graphs)
    return s / jnp.maximum(cnt, 1.0)[:, None]


def setup_inputs(seed: int = 0):
    key = jax.random.key(seed)
    ks = jax.random.split(key, 12)
    x = jax.random.normal(ks[0], (N, D), dtype=jnp.float32)
    edge_index = jax.random.randint(ks[1], (2, E), 0, N, dtype=jnp.int32)
    batch_vec = jnp.sort(jax.random.randint(ks[2], (N,), 0, G, dtype=jnp.int32))
    s = 0.05
    W1 = jax.random.normal(ks[3], (H, D), dtype=jnp.float32) * s
    b1 = jnp.zeros((H,), dtype=jnp.float32)
    W2 = jax.random.normal(ks[4], (H, H), dtype=jnp.float32) * s
    b2 = jnp.zeros((H,), dtype=jnp.float32)
    W3 = jax.random.normal(ks[5], (H, H), dtype=jnp.float32) * s
    b3 = jnp.zeros((H,), dtype=jnp.float32)
    Wl = jax.random.normal(ks[6], (C, H), dtype=jnp.float32) * s
    bl = jnp.zeros((C,), dtype=jnp.float32)
    return {"x": x, "edge_index": edge_index, "batch_vec": batch_vec,
            "W1": W1, "b1": b1, "W2": W2, "b2": b2, "W3": W3, "b3": b3,
            "Wl": Wl, "bl": bl}


def reference(x, edge_index, batch_vec, W1, b1, W2, b2, W3, b3, Wl, bl):
    h = jax.nn.relu(gcn_conv(x, edge_index, W1, b1))
    h = jax.nn.relu(gcn_conv(h, edge_index, W2, b2))
    h = gcn_conv(h, edge_index, W3, b3)
    g = global_mean_pool(h, batch_vec, G)
    # dropout is identity in eval mode
    return g @ Wl.T + bl

if __name__ == "__main__":
    import jax
    _d = setup_inputs()
    print(jax.jit(kernel)(*tuple(_d.values())))

</pallas_src>

<mosaic_0001>
#map = affine_map<(d0, d1) -> (0, 0)>
#map1 = affine_map<(d0, d1) -> (0)>
#map2 = affine_map<(d0, d1) -> (0, 0, 0)>
module attributes {stable_mosaic.version = 14 : i64} {
  func.func @_agg_body(%arg0: i32, %arg1: i32, %arg2: memref<10000x128xf32, #tpu.memory_space<hbm>>, %arg3: memref<320000xi32, #tpu.memory_space<hbm>>, %arg4: memref<32x125x80xi32, #tpu.memory_space<hbm>>, %arg5: memref<20000x128xf32, #tpu.memory_space<hbm>>, %arg6: memref<10000xi32, #tpu.memory_space<vmem>>, %arg7: memref<80xi32, #tpu.memory_space<vmem>>, %arg8: memref<80xi32, #tpu.memory_space<vmem>>, %arg9: memref<80xi32, #tpu.memory_space<vmem>>, %arg10: memref<80x128xf32, #tpu.memory_space<vmem>>, %arg11: memref<80x128xf32, #tpu.memory_space<vmem>>, %arg12: memref<80x128xf32, #tpu.memory_space<vmem>>, %arg13: memref<10000x128xf32, #tpu.memory_space<vmem_shared>>, %arg14: memref<!tpu.dma_semaphore, #tpu.memory_space<semaphore_mem>>, %arg15: memref<!tpu.dma_semaphore, #tpu.memory_space<semaphore_mem>>, %arg16: memref<!tpu.dma_semaphore, #tpu.memory_space<semaphore_mem>>, %arg17: memref<!tpu.dma_semaphore, #tpu.memory_space<semaphore_mem>>, %arg18: memref<!tpu.dma_semaphore, #tpu.memory_space<semaphore_mem>>, %arg19: memref<!tpu.dma_semaphore, #tpu.memory_space<semaphore_mem>>, %arg20: memref<!tpu.dma_semaphore, #tpu.memory_space<semaphore_mem>>, %arg21: memref<!tpu.dma_semaphore, #tpu.memory_space<semaphore_mem>>, %arg22: memref<!tpu.dma_semaphore, #tpu.memory_space<semaphore_mem>>) attributes {dimension_semantics = [#tpu.dimension_semantics<core_parallel>, #tpu.dimension_semantics<subcore_parallel>], iteration_bounds = array<i64: 2, 16>, scalar_prefetch = 0 : i64, scratch_operands = 17 : i64, tpu.core_type = #tpu.core_type<sc_vector_subcore>, window_params = [{transform_indices = #map}, {transform_indices = #map1}, {transform_indices = #map2}, {transform_indices = #map}]} {
    %mul3A = arith.constant 16 : i32
    %mul3A_0 = arith.muli %arg0, %mul3A : i32
    %add3A = arith.addi %mul3A_0, %arg1 : i32
    %eq3A = arith.constant 15 : i32
    %eq3A_1 = arith.cmpi eq, %arg1, %eq3A : i32
    %jit3A = arith.constant 5 : i32
    %jit3A_2 = arith.constant 8 : i32
    %select_n3A = arith.select %eq3A_1, %jit3A, %jit3A_2 : i32
    %scan3A = arith.constant 0 : i32
    %scan3A_3 = arith.constant 0 : i32
    %scan3A_4 = arith.constant 80 : i32
    %scan3A_5 = arith.addi %scan3A_3, %scan3A_4 : i32
    %scan3A_6 = arith.constant 1 : i32
    %scan3A_7 = scf.for %scan3A_241 = %scan3A_3 to %scan3A_5 step %scan3A_6 iter_args(%scan3A_242 = %scan3A) -> (i32)  : i32 {
      %broadcast_in_dim3A = arith.constant 0.000000e+00 : f32
      %broadcast_in_dim3A_243 = vector.broadcast %broadcast_in_dim3A : f32 to vector<16xf32>
      %swap3A = arith.index_cast %scan3A_241 : i32 to index
      %swap3A_244 = arith.constant 0 : index
      %swap3A_245 = tpu.vector_load %arg10[%swap3A, %swap3A_244] {strides = array<i32>} : memref<80x128xf32, #tpu.memory_space<vmem>>, vector<1x16xf32>,
      %swap3A_246 = vector.shape_cast %swap3A_245 : vector<1x16xf32> to vector<16xf32>
      %swap3A_247 = vector.shape_cast %broadcast_in_dim3A_243 : vector<16xf32> to vector<1x16xf32>
      tpu.vector_store %arg10[%swap3A, %swap3A_244], %swap3A_247 {strides = array<i32>} : memref<80x128xf32, #tpu.memory_space<vmem>>, vector<1x16xf32>,
      %broadcast_in_dim3A_248 = arith.constant 0.000000e+00 : f32
      %broadcast_in_dim3A_249 = vector.broadcast %broadcast_in_dim3A_248 : f32 to vector<16xf32>
      %swap3A_250 = arith.index_cast %scan3A_241 : i32 to index
      %swap3A_251 = arith.constant 16 : index
      %swap3A_252 = tpu.vector_load %arg10[%swap3A_250, %swap3A_251] {strides = array<i32>} : memref<80x128xf32, #tpu.memory_space<vmem>>, vector<1x16xf32>,
      %swap3A_253 = vector.shape_cast %swap3A_252 : vector<1x16xf32> to vector<16xf32>
      %swap3A_254 = vector.shape_cast %broadcast_in_dim3A_249 : vector<16xf32> to vector<1x16xf32>
      tpu.vector_store %arg10[%swap3A_250, %swap3A_251], %swap3A_254 {strides = array<i32>} : memref<80x128xf32, #tpu.memory_space<vmem>>, vector<1x16xf32>,
      %broadcast_in_dim3A_255 = arith.constant 0.000000e+00 : f32
      %broadcast_in_dim3A_256 = vector.broadcast %broadcast_in_dim3A_255 : f32 to vector<16xf32>
      %swap3A_257 = arith.index_cast %scan3A_241 : i32 to index
      %swap3A_258 = arith.constant 32 : index
      %swap3A_259 = tpu.vector_load %arg10[%swap3A_257, %swap3A_258] {strides = array<i32>} : memref<80x128xf32, #tpu.memory_space<vmem>>, vector<1x16xf32>,
      %swap3A_260 = vector.shape_cast %swap3A_259 : vector<1x16xf32> to vector<16xf32>
      %swap3A_261 = vector.shape_cast %broadcast_in_dim3A_256 : vector<16xf32> to vector<1x16xf32>
      tpu.vector_store %arg10[%swap3A_257, %swap3A_258], %swap3A_261 {strides = array<i32>} : memref<80x128xf32, #tpu.memory_space<vmem>>, vector<1x16xf32>,
      %broadcast_in_dim3A_262 = arith.constant 0.000000e+00 : f32
      %broadcast_in_dim3A_263 = vector.broadcast %broadcast_in_dim3A_262 : f32 to vector<16xf32>
      %swap3A_264 = arith.index_cast %scan3A_241 : i32 to index
      %swap3A_265 = arith.constant 48 : index
      %swap3A_266 = tpu.vector_load %arg10[%swap3A_264, %swap3A_265] {strides = array<i32>} : memref<80x128xf32, #tpu.memory_space<vmem>>, vector<1x16xf32>,
      %swap3A_267 = vector.shape_cast %swap3A_266 : vector<1x16xf32> to vector<16xf32>
      %swap3A_268 = vector.shape_cast %broadcast_in_dim3A_263 : vector<16xf32> to vector<1x16xf32>
      tpu.vector_store %arg10[%swap3A_264, %swap3A_265], %swap3A_268 {strides = array<i32>} : memref<80x128xf32, #tpu.memory_space<vmem>>, vector<1x16xf32>,
      %broadcast_in_dim3A_269 = arith.constant 0.000000e+00 : f32
      %broadcast_in_dim3A_270 = vector.broadcast %broadcast_in_dim3A_269 : f32 to vector<16xf32>
      %swap3A_271 = arith.index_cast %scan3A_241 : i32 to index
      %swap3A_272 = arith.constant 64 : index
      %swap3A_273 = tpu.vector_load %arg10[%swap3A_271, %swap3A_272] {strides = array<i32>} : memref<80x128xf32, #tpu.memory_space<vmem>>, vector<1x16xf32>,
      %swap3A_274 = vector.shape_cast %swap3A_273 : vector<1x16xf32> to vector<16xf32>
      %swap3A_275 = vector.shape_cast %broadcast_in_dim3A_270 : vector<16xf32> to vector<1x16xf32>
      tpu.vector_store %arg10[%swap3A_271, %swap3A_272], %swap3A_275 {strides = array<i32>} : memref<80x128xf32, #tpu.memory_space<vmem>>, vector<1x16xf32>,
      %broadcast_in_dim3A_276 = arith.constant 0.000000e+00 : f32
      %broadcast_in_dim3A_277 = vector.broadcast %broadcast_in_dim3A_276 : f32 to vector<16xf32>
      %swap3A_278 = arith.index_cast %scan3A_241 : i32 to index
      %swap3A_279 = arith.constant 80 : index
      %swap3A_280 = tpu.vector_load %arg10[%swap3A_278, %swap3A_279] {strides = array<i32>} : memref<80x128xf32, #tpu.memory_space<vmem>>, vector<1x16xf32>,
      %swap3A_281 = vector.shape_cast %swap3A_280 : vector<1x16xf32> to vector<16xf32>
      %swap3A_282 = vector.shape_cast %broadcast_in_dim3A_277 : vector<16xf32> to vector<1x16xf32>
      tpu.vector_store %arg10[%swap3A_278, %swap3A_279], %swap3A_282 {strides = array<i32>} : memref<80x128xf32, #tpu.memory_space<vmem>>, vector<1x16xf32>,
      %broadcast_in_dim3A_283 = arith.constant 0.000000e+00 : f32
      %broadcast_in_dim3A_284 = vector.broadcast %broadcast_in_dim3A_283 : f32 to vector<16xf32>
      %swap3A_285 = arith.index_cast %scan3A_241 : i32 to index
      %swap3A_286 = arith.constant 96 : index
      %swap3A_287 = tpu.vector_load %arg10[%swap3A_285, %swap3A_286] {strides = array<i32>} : memref<80x128xf32, #tpu.memory_space<vmem>>, vector<1x16xf32>,
      %swap3A_288 = vector.shape_cast %swap3A_287 : vector<1x16xf32> to vector<16xf32>
      %swap3A_289 = vector.shape_cast %broadcast_in_dim3A_284 : vector<16xf32> to vector<1x16xf32>
      tpu.vector_store %arg10[%swap3A_285, %swap3A_286], %swap3A_289 {strides = array<i32>} : memref<80x128xf32, #tpu.memory_space<vmem>>, vector<1x16xf32>,
      %broadcast_in_dim3A_290 = arith.constant 0.000000e+00 : f32
      %broadcast_in_dim3A_291 = vector.broadcast %broadcast_in_dim3A_290 : f32 to vector<16xf32>
      %swap3A_292 = arith.index_cast %scan3A_241 : i32 to index
      %swap3A_293 = arith.constant 112 : index
      %swap3A_294 = tpu.vector_load %arg10[%swap3A_292, %swap3A_293] {strides = array<i32>} : memref<80x128xf32, #tpu.memory_space<vmem>>, vector<1x16xf32>,
      %swap3A_295 = vector.shape_cast %swap3A_294 : vector<1x16xf32> to vector<16xf32>
      %swap3A_296 = vector.shape_cast %broadcast_in_dim3A_291 : vector<16xf32> to vector<1x16xf32>
      tpu.vector_store %arg10[%swap3A_292, %swap3A_293], %swap3A_296 {strides = array<i32>} : memref<80x128xf32, #tpu.memory_space<vmem>>, vector<1x16xf32>,
      %scan3A_297 = arith.constant 0 : i32
      scf.yield %scan3A_297 : i32
    }
    %scan3A_8 = arith.constant 80 : i32
    %while3A = arith.constant 0 : i32
    %while3A_9 = arith.constant 0 : i32
    %while3A_10 = arith.subi %select_n3A, %while3A : i32
    %while3A_11 = arith.addi %while3A, %while3A_10 : i32
    %while3A_12 = arith.constant 1 : i32
    %while3A_13 = arith.divsi %while3A_10, %while3A_12 : i32
    %while3A_14 = arith.muli %while3A_13, %while3A_12 : i32
    %while3A_15 = arith.addi %while3A, %while3A_14 : i32
    %while3A_16 = arith.constant 1 : i32
    %while3A_17 = scf.for %while3A_241 = %while3A to %while3A_15 step %while3A_16 iter_args(%while3A_242 = %while3A_9) -> (i32)  : i32 {
      %mul3A_243 = arith.constant 640 : i32
      %mul3A_244 = arith.muli %arg1, %mul3A_243 : i32
      %mul3A_245 = arith.constant 80 : i32
      %mul3A_246 = arith.muli %while3A_241, %mul3A_245 : i32
      %add3A_247 = arith.addi %mul3A_244, %mul3A_246 : i32
      "tpu.region"() ({
        %run_scoped3A = tpu.sem_alloc : memref<!tpu.dma_semaphore, #tpu.memory_space<semaphore_mem>>
        %dma_start3A_249 = arith.constant 0 : i32
        %dma_start3A_250 = tpu.memref_slice %arg13[%add3A_247, %dma_start3A_249] : memref<10000x128xf32, #tpu.memory_space<vmem_shared>> -> memref<80x128xf32, #tpu.memory_space<vmem_shared>>
        %dma_start3A_251 = arith.constant 0 : i32
        %dma_start3A_252 = tpu.memref_slice %arg13[%add3A_247, %dma_start3A_251] : memref<10000x128xf32, #tpu.memory_space<vmem_shared>> -> memref<80x128xf32, #tpu.memory_space<vmem_shared>>
        tpu.enqueue_dma source(%arg10 : memref<80x128xf32, #tpu.memory_space<vmem>>) target(%dma_start3A_252 : memref<80x128xf32, #tpu.memory_space<vmem_shared>>) target_semaphore(%run_scoped3A : memref<!tpu.dma_semaphore, #tpu.memory_space<semaphore_mem>>)
        %dma_wait3A_253 = arith.constant 0 : i32
        %dma_wait3A_254 = tpu.memref_slice %arg13[%add3A_247, %dma_wait3A_253] : memref<10000x128xf32, #tpu.memory_space<vmem_shared>> -> memref<80x128xf32, #tpu.memory_space<vmem_shared>>
        %dma_wait3A_255 = arith.constant 0 : i32
        %dma_wait3A_256 = tpu.memref_slice %arg13[%add3A_247, %dma_wait3A_255] : memref<10000x128xf32, #tpu.memory_space<vmem_shared>> -> memref<80x128xf32, #tpu.memory_space<vmem_shared>>
        tpu.wait_dma2 semaphore(%run_scoped3A : memref<!tpu.dma_semaphore, #tpu.memory_space<semaphore_mem>>) src(%arg10 : memref<80x128xf32, #tpu.memory_space<vmem>>) dst(%dma_wait3A_256 : memref<80x128xf32, #tpu.memory_space<vmem_shared>>)
        tpu.yield
      }) : () -> ()
      %while3A_248 = arith.constant 0 : i32
      scf.yield %while3A_248 : i32
    }
    %while3A_18 = arith.constant 1 : i32
    %while3A_19 = scf.for %while3A_241 = %while3A_15 to %while3A_11 step %while3A_18 iter_args(%while3A_242 = %while3A_17) -> (i32)  : i32 {
      %mul3A_243 = arith.constant 640 : i32
      %mul3A_244 = arith.muli %arg1, %mul3A_243 : i32
      %mul3A_245 = arith.constant 80 : i32
      %mul3A_246 = arith.muli %while3A_241, %mul3A_245 : i32
      %add3A_247 = arith.addi %mul3A_244, %mul3A_246 : i32
      "tpu.region"() ({
        %run_scoped3A = tpu.sem_alloc : memref<!tpu.dma_semaphore, #tpu.memory_space<semaphore_mem>>
        %dma_start3A_249 = arith.constant 0 : i32
        %dma_start3A_250 = tpu.memref_slice %arg13[%add3A_247, %dma_start3A_249] : memref<10000x128xf32, #tpu.memory_space<vmem_shared>> -> memref<80x128xf32, #tpu.memory_space<vmem_shared>>
        %dma_start3A_251 = arith.constant 0 : i32
        %dma_start3A_252 = tpu.memref_slice %arg13[%add3A_247, %dma_start3A_251] : memref<10000x128xf32, #tpu.memory_space<vmem_shared>> -> memref<80x128xf32, #tpu.memory_space<vmem_shared>>
        tpu.enqueue_dma source(%arg10 : memref<80x128xf32, #tpu.memory_space<vmem>>) target(%dma_start3A_252 : memref<80x128xf32, #tpu.memory_space<vmem_shared>>) target_semaphore(%run_scoped3A : memref<!tpu.dma_semaphore, #tpu.memory_space<semaphore_mem>>)
        %dma_wait3A_253 = arith.constant 0 : i32
        %dma_wait3A_254 = tpu.memref_slice %arg13[%add3A_247, %dma_wait3A_253] : memref<10000x128xf32, #tpu.memory_space<vmem_shared>> -> memref<80x128xf32, #tpu.memory_space<vmem_shared>>
        %dma_wait3A_255 = arith.constant 0 : i32
        %dma_wait3A_256 = tpu.memref_slice %arg13[%add3A_247, %dma_wait3A_255] : memref<10000x128xf32, #tpu.memory_space<vmem_shared>> -> memref<80x128xf32, #tpu.memory_space<vmem_shared>>
        tpu.wait_dma2 semaphore(%run_scoped3A : memref<!tpu.dma_semaphore, #tpu.memory_space<semaphore_mem>>) src(%arg10 : memref<80x128xf32, #tpu.memory_space<vmem>>) dst(%dma_wait3A_256 : memref<80x128xf32, #tpu.memory_space<vmem_shared>>)
        tpu.yield
      }) : () -> ()
      %while3A_248 = arith.constant 0 : i32
      scf.yield %while3A_248 : i32
    }
    %mul3A_20 = arith.constant 10000 : i32
    %mul3A_21 = arith.muli %add3A, %mul3A_20 : i32
    "tpu.region"() ({
      %run_scoped3A = tpu.sem_alloc : memref<!tpu.dma_semaphore, #tpu.memory_space<semaphore_mem>>
      %dma_start3A_241 = tpu.memref_slice %arg3[%mul3A_21] : memref<320000xi32, #tpu.memory_space<hbm>> -> memref<10000xi32, #tpu.memory_space<hbm>>
      %dma_start3A_242 = tpu.memref_slice %arg3[%mul3A_21] : memref<320000xi32, #tpu.memory_space<hbm>> -> memref<10000xi32, #tpu.memory_space<hbm>>
      tpu.enqueue_dma source(%dma_start3A_242 : memref<10000xi32, #tpu.memory_space<hbm>>) target(%arg6 : memref<10000xi32, #tpu.memory_space<vmem>>) target_semaphore(%run_scoped3A : memref<!tpu.dma_semaphore, #tpu.memory_space<semaphore_mem>>)
      %dma_wait3A_243 = tpu.memref_slice %arg3[%mul3A_21] : memref<320000xi32, #tpu.memory_space<hbm>> -> memref<10000xi32, #tpu.memory_space<hbm>>
      %dma_wait3A_244 = tpu.memref_slice %arg3[%mul3A_21] : memref<320000xi32, #tpu.memory_space<hbm>> -> memref<10000xi32, #tpu.memory_space<hbm>>
      tpu.wait_dma2 semaphore(%run_scoped3A : memref<!tpu.dma_semaphore, #tpu.memory_space<semaphore_mem>>) src(%dma_wait3A_244 : memref<10000xi32, #tpu.memory_space<hbm>>) dst(%arg6 : memref<10000xi32, #tpu.memory_space<vmem>>)
      tpu.yield
    }) : () -> ()
    %barrier3A = arith.constant 0 : index
    tpu.barrier barrier_id(%barrier3A)
    %dma_start3A = arith.constant 0 : i32
    %dma_start3A_22 = arith.constant 0 : i32
    %dma_start3A_23 = tpu.memref_slice %arg4[%add3A, %dma_start3A, %dma_start3A_22] : memref<32x125x80xi32, #tpu.memory_space<hbm>> -> memref<1x1x80xi32, #tpu.memory_space<hbm>>
    %dma_start3A_24 = tpu.memref_squeeze %dma_start3A_23 : memref<1x1x80xi32, #tpu.memory_space<hbm>> -> memref<80xi32, #tpu.memory_space<hbm>>
    %dma_start3A_25 = arith.constant 0 : i32
    %dma_start3A_26 = tpu.memref_slice %arg4[%add3A, %dma_start3A, %dma_start3A_25] : memref<32x125x80xi32, #tpu.memory_space<hbm>> -> memref<1x1x80xi32, #tpu.memory_space<hbm>>
    %dma_start3A_27 = tpu.memref_squeeze %dma_start3A_26 : memref<1x1x80xi32, #tpu.memory_space<hbm>> -> memref<80xi32, #tpu.memory_space<hbm>>
    tpu.enqueue_dma source(%dma_start3A_27 : memref<80xi32, #tpu.memory_space<hbm>>) target(%arg7 : memref<80xi32, #tpu.memory_space<vmem>>) target_semaphore(%arg20 : memref<!tpu.dma_semaphore, #tpu.memory_space<semaphore_mem>>)
    %dma_start3A_28 = arith.constant 0 : i32
    %dma_start3A_29 = tpu.memref_slice %arg6[%dma_start3A_28] : memref<10000xi32, #tpu.memory_space<vmem>> -> memref<80xi32, #tpu.memory_space<vmem>>
    %dma_start3A_30 = arith.constant 0 : i32
    %dma_start3A_31 = arith.constant 0 : i32
    %dma_start3A_32 = tpu.memref_slice %arg2[%dma_start3A_30, %dma_start3A_31] : memref<10000x128xf32, #tpu.memory_space<hbm>> -> memref<10000x128xf32, #tpu.memory_space<hbm>>
    tpu.enqueue_indirect_dma source(%dma_start3A_32 : memref<10000x128xf32, #tpu.memory_space<hbm>>) target(%arg10 : memref<80x128xf32, #tpu.memory_space<vmem>>) offsets(%dma_start3A_29 : memref<80xi32, #tpu.memory_space<vmem>>) semaphore(%arg14 : memref<!tpu.dma_semaphore, #tpu.memory_space<semaphore_mem>>)
    %dma_start3A_33 = arith.constant 1 : i32
    %dma_start3A_34 = arith.constant 0 : i32
    %dma_start3A_35 = tpu.memref_slice %arg4[%add3A, %dma_start3A_33, %dma_start3A_34] : memref<32x125x80xi32, #tpu.memory_space<hbm>> -> memref<1x1x80xi32, #tpu.memory_space<hbm>>
    %dma_start3A_36 = tpu.memref_squeeze %dma_start3A_35 : memref<1x1x80xi32, #tpu.memory_space<hbm>> -> memref<80xi32, #tpu.memory_space<hbm>>
    %dma_start3A_37 = arith.constant 0 : i32
    %dma_start3A_38 = tpu.memref_slice %arg4[%add3A, %dma_start3A_33, %dma_start3A_37] : memref<32x125x80xi32, #tpu.memory_space<hbm>> -> memref<1x1x80xi32, #tpu.memory_space<hbm>>
    %dma_start3A_39 = tpu.memref_squeeze %dma_start3A_38 : memref<1x1x80xi32, #tpu.memory_space<hbm>> -> memref<80xi32, #tpu.memory_space<hbm>>
    tpu.enqueue_dma source(%dma_start3A_39 : memref<80xi32, #tpu.memory_space<hbm>>) target(%arg8 : memref<80xi32, #tpu.memory_space<vmem>>) target_semaphore(%arg21 : memref<!tpu.dma_semaphore, #tpu.memory_space<semaphore_mem>>)
    %dma_start3A_40 = arith.constant 80 : i32
    %dma_start3A_41 = tpu.memref_slice %arg6[%dma_start3A_40] : memref<10000xi32, #tpu.memory_space<vmem>> -> memref<80xi32, #tpu.memory_space<vmem>>
    %dma_start3A_42 = arith.constant 0 : i32
    %dma_start3A_43 = arith.constant 0 : i32
    %dma_start3A_44 = tpu.memref_slice %arg2[%dma_start3A_42, %dma_start3A_43] : memref<10000x128xf32, #tpu.memory_space<hbm>> -> memref<10000x128xf32, #tpu.memory_space<hbm>>
    tpu.enqueue_indirect_dma source(%dma_start3A_44 : memref<10000x128xf32, #tpu.memory_space<hbm>>) target(%arg11 : memref<80x128xf32, #tpu.memory_space<vmem>>) offsets(%dma_start3A_41 : memref<80xi32, #tpu.memory_space<vmem>>) semaphore(%arg15 : memref<!tpu.dma_semaphore, #tpu.memory_space<semaphore_mem>>)
    %dma_wait3A = arith.constant 0 : i32
    %dma_wait3A_45 = tpu.memref_slice %arg6[%dma_wait3A] : memref<10000xi32, #tpu.memory_space<vmem>> -> memref<80xi32, #tpu.memory_space<vmem>>
    %dma_wait3A_46 = arith.constant 0 : i32
    %dma_wait3A_47 = arith.constant 0 : i32
    %dma_wait3A_48 = tpu.memref_slice %arg2[%dma_wait3A_46, %dma_wait3A_47] : memref<10000x128xf32, #tpu.memory_space<hbm>> -> memref<10000x128xf32, #tpu.memory_space<hbm>>
    tpu.wait_indirect_dma semaphore(%arg14 : memref<!tpu.dma_semaphore, #tpu.memory_space<semaphore_mem>>) src(%dma_wait3A_48 : memref<10000x128xf32, #tpu.memory_space<hbm>>) dst(%arg10 : memref<80x128xf32, #tpu.memory_space<vmem>>)
    %dma_wait3A_49 = arith.constant 0 : i32
    %dma_wait3A_50 = arith.constant 0 : i32
    %dma_wait3A_51 = tpu.memref_slice %arg4[%add3A, %dma_wait3A_49, %dma_wait3A_50] : memref<32x125x80xi32, #tpu.memory_space<hbm>> -> memref<1x1x80xi32, #tpu.memory_space<hbm>>
    %dma_wait3A_52 = tpu.memref_squeeze %dma_wait3A_51 : memref<1x1x80xi32, #tpu.memory_space<hbm>> -> memref<80xi32, #tpu.memory_space<hbm>>
    %dma_wait3A_53 = arith.constant 0 : i32
    %dma_wait3A_54 = tpu.memref_slice %arg4[%add3A, %dma_wait3A_49, %dma_wait3A_53] : memref<32x125x80xi32, #tpu.memory_space<hbm>> -> memref<1x1x80xi32, #tpu.memory_space<hbm>>
    %dma_wait3A_55 = tpu.memref_squeeze %dma_wait3A_54 : memref<1x1x80xi32, #tpu.memory_space<hbm>> -> memref<80xi32, #tpu.memory_space<hbm>>
    tpu.wait_dma2 semaphore(%arg20 : memref<!tpu.dma_semaphore, #tpu.memory_space<semaphore_mem>>) src(%dma_wait3A_55 : memref<80xi32, #tpu.memory_space<hbm>>) dst(%arg7 : memref<80xi32, #tpu.memory_space<vmem>>)
    %dma_start3A_56 = arith.constant 0 : i32
    %dma_start3A_57 = arith.constant 0 : i32
    %dma_start3A_58 = tpu.memref_slice %arg13[%dma_start3A_56, %dma_start3A_57] : memref<10000x128xf32, #tpu.memory_space<vmem_shared>> -> memref<10000x128xf32, #tpu.memory_space<vmem_shared>>
    tpu.enqueue_indirect_dma source(%arg10 : memref<80x128xf32, #tpu.memory_space<vmem>>) target(%dma_start3A_58 : memref<10000x128xf32, #tpu.memory_space<vmem_shared>>) offsets(%arg7 : memref<80xi32, #tpu.memory_space<vmem>>) semaphore(%arg17 : memref<!tpu.dma_semaphore, #tpu.memory_space<semaphore_mem>>) {add = true}
    %dma_start3A_59 = arith.constant 2 : i32
    %dma_start3A_60 = arith.constant 0 : i32
    %dma_start3A_61 = tpu.memref_slice %arg4[%add3A, %dma_start3A_59, %dma_start3A_60] : memref<32x125x80xi32, #tpu.memory_space<hbm>> -> memref<1x1x80xi32, #tpu.memory_space<hbm>>
    %dma_start3A_62 = tpu.memref_squeeze %dma_start3A_61 : memref<1x1x80xi32, #tpu.memory_space<hbm>> -> memref<80xi32, #tpu.memory_space<hbm>>
    %dma_start3A_63 = arith.constant 0 : i32
    %dma_start3A_64 = tpu.memref_slice %arg4[%add3A, %dma_start3A_59, %dma_start3A_63] : memref<32x125x80xi32, #tpu.memory_space<hbm>> -> memref<1x1x80xi32, #tpu.memory_space<hbm>>
    %dma_start3A_65 = tpu.memref_squeeze %dma_start3A_64 : memref<1x1x80xi32, #tpu.memory_space<hbm>> -> memref<80xi32, #tpu.memory_space<hbm>>
    tpu.enqueue_dma source(%dma_start3A_65 : memref<80xi32, #tpu.memory_space<hbm>>) target(%arg9 : memref<80xi32, #tpu.memory_space<vmem>>) target_semaphore(%arg22 : memref<!tpu.dma_semaphore, #tpu.memory_space<semaphore_mem>>)
    %dma_start3A_66 = arith.constant 160 : i32
    %dma_start3A_67 = tpu.memref_slice %arg6[%dma_start3A_66] : memref<10000xi32, #tpu.memory_space<vmem>> -> memref<80xi32, #tpu.memory_space<vmem>>
    %dma_start3A_68 = arith.constant 0 : i32
    %dma_start3A_69 = arith.constant 0 : i32
    %dma_start3A_70 = tpu.memref_slice %arg2[%dma_start3A_68, %dma_start3A_69] : memref<10000x128xf32, #tpu.memory_space<hbm>> -> memref<10000x128xf32, #tpu.memory_space<hbm>>
    tpu.enqueue_indirect_dma source(%dma_start3A_70 : memref<10000x128xf32, #tpu.memory_space<hbm>>) target(%arg12 : memref<80x128xf32, #tpu.memory_space<vmem>>) offsets(%dma_start3A_67 : memref<80xi32, #tpu.memory_space<vmem>>) semaphore(%arg16 : memref<!tpu.dma_semaphore, #tpu.memory_space<semaphore_mem>>)
    %dma_wait3A_71 = arith.constant 0 : i32
    %dma_wait3A_72 = tpu.memref_slice %arg6[%dma_wait3A_71] : memref<10000xi32, #tpu.memory_space<vmem>> -> memref<80xi32, #tpu.memory_space<vmem>>
    %dma_wait3A_73 = arith.constant 0 : i32
    %dma_wait3A_74 = arith.constant 0 : i32
    %dma_wait3A_75 = tpu.memref_slice %arg2[%dma_wait3A_73, %dma_wait3A_74] : memref<10000x128xf32, #tpu.memory_space<hbm>> -> memref<10000x128xf32, #tpu.memory_space<hbm>>
    tpu.wait_indirect_dma semaphore(%arg15 : memref<!tpu.dma_semaphore, #tpu.memory_space<semaphore_mem>>) src(%dma_wait3A_75 : memref<10000x128xf32, #tpu.memory_space<hbm>>) dst(%arg11 : memref<80x128xf32, #tpu.memory_space<vmem>>)
    %dma_wait3A_76 = arith.constant 0 : i32
    %dma_wait3A_77 = arith.constant 0 : i32
    %dma_wait3A_78 = tpu.memref_slice %arg4[%add3A, %dma_wait3A_76, %dma_wait3A_77] : memref<32x125x80xi32, #tpu.memory_space<hbm>> -> memref<1x1x80xi32, #tpu.memory_space<hbm>>
    %dma_wait3A_79 = tpu.memref_squeeze %dma_wait3A_78 : memref<1x1x80xi32, #tpu.memory_space<hbm>> -> memref<80xi32, #tpu.memory_space<hbm>>
    %dma_wait3A_80 = arith.constant 0 : i32
    %dma_wait3A_81 = tpu.memref_slice %arg4[%add3A, %dma_wait3A_76, %dma_wait3A_80] : memref<32x125x80xi32, #tpu.memory_space<hbm>> -> memref<1x1x80xi32, #tpu.memory_space<hbm>>
    %dma_wait3A_82 = tpu.memref_squeeze %dma_wait3A_81 : memref<1x1x80xi32, #tpu.memory_space<hbm>> -> memref<80xi32, #tpu.memory_space<hbm>>
    tpu.wait_dma2 semaphore(%arg21 : memref<!tpu.dma_semaphore, #tpu.memory_space<semaphore_mem>>) src(%dma_wait3A_82 : memref<80xi32, #tpu.memory_space<hbm>>) dst(%arg8 : memref<80xi32, #tpu.memory_space<vmem>>)
    %dma_start3A_83 = arith.constant 0 : i32
    %dma_start3A_84 = arith.constant 0 : i32
    %dma_start3A_85 = tpu.memref_slice %arg13[%dma_start3A_83, %dma_start3A_84] : memref<10000x128xf32, #tpu.memory_space<vmem_shared>> -> memref<10000x128xf32, #tpu.memory_space<vmem_shared>>
    tpu.enqueue_indirect_dma source(%arg11 : memref<80x128xf32, #tpu.memory_space<vmem>>) target(%dma_start3A_85 : memref<10000x128xf32, #tpu.memory_space<vmem_shared>>) offsets(%arg8 : memref<80xi32, #tpu.memory_space<vmem>>) semaphore(%arg18 : memref<!tpu.dma_semaphore, #tpu.memory_space<semaphore_mem>>) {add = true}
    %dma_wait3A_86 = arith.constant 0 : i32
    %dma_wait3A_87 = arith.constant 0 : i32
    %dma_wait3A_88 = tpu.memref_slice %arg13[%dma_wait3A_86, %dma_wait3A_87] : memref<10000x128xf32, #tpu.memory_space<vmem_shared>> -> memref<10000x128xf32, #tpu.memory_space<vmem_shared>>
    tpu.wait_indirect_dma semaphore(%arg17 : memref<!tpu.dma_semaphore, #tpu.memory_space<semaphore_mem>>) src(%arg10 : memref<80x128xf32, #tpu.memory_space<vmem>>) dst(%dma_wait3A_88 : memref<10000x128xf32, #tpu.memory_space<vmem_shared>>)
    %dma_start3A_89 = arith.constant 3 : i32
    %dma_start3A_90 = arith.constant 0 : i32
    %dma_start3A_91 = tpu.memref_slice %arg4[%add3A, %dma_start3A_89, %dma_start3A_90] : memref<32x125x80xi32, #tpu.memory_space<hbm>> -> memref<1x1x80xi32, #tpu.memory_space<hbm>>
    %dma_start3A_92 = tpu.memref_squeeze %dma_start3A_91 : memref<1x1x80xi32, #tpu.memory_space<hbm>> -> memref<80xi32, #tpu.memory_space<hbm>>
    %dma_start3A_93 = arith.constant 0 : i32
    %dma_start3A_94 = tpu.memref_slice %arg4[%add3A, %dma_start3A_89, %dma_start3A_93] : memref<32x125x80xi32, #tpu.memory_space<hbm>> -> memref<1x1x80xi32, #tpu.memory_space<hbm>>
    %dma_start3A_95 = tpu.memref_squeeze %dma_start3A_94 : memref<1x1x80xi32, #tpu.memory_space<hbm>> -> memref<80xi32, #tpu.memory_space<hbm>>
    tpu.enqueue_dma source(%dma_start3A_95 : memref<80xi32, #tpu.memory_space<hbm>>) target(%arg7 : memref<80xi32, #tpu.memory_space<vmem>>) target_semaphore(%arg20 : memref<!tpu.dma_semaphore, #tpu.memory_space<semaphore_mem>>)
    %dma_start3A_96 = arith.constant 240 : i32
    %dma_start3A_97 = tpu.memref_slice %arg6[%dma_start3A_96] : memref<10000xi32, #tpu.memory_space<vmem>> -> memref<80xi32, #tpu.memory_space<vmem>>
    %dma_start3A_98 = arith.constant 0 : i32
    %dma_start3A_99 = arith.constant 0 : i32
    %dma_start3A_100 = tpu.memref_slice %arg2[%dma_start3A_98, %dma_start3A_99] : memref<10000x128xf32, #tpu.memory_space<hbm>> -> memref<10000x128xf32, #tpu.memory_space<hbm>>
    tpu.enqueue_indirect_dma source(%dma_start3A_100 : memref<10000x128xf32, #tpu.memory_space<hbm>>) target(%arg10 : memref<80x128xf32, #tpu.memory_space<vmem>>) offsets(%dma_start3A_97 : memref<80xi32, #tpu.memory_space<vmem>>) semaphore(%arg14 : memref<!tpu.dma_semaphore, #tpu.memory_space<semaphore_mem>>)
    %dma_wait3A_101 = arith.constant 0 : i32
    %dma_wait3A_102 = tpu.memref_slice %arg6[%dma_wait3A_101] : memref<10000xi32, #tpu.memory_space<vmem>> -> memref<80xi32, #tpu.memory_space<vmem>>
    %dma_wait3A_103 = arith.constant 0 : i32
    %dma_wait3A_104 = arith.constant 0 : i32
    %dma_wait3A_105 = tpu.memref_slice %arg2[%dma_wait3A_103, %dma_wait3A_104] : memref<10000x128xf32, #tpu.memory_space<hbm>> -> memref<10000x128xf32, #tpu.memory_space<hbm>>
    tpu.wait_indirect_dma semaphore(%arg16 : memref<!tpu.dma_semaphore, #tpu.memory_space<semaphore_mem>>) src(%dma_wait3A_105 : memref<10000x128xf32, #tpu.memory_space<hbm>>) dst(%arg12 : memref<80x128xf32, #tpu.memory_space<vmem>>)
    %dma_wait3A_106 = arith.constant 0 : i32
    %dma_wait3A_107 = arith.constant 0 : i32
    %dma_wait3A_108 = tpu.memref_slice %arg4[%add3A, %dma_wait3A_106, %dma_wait3A_107] : memref<32x125x80xi32, #tpu.memory_space<hbm>> -> memref<1x1x80xi32, #tpu.memory_space<hbm>>
    %dma_wait3A_109 = tpu.memref_squeeze %dma_wait3A_108 : memref<1x1x80xi32, #tpu.memory_space<hbm>> -> memref<80xi32, #tpu.memory_space<hbm>>
    %dma_wait3A_110 = arith.constant 0 : i32
    %dma_wait3A_111 = tpu.memref_slice %arg4[%add3A, %dma_wait3A_106, %dma_wait3A_110] : memref<32x125x80xi32, #tpu.memory_space<hbm>> -> memref<1x1x80xi32, #tpu.memory_space<hbm>>
    %dma_wait3A_112 = tpu.memref_squeeze %dma_wait3A_111 : memref<1x1x80xi32, #tpu.memory_space<hbm>> -> memref<80xi32, #tpu.memory_space<hbm>>
    tpu.wait_dma2 semaphore(%arg22 : memref<!tpu.dma_semaphore, #tpu.memory_space<semaphore_mem>>) src(%dma_wait3A_112 : memref<80xi32, #tpu.memory_space<hbm>>) dst(%arg9 : memref<80xi32, #tpu.memory_space<vmem>>)
    %dma_start3A_113 = arith.constant 0 : i32
    %dma_start3A_114 = arith.constant 0 : i32
    %dma_start3A_115 = tpu.memref_slice %arg13[%dma_start3A_113, %dma_start3A_114] : memref<10000x128xf32, #tpu.memory_space<vmem_shared>> -> memref<10000x128xf32, #tpu.memory_space<vmem_shared>>
    tpu.enqueue_indirect_dma source(%arg12 : memref<80x128xf32, #tpu.memory_space<vmem>>) target(%dma_start3A_115 : memref<10000x128xf32, #tpu.memory_space<vmem_shared>>) offsets(%arg9 : memref<80xi32, #tpu.memory_space<vmem>>) semaphore(%arg19 : memref<!tpu.dma_semaphore, #tpu.memory_space<semaphore_mem>>) {add = true}
    %dma_wait3A_116 = arith.constant 0 : i32
    %dma_wait3A_117 = arith.constant 0 : i32
    %dma_wait3A_118 = tpu.memref_slice %arg13[%dma_wait3A_116, %dma_wait3A_117] : memref<10000x128xf32, #tpu.memory_space<vmem_shared>> -> memref<10000x128xf32, #tpu.memory_space<vmem_shared>>
    tpu.wait_indirect_dma semaphore(%arg18 : memref<!tpu.dma_semaphore, #tpu.memory_space<semaphore_mem>>) src(%arg11 : memref<80x128xf32, #tpu.memory_space<vmem>>) dst(%dma_wait3A_118 : memref<10000x128xf32, #tpu.memory_space<vmem_shared>>)
    %dma_start3A_119 = arith.constant 4 : i32
    %dma_start3A_120 = arith.constant 0 : i32
    %dma_start3A_121 = tpu.memref_slice %arg4[%add3A, %dma_start3A_119, %dma_start3A_120] : memref<32x125x80xi32, #tpu.memory_space<hbm>> -> memref<1x1x80xi32, #tpu.memory_space<hbm>>
    %dma_start3A_122 = tpu.memref_squeeze %dma_start3A_121 : memref<1x1x80xi32, #tpu.memory_space<hbm>> -> memref<80xi32, #tpu.memory_space<hbm>>
    %dma_start3A_123 = arith.constant 0 : i32
    %dma_start3A_124 = tpu.memref_slice %arg4[%add3A, %dma_start3A_119, %dma_start3A_123] : memref<32x125x80xi32, #tpu.memory_space<hbm>> -> memref<1x1x80xi32, #tpu.memory_space<hbm>>
    %dma_start3A_125 = tpu.memref_squeeze %dma_start3A_124 : memref<1x1x80xi32, #tpu.memory_space<hbm>> -> memref<80xi32, #tpu.memory_space<hbm>>
    tpu.enqueue_dma source(%dma_start3A_125 : memref<80xi32, #tpu.memory_space<hbm>>) target(%arg8 : memref<80xi32, #tpu.memory_space<vmem>>) target_semaphore(%arg21 : memref<!tpu.dma_semaphore, #tpu.memory_space<semaphore_mem>>)
    %dma_start3A_126 = arith.constant 320 : i32
    %dma_start3A_127 = tpu.memref_slice %arg6[%dma_start3A_126] : memref<10000xi32, #tpu.memory_space<vmem>> -> memref<80xi32, #tpu.memory_space<vmem>>
    %dma_start3A_128 = arith.constant 0 : i32
    %dma_start3A_129 = arith.constant 0 : i32
    %dma_start3A_130 = tpu.memref_slice %arg2[%dma_start3A_128, %dma_start3A_129] : memref<10000x128xf32, #tpu.memory_space<hbm>> -> memref<10000x128xf32, #tpu.memory_space<hbm>>
    tpu.enqueue_indirect_dma source(%dma_start3A_130 : memref<10000x128xf32, #tpu.memory_space<hbm>>) target(%arg11 : memref<80x128xf32, #tpu.memory_space<vmem>>) offsets(%dma_start3A_127 : memref<80xi32, #tpu.memory_space<vmem>>) semaphore(%arg15 : memref<!tpu.dma_semaphore, #tpu.memory_space<semaphore_mem>>)
    %scan3A_131 = arith.constant 0 : i32
    %scan3A_132 = arith.constant 1 : i32
    %scan3A_133 = arith.constant 40 : i32
    %scan3A_134 = arith.addi %scan3A_132, %scan3A_133 : i32
    %scan3A_135 = arith.constant 1 : i32
    %scan3A_136 = scf.for %scan3A_241 = %scan3A_132 to %scan3A_134 step %scan3A_135 iter_args(%scan3A_242 = %scan3A_131) -> (i32)  : i32 {
      %mul3A_243 = arith.constant 3 : i32
      %mul3A_244 = arith.muli %mul3A_243, %scan3A_241 : i32
      %add3A_245 = arith.constant 0 : i32
      %add3A_246 = arith.addi %mul3A_244, %add3A_245 : i32
      %dma_wait3A_247 = arith.constant 0 : i32
      %dma_wait3A_248 = tpu.memref_slice %arg6[%dma_wait3A_247] : memref<10000xi32, #tpu.memory_space<vmem>> -> memref<80xi32, #tpu.memory_space<vmem>>
      %dma_wait3A_249 = arith.constant 0 : i32
      %dma_wait3A_250 = arith.constant 0 : i32
      %dma_wait3A_251 = tpu.memref_slice %arg2[%dma_wait3A_249, %dma_wait3A_250] : memref<10000x128xf32, #tpu.memory_space<hbm>> -> memref<10000x128xf32, #tpu.memory_space<hbm>>
      tpu.wait_indirect_dma semaphore(%arg14 : memref<!tpu.dma_semaphore, #tpu.memory_space<semaphore_mem>>) src(%dma_wait3A_251 : memref<10000x128xf32, #tpu.memory_space<hbm>>) dst(%arg10 : memref<80x128xf32, #tpu.memory_space<vmem>>)
      %dma_wait3A_252 = arith.constant 0 : i32
      %dma_wait3A_253 = arith.constant 0 : i32
      %dma_wait3A_254 = tpu.memref_slice %arg4[%add3A, %dma_wait3A_252, %dma_wait3A_253] : memref<32x125x80xi32, #tpu.memory_space<hbm>> -> memref<1x1x80xi32, #tpu.memory_space<hbm>>
      %dma_wait3A_255 = tpu.memref_squeeze %dma_wait3A_254 : memref<1x1x80xi32, #tpu.memory_space<hbm>> -> memref<80xi32, #tpu.memory_space<hbm>>
      %dma_wait3A_256 = arith.constant 0 : i32
      %dma_wait3A_257 = tpu.memref_slice %arg4[%add3A, %dma_wait3A_252, %dma_wait3A_256] : memref<32x125x80xi32, #tpu.memory_space<hbm>> -> memref<1x1x80xi32, #tpu.memory_space<hbm>>
      %dma_wait3A_258 = tpu.memref_squeeze %dma_wait3A_257 : memref<1x1x80xi32, #tpu.memory_space<hbm>> -> memref<80xi32, #tpu.memory_space<hbm>>
      tpu.wait_dma2 semaphore(%arg20 : memref<!tpu.dma_semaphore, #tpu.memory_space<semaphore_mem>>) src(%dma_wait3A_258 : memref<80xi32, #tpu.memory_space<hbm>>) dst(%arg7 : memref<80xi32, #tpu.memory_space<vmem>>)
      %dma_start3A_259 = arith.constant 0 : i32
      %dma_start3A_260 = arith.constant 0 : i32
      %dma_start3A_261 = tpu.memref_slice %arg13[%dma_start3A_259, %dma_start3A_260] : memref<10000x128xf32, #tpu.memory_space<vmem_shared>> -> memref<10000x128xf32, #tpu.memory_space<vmem_shared>>
      tpu.enqueue_indirect_dma source(%arg10 : memref<80x128xf32, #tpu.memory_space<vmem>>) target(%dma_start3A_261 : memref<10000x128xf32, #tpu.memory_space<vmem_shared>>) offsets(%arg7 : memref<80xi32, #tpu.memory_space<vmem>>) semaphore(%arg17 : memref<!tpu.dma_semaphore, #tpu.memory_space<semaphore_mem>>) {add = true}
      %dma_wait3A_262 = arith.constant 0 : i32
      %dma_wait3A_263 = arith.constant 0 : i32
      %dma_wait3A_264 = tpu.memref_slice %arg13[%dma_wait3A_262, %dma_wait3A_263] : memref<10000x128xf32, #tpu.memory_space<vmem_shared>> -> memref<10000x128xf32, #tpu.memory_space<vmem_shared>>
      tpu.wait_indirect_dma semaphore(%arg19 : memref<!tpu.dma_semaphore, #tpu.memory_space<semaphore_mem>>) src(%arg12 : memref<80x128xf32, #tpu.memory_space<vmem>>) dst(%dma_wait3A_264 : memref<10000x128xf32, #tpu.memory_space<vmem_shared>>)
      %add3A_265 = arith.constant 2 : i32
      %add3A_266 = arith.addi %add3A_246, %add3A_265 : i32
      %dma_start3A_267 = arith.constant 0 : i32
      %dma_start3A_268 = tpu.memref_slice %arg4[%add3A, %add3A_266, %dma_start3A_267] : memref<32x125x80xi32, #tpu.memory_space<hbm>> -> memref<1x1x80xi32, #tpu.memory_space<hbm>>
      %dma_start3A_269 = tpu.memref_squeeze %dma_start3A_268 : memref<1x1x80xi32, #tpu.memory_space<hbm>> -> memref<80xi32, #tpu.memory_space<hbm>>
      %dma_start3A_270 = arith.constant 0 : i32
      %dma_start3A_271 = tpu.memref_slice %arg4[%add3A, %add3A_266, %dma_start3A_270] : memref<32x125x80xi32, #tpu.memory_space<hbm>> -> memref<1x1x80xi32, #tpu.memory_space<hbm>>
      %dma_start3A_272 = tpu.memref_squeeze %dma_start3A_271 : memref<1x1x80xi32, #tpu.memory_space<hbm>> -> memref<80xi32, #tpu.memory_space<hbm>>
      tpu.enqueue_dma source(%dma_start3A_272 : memref<80xi32, #tpu.memory_space<hbm>>) target(%arg9 : memref<80xi32, #tpu.memory_space<vmem>>) target_semaphore(%arg22 : memref<!tpu.dma_semaphore, #tpu.memory_space<semaphore_mem>>)
      %add3A_273 = arith.constant 2 : i32
      %add3A_274 = arith.addi %add3A_246, %add3A_273 : i32
      %mul3A_275 = arith.constant 80 : i32
      %mul3A_276 = arith.muli %add3A_274, %mul3A_275 : i32
      %dma_start3A_277 = tpu.memref_slice %arg6[%mul3A_276] : memref<10000xi32, #tpu.memory_space<vmem>> -> memref<80xi32, #tpu.memory_space<vmem>>
      %dma_start3A_278 = arith.constant 0 : i32
      %dma_start3A_279 = arith.constant 0 : i32
      %dma_start3A_280 = tpu.memref_slice %arg2[%dma_start3A_278, %dma_start3A_279] : memref<10000x128xf32, #tpu.memory_space<hbm>> -> memref<10000x128xf32, #tpu.memory_space<hbm>>
      tpu.enqueue_indirect_dma source(%dma_start3A_280 : memref<10000x128xf32, #tpu.memory_space<hbm>>) target(%arg12 : memref<80x128xf32, #tpu.memory_space<vmem>>) offsets(%dma_start3A_277 : memref<80xi32, #tpu.memory_space<vmem>>) semaphore(%arg16 : memref<!tpu.dma_semaphore, #tpu.memory_space<semaphore_mem>>)
      %mul3A_281 = arith.constant 3 : i32
      %mul3A_282 = arith.muli %mul3A_281, %scan3A_241 : i32
      %add3A_283 = arith.constant 1 : i32
      %add3A_284 = arith.addi %mul3A_282, %add3A_283 : i32
      %dma_wait3A_285 = arith.constant 0 : i32
      %dma_wait3A_286 = tpu.memref_slice %arg6[%dma_wait3A_285] : memref<10000xi32, #tpu.memory_space<vmem>> -> memref<80xi32, #tpu.memory_space<vmem>>
      %dma_wait3A_287 = arith.constant 0 : i32
      %dma_wait3A_288 = arith.constant 0 : i32
      %dma_wait3A_289 = tpu.memref_slice %arg2[%dma_wait3A_287, %dma_wait3A_288] : memref<10000x128xf32, #tpu.memory_space<hbm>> -> memref<10000x128xf32, #tpu.memory_space<hbm>>
      tpu.wait_indirect_dma semaphore(%arg15 : memref<!tpu.dma_semaphore, #tpu.memory_space<semaphore_mem>>) src(%dma_wait3A_289 : memref<10000x128xf32, #tpu.memory_space<hbm>>) dst(%arg11 : memref<80x128xf32, #tpu.memory_space<vmem>>)
      %dma_wait3A_290 = arith.constant 0 : i32
      %dma_wait3A_291 = arith.constant 0 : i32
      %dma_wait3A_292 = tpu.memref_slice %arg4[%add3A, %dma_wait3A_290, %dma_wait3A_291] : memref<32x125x80xi32, #tpu.memory_space<hbm>> -> memref<1x1x80xi32, #tpu.memory_space<hbm>>
      %dma_wait3A_293 = tpu.memref_squeeze %dma_wait3A_292 : memref<1x1x80xi32, #tpu.memory_space<hbm>> -> memref<80xi32, #tpu.memory_space<hbm>>
      %dma_wait3A_294 = arith.constant 0 : i32
      %dma_wait3A_295 = tpu.memref_slice %arg4[%add3A, %dma_wait3A_290, %dma_wait3A_294] : memref<32x125x80xi32, #tpu.memory_space<hbm>> -> memref<1x1x80xi32, #tpu.memory_space<hbm>>
      %dma_wait3A_296 = tpu.memref_squeeze %dma_wait3A_295 : memref<1x1x80xi32, #tpu.memory_space<hbm>> -> memref<80xi32, #tpu.memory_space<hbm>>
      tpu.wait_dma2 semaphore(%arg21 : memref<!tpu.dma_semaphore, #tpu.memory_space<semaphore_mem>>) src(%dma_wait3A_296 : memref<80xi32, #tpu.memory_space<hbm>>) dst(%arg8 : memref<80xi32, #tpu.memory_space<vmem>>)
      %dma_start3A_297 = arith.constant 0 : i32
      %dma_start3A_298 = arith.constant 0 : i32
      %dma_start3A_299 = tpu.memref_slice %arg13[%dma_start3A_297, %dma_start3A_298] : memref<10000x128xf32, #tpu.memory_space<vmem_shared>> -> memref<10000x128xf32, #tpu.memory_space<vmem_shared>>
      tpu.enqueue_indirect_dma source(%arg11 : memref<80x128xf32, #tpu.memory_space<vmem>>) target(%dma_start3A_299 : memref<10000x128xf32, #tpu.memory_space<vmem_shared>>) offsets(%arg8 : memref<80xi32, #tpu.memory_space<vmem>>) semaphore(%arg18 : memref<!tpu.dma_semaphore, #tpu.memory_space<semaphore_mem>>) {add = true}
      %dma_wait3A_300 = arith.constant 0 : i32
      %dma_wait3A_301 = arith.constant 0 : i32
      %dma_wait3A_302 = tpu.memref_slice %arg13[%dma_wait3A_300, %dma_wait3A_301] : memref<10000x128xf32, #tpu.memory_space<vmem_shared>> -> memref<10000x128xf32, #tpu.memory_space<vmem_shared>>
      tpu.wait_indirect_dma semaphore(%arg17 : memref<!tpu.dma_semaphore, #tpu.memory_space<semaphore_mem>>) src(%arg10 : memref<80x128xf32, #tpu.memory_space<vmem>>) dst(%dma_wait3A_302 : memref<10000x128xf32, #tpu.memory_space<vmem_shared>>)
      %add3A_303 = arith.constant 2 : i32
      %add3A_304 = arith.addi %add3A_284, %add3A_303 : i32
      %dma_start3A_305 = arith.constant 0 : i32
      %dma_start3A_306 = tpu.memref_slice %arg4[%add3A, %add3A_304, %dma_start3A_305] : memref<32x125x80xi32, #tpu.memory_space<hbm>> -> memref<1x1x80xi32, #tpu.memory_space<hbm>>
      %dma_start3A_307 = tpu.memref_squeeze %dma_start3A_306 : memref<1x1x80xi32, #tpu.memory_space<hbm>> -> memref<80xi32, #tpu.memory_space<hbm>>
      %dma_start3A_308 = arith.constant 0 : i32
      %dma_start3A_309 = tpu.memref_slice %arg4[%add3A, %add3A_304, %dma_start3A_308] : memref<32x125x80xi32, #tpu.memory_space<hbm>> -> memref<1x1x80xi32, #tpu.memory_space<hbm>>
      %dma_start3A_310 = tpu.memref_squeeze %dma_start3A_309 : memref<1x1x80xi32, #tpu.memory_space<hbm>> -> memref<80xi32, #tpu.memory_space<hbm>>
      tpu.enqueue_dma source(%dma_start3A_310 : memref<80xi32, #tpu.memory_space<hbm>>) target(%arg7 : memref<80xi32, #tpu.memory_space<vmem>>) target_semaphore(%arg20 : memref<!tpu.dma_semaphore, #tpu.memory_space<semaphore_mem>>)
      %add3A_311 = arith.constant 2 : i32
      %add3A_312 = arith.addi %add3A_284, %add3A_311 : i32
      %mul3A_313 = arith.constant 80 : i32
      %mul3A_314 = arith.muli %add3A_312, %mul3A_313 : i32
      %dma_start3A_315 = tpu.memref_slice %arg6[%mul3A_314] : memref<10000xi32, #tpu.memory_space<vmem>> -> memref<80xi32, #tpu.memory_space<vmem>>
      %dma_start3A_316 = arith.constant 0 : i32
      %dma_start3A_317 = arith.constant 0 : i32
      %dma_start3A_318 = tpu.memref_slice %arg2[%dma_start3A_316, %dma_start3A_317] : memref<10000x128xf32, #tpu.memory_space<hbm>> -> memref<10000x128xf32, #tpu.memory_space<hbm>>
      tpu.enqueue_indirect_dma source(%dma_start3A_318 : memref<10000x128xf32, #tpu.memory_space<hbm>>) target(%arg10 : memref<80x128xf32, #tpu.memory_space<vmem>>) offsets(%dma_start3A_315 : memref<80xi32, #tpu.memory_space<vmem>>) semaphore(%arg14 : memref<!tpu.dma_semaphore, #tpu.memory_space<semaphore_mem>>)
      %mul3A_319 = arith.constant 3 : i32
      %mul3A_320 = arith.muli %mul3A_319, %scan3A_241 : i32
      %add3A_321 = arith.constant 2 : i32
      %add3A_322 = arith.addi %mul3A_320, %add3A_321 : i32
      %dma_wait3A_323 = arith.constant 0 : i32
      %dma_wait3A_324 = tpu.memref_slice %arg6[%dma_wait3A_323] : memref<10000xi32, #tpu.memory_space<vmem>> -> memref<80xi32, #tpu.memory_space<vmem>>
      %dma_wait3A_325 = arith.constant 0 : i32
      %dma_wait3A_326 = arith.constant 0 : i32
      %dma_wait3A_327 = tpu.memref_slice %arg2[%dma_wait3A_325, %dma_wait3A_326] : memref<10000x128xf32, #tpu.memory_space<hbm>> -> memref<10000x128xf32, #tpu.memory_space<hbm>>
      tpu.wait_indirect_dma semaphore(%arg16 : memref<!tpu.dma_semaphore, #tpu.memory_space<semaphore_mem>>) src(%dma_wait3A_327 : memref<10000x128xf32, #tpu.memory_space<hbm>>) dst(%arg12 : memref<80x128xf32, #tpu.memory_space<vmem>>)
      %dma_wait3A_328 = arith.constant 0 : i32
      %dma_wait3A_329 = arith.constant 0 : i32
      %dma_wait3A_330 = tpu.memref_slice %arg4[%add3A, %dma_wait3A_328, %dma_wait3A_329] : memref<32x125x80xi32, #tpu.memory_space<hbm>> -> memref<1x1x80xi32, #tpu.memory_space<hbm>>
      %dma_wait3A_331 = tpu.memref_squeeze %dma_wait3A_330 : memref<1x1x80xi32, #tpu.memory_space<hbm>> -> memref<80xi32, #tpu.memory_space<hbm>>
      %dma_wait3A_332 = arith.constant 0 : i32
      %dma_wait3A_333 = tpu.memref_slice %arg4[%add3A, %dma_wait3A_328, %dma_wait3A_332] : memref<32x125x80xi32, #tpu.memory_space<hbm>> -> memref<1x1x80xi32, #tpu.memory_space<hbm>>
      %dma_wait3A_334 = tpu.memref_squeeze %dma_wait3A_333 : memref<1x1x80xi32, #tpu.memory_space<hbm>> -> memref<80xi32, #tpu.memory_space<hbm>>
      tpu.wait_dma2 semaphore(%arg22 : memref<!tpu.dma_semaphore, #tpu.memory_space<semaphore_mem>>) src(%dma_wait3A_334 : memref<80xi32, #tpu.memory_space<hbm>>) dst(%arg9 : memref<80xi32, #tpu.memory_space<vmem>>)
      %dma_start3A_335 = arith.constant 0 : i32
      %dma_start3A_336 = arith.constant 0 : i32
      %dma_start3A_337 = tpu.memref_slice %arg13[%dma_start3A_335, %dma_start3A_336] : memref<10000x128xf32, #tpu.memory_space<vmem_shared>> -> memref<10000x128xf32, #tpu.memory_space<vmem_shared>>
      tpu.enqueue_indirect_dma source(%arg12 : memref<80x128xf32, #tpu.memory_space<vmem>>) target(%dma_start3A_337 : memref<10000x128xf32, #tpu.memory_space<vmem_shared>>) offsets(%arg9 : memref<80xi32, #tpu.memory_space<vmem>>) semaphore(%arg19 : memref<!tpu.dma_semaphore, #tpu.memory_space<semaphore_mem>>) {add = true}
      %dma_wait3A_338 = arith.constant 0 : i32
      %dma_wait3A_339 = arith.constant 0 : i32
      %dma_wait3A_340 = tpu.memref_slice %arg13[%dma_wait3A_338, %dma_wait3A_339] : memref<10000x128xf32, #tpu.memory_space<vmem_shared>> -> memref<10000x128xf32, #tpu.memory_space<vmem_shared>>
      tpu.wait_indirect_dma semaphore(%arg18 : memref<!tpu.dma_semaphore, #tpu.memory_space<semaphore_mem>>) src(%arg11 : memref<80x128xf32, #tpu.memory_space<vmem>>) dst(%dma_wait3A_340 : memref<10000x128xf32, #tpu.memory_space<vmem_shared>>)
      %add3A_341 = arith.constant 2 : i32
      %add3A_342 = arith.addi %add3A_322, %add3A_341 : i32
      %dma_start3A_343 = arith.constant 0 : i32
      %dma_start3A_344 = tpu.memref_slice %arg4[%add3A, %add3A_342, %dma_start3A_343] : memref<32x125x80xi32, #tpu.memory_space<hbm>> -> memref<1x1x80xi32, #tpu.memory_space<hbm>>
      %dma_start3A_345 = tpu.memref_squeeze %dma_start3A_344 : memref<1x1x80xi32, #tpu.memory_space<hbm>> -> memref<80xi32, #tpu.memory_space<hbm>>
      %dma_start3A_346 = arith.constant 0 : i32
      %dma_start3A_347 = tpu.memref_slice %arg4[%add3A, %add3A_342, %dma_start3A_346] : memref<32x125x80xi32, #tpu.memory_space<hbm>> -> memref<1x1x80xi32, #tpu.memory_space<hbm>>
      %dma_start3A_348 = tpu.memref_squeeze %dma_start3A_347 : memref<1x1x80xi32, #tpu.memory_space<hbm>> -> memref<80xi32, #tpu.memory_space<hbm>>
      tpu.enqueue_dma source(%dma_start3A_348 : memref<80xi32, #tpu.memory_space<hbm>>) target(%arg8 : memref<80xi32, #tpu.memory_space<vmem>>) target_semaphore(%arg21 : memref<!tpu.dma_semaphore, #tpu.memory_space<semaphore_mem>>)
      %add3A_349 = arith.constant 2 : i32
      %add3A_350 = arith.addi %add3A_322, %add3A_349 : i32
      %mul3A_351 = arith.constant 80 : i32
      %mul3A_352 = arith.muli %add3A_350, %mul3A_351 : i32
      %dma_start3A_353 = tpu.memref_slice %arg6[%mul3A_352] : memref<10000xi32, #tpu.memory_space<vmem>> -> memref<80xi32, #tpu.memory_space<vmem>>
      %dma_start3A_354 = arith.constant 0 : i32
      %dma_start3A_355 = arith.constant 0 : i32
      %dma_start3A_356 = tpu.memref_slice %arg2[%dma_start3A_354, %dma_start3A_355] : memref<10000x128xf32, #tpu.memory_space<hbm>> -> memref<10000x128xf32, #tpu.memory_space<hbm>>
      tpu.enqueue_indirect_dma source(%dma_start3A_356 : memref<10000x128xf32, #tpu.memory_space<hbm>>) target(%arg11 : memref<80x128xf32, #tpu.memory_space<vmem>>) offsets(%dma_start3A_353 : memref<80xi32, #tpu.memory_space<vmem>>) semaphore(%arg15 : memref<!tpu.dma_semaphore, #tpu.memory_space<semaphore_mem>>)
      %scan3A_357 = arith.constant 0 : i32
      scf.yield %scan3A_357 : i32
    }
    %scan3A_137 = arith.constant 40 : i32
    %dma_wait3A_138 = arith.constant 0 : i32
    %dma_wait3A_139 = tpu.memref_slice %arg6[%dma_wait3A_138] : memref<10000xi32, #tpu.memory_space<vmem>> -> memref<80xi32, #tpu.memory_space<vmem>>
    %dma_wait3A_140 = arith.constant 0 : i32
    %dma_wait3A_141 = arith.constant 0 : i32
    %dma_wait3A_142 = tpu.memref_slice %arg2[%dma_wait3A_140, %dma_wait3A_141] : memref<10000x128xf32, #tpu.memory_space<hbm>> -> memref<10000x128xf32, #tpu.memory_space<hbm>>
    tpu.wait_indirect_dma semaphore(%arg14 : memref<!tpu.dma_semaphore, #tpu.memory_space<semaphore_mem>>) src(%dma_wait3A_142 : memref<10000x128xf32, #tpu.memory_space<hbm>>) dst(%arg10 : memref<80x128xf32, #tpu.memory_space<vmem>>)
    %dma_wait3A_143 = arith.constant 0 : i32
    %dma_wait3A_144 = arith.constant 0 : i32
    %dma_wait3A_145 = tpu.memref_slice %arg4[%add3A, %dma_wait3A_143, %dma_wait3A_144] : memref<32x125x80xi32, #tpu.memory_space<hbm>> -> memref<1x1x80xi32, #tpu.memory_space<hbm>>
    %dma_wait3A_146 = tpu.memref_squeeze %dma_wait3A_145 : memref<1x1x80xi32, #tpu.memory_space<hbm>> -> memref<80xi32, #tpu.memory_space<hbm>>
    %dma_wait3A_147 = arith.constant 0 : i32
    %dma_wait3A_148 = tpu.memref_slice %arg4[%add3A, %dma_wait3A_143, %dma_wait3A_147] : memref<32x125x80xi32, #tpu.memory_space<hbm>> -> memref<1x1x80xi32, #tpu.memory_space<hbm>>
    %dma_wait3A_149 = tpu.memref_squeeze %dma_wait3A_148 : memref<1x1x80xi32, #tpu.memory_space<hbm>> -> memref<80xi32, #tpu.memory_space<hbm>>
    tpu.wait_dma2 semaphore(%arg20 : memref<!tpu.dma_semaphore, #tpu.memory_space<semaphore_mem>>) src(%dma_wait3A_149 : memref<80xi32, #tpu.memory_space<hbm>>) dst(%arg7 : memref<80xi32, #tpu.memory_space<vmem>>)
    %dma_start3A_150 = arith.constant 0 : i32
    %dma_start3A_151 = arith.constant 0 : i32
    %dma_start3A_152 = tpu.memref_slice %arg13[%dma_start3A_150, %dma_start3A_151] : memref<10000x128xf32, #tpu.memory_space<vmem_shared>> -> memref<10000x128xf32, #tpu.memory_space<vmem_shared>>
    tpu.enqueue_indirect_dma source(%arg10 : memref<80x128xf32, #tpu.memory_space<vmem>>) target(%dma_start3A_152 : memref<10000x128xf32, #tpu.memory_space<vmem_shared>>) offsets(%arg7 : memref<80xi32, #tpu.memory_space<vmem>>) semaphore(%arg17 : memref<!tpu.dma_semaphore, #tpu.memory_space<semaphore_mem>>) {add = true}
    %dma_wait3A_153 = arith.constant 0 : i32
    %dma_wait3A_154 = tpu.memref_slice %arg6[%dma_wait3A_153] : memref<10000xi32, #tpu.memory_space<vmem>> -> memref<80xi32, #tpu.memory_space<vmem>>
    %dma_wait3A_155 = arith.constant 0 : i32
    %dma_wait3A_156 = arith.constant 0 : i32
    %dma_wait3A_157 = tpu.memref_slice %arg2[%dma_wait3A_155, %dma_wait3A_156] : memref<10000x128xf32, #tpu.memory_space<hbm>> -> memref<10000x128xf32, #tpu.memory_space<hbm>>
    tpu.wait_indirect_dma semaphore(%arg15 : memref<!tpu.dma_semaphore, #tpu.memory_space<semaphore_mem>>) src(%dma_wait3A_157 : memref<10000x128xf32, #tpu.memory_space<hbm>>) dst(%arg11 : memref<80x128xf32, #tpu.memory_space<vmem>>)
    %dma_wait3A_158 = arith.constant 0 : i32
    %dma_wait3A_159 = arith.constant 0 : i32
    %dma_wait3A_160 = tpu.memref_slice %arg4[%add3A, %dma_wait3A_158, %dma_wait3A_159] : memref<32x125x80xi32, #tpu.memory_space<hbm>> -> memref<1x1x80xi32, #tpu.memory_space<hbm>>
    %dma_wait3A_161 = tpu.memref_squeeze %dma_wait3A_160 : memref<1x1x80xi32, #tpu.memory_space<hbm>> -> memref<80xi32, #tpu.memory_space<hbm>>
    %dma_wait3A_162 = arith.constant 0 : i32
    %dma_wait3A_163 = tpu.memref_slice %arg4[%add3A, %dma_wait3A_158, %dma_wait3A_162] : memref<32x125x80xi32, #tpu.memory_space<hbm>> -> memref<1x1x80xi32, #tpu.memory_space<hbm>>
    %dma_wait3A_164 = tpu.memref_squeeze %dma_wait3A_163 : memref<1x1x80xi32, #tpu.memory_space<hbm>> -> memref<80xi32, #tpu.memory_space<hbm>>
    tpu.wait_dma2 semaphore(%arg21 : memref<!tpu.dma_semaphore, #tpu.memory_space<semaphore_mem>>) src(%dma_wait3A_164 : memref<80xi32, #tpu.memory_space<hbm>>) dst(%arg8 : memref<80xi32, #tpu.memory_space<vmem>>)
    %dma_start3A_165 = arith.constant 0 : i32
    %dma_start3A_166 = arith.constant 0 : i32
    %dma_start3A_167 = tpu.memref_slice %arg13[%dma_start3A_165, %dma_start3A_166] : memref<10000x128xf32, #tpu.memory_space<vmem_shared>> -> memref<10000x128xf32, #tpu.memory_space<vmem_shared>>
    tpu.enqueue_indirect_dma source(%arg11 : memref<80x128xf32, #tpu.memory_space<vmem>>) target(%dma_start3A_167 : memref<10000x128xf32, #tpu.memory_space<vmem_shared>>) offsets(%arg8 : memref<80xi32, #tpu.memory_space<vmem>>) semaphore(%arg18 : memref<!tpu.dma_semaphore, #tpu.memory_space<semaphore_mem>>) {add = true}
    %dma_wait3A_168 = arith.constant 0 : i32
    %dma_wait3A_169 = arith.constant 0 : i32
    %dma_wait3A_170 = tpu.memref_slice %arg13[%dma_wait3A_168, %dma_wait3A_169] : memref<10000x128xf32, #tpu.memory_space<vmem_shared>> -> memref<10000x128xf32, #tpu.memory_space<vmem_shared>>
    tpu.wait_indirect_dma semaphore(%arg19 : memref<!tpu.dma_semaphore, #tpu.memory_space<semaphore_mem>>) src(%arg12 : memref<80x128xf32, #tpu.memory_space<vmem>>) dst(%dma_wait3A_170 : memref<10000x128xf32, #tpu.memory_space<vmem_shared>>)
    %dma_wait3A_171 = arith.constant 0 : i32
    %dma_wait3A_172 = arith.constant 0 : i32
    %dma_wait3A_173 = tpu.memref_slice %arg13[%dma_wait3A_171, %dma_wait3A_172] : memref<10000x128xf32, #tpu.memory_space<vmem_shared>> -> memref<10000x128xf32, #tpu.memory_space<vmem_shared>>
    tpu.wait_indirect_dma semaphore(%arg17 : memref<!tpu.dma_semaphore, #tpu.memory_space<semaphore_mem>>) src(%arg10 : memref<80x128xf32, #tpu.memory_space<vmem>>) dst(%dma_wait3A_173 : memref<10000x128xf32, #tpu.memory_space<vmem_shared>>)
    %dma_wait3A_174 = arith.constant 0 : i32
    %dma_wait3A_175 = arith.constant 0 : i32
    %dma_wait3A_176 = tpu.memref_slice %arg13[%dma_wait3A_174, %dma_wait3A_175] : memref<10000x128xf32, #tpu.memory_space<vmem_shared>> -> memref<10000x128xf32, #tpu.memory_space<vmem_shared>>
    tpu.wait_indirect_dma semaphore(%arg18 : memref<!tpu.dma_semaphore, #tpu.memory_space<semaphore_mem>>) src(%arg11 : memref<80x128xf32, #tpu.memory_space<vmem>>) dst(%dma_wait3A_176 : memref<10000x128xf32, #tpu.memory_space<vmem_shared>>)
    %barrier3A_177 = arith.constant 0 : index
    tpu.barrier barrier_id(%barrier3A_177)
    %mul3A_178 = arith.constant 640 : i32
    %mul3A_179 = arith.muli %arg1, %mul3A_178 : i32
    %add3A_180 = arith.constant 0 : i32
    %add3A_181 = arith.addi %mul3A_179, %add3A_180 : i32
    %dma_start3A_182 = arith.constant 0 : i32
    %dma_start3A_183 = tpu.memref_slice %arg13[%add3A_181, %dma_start3A_182] : memref<10000x128xf32, #tpu.memory_space<vmem_shared>> -> memref<80x128xf32, #tpu.memory_space<vmem_shared>>
    %dma_start3A_184 = arith.constant 0 : i32
    %dma_start3A_185 = tpu.memref_slice %arg13[%add3A_181, %dma_start3A_184] : memref<10000x128xf32, #tpu.memory_space<vmem_shared>> -> memref<80x128xf32, #tpu.memory_space<vmem_shared>>
    tpu.enqueue_dma source(%dma_start3A_185 : memref<80x128xf32, #tpu.memory_space<vmem_shared>>) target(%arg10 : memref<80x128xf32, #tpu.memory_space<vmem>>) target_semaphore(%arg14 : memref<!tpu.dma_semaphore, #tpu.memory_space<semaphore_mem>>)
    %gt3A = arith.constant 0 : i32
    %gt3A_186 = arith.cmpi sgt, %select_n3A, %gt3A : i32
    %convert_element_type3A = arith.extui %gt3A_186 : i1 to i32
    %cond3A = arith.constant 0 : i32
    %cond3A_187 = arith.cmpi ne, %convert_element_type3A, %cond3A : i32
    scf.if %cond3A_187 {
      %mul3A_241 = arith.constant 640 : i32
      %mul3A_242 = arith.muli %arg1, %mul3A_241 : i32
      %dma_wait3A_243 = arith.constant 0 : i32
      %dma_wait3A_244 = tpu.memref_slice %arg13[%mul3A_242, %dma_wait3A_243] : memref<10000x128xf32, #tpu.memory_space<vmem_shared>> -> memref<80x128xf32, #tpu.memory_space<vmem_shared>>
      %dma_wait3A_245 = arith.constant 0 : i32
      %dma_wait3A_246 = tpu.memref_slice %arg13[%mul3A_242, %dma_wait3A_245] : memref<10000x128xf32, #tpu.memory_space<vmem_shared>> -> memref<80x128xf32, #tpu.memory_space<vmem_shared>>
      tpu.wait_dma2 semaphore(%arg14 : memref<!tpu.dma_semaphore, #tpu.memory_space<semaphore_mem>>) src(%dma_wait3A_246 : memref<80x128xf32, #tpu.memory_space<vmem_shared>>) dst(%arg10 : memref<80x128xf32, #tpu.memory_space<vmem>>)
      %gt3A_247 = arith.constant 1 : i32
      %gt3A_248 = arith.cmpi sgt, %select_n3A, %gt3A_247 : i32
      %convert_element_type3A_249 = arith.extui %gt3A_248 : i1 to i32
      %cond3A_250 = arith.constant 0 : i32
      %cond3A_251 = arith.cmpi ne, %convert_element_type3A_249, %cond3A_250 : i32
      scf.if %cond3A_251 {
        %mul3A_263 = arith.constant 640 : i32
        %mul3A_264 = arith.muli %arg1, %mul3A_263 : i32
        %add3A_265 = arith.constant 80 : i32
        %add3A_266 = arith.addi %mul3A_264, %add3A_265 : i32
        %dma_start3A_267 = arith.constant 0 : i32
        %dma_start3A_268 = tpu.memref_slice %arg13[%add3A_266, %dma_start3A_267] : memref<10000x128xf32, #tpu.memory_space<vmem_shared>> -> memref<80x128xf32, #tpu.memory_space<vmem_shared>>
        %dma_start3A_269 = arith.constant 0 : i32
        %dma_start3A_270 = tpu.memref_slice %arg13[%add3A_266, %dma_start3A_269] : memref<10000x128xf32, #tpu.memory_space<vmem_shared>> -> memref<80x128xf32, #tpu.memory_space<vmem_shared>>
        tpu.enqueue_dma source(%dma_start3A_270 : memref<80x128xf32, #tpu.memory_space<vmem_shared>>) target(%arg11 : memref<80x128xf32, #tpu.memory_space<vmem>>) target_semaphore(%arg15 : memref<!tpu.dma_semaphore, #tpu.memory_space<semaphore_mem>>)
      } else {
      }
      %mul3A_252 = arith.constant 10000 : i32
      %mul3A_253 = arith.muli %arg0, %mul3A_252 : i32
      %mul3A_254 = arith.constant 640 : i32
      %mul3A_255 = arith.muli %arg1, %mul3A_254 : i32
      %add3A_256 = arith.addi %mul3A_253, %mul3A_255 : i32
      %add3A_257 = arith.constant 0 : i32
      %add3A_258 = arith.addi %add3A_256, %add3A_257 : i32
      %dma_start3A_259 = arith.constant 0 : i32
      %dma_start3A_260 = tpu.memref_slice %arg5[%add3A_258, %dma_start3A_259] : memref<20000x128xf32, #tpu.memory_space<hbm>> -> memref<80x128xf32, #tpu.memory_space<hbm>>
      %dma_start3A_261 = arith.constant 0 : i32
      %dma_start3A_262 = tpu.memref_slice %arg5[%add3A_258, %dma_start3A_261] : memref<20000x128xf32, #tpu.memory_space<hbm>> -> memref<80x128xf32, #tpu.memory_space<hbm>>
      tpu.enqueue_dma source(%arg10 : memref<80x128xf32, #tpu.memory_space<vmem>>) target(%dma_start3A_262 : memref<80x128xf32, #tpu.memory_space<hbm>>) target_semaphore(%arg17 : memref<!tpu.dma_semaphore, #tpu.memory_space<semaphore_mem>>)
    } else {
    }
    %gt3A_188 = arith.constant 1 : i32
    %gt3A_189 = arith.cmpi sgt, %select_n3A, %gt3A_188 : i32
    %convert_element_type3A_190 = arith.extui %gt3A_189 : i1 to i32
    %cond3A_191 = arith.constant 0 : i32
    %cond3A_192 = arith.cmpi ne, %convert_element_type3A_190, %cond3A_191 : i32
    scf.if %cond3A_192 {
      %mul3A_241 = arith.constant 640 : i32
      %mul3A_242 = arith.muli %arg1, %mul3A_241 : i32
      %dma_wait3A_243 = arith.constant 0 : i32
      %dma_wait3A_244 = tpu.memref_slice %arg13[%mul3A_242, %dma_wait3A_243] : memref<10000x128xf32, #tpu.memory_space<vmem_shared>> -> memref<80x128xf32, #tpu.memory_space<vmem_shared>>
      %dma_wait3A_245 = arith.constant 0 : i32
      %dma_wait3A_246 = tpu.memref_slice %arg13[%mul3A_242, %dma_wait3A_245] : memref<10000x128xf32, #tpu.memory_space<vmem_shared>> -> memref<80x128xf32, #tpu.memory_space<vmem_shared>>
      tpu.wait_dma2 semaphore(%arg15 : memref<!tpu.dma_semaphore, #tpu.memory_space<semaphore_mem>>) src(%dma_wait3A_246 : memref<80x128xf32, #tpu.memory_space<vmem_shared>>) dst(%arg11 : memref<80x128xf32, #tpu.memory_space<vmem>>)
      %gt3A_247 = arith.constant 2 : i32
      %gt3A_248 = arith.cmpi sgt, %select_n3A, %gt3A_247 : i32
      %convert_element_type3A_249 = arith.extui %gt3A_248 : i1 to i32
      %cond3A_250 = arith.constant 0 : i32
      %cond3A_251 = arith.cmpi ne, %convert_element_type3A_249, %cond3A_250 : i32
      scf.if %cond3A_251 {
        %mul3A_263 = arith.constant 10000 : i32
        %mul3A_264 = arith.muli %arg0, %mul3A_263 : i32
        %mul3A_265 = arith.constant 640 : i32
        %mul3A_266 = arith.muli %arg1, %mul3A_265 : i32
        %add3A_267 = arith.addi %mul3A_264, %mul3A_266 : i32
        %dma_wait3A_268 = arith.constant 0 : i32
        %dma_wait3A_269 = tpu.memref_slice %arg5[%add3A_267, %dma_wait3A_268] : memref<20000x128xf32, #tpu.memory_space<hbm>> -> memref<80x128xf32, #tpu.memory_space<hbm>>
        %dma_wait3A_270 = arith.constant 0 : i32
        %dma_wait3A_271 = tpu.memref_slice %arg5[%add3A_267, %dma_wait3A_270] : memref<20000x128xf32, #tpu.memory_space<hbm>> -> memref<80x128xf32, #tpu.memory_space<hbm>>
        tpu.wait_dma2 semaphore(%arg17 : memref<!tpu.dma_semaphore, #tpu.memory_space<semaphore_mem>>) src(%arg10 : memref<80x128xf32, #tpu.memory_space<vmem>>) dst(%dma_wait3A_271 : memref<80x128xf32, #tpu.memory_space<hbm>>)
        %mul3A_272 = arith.constant 640 : i32
        %mul3A_273 = arith.muli %arg1, %mul3A_272 : i32
        %add3A_274 = arith.constant 160 : i32
        %add3A_275 = arith.addi %mul3A_273, %add3A_274 : i32
        %dma_start3A_276 = arith.constant 0 : i32
        %dma_start3A_277 = tpu.memref_slice %arg13[%add3A_275, %dma_start3A_276] : memref<10000x128xf32, #tpu.memory_space<vmem_shared>> -> memref<80x128xf32, #tpu.memory_space<vmem_shared>>
        %dma_start3A_278 = arith.constant 0 : i32
        %dma_start3A_279 = tpu.memref_slice %arg13[%add3A_275, %dma_start3A_278] : memref<10000x128xf32, #tpu.memory_space<vmem_shared>> -> memref<80x128xf32, #tpu.memory_space<vmem_shared>>
        tpu.enqueue_dma source(%dma_start3A_279 : memref<80x128xf32, #tpu.memory_space<vmem_shared>>) target(%arg10 : memref<80x128xf32, #tpu.memory_space<vmem>>) target_semaphore(%arg14 : memref<!tpu.dma_semaphore, #tpu.memory_space<semaphore_mem>>)
      } else {
      }
      %mul3A_252 = arith.constant 10000 : i32
      %mul3A_253 = arith.muli %arg0, %mul3A_252 : i32
      %mul3A_254 = arith.constant 640 : i32
      %mul3A_255 = arith.muli %arg1, %mul3A_254 : i32
      %add3A_256 = arith.addi %mul3A_253, %mul3A_255 : i32
      %add3A_257 = arith.constant 80 : i32
      %add3A_258 = arith.addi %add3A_256, %add3A_257 : i32
      %dma_start3A_259 = arith.constant 0 : i32
      %dma_start3A_260 = tpu.memref_slice %arg5[%add3A_258, %dma_start3A_259] : memref<20000x128xf32, #tpu.memory_space<hbm>> -> memref<80x128xf32, #tpu.memory_space<hbm>>
      %dma_start3A_261 = arith.constant 0 : i32
      %dma_start3A_262 = tpu.memref_slice %arg5[%add3A_258, %dma_start3A_261] : memref<20000x128xf32, #tpu.memory_space<hbm>> -> memref<80x128xf32, #tpu.memory_space<hbm>>
      tpu.enqueue_dma source(%arg11 : memref<80x128xf32, #tpu.memory_space<vmem>>) target(%dma_start3A_262 : memref<80x128xf32, #tpu.memory_space<hbm>>) target_semaphore(%arg18 : memref<!tpu.dma_semaphore, #tpu.memory_space<semaphore_mem>>)
    } else {
    }
    %gt3A_193 = arith.constant 2 : i32
    %gt3A_194 = arith.cmpi sgt, %select_n3A, %gt3A_193 : i32
    %convert_element_type3A_195 = arith.extui %gt3A_194 : i1 to i32
    %cond3A_196 = arith.constant 0 : i32
    %cond3A_197 = arith.cmpi ne, %convert_element_type3A_195, %cond3A_196 : i32
    scf.if %cond3A_197 {
      %mul3A_241 = arith.constant 640 : i32
      %mul3A_242 = arith.muli %arg1, %mul3A_241 : i32
      %dma_wait3A_243 = arith.constant 0 : i32
      %dma_wait3A_244 = tpu.memref_slice %arg13[%mul3A_242, %dma_wait3A_243] : memref<10000x128xf32, #tpu.memory_space<vmem_shared>> -> memref<80x128xf32, #tpu.memory_space<vmem_shared>>
      %dma_wait3A_245 = arith.constant 0 : i32
      %dma_wait3A_246 = tpu.memref_slice %arg13[%mul3A_242, %dma_wait3A_245] : memref<10000x128xf32, #tpu.memory_space<vmem_shared>> -> memref<80x128xf32, #tpu.memory_space<vmem_shared>>
      tpu.wait_dma2 semaphore(%arg14 : memref<!tpu.dma_semaphore, #tpu.memory_space<semaphore_mem>>) src(%dma_wait3A_246 : memref<80x128xf32, #tpu.memory_space<vmem_shared>>) dst(%arg10 : memref<80x128xf32, #tpu.memory_space<vmem>>)
      %gt3A_247 = arith.constant 3 : i32
      %gt3A_248 = arith.cmpi sgt, %select_n3A, %gt3A_247 : i32
      %convert_element_type3A_249 = arith.extui %gt3A_248 : i1 to i32
      %cond3A_250 = arith.constant 0 : i32
      %cond3A_251 = arith.cmpi ne, %convert_element_type3A_249, %cond3A_250 : i32
      scf.if %cond3A_251 {
        %mul3A_263 = arith.constant 10000 : i32
        %mul3A_264 = arith.muli %arg0, %mul3A_263 : i32
        %mul3A_265 = arith.constant 640 : i32
        %mul3A_266 = arith.muli %arg1, %mul3A_265 : i32
        %add3A_267 = arith.addi %mul3A_264, %mul3A_266 : i32
        %dma_wait3A_268 = arith.constant 0 : i32
        %dma_wait3A_269 = tpu.memref_slice %arg5[%add3A_267, %dma_wait3A_268] : memref<20000x128xf32, #tpu.memory_space<hbm>> -> memref<80x128xf32, #tpu.memory_space<hbm>>
        %dma_wait3A_270 = arith.constant 0 : i32
        %dma_wait3A_271 = tpu.memref_slice %arg5[%add3A_267, %dma_wait3A_270] : memref<20000x128xf32, #tpu.memory_space<hbm>> -> memref<80x128xf32, #tpu.memory_space<hbm>>
        tpu.wait_dma2 semaphore(%arg18 : memref<!tpu.dma_semaphore, #tpu.memory_space<semaphore_mem>>) src(%arg11 : memref<80x128xf32, #tpu.memory_space<vmem>>) dst(%dma_wait3A_271 : memref<80x128xf32, #tpu.memory_space<hbm>>)
        %mul3A_272 = arith.constant 640 : i32
        %mul3A_273 = arith.muli %arg1, %mul3A_272 : i32
        %add3A_274 = arith.constant 240 : i32
        %add3A_275 = arith.addi %mul3A_273, %add3A_274 : i32
        %dma_start3A_276 = arith.constant 0 : i32
        %dma_start3A_277 = tpu.memref_slice %arg13[%add3A_275, %dma_start3A_276] : memref<10000x128xf32, #tpu.memory_space<vmem_shared>> -> memref<80x128xf32, #tpu.memory_space<vmem_shared>>
        %dma_start3A_278 = arith.constant 0 : i32
        %dma_start3A_279 = tpu.memref_slice %arg13[%add3A_275, %dma_start3A_278] : memref<10000x128xf32, #tpu.memory_space<vmem_shared>> -> memref<80x128xf32, #tpu.memory_space<vmem_shared>>
        tpu.enqueue_dma source(%dma_start3A_279 : memref<80x128xf32, #tpu.memory_space<vmem_shared>>) target(%arg11 : memref<80x128xf32, #tpu.memory_space<vmem>>) target_semaphore(%arg15 : memref<!tpu.dma_semaphore, #tpu.memory_space<semaphore_mem>>)
      } else {
      }
      %mul3A_252 = arith.constant 10000 : i32
      %mul3A_253 = arith.muli %arg0, %mul3A_252 : i32
      %mul3A_254 = arith.constant 640 : i32
      %mul3A_255 = arith.muli %arg1, %mul3A_254 : i32
      %add3A_256 = arith.addi %mul3A_253, %mul3A_255 : i32
      %add3A_257 = arith.constant 160 : i32
      %add3A_258 = arith.addi %add3A_256, %add3A_257 : i32
      %dma_start3A_259 = arith.constant 0 : i32
      %dma_start3A_260 = tpu.memref_slice %arg5[%add3A_258, %dma_start3A_259] : memref<20000x128xf32, #tpu.memory_space<hbm>> -> memref<80x128xf32, #tpu.memory_space<hbm>>
      %dma_start3A_261 = arith.constant 0 : i32
      %dma_start3A_262 = tpu.memref_slice %arg5[%add3A_258, %dma_start3A_261] : memref<20000x128xf32, #tpu.memory_space<hbm>> -> memref<80x128xf32, #tpu.memory_space<hbm>>
      tpu.enqueue_dma source(%arg10 : memref<80x128xf32, #tpu.memory_space<vmem>>) target(%dma_start3A_262 : memref<80x128xf32, #tpu.memory_space<hbm>>) target_semaphore(%arg17 : memref<!tpu.dma_semaphore, #tpu.memory_space<semaphore_mem>>)
    } else {
    }
    %gt3A_198 = arith.constant 3 : i32
    %gt3A_199 = arith.cmpi sgt, %select_n3A, %gt3A_198 : i32
    %convert_element_type3A_200 = arith.extui %gt3A_199 : i1 to i32
    %cond3A_201 = arith.constant 0 : i32
    %cond3A_202 = arith.cmpi ne, %convert_element_type3A_200, %cond3A_201 : i32
    scf.if %cond3A_202 {
      %mul3A_241 = arith.constant 640 : i32
      %mul3A_242 = arith.muli %arg1, %mul3A_241 : i32
      %dma_wait3A_243 = arith.constant 0 : i32
      %dma_wait3A_244 = tpu.memref_slice %arg13[%mul3A_242, %dma_wait3A_243] : memref<10000x128xf32, #tpu.memory_space<vmem_shared>> -> memref<80x128xf32, #tpu.memory_space<vmem_shared>>
      %dma_wait3A_245 = arith.constant 0 : i32
      %dma_wait3A_246 = tpu.memref_slice %arg13[%mul3A_242, %dma_wait3A_245] : memref<10000x128xf32, #tpu.memory_space<vmem_shared>> -> memref<80x128xf32, #tpu.memory_space<vmem_shared>>
      tpu.wait_dma2 semaphore(%arg15 : memref<!tpu.dma_semaphore, #tpu.memory_space<semaphore_mem>>) src(%dma_wait3A_246 : memref<80x128xf32, #tpu.memory_space<vmem_shared>>) dst(%arg11 : memref<80x128xf32, #tpu.memory_space<vmem>>)
      %gt3A_247 = arith.constant 4 : i32
      %gt3A_248 = arith.cmpi sgt, %select_n3A, %gt3A_247 : i32
      %convert_element_type3A_249 = arith.extui %gt3A_248 : i1 to i32
      %cond3A_250 = arith.constant 0 : i32
      %cond3A_251 = arith.cmpi ne, %convert_element_type3A_249, %cond3A_250 : i32
      scf.if %cond3A_251 {
        %mul3A_263 = arith.constant 10000 : i32
        %mul3A_264 = arith.muli %arg0, %mul3A_263 : i32
        %mul3A_265 = arith.constant 640 : i32
        %mul3A_266 = arith.muli %arg1, %mul3A_265 : i32
        %add3A_267 = arith.addi %mul3A_264, %mul3A_266 : i32
        %dma_wait3A_268 = arith.constant 0 : i32
        %dma_wait3A_269 = tpu.memref_slice %arg5[%add3A_267, %dma_wait3A_268] : memref<20000x128xf32, #tpu.memory_space<hbm>> -> memref<80x128xf32, #tpu.memory_space<hbm>>
        %dma_wait3A_270 = arith.constant 0 : i32
        %dma_wait3A_271 = tpu.memref_slice %arg5[%add3A_267, %dma_wait3A_270] : memref<20000x128xf32, #tpu.memory_space<hbm>> -> memref<80x128xf32, #tpu.memory_space<hbm>>
        tpu.wait_dma2 semaphore(%arg17 : memref<!tpu.dma_semaphore, #tpu.memory_space<semaphore_mem>>) src(%arg10 : memref<80x128xf32, #tpu.memory_space<vmem>>) dst(%dma_wait3A_271 : memref<80x128xf32, #tpu.memory_space<hbm>>)
        %mul3A_272 = arith.constant 640 : i32
        %mul3A_273 = arith.muli %arg1, %mul3A_272 : i32
        %add3A_274 = arith.constant 320 : i32
        %add3A_275 = arith.addi %mul3A_273, %add3A_274 : i32
        %dma_start3A_276 = arith.constant 0 : i32
        %dma_start3A_277 = tpu.memref_slice %arg13[%add3A_275, %dma_start3A_276] : memref<10000x128xf32, #tpu.memory_space<vmem_shared>> -> memref<80x128xf32, #tpu.memory_space<vmem_shared>>
        %dma_start3A_278 = arith.constant 0 : i32
        %dma_start3A_279 = tpu.memref_slice %arg13[%add3A_275, %dma_start3A_278] : memref<10000x128xf32, #tpu.memory_space<vmem_shared>> -> memref<80x128xf32, #tpu.memory_space<vmem_shared>>
        tpu.enqueue_dma source(%dma_start3A_279 : memref<80x128xf32, #tpu.memory_space<vmem_shared>>) target(%arg10 : memref<80x128xf32, #tpu.memory_space<vmem>>) target_semaphore(%arg14 : memref<!tpu.dma_semaphore, #tpu.memory_space<semaphore_mem>>)
      } else {
      }
      %mul3A_252 = arith.constant 10000 : i32
      %mul3A_253 = arith.muli %arg0, %mul3A_252 : i32
      %mul3A_254 = arith.constant 640 : i32
      %mul3A_255 = arith.muli %arg1, %mul3A_254 : i32
      %add3A_256 = arith.addi %mul3A_253, %mul3A_255 : i32
      %add3A_257 = arith.constant 240 : i32
      %add3A_258 = arith.addi %add3A_256, %add3A_257 : i32
      %dma_start3A_259 = arith.constant 0 : i32
      %dma_start3A_260 = tpu.memref_slice %arg5[%add3A_258, %dma_start3A_259] : memref<20000x128xf32, #tpu.memory_space<hbm>> -> memref<80x128xf32, #tpu.memory_space<hbm>>
      %dma_start3A_261 = arith.constant 0 : i32
      %dma_start3A_262 = tpu.memref_slice %arg5[%add3A_258, %dma_start3A_261] : memref<20000x128xf32, #tpu.memory_space<hbm>> -> memref<80x128xf32, #tpu.memory_space<hbm>>
      tpu.enqueue_dma source(%arg11 : memref<80x128xf32, #tpu.memory_space<vmem>>) target(%dma_start3A_262 : memref<80x128xf32, #tpu.memory_space<hbm>>) target_semaphore(%arg18 : memref<!tpu.dma_semaphore, #tpu.memory_space<semaphore_mem>>)
    } else {
    }
    %gt3A_203 = arith.constant 4 : i32
    %gt3A_204 = arith.cmpi sgt, %select_n3A, %gt3A_203 : i32
    %convert_element_type3A_205 = arith.extui %gt3A_204 : i1 to i32
    %cond3A_206 = arith.constant 0 : i32
    %cond3A_207 = arith.cmpi ne, %convert_element_type3A_205, %cond3A_206 : i32
    scf.if %cond3A_207 {
      %mul3A_241 = arith.constant 640 : i32
      %mul3A_242 = arith.muli %arg1, %mul3A_241 : i32
      %dma_wait3A_243 = arith.constant 0 : i32
      %dma_wait3A_244 = tpu.memref_slice %arg13[%mul3A_242, %dma_wait3A_243] : memref<10000x128xf32, #tpu.memory_space<vmem_shared>> -> memref<80x128xf32, #tpu.memory_space<vmem_shared>>
      %dma_wait3A_245 = arith.constant 0 : i32
      %dma_wait3A_246 = tpu.memref_slice %arg13[%mul3A_242, %dma_wait3A_245] : memref<10000x128xf32, #tpu.memory_space<vmem_shared>> -> memref<80x128xf32, #tpu.memory_space<vmem_shared>>
      tpu.wait_dma2 semaphore(%arg14 : memref<!tpu.dma_semaphore, #tpu.memory_space<semaphore_mem>>) src(%dma_wait3A_246 : memref<80x128xf32, #tpu.memory_space<vmem_shared>>) dst(%arg10 : memref<80x128xf32, #tpu.memory_space<vmem>>)
      %gt3A_247 = arith.constant 5 : i32
      %gt3A_248 = arith.cmpi sgt, %select_n3A, %gt3A_247 : i32
      %convert_element_type3A_249 = arith.extui %gt3A_248 : i1 to i32
      %cond3A_250 = arith.constant 0 : i32
      %cond3A_251 = arith.cmpi ne, %convert_element_type3A_249, %cond3A_250 : i32
      scf.if %cond3A_251 {
        %mul3A_263 = arith.constant 10000 : i32
        %mul3A_264 = arith.muli %arg0, %mul3A_263 : i32
        %mul3A_265 = arith.constant 640 : i32
        %mul3A_266 = arith.muli %arg1, %mul3A_265 : i32
        %add3A_267 = arith.addi %mul3A_264, %mul3A_266 : i32
        %dma_wait3A_268 = arith.constant 0 : i32
        %dma_wait3A_269 = tpu.memref_slice %arg5[%add3A_267, %dma_wait3A_268] : memref<20000x128xf32, #tpu.memory_space<hbm>> -> memref<80x128xf32, #tpu.memory_space<hbm>>
        %dma_wait3A_270 = arith.constant 0 : i32
        %dma_wait3A_271 = tpu.memref_slice %arg5[%add3A_267, %dma_wait3A_270] : memref<20000x128xf32, #tpu.memory_space<hbm>> -> memref<80x128xf32, #tpu.memory_space<hbm>>
        tpu.wait_dma2 semaphore(%arg18 : memref<!tpu.dma_semaphore, #tpu.memory_space<semaphore_mem>>) src(%arg11 : memref<80x128xf32, #tpu.memory_space<vmem>>) dst(%dma_wait3A_271 : memref<80x128xf32, #tpu.memory_space<hbm>>)
        %mul3A_272 = arith.constant 640 : i32
        %mul3A_273 = arith.muli %arg1, %mul3A_272 : i32
        %add3A_274 = arith.constant 400 : i32
        %add3A_275 = arith.addi %mul3A_273, %add3A_274 : i32
        %dma_start3A_276 = arith.constant 0 : i32
        %dma_start3A_277 = tpu.memref_slice %arg13[%add3A_275, %dma_start3A_276] : memref<10000x128xf32, #tpu.memory_space<vmem_shared>> -> memref<80x128xf32, #tpu.memory_space<vmem_shared>>
        %dma_start3A_278 = arith.constant 0 : i32
        %dma_start3A_279 = tpu.memref_slice %arg13[%add3A_275, %dma_start3A_278] : memref<10000x128xf32, #tpu.memory_space<vmem_shared>> -> memref<80x128xf32, #tpu.memory_space<vmem_shared>>
        tpu.enqueue_dma source(%dma_start3A_279 : memref<80x128xf32, #tpu.memory_space<vmem_shared>>) target(%arg11 : memref<80x128xf32, #tpu.memory_space<vmem>>) target_semaphore(%arg15 : memref<!tpu.dma_semaphore, #tpu.memory_space<semaphore_mem>>)
      } else {
      }
      %mul3A_252 = arith.constant 10000 : i32
      %mul3A_253 = arith.muli %arg0, %mul3A_252 : i32
      %mul3A_254 = arith.constant 640 : i32
      %mul3A_255 = arith.muli %arg1, %mul3A_254 : i32
      %add3A_256 = arith.addi %mul3A_253, %mul3A_255 : i32
      %add3A_257 = arith.constant 320 : i32
      %add3A_258 = arith.addi %add3A_256, %add3A_257 : i32
      %dma_start3A_259 = arith.constant 0 : i32
      %dma_start3A_260 = tpu.memref_slice %arg5[%add3A_258, %dma_start3A_259] : memref<20000x128xf32, #tpu.memory_space<hbm>> -> memref<80x128xf32, #tpu.memory_space<hbm>>
      %dma_start3A_261 = arith.constant 0 : i32
      %dma_start3A_262 = tpu.memref_slice %arg5[%add3A_258, %dma_start3A_261] : memref<20000x128xf32, #tpu.memory_space<hbm>> -> memref<80x128xf32, #tpu.memory_space<hbm>>
      tpu.enqueue_dma source(%arg10 : memref<80x128xf32, #tpu.memory_space<vmem>>) target(%dma_start3A_262 : memref<80x128xf32, #tpu.memory_space<hbm>>) target_semaphore(%arg17 : memref<!tpu.dma_semaphore, #tpu.memory_space<semaphore_mem>>)
    } else {
    }
    %gt3A_208 = arith.constant 5 : i32
    %gt3A_209 = arith.cmpi sgt, %select_n3A, %gt3A_208 : i32
    %convert_element_type3A_210 = arith.extui %gt3A_209 : i1 to i32
    %cond3A_211 = arith.constant 0 : i32
    %cond3A_212 = arith.cmpi ne, %convert_element_type3A_210, %cond3A_211 : i32
    scf.if %cond3A_212 {
      %mul3A_241 = arith.constant 640 : i32
      %mul3A_242 = arith.muli %arg1, %mul3A_241 : i32
      %dma_wait3A_243 = arith.constant 0 : i32
      %dma_wait3A_244 = tpu.memref_slice %arg13[%mul3A_242, %dma_wait3A_243] : memref<10000x128xf32, #tpu.memory_space<vmem_shared>> -> memref<80x128xf32, #tpu.memory_space<vmem_shared>>
      %dma_wait3A_245 = arith.constant 0 : i32
      %dma_wait3A_246 = tpu.memref_slice %arg13[%mul3A_242, %dma_wait3A_245] : memref<10000x128xf32, #tpu.memory_space<vmem_shared>> -> memref<80x128xf32, #tpu.memory_space<vmem_shared>>
      tpu.wait_dma2 semaphore(%arg15 : memref<!tpu.dma_semaphore, #tpu.memory_space<semaphore_mem>>) src(%dma_wait3A_246 : memref<80x128xf32, #tpu.memory_space<vmem_shared>>) dst(%arg11 : memref<80x128xf32, #tpu.memory_space<vmem>>)
      %gt3A_247 = arith.constant 6 : i32
      %gt3A_248 = arith.cmpi sgt, %select_n3A, %gt3A_247 : i32
      %convert_element_type3A_249 = arith.extui %gt3A_248 : i1 to i32
      %cond3A_250 = arith.constant 0 : i32
      %cond3A_251 = arith.cmpi ne, %convert_element_type3A_249, %cond3A_250 : i32
      scf.if %cond3A_251 {
        %mul3A_263 = arith.constant 10000 : i32
        %mul3A_264 = arith.muli %arg0, %mul3A_263 : i32
        %mul3A_265 = arith.constant 640 : i32
        %mul3A_266 = arith.muli %arg1, %mul3A_265 : i32
        %add3A_267 = arith.addi %mul3A_264, %mul3A_266 : i32
        %dma_wait3A_268 = arith.constant 0 : i32
        %dma_wait3A_269 = tpu.memref_slice %arg5[%add3A_267, %dma_wait3A_268] : memref<20000x128xf32, #tpu.memory_space<hbm>> -> memref<80x128xf32, #tpu.memory_space<hbm>>
        %dma_wait3A_270 = arith.constant 0 : i32
        %dma_wait3A_271 = tpu.memref_slice %arg5[%add3A_267, %dma_wait3A_270] : memref<20000x128xf32, #tpu.memory_space<hbm>> -> memref<80x128xf32, #tpu.memory_space<hbm>>
        tpu.wait_dma2 semaphore(%arg17 : memref<!tpu.dma_semaphore, #tpu.memory_space<semaphore_mem>>) src(%arg10 : memref<80x128xf32, #tpu.memory_space<vmem>>) dst(%dma_wait3A_271 : memref<80x128xf32, #tpu.memory_space<hbm>>)
        %mul3A_272 = arith.constant 640 : i32
        %mul3A_273 = arith.muli %arg1, %mul3A_272 : i32
        %add3A_274 = arith.constant 480 : i32
        %add3A_275 = arith.addi %mul3A_273, %add3A_274 : i32
        %dma_start3A_276 = arith.constant 0 : i32
        %dma_start3A_277 = tpu.memref_slice %arg13[%add3A_275, %dma_start3A_276] : memref<10000x128xf32, #tpu.memory_space<vmem_shared>> -> memref<80x128xf32, #tpu.memory_space<vmem_shared>>
        %dma_start3A_278 = arith.constant 0 : i32
        %dma_start3A_279 = tpu.memref_slice %arg13[%add3A_275, %dma_start3A_278] : memref<10000x128xf32, #tpu.memory_space<vmem_shared>> -> memref<80x128xf32, #tpu.memory_space<vmem_shared>>
        tpu.enqueue_dma source(%dma_start3A_279 : memref<80x128xf32, #tpu.memory_space<vmem_shared>>) target(%arg10 : memref<80x128xf32, #tpu.memory_space<vmem>>) target_semaphore(%arg14 : memref<!tpu.dma_semaphore, #tpu.memory_space<semaphore_mem>>)
      } else {
      }
      %mul3A_252 = arith.constant 10000 : i32
      %mul3A_253 = arith.muli %arg0, %mul3A_252 : i32
      %mul3A_254 = arith.constant 640 : i32
      %mul3A_255 = arith.muli %arg1, %mul3A_254 : i32
      %add3A_256 = arith.addi %mul3A_253, %mul3A_255 : i32
      %add3A_257 = arith.constant 400 : i32
      %add3A_258 = arith.addi %add3A_256, %add3A_257 : i32
      %dma_start3A_259 = arith.constant 0 : i32
      %dma_start3A_260 = tpu.memref_slice %arg5[%add3A_258, %dma_start3A_259] : memref<20000x128xf32, #tpu.memory_space<hbm>> -> memref<80x128xf32, #tpu.memory_space<hbm>>
      %dma_start3A_261 = arith.constant 0 : i32
      %dma_start3A_262 = tpu.memref_slice %arg5[%add3A_258, %dma_start3A_261] : memref<20000x128xf32, #tpu.memory_space<hbm>> -> memref<80x128xf32, #tpu.memory_space<hbm>>
      tpu.enqueue_dma source(%arg11 : memref<80x128xf32, #tpu.memory_space<vmem>>) target(%dma_start3A_262 : memref<80x128xf32, #tpu.memory_space<hbm>>) target_semaphore(%arg18 : memref<!tpu.dma_semaphore, #tpu.memory_space<semaphore_mem>>)
    } else {
    }
    %gt3A_213 = arith.constant 6 : i32
    %gt3A_214 = arith.cmpi sgt, %select_n3A, %gt3A_213 : i32
    %convert_element_type3A_215 = arith.extui %gt3A_214 : i1 to i32
    %cond3A_216 = arith.constant 0 : i32
    %cond3A_217 = arith.cmpi ne, %convert_element_type3A_215, %cond3A_216 : i32
    scf.if %cond3A_217 {
      %mul3A_241 = arith.constant 640 : i32
      %mul3A_242 = arith.muli %arg1, %mul3A_241 : i32
      %dma_wait3A_243 = arith.constant 0 : i32
      %dma_wait3A_244 = tpu.memref_slice %arg13[%mul3A_242, %dma_wait3A_243] : memref<10000x128xf32, #tpu.memory_space<vmem_shared>> -> memref<80x128xf32, #tpu.memory_space<vmem_shared>>
      %dma_wait3A_245 = arith.constant 0 : i32
      %dma_wait3A_246 = tpu.memref_slice %arg13[%mul3A_242, %dma_wait3A_245] : memref<10000x128xf32, #tpu.memory_space<vmem_shared>> -> memref<80x128xf32, #tpu.memory_space<vmem_shared>>
      tpu.wait_dma2 semaphore(%arg14 : memref<!tpu.dma_semaphore, #tpu.memory_space<semaphore_mem>>) src(%dma_wait3A_246 : memref<80x128xf32, #tpu.memory_space<vmem_shared>>) dst(%arg10 : memref<80x128xf32, #tpu.memory_space<vmem>>)
      %gt3A_247 = arith.constant 7 : i32
      %gt3A_248 = arith.cmpi sgt, %select_n3A, %gt3A_247 : i32
      %convert_element_type3A_249 = arith.extui %gt3A_248 : i1 to i32
      %cond3A_250 = arith.constant 0 : i32
      %cond3A_251 = arith.cmpi ne, %convert_element_type3A_249, %cond3A_250 : i32
      scf.if %cond3A_251 {
        %mul3A_263 = arith.constant 10000 : i32
        %mul3A_264 = arith.muli %arg0, %mul3A_263 : i32
        %mul3A_265 = arith.constant 640 : i32
        %mul3A_266 = arith.muli %arg1, %mul3A_265 : i32
        %add3A_267 = arith.addi %mul3A_264, %mul3A_266 : i32
        %dma_wait3A_268 = arith.constant 0 : i32
        %dma_wait3A_269 = tpu.memref_slice %arg5[%add3A_267, %dma_wait3A_268] : memref<20000x128xf32, #tpu.memory_space<hbm>> -> memref<80x128xf32, #tpu.memory_space<hbm>>
        %dma_wait3A_270 = arith.constant 0 : i32
        %dma_wait3A_271 = tpu.memref_slice %arg5[%add3A_267, %dma_wait3A_270] : memref<20000x128xf32, #tpu.memory_space<hbm>> -> memref<80x128xf32, #tpu.memory_space<hbm>>
        tpu.wait_dma2 semaphore(%arg18 : memref<!tpu.dma_semaphore, #tpu.memory_space<semaphore_mem>>) src(%arg11 : memref<80x128xf32, #tpu.memory_space<vmem>>) dst(%dma_wait3A_271 : memref<80x128xf32, #tpu.memory_space<hbm>>)
        %mul3A_272 = arith.constant 640 : i32
        %mul3A_273 = arith.muli %arg1, %mul3A_272 : i32
        %add3A_274 = arith.constant 560 : i32
        %add3A_275 = arith.addi %mul3A_273, %add3A_274 : i32
        %dma_start3A_276 = arith.constant 0 : i32
        %dma_start3A_277 = tpu.memref_slice %arg13[%add3A_275, %dma_start3A_276] : memref<10000x128xf32, #tpu.memory_space<vmem_shared>> -> memref<80x128xf32, #tpu.memory_space<vmem_shared>>
        %dma_start3A_278 = arith.constant 0 : i32
        %dma_start3A_279 = tpu.memref_slice %arg13[%add3A_275, %dma_start3A_278] : memref<10000x128xf32, #tpu.memory_space<vmem_shared>> -> memref<80x128xf32, #tpu.memory_space<vmem_shared>>
        tpu.enqueue_dma source(%dma_start3A_279 : memref<80x128xf32, #tpu.memory_space<vmem_shared>>) target(%arg11 : memref<80x128xf32, #tpu.memory_space<vmem>>) target_semaphore(%arg15 : memref<!tpu.dma_semaphore, #tpu.memory_space<semaphore_mem>>)
      } else {
      }
      %mul3A_252 = arith.constant 10000 : i32
      %mul3A_253 = arith.muli %arg0, %mul3A_252 : i32
      %mul3A_254 = arith.constant 640 : i32
      %mul3A_255 = arith.muli %arg1, %mul3A_254 : i32
      %add3A_256 = arith.addi %mul3A_253, %mul3A_255 : i32
      %add3A_257 = arith.constant 480 : i32
      %add3A_258 = arith.addi %add3A_256, %add3A_257 : i32
      %dma_start3A_259 = arith.constant 0 : i32
      %dma_start3A_260 = tpu.memref_slice %arg5[%add3A_258, %dma_start3A_259] : memref<20000x128xf32, #tpu.memory_space<hbm>> -> memref<80x128xf32, #tpu.memory_space<hbm>>
      %dma_start3A_261 = arith.constant 0 : i32
      %dma_start3A_262 = tpu.memref_slice %arg5[%add3A_258, %dma_start3A_261] : memref<20000x128xf32, #tpu.memory_space<hbm>> -> memref<80x128xf32, #tpu.memory_space<hbm>>
      tpu.enqueue_dma source(%arg10 : memref<80x128xf32, #tpu.memory_space<vmem>>) target(%dma_start3A_262 : memref<80x128xf32, #tpu.memory_space<hbm>>) target_semaphore(%arg17 : memref<!tpu.dma_semaphore, #tpu.memory_space<semaphore_mem>>)
    } else {
    }
    %gt3A_218 = arith.constant 7 : i32
    %gt3A_219 = arith.cmpi sgt, %select_n3A, %gt3A_218 : i32
    %convert_element_type3A_220 = arith.extui %gt3A_219 : i1 to i32
    %cond3A_221 = arith.constant 0 : i32
    %cond3A_222 = arith.cmpi ne, %convert_element_type3A_220, %cond3A_221 : i32
    scf.if %cond3A_222 {
      %mul3A_241 = arith.constant 640 : i32
      %mul3A_242 = arith.muli %arg1, %mul3A_241 : i32
      %dma_wait3A_243 = arith.constant 0 : i32
      %dma_wait3A_244 = tpu.memref_slice %arg13[%mul3A_242, %dma_wait3A_243] : memref<10000x128xf32, #tpu.memory_space<vmem_shared>> -> memref<80x128xf32, #tpu.memory_space<vmem_shared>>
      %dma_wait3A_245 = arith.constant 0 : i32
      %dma_wait3A_246 = tpu.memref_slice %arg13[%mul3A_242, %dma_wait3A_245] : memref<10000x128xf32, #tpu.memory_space<vmem_shared>> -> memref<80x128xf32, #tpu.memory_space<vmem_shared>>
      tpu.wait_dma2 semaphore(%arg15 : memref<!tpu.dma_semaphore, #tpu.memory_space<semaphore_mem>>) src(%dma_wait3A_246 : memref<80x128xf32, #tpu.memory_space<vmem_shared>>) dst(%arg11 : memref<80x128xf32, #tpu.memory_space<vmem>>)
      %gt3A_247 = arith.constant 8 : i32
      %gt3A_248 = arith.cmpi sgt, %select_n3A, %gt3A_247 : i32
      %convert_element_type3A_249 = arith.extui %gt3A_248 : i1 to i32
      %cond3A_250 = arith.constant 0 : i32
      %cond3A_251 = arith.cmpi ne, %convert_element_type3A_249, %cond3A_250 : i32
      scf.if %cond3A_251 {
        %mul3A_263 = arith.constant 10000 : i32
        %mul3A_264 = arith.muli %arg0, %mul3A_263 : i32
        %mul3A_265 = arith.constant 640 : i32
        %mul3A_266 = arith.muli %arg1, %mul3A_265 : i32
        %add3A_267 = arith.addi %mul3A_264, %mul3A_266 : i32
        %dma_wait3A_268 = arith.constant 0 : i32
        %dma_wait3A_269 = tpu.memref_slice %arg5[%add3A_267, %dma_wait3A_268] : memref<20000x128xf32, #tpu.memory_space<hbm>> -> memref<80x128xf32, #tpu.memory_space<hbm>>
        %dma_wait3A_270 = arith.constant 0 : i32
        %dma_wait3A_271 = tpu.memref_slice %arg5[%add3A_267, %dma_wait3A_270] : memref<20000x128xf32, #tpu.memory_space<hbm>> -> memref<80x128xf32, #tpu.memory_space<hbm>>
        tpu.wait_dma2 semaphore(%arg17 : memref<!tpu.dma_semaphore, #tpu.memory_space<semaphore_mem>>) src(%arg10 : memref<80x128xf32, #tpu.memory_space<vmem>>) dst(%dma_wait3A_271 : memref<80x128xf32, #tpu.memory_space<hbm>>)
        %mul3A_272 = arith.constant 640 : i32
        %mul3A_273 = arith.muli %arg1, %mul3A_272 : i32
        %add3A_274 = arith.constant 640 : i32
        %add3A_275 = arith.addi %mul3A_273, %add3A_274 : i32
        %dma_start3A_276 = arith.constant 0 : i32
        %dma_start3A_277 = tpu.memref_slice %arg13[%add3A_275, %dma_start3A_276] : memref<10000x128xf32, #tpu.memory_space<vmem_shared>> -> memref<80x128xf32, #tpu.memory_space<vmem_shared>>
        %dma_start3A_278 = arith.constant 0 : i32
        %dma_start3A_279 = tpu.memref_slice %arg13[%add3A_275, %dma_start3A_278] : memref<10000x128xf32, #tpu.memory_space<vmem_shared>> -> memref<80x128xf32, #tpu.memory_space<vmem_shared>>
        tpu.enqueue_dma source(%dma_start3A_279 : memref<80x128xf32, #tpu.memory_space<vmem_shared>>) target(%arg10 : memref<80x128xf32, #tpu.memory_space<vmem>>) target_semaphore(%arg14 : memref<!tpu.dma_semaphore, #tpu.memory_space<semaphore_mem>>)
      } else {
      }
      %mul3A_252 = arith.constant 10000 : i32
      %mul3A_253 = arith.muli %arg0, %mul3A_252 : i32
      %mul3A_254 = arith.constant 640 : i32
      %mul3A_255 = arith.muli %arg1, %mul3A_254 : i32
      %add3A_256 = arith.addi %mul3A_253, %mul3A_255 : i32
      %add3A_257 = arith.constant 560 : i32
      %add3A_258 = arith.addi %add3A_256, %add3A_257 : i32
      %dma_start3A_259 = arith.constant 0 : i32
      %dma_start3A_260 = tpu.memref_slice %arg5[%add3A_258, %dma_start3A_259] : memref<20000x128xf32, #tpu.memory_space<hbm>> -> memref<80x128xf32, #tpu.memory_space<hbm>>
      %dma_start3A_261 = arith.constant 0 : i32
      %dma_start3A_262 = tpu.memref_slice %arg5[%add3A_258, %dma_start3A_261] : memref<20000x128xf32, #tpu.memory_space<hbm>> -> memref<80x128xf32, #tpu.memory_space<hbm>>
      tpu.enqueue_dma source(%arg11 : memref<80x128xf32, #tpu.memory_space<vmem>>) target(%dma_start3A_262 : memref<80x128xf32, #tpu.memory_space<hbm>>) target_semaphore(%arg18 : memref<!tpu.dma_semaphore, #tpu.memory_space<semaphore_mem>>)
    } else {
    }
    %mul3A_223 = arith.constant 10000 : i32
    %mul3A_224 = arith.muli %arg0, %mul3A_223 : i32
    %mul3A_225 = arith.constant 640 : i32
    %mul3A_226 = arith.muli %arg1, %mul3A_225 : i32
    %add3A_227 = arith.addi %mul3A_224, %mul3A_226 : i32
    %dma_wait3A_228 = arith.constant 0 : i32
    %dma_wait3A_229 = tpu.memref_slice %arg5[%add3A_227, %dma_wait3A_228] : memref<20000x128xf32, #tpu.memory_space<hbm>> -> memref<80x128xf32, #tpu.memory_space<hbm>>
    %dma_wait3A_230 = arith.constant 0 : i32
    %dma_wait3A_231 = tpu.memref_slice %arg5[%add3A_227, %dma_wait3A_230] : memref<20000x128xf32, #tpu.memory_space<hbm>> -> memref<80x128xf32, #tpu.memory_space<hbm>>
    tpu.wait_dma2 semaphore(%arg17 : memref<!tpu.dma_semaphore, #tpu.memory_space<semaphore_mem>>) src(%arg10 : memref<80x128xf32, #tpu.memory_space<vmem>>) dst(%dma_wait3A_231 : memref<80x128xf32, #tpu.memory_space<hbm>>)
    %mul3A_232 = arith.constant 10000 : i32
    %mul3A_233 = arith.muli %arg0, %mul3A_232 : i32
    %mul3A_234 = arith.constant 640 : i32
    %mul3A_235 = arith.muli %arg1, %mul3A_234 : i32
    %add3A_236 = arith.addi %mul3A_233, %mul3A_235 : i32
    %dma_wait3A_237 = arith.constant 0 : i32
    %dma_wait3A_238 = tpu.memref_slice %arg5[%add3A_236, %dma_wait3A_237] : memref<20000x128xf32, #tpu.memory_space<hbm>> -> memref<80x128xf32, #tpu.memory_space<hbm>>
    %dma_wait3A_239 = arith.constant 0 : i32
    %dma_wait3A_240 = tpu.memref_slice %arg5[%add3A_236, %dma_wait3A_239] : memref<20000x128xf32, #tpu.memory_space<hbm>> -> memref<80x128xf32, #tpu.memory_space<hbm>>
    tpu.wait_dma2 semaphore(%arg18 : memref<!tpu.dma_semaphore, #tpu.memory_space<semaphore_mem>>) src(%arg11 : memref<80x128xf32, #tpu.memory_space<vmem>>) dst(%dma_wait3A_240 : memref<80x128xf32, #tpu.memory_space<hbm>>)
    return
  }
}

#map = affine_map<(d0, d1) -> (0, 0)>
#map1 = affine_map<(d0, d1) -> (0)>
#map2 = affine_map<(d0, d1) -> (0, 0, 0)>
module attributes {stable_mosaic.version = 14 : i64} {
  func.func @_agg_body(%arg0: i32, %arg1: i32, %arg2: memref<10000x128xf32, #tpu.memory_space<hbm>>, %arg3: memref<320000xi32, #tpu.memory_space<hbm>>, %arg4: memref<32x125x80xi32, #tpu.memory_space<hbm>>, %arg5: memref<20000x128xf32, #tpu.memory_space<hbm>>, %arg6: memref<10000xi32, #tpu.memory_space<vmem>>, %arg7: memref<80xi32, #tpu.memory_space<vmem>>, %arg8: memref<80xi32, #tpu.memory_space<vmem>>, %arg9: memref<80xi32, #tpu.memory_space<vmem>>, %arg10: memref<80x128xf32, #tpu.memory_space<vmem>>, %arg11: memref<80x128xf32, #tpu.memory_space<vmem>>, %arg12: memref<80x128xf32, #tpu.memory_space<vmem>>, %arg13: memref<10000x128xf32, #tpu.memory_space<vmem_shared>>, %arg14: memref<!tpu.dma_semaphore, #tpu.memory_space<semaphore_mem>>, %arg15: memref<!tpu.dma_semaphore, #tpu.memory_space<semaphore_mem>>, %arg16: memref<!tpu.dma_semaphore, #tpu.memory_space<semaphore_mem>>, %arg17: memref<!tpu.dma_semaphore, #tpu.memory_space<semaphore_mem>>, %arg18: memref<!tpu.dma_semaphore, #tpu.memory_space<semaphore_mem>>, %arg19: memref<!tpu.dma_semaphore, #tpu.memory_space<semaphore_mem>>, %arg20: memref<!tpu.dma_semaphore, #tpu.memory_space<semaphore_mem>>, %arg21: memref<!tpu.dma_semaphore, #tpu.memory_space<semaphore_mem>>, %arg22: memref<!tpu.dma_semaphore, #tpu.memory_space<semaphore_mem>>) attributes {dimension_semantics = [#tpu.dimension_semantics<core_parallel>, #tpu.dimension_semantics<subcore_parallel>], iteration_bounds = array<i64: 2, 16>, scalar_prefetch = 0 : i64, scratch_operands = 17 : i64, tpu.core_type = #tpu.core_type<sc_vector_subcore>, window_params = [{transform_indices = #map}, {transform_indices = #map1}, {transform_indices = #map2}, {transform_indices = #map}]} {
    %mul3A = arith.constant 16 : i32
    %mul3A_0 = arith.muli %arg0, %mul3A : i32
    %add3A = arith.addi %mul3A_0, %arg1 : i32
    %eq3A = arith.constant 15 : i32
    %eq3A_1 = arith.cmpi eq, %arg1, %eq3A : i32
    %jit3A = arith.constant 5 : i32
    %jit3A_2 = arith.constant 8 : i32
    %select_n3A = arith.select %eq3A_1, %jit3A, %jit3A_2 : i32
    %scan3A = arith.constant 0 : i32
    %scan3A_3 = arith.constant 0 : i32
    %scan3A_4 = arith.constant 80 : i32
    %scan3A_5 = arith.addi %scan3A_3, %scan3A_4 : i32
    %scan3A_6 = arith.constant 1 : i32
    %scan3A_7 = scf.for %scan3A_241 = %scan3A_3 to %scan3A_5 step %scan3A_6 iter_args(%scan3A_242 = %scan3A) -> (i32)  : i32 {
      %broadcast_in_dim3A = arith.constant 0.000000e+00 : f32
      %broadcast_in_dim3A_243 = vector.broadcast %broadcast_in_dim3A : f32 to vector<16xf32>
      %swap3A = arith.index_cast %scan3A_241 : i32 to index
      %swap3A_244 = arith.constant 0 : index
      %swap3A_245 = tpu.vector_load %arg10[%swap3A, %swap3A_244] {strides = array<i32>} : memref<80x128xf32, #tpu.memory_space<vmem>>, vector<1x16xf32>,
      %swap3A_246 = vector.shape_cast %swap3A_245 : vector<1x16xf32> to vector<16xf32>
      %swap3A_247 = vector.shape_cast %broadcast_in_dim3A_243 : vector<16xf32> to vector<1x16xf32>
      tpu.vector_store %arg10[%swap3A, %swap3A_244], %swap3A_247 {strides = array<i32>} : memref<80x128xf32, #tpu.memory_space<vmem>>, vector<1x16xf32>,
      %broadcast_in_dim3A_248 = arith.constant 0.000000e+00 : f32
      %broadcast_in_dim3A_249 = vector.broadcast %broadcast_in_dim3A_248 : f32 to vector<16xf32>
      %swap3A_250 = arith.index_cast %scan3A_241 : i32 to index
      %swap3A_251 = arith.constant 16 : index
      %swap3A_252 = tpu.vector_load %arg10[%swap3A_250, %swap3A_251] {strides = array<i32>} : memref<80x128xf32, #tpu.memory_space<vmem>>, vector<1x16xf32>,
      %swap3A_253 = vector.shape_cast %swap3A_252 : vector<1x16xf32> to vector<16xf32>
      %swap3A_254 = vector.shape_cast %broadcast_in_dim3A_249 : vector<16xf32> to vector<1x16xf32>
      tpu.vector_store %arg10[%swap3A_250, %swap3A_251], %swap3A_254 {strides = array<i32>} : memref<80x128xf32, #tpu.memory_space<vmem>>, vector<1x16xf32>,
      %broadcast_in_dim3A_255 = arith.constant 0.000000e+00 : f32
      %broadcast_in_dim3A_256 = vector.broadcast %broadcast_in_dim3A_255 : f32 to vector<16xf32>
      %swap3A_257 = arith.index_cast %scan3A_241 : i32 to index
      %swap3A_258 = arith.constant 32 : index
      %swap3A_259 = tpu.vector_load %arg10[%swap3A_257, %swap3A_258] {strides = array<i32>} : memref<80x128xf32, #tpu.memory_space<vmem>>, vector<1x16xf32>,
      %swap3A_260 = vector.shape_cast %swap3A_259 : vector<1x16xf32> to vector<16xf32>
      %swap3A_261 = vector.shape_cast %broadcast_in_dim3A_256 : vector<16xf32> to vector<1x16xf32>
      tpu.vector_store %arg10[%swap3A_257, %swap3A_258], %swap3A_261 {strides = array<i32>} : memref<80x128xf32, #tpu.memory_space<vmem>>, vector<1x16xf32>,
      %broadcast_in_dim3A_262 = arith.constant 0.000000e+00 : f32
      %broadcast_in_dim3A_263 = vector.broadcast %broadcast_in_dim3A_262 : f32 to vector<16xf32>
      %swap3A_264 = arith.index_cast %scan3A_241 : i32 to index
      %swap3A_265 = arith.constant 48 : index
      %swap3A_266 = tpu.vector_load %arg10[%swap3A_264, %swap3A_265] {strides = array<i32>} : memref<80x128xf32, #tpu.memory_space<vmem>>, vector<1x16xf32>,
      %swap3A_267 = vector.shape_cast %swap3A_266 : vector<1x16xf32> to vector<16xf32>
      %swap3A_268 = vector.shape_cast %broadcast_in_dim3A_263 : vector<16xf32> to vector<1x16xf32>
      tpu.vector_store %arg10[%swap3A_264, %swap3A_265], %swap3A_268 {strides = array<i32>} : memref<80x128xf32, #tpu.memory_space<vmem>>, vector<1x16xf32>,
      %broadcast_in_dim3A_269 = arith.constant 0.000000e+00 : f32
      %broadcast_in_dim3A_270 = vector.broadcast %broadcast_in_dim3A_269 : f32 to vector<16xf32>
      %swap3A_271 = arith.index_cast %scan3A_241 : i32 to index
      %swap3A_272 = arith.constant 64 : index
      %swap3A_273 = tpu.vector_load %arg10[%swap3A_271, %swap3A_272] {strides = array<i32>} : memref<80x128xf32, #tpu.memory_space<vmem>>, vector<1x16xf32>,
      %swap3A_274 = vector.shape_cast %swap3A_273 : vector<1x16xf32> to vector<16xf32>
      %swap3A_275 = vector.shape_cast %broadcast_in_dim3A_270 : vector<16xf32> to vector<1x16xf32>
      tpu.vector_store %arg10[%swap3A_271, %swap3A_272], %swap3A_275 {strides = array<i32>} : memref<80x128xf32, #tpu.memory_space<vmem>>, vector<1x16xf32>,
      %broadcast_in_dim3A_276 = arith.constant 0.000000e+00 : f32
      %broadcast_in_dim3A_277 = vector.broadcast %broadcast_in_dim3A_276 : f32 to vector<16xf32>
      %swap3A_278 = arith.index_cast %scan3A_241 : i32 to index
      %swap3A_279 = arith.constant 80 : index
      %swap3A_280 = tpu.vector_load %arg10[%swap3A_278, %swap3A_279] {strides = array<i32>} : memref<80x128xf32, #tpu.memory_space<vmem>>, vector<1x16xf32>,
      %swap3A_281 = vector.shape_cast %swap3A_280 : vector<1x16xf32> to vector<16xf32>
      %swap3A_282 = vector.shape_cast %broadcast_in_dim3A_277 : vector<16xf32> to vector<1x16xf32>
      tpu.vector_store %arg10[%swap3A_278, %swap3A_279], %swap3A_282 {strides = array<i32>} : memref<80x128xf32, #tpu.memory_space<vmem>>, vector<1x16xf32>,
      %broadcast_in_dim3A_283 = arith.constant 0.000000e+00 : f32
      %broadcast_in_dim3A_284 = vector.broadcast %broadcast_in_dim3A_283 : f32 to vector<16xf32>
      %swap3A_285 = arith.index_cast %scan3A_241 : i32 to index
      %swap3A_286 = arith.constant 96 : index
      %swap3A_287 = tpu.vector_load %arg10[%swap3A_285, %swap3A_286] {strides = array<i32>} : memref<80x128xf32, #tpu.memory_space<vmem>>, vector<1x16xf32>,
      %swap3A_288 = vector.shape_cast %swap3A_287 : vector<1x16xf32> to vector<16xf32>
      %swap3A_289 = vector.shape_cast %broadcast_in_dim3A_284 : vector<16xf32> to vector<1x16xf32>
      tpu.vector_store %arg10[%swap3A_285, %swap3A_286], %swap3A_289 {strides = array<i32>} : memref<80x128xf32, #tpu.memory_space<vmem>>, vector<1x16xf32>,
      %broadcast_in_dim3A_290 = arith.constant 0.000000e+00 : f32
      %broadcast_in_dim3A_291 = vector.broadcast %broadcast_in_dim3A_290 : f32 to vector<16xf32>
      %swap3A_292 = arith.index_cast %scan3A_241 : i32 to index
      %swap3A_293 = arith.constant 112 : index
      %swap3A_294 = tpu.vector_load %arg10[%swap3A_292, %swap3A_293] {strides = array<i32>} : memref<80x128xf32, #tpu.memory_space<vmem>>, vector<1x16xf32>,
      %swap3A_295 = vector.shape_cast %swap3A_294 : vector<1x16xf32> to vector<16xf32>
      %swap3A_296 = vector.shape_cast %broadcast_in_dim3A_291 : vector<16xf32> to vector<1x16xf32>
      tpu.vector_store %arg10[%swap3A_292, %swap3A_293], %swap3A_296 {strides = array<i32>} : memref<80x128xf32, #tpu.memory_space<vmem>>, vector<1x16xf32>,
      %scan3A_297 = arith.constant 0 : i32
      scf.yield %scan3A_297 : i32
    }
    %scan3A_8 = arith.constant 80 : i32
    %while3A = arith.constant 0 : i32
    %while3A_9 = arith.constant 0 : i32
    %while3A_10 = arith.subi %select_n3A, %while3A : i32
    %while3A_11 = arith.addi %while3A, %while3A_10 : i32
    %while3A_12 = arith.constant 1 : i32
    %while3A_13 = arith.divsi %while3A_10, %while3A_12 : i32
    %while3A_14 = arith.muli %while3A_13, %while3A_12 : i32
    %while3A_15 = arith.addi %while3A, %while3A_14 : i32
    %while3A_16 = arith.constant 1 : i32
    %while3A_17 = scf.for %while3A_241 = %while3A to %while3A_15 step %while3A_16 iter_args(%while3A_242 = %while3A_9) -> (i32)  : i32 {
      %mul3A_243 = arith.constant 640 : i32
      %mul3A_244 = arith.muli %arg1, %mul3A_243 : i32
      %mul3A_245 = arith.constant 80 : i32
      %mul3A_246 = arith.muli %while3A_241, %mul3A_245 : i32
      %add3A_247 = arith.addi %mul3A_244, %mul3A_246 : i32
      "tpu.region"() ({
        %run_scoped3A = tpu.sem_alloc : memref<!tpu.dma_semaphore, #tpu.memory_space<semaphore_mem>>
        %dma_start3A_249 = arith.constant 0 : i32
        %dma_start3A_250 = tpu.memref_slice %arg13[%add3A_247, %dma_start3A_249] : memref<10000x128xf32, #tpu.memory_space<vmem_shared>> -> memref<80x128xf32, #tpu.memory_space<vmem_shared>>
        %dma_start3A_251 = arith.constant 0 : i32
        %dma_start3A_252 = tpu.memref_slice %arg13[%add3A_247, %dma_start3A_251] : memref<10000x128xf32, #tpu.memory_space<vmem_shared>> -> memref<80x128xf32, #tpu.memory_space<vmem_shared>>
        tpu.enqueue_dma source(%arg10 : memref<80x128xf32, #tpu.memory_space<vmem>>) target(%dma_start3A_252 : memref<80x128xf32, #tpu.memory_space<vmem_shared>>) target_semaphore(%run_scoped3A : memref<!tpu.dma_semaphore, #tpu.memory_space<semaphore_mem>>)
        %dma_wait3A_253 = arith.constant 0 : i32
        %dma_wait3A_254 = tpu.memref_slice %arg13[%add3A_247, %dma_wait3A_253] : memref<10000x128xf32, #tpu.memory_space<vmem_shared>> -> memref<80x128xf32, #tpu.memory_space<vmem_shared>>
        %dma_wait3A_255 = arith.constant 0 : i32
        %dma_wait3A_256 = tpu.memref_slice %arg13[%add3A_247, %dma_wait3A_255] : memref<10000x128xf32, #tpu.memory_space<vmem_shared>> -> memref<80x128xf32, #tpu.memory_space<vmem_shared>>
        tpu.wait_dma2 semaphore(%run_scoped3A : memref<!tpu.dma_semaphore, #tpu.memory_space<semaphore_mem>>) src(%arg10 : memref<80x128xf32, #tpu.memory_space<vmem>>) dst(%dma_wait3A_256 : memref<80x128xf32, #tpu.memory_space<vmem_shared>>)
        tpu.yield
      }) : () -> ()
      %while3A_248 = arith.constant 0 : i32
      scf.yield %while3A_248 : i32
    }
    %while3A_18 = arith.constant 1 : i32
    %while3A_19 = scf.for %while3A_241 = %while3A_15 to %while3A_11 step %while3A_18 iter_args(%while3A_242 = %while3A_17) -> (i32)  : i32 {
      %mul3A_243 = arith.constant 640 : i32
      %mul3A_244 = arith.muli %arg1, %mul3A_243 : i32
      %mul3A_245 = arith.constant 80 : i32
      %mul3A_246 = arith.muli %while3A_241, %mul3A_245 : i32
      %add3A_247 = arith.addi %mul3A_244, %mul3A_246 : i32
      "tpu.region"() ({
        %run_scoped3A = tpu.sem_alloc : memref<!tpu.dma_semaphore, #tpu.memory_space<semaphore_mem>>
        %dma_start3A_249 = arith.constant 0 : i32
        %dma_start3A_250 = tpu.memref_slice %arg13[%add3A_247, %dma_start3A_249] : memref<10000x128xf32, #tpu.memory_space<vmem_shared>> -> memref<80x128xf32, #tpu.memory_space<vmem_shared>>
        %dma_start3A_251 = arith.constant 0 : i32
        %dma_start3A_252 = tpu.memref_slice %arg13[%add3A_247, %dma_start3A_251] : memref<10000x128xf32, #tpu.memory_space<vmem_shared>> -> memref<80x128xf32, #tpu.memory_space<vmem_shared>>
        tpu.enqueue_dma source(%arg10 : memref<80x128xf32, #tpu.memory_space<vmem>>) target(%dma_start3A_252 : memref<80x128xf32, #tpu.memory_space<vmem_shared>>) target_semaphore(%run_scoped3A : memref<!tpu.dma_semaphore, #tpu.memory_space<semaphore_mem>>)
        %dma_wait3A_253 = arith.constant 0 : i32
        %dma_wait3A_254 = tpu.memref_slice %arg13[%add3A_247, %dma_wait3A_253] : memref<10000x128xf32, #tpu.memory_space<vmem_shared>> -> memref<80x128xf32, #tpu.memory_space<vmem_shared>>
        %dma_wait3A_255 = arith.constant 0 : i32
        %dma_wait3A_256 = tpu.memref_slice %arg13[%add3A_247, %dma_wait3A_255] : memref<10000x128xf32, #tpu.memory_space<vmem_shared>> -> memref<80x128xf32, #tpu.memory_space<vmem_shared>>
        tpu.wait_dma2 semaphore(%run_scoped3A : memref<!tpu.dma_semaphore, #tpu.memory_space<semaphore_mem>>) src(%arg10 : memref<80x128xf32, #tpu.memory_space<vmem>>) dst(%dma_wait3A_256 : memref<80x128xf32, #tpu.memory_space<vmem_shared>>)
        tpu.yield
      }) : () -> ()
      %while3A_248 = arith.constant 0 : i32
      scf.yield %while3A_248 : i32
    }
    %mul3A_20 = arith.constant 10000 : i32
    %mul3A_21 = arith.muli %add3A, %mul3A_20 : i32
    "tpu.region"() ({
      %run_scoped3A = tpu.sem_alloc : memref<!tpu.dma_semaphore, #tpu.memory_space<semaphore_mem>>
      %dma_start3A_241 = tpu.memref_slice %arg3[%mul3A_21] : memref<320000xi32, #tpu.memory_space<hbm>> -> memref<10000xi32, #tpu.memory_space<hbm>>
      %dma_start3A_242 = tpu.memref_slice %arg3[%mul3A_21] : memref<320000xi32, #tpu.memory_space<hbm>> -> memref<10000xi32, #tpu.memory_space<hbm>>
      tpu.enqueue_dma source(%dma_start3A_242 : memref<10000xi32, #tpu.memory_space<hbm>>) target(%arg6 : memref<10000xi32, #tpu.memory_space<vmem>>) target_semaphore(%run_scoped3A : memref<!tpu.dma_semaphore, #tpu.memory_space<semaphore_mem>>)
      %dma_wait3A_243 = tpu.memref_slice %arg3[%mul3A_21] : memref<320000xi32, #tpu.memory_space<hbm>> -> memref<10000xi32, #tpu.memory_space<hbm>>
      %dma_wait3A_244 = tpu.memref_slice %arg3[%mul3A_21] : memref<320000xi32, #tpu.memory_space<hbm>> -> memref<10000xi32, #tpu.memory_space<hbm>>
      tpu.wait_dma2 semaphore(%run_scoped3A : memref<!tpu.dma_semaphore, #tpu.memory_space<semaphore_mem>>) src(%dma_wait3A_244 : memref<10000xi32, #tpu.memory_space<hbm>>) dst(%arg6 : memref<10000xi32, #tpu.memory_space<vmem>>)
      tpu.yield
    }) : () -> ()
    %barrier3A = arith.constant 0 : index
    tpu.barrier barrier_id(%barrier3A)
    %dma_start3A = arith.constant 0 : i32
    %dma_start3A_22 = arith.constant 0 : i32
    %dma_start3A_23 = tpu.memref_slice %arg4[%add3A, %dma_start3A, %dma_start3A_22] : memref<32x125x80xi32, #tpu.memory_space<hbm>> -> memref<1x1x80xi32, #tpu.memory_space<hbm>>
    %dma_start3A_24 = tpu.memref_squeeze %dma_start3A_23 : memref<1x1x80xi32, #tpu.memory_space<hbm>> -> memref<80xi32, #tpu.memory_space<hbm>>
    %dma_start3A_25 = arith.constant 0 : i32
    %dma_start3A_26 = tpu.memref_slice %arg4[%add3A, %dma_start3A, %dma_start3A_25] : memref<32x125x80xi32, #tpu.memory_space<hbm>> -> memref<1x1x80xi32, #tpu.memory_space<hbm>>
    %dma_start3A_27 = tpu.memref_squeeze %dma_start3A_26 : memref<1x1x80xi32, #tpu.memory_space<hbm>> -> memref<80xi32, #tpu.memory_space<hbm>>
    tpu.enqueue_dma source(%dma_start3A_27 : memref<80xi32, #tpu.memory_space<hbm>>) target(%arg7 : memref<80xi32, #tpu.memory_space<vmem>>) target_semaphore(%arg20 : memref<!tpu.dma_semaphore, #tpu.memory_space<semaphore_mem>>)
    %dma_start3A_28 = arith.constant 0 : i32
    %dma_start3A_29 = tpu.memref_slice %arg6[%dma_start3A_28] : memref<10000xi32, #tpu.memory_space<vmem>> -> memref<80xi32, #tpu.memory_space<vmem>>
    %dma_start3A_30 = arith.constant 0 : i32
    %dma_start3A_31 = arith.constant 0 : i32
    %dma_start3A_32 = tpu.memref_slice %arg2[%dma_start3A_30, %dma_start3A_31] : memref<10000x128xf32, #tpu.memory_space<hbm>> -> memref<10000x128xf32, #tpu.memory_space<hbm>>
    tpu.enqueue_indirect_dma source(%dma_start3A_32 : memref<10000x128xf32, #tpu.memory_space<hbm>>) target(%arg10 : memref<80x128xf32, #tpu.memory_space<vmem>>) offsets(%dma_start3A_29 : memref<80xi32, #tpu.memory_space<vmem>>) semaphore(%arg14 : memref<!tpu.dma_semaphore, #tpu.memory_space<semaphore_mem>>)
    %dma_start3A_33 = arith.constant 1 : i32
    %dma_start3A_34 = arith.constant 0 : i32
    %dma_start3A_35 = tpu.memref_slice %arg4[%add3A, %dma_start3A_33, %dma_start3A_34] : memref<32x125x80xi32, #tpu.memory_space<hbm>> -> memref<1x1x80xi32, #tpu.memory_space<hbm>>
    %dma_start3A_36 = tpu.memref_squeeze %dma_start3A_35 : memref<1x1x80xi32, #tpu.memory_space<hbm>> -> memref<80xi32, #tpu.memory_space<hbm>>
    %dma_start3A_37 = arith.constant 0 : i32
    %dma_start3A_38 = tpu.memref_slice %arg4[%add3A, %dma_start3A_33, %dma_start3A_37] : memref<32x125x80xi32, #tpu.memory_space<hbm>> -> memref<1x1x80xi32, #tpu.memory_space<hbm>>
    %dma_start3A_39 = tpu.memref_squeeze %dma_start3A_38 : memref<1x1x80xi32, #tpu.memory_space<hbm>> -> memref<80xi32, #tpu.memory_space<hbm>>
    tpu.enqueue_dma source(%dma_start3A_39 : memref<80xi32, #tpu.memory_space<hbm>>) target(%arg8 : memref<80xi32, #tpu.memory_space<vmem>>) target_semaphore(%arg21 : memref<!tpu.dma_semaphore, #tpu.memory_space<semaphore_mem>>)
    %dma_start3A_40 = arith.constant 80 : i32
    %dma_start3A_41 = tpu.memref_slice %arg6[%dma_start3A_40] : memref<10000xi32, #tpu.memory_space<vmem>> -> memref<80xi32, #tpu.memory_space<vmem>>
    %dma_start3A_42 = arith.constant 0 : i32
    %dma_start3A_43 = arith.constant 0 : i32
    %dma_start3A_44 = tpu.memref_slice %arg2[%dma_start3A_42, %dma_start3A_43] : memref<10000x128xf32, #tpu.memory_space<hbm>> -> memref<10000x128xf32, #tpu.memory_space<hbm>>
    tpu.enqueue_indirect_dma source(%dma_start3A_44 : memref<10000x128xf32, #tpu.memory_space<hbm>>) target(%arg11 : memref<80x128xf32, #tpu.memory_space<vmem>>) offsets(%dma_start3A_41 : memref<80xi32, #tpu.memory_space<vmem>>) semaphore(%arg15 : memref<!tpu.dma_semaphore, #tpu.memory_space<semaphore_mem>>)
    %dma_wait3A = arith.constant 0 : i32
    %dma_wait3A_45 = tpu.memref_slice %arg6[%dma_wait3A] : memref<10000xi32, #tpu.memory_space<vmem>> -> memref<80xi32, #tpu.memory_space<vmem>>
    %dma_wait3A_46 = arith.constant 0 : i32
    %dma_wait3A_47 = arith.constant 0 : i32
    %dma_wait3A_48 = tpu.memref_slice %arg2[%dma_wait3A_46, %dma_wait3A_47] : memref<10000x128xf32, #tpu.memory_space<hbm>> -> memref<10000x128xf32, #tpu.memory_space<hbm>>
    tpu.wait_indirect_dma semaphore(%arg14 : memref<!tpu.dma_semaphore, #tpu.memory_space<semaphore_mem>>) src(%dma_wait3A_48 : memref<10000x128xf32, #tpu.memory_space<hbm>>) dst(%arg10 : memref<80x128xf32, #tpu.memory_space<vmem>>)
    %dma_wait3A_49 = arith.constant 0 : i32
    %dma_wait3A_50 = arith.constant 0 : i32
    %dma_wait3A_51 = tpu.memref_slice %arg4[%add3A, %dma_wait3A_49, %dma_wait3A_50] : memref<32x125x80xi32, #tpu.memory_space<hbm>> -> memref<1x1x80xi32, #tpu.memory_space<hbm>>
    %dma_wait3A_52 = tpu.memref_squeeze %dma_wait3A_51 : memref<1x1x80xi32, #tpu.memory_space<hbm>> -> memref<80xi32, #tpu.memory_space<hbm>>
    %dma_wait3A_53 = arith.constant 0 : i32
    %dma_wait3A_54 = tpu.memref_slice %arg4[%add3A, %dma_wait3A_49, %dma_wait3A_53] : memref<32x125x80xi32, #tpu.memory_space<hbm>> -> memref<1x1x80xi32, #tpu.memory_space<hbm>>
    %dma_wait3A_55 = tpu.memref_squeeze %dma_wait3A_54 : memref<1x1x80xi32, #tpu.memory_space<hbm>> -> memref<80xi32, #tpu.memory_space<hbm>>
    tpu.wait_dma2 semaphore(%arg20 : memref<!tpu.dma_semaphore, #tpu.memory_space<semaphore_mem>>) src(%dma_wait3A_55 : memref<80xi32, #tpu.memory_space<hbm>>) dst(%arg7 : memref<80xi32, #tpu.memory_space<vmem>>)
    %dma_start3A_56 = arith.constant 0 : i32
    %dma_start3A_57 = arith.constant 0 : i32
    %dma_start3A_58 = tpu.memref_slice %arg13[%dma_start3A_56, %dma_start3A_57] : memref<10000x128xf32, #tpu.memory_space<vmem_shared>> -> memref<10000x128xf32, #tpu.memory_space<vmem_shared>>
    tpu.enqueue_indirect_dma source(%arg10 : memref<80x128xf32, #tpu.memory_space<vmem>>) target(%dma_start3A_58 : memref<10000x128xf32, #tpu.memory_space<vmem_shared>>) offsets(%arg7 : memref<80xi32, #tpu.memory_space<vmem>>) semaphore(%arg17 : memref<!tpu.dma_semaphore, #tpu.memory_space<semaphore_mem>>) {add = true}
    %dma_start3A_59 = arith.constant 2 : i32
    %dma_start3A_60 = arith.constant 0 : i32
    %dma_start3A_61 = tpu.memref_slice %arg4[%add3A, %dma_start3A_59, %dma_start3A_60] : memref<32x125x80xi32, #tpu.memory_space<hbm>> -> memref<1x1x80xi32, #tpu.memory_space<hbm>>
    %dma_start3A_62 = tpu.memref_squeeze %dma_start3A_61 : memref<1x1x80xi32, #tpu.memory_space<hbm>> -> memref<80xi32, #tpu.memory_space<hbm>>
    %dma_start3A_63 = arith.constant 0 : i32
    %dma_start3A_64 = tpu.memref_slice %arg4[%add3A, %dma_start3A_59, %dma_start3A_63] : memref<32x125x80xi32, #tpu.memory_space<hbm>> -> memref<1x1x80xi32, #tpu.memory_space<hbm>>
    %dma_start3A_65 = tpu.memref_squeeze %dma_start3A_64 : memref<1x1x80xi32, #tpu.memory_space<hbm>> -> memref<80xi32, #tpu.memory_space<hbm>>
    tpu.enqueue_dma source(%dma_start3A_65 : memref<80xi32, #tpu.memory_space<hbm>>) target(%arg9 : memref<80xi32, #tpu.memory_space<vmem>>) target_semaphore(%arg22 : memref<!tpu.dma_semaphore, #tpu.memory_space<semaphore_mem>>)
    %dma_start3A_66 = arith.constant 160 : i32
    %dma_start3A_67 = tpu.memref_slice %arg6[%dma_start3A_66] : memref<10000xi32, #tpu.memory_space<vmem>> -> memref<80xi32, #tpu.memory_space<vmem>>
    %dma_start3A_68 = arith.constant 0 : i32
    %dma_start3A_69 = arith.constant 0 : i32
    %dma_start3A_70 = tpu.memref_slice %arg2[%dma_start3A_68, %dma_start3A_69] : memref<10000x128xf32, #tpu.memory_space<hbm>> -> memref<10000x128xf32, #tpu.memory_space<hbm>>
    tpu.enqueue_indirect_dma source(%dma_start3A_70 : memref<10000x128xf32, #tpu.memory_space<hbm>>) target(%arg12 : memref<80x128xf32, #tpu.memory_space<vmem>>) offsets(%dma_start3A_67 : memref<80xi32, #tpu.memory_space<vmem>>) semaphore(%arg16 : memref<!tpu.dma_semaphore, #tpu.memory_space<semaphore_mem>>)
    %dma_wait3A_71 = arith.constant 0 : i32
    %dma_wait3A_72 = tpu.memref_slice %arg6[%dma_wait3A_71] : memref<10000xi32, #tpu.memory_space<vmem>> -> memref<80xi32, #tpu.memory_space<vmem>>
    %dma_wait3A_73 = arith.constant 0 : i32
    %dma_wait3A_74 = arith.constant 0 : i32
    %dma_wait3A_75 = tpu.memref_slice %arg2[%dma_wait3A_73, %dma_wait3A_74] : memref<10000x128xf32, #tpu.memory_space<hbm>> -> memref<10000x128xf32, #tpu.memory_space<hbm>>
    tpu.wait_indirect_dma semaphore(%arg15 : memref<!tpu.dma_semaphore, #tpu.memory_space<semaphore_mem>>) src(%dma_wait3A_75 : memref<10000x128xf32, #tpu.memory_space<hbm>>) dst(%arg11 : memref<80x128xf32, #tpu.memory_space<vmem>>)
    %dma_wait3A_76 = arith.constant 0 : i32
    %dma_wait3A_77 = arith.constant 0 : i32
    %dma_wait3A_78 = tpu.memref_slice %arg4[%add3A, %dma_wait3A_76, %dma_wait3A_77] : memref<32x125x80xi32, #tpu.memory_space<hbm>> -> memref<1x1x80xi32, #tpu.memory_space<hbm>>
    %dma_wait3A_79 = tpu.memref_squeeze %dma_wait3A_78 : memref<1x1x80xi32, #tpu.memory_space<hbm>> -> memref<80xi32, #tpu.memory_space<hbm>>
    %dma_wait3A_80 = arith.constant 0 : i32
    %dma_wait3A_81 = tpu.memref_slice %arg4[%add3A, %dma_wait3A_76, %dma_wait3A_80] : memref<32x125x80xi32, #tpu.memory_space<hbm>> -> memref<1x1x80xi32, #tpu.memory_space<hbm>>
    %dma_wait3A_82 = tpu.memref_squeeze %dma_wait3A_81 : memref<1x1x80xi32, #tpu.memory_space<hbm>> -> memref<80xi32, #tpu.memory_space<hbm>>
    tpu.wait_dma2 semaphore(%arg21 : memref<!tpu.dma_semaphore, #tpu.memory_space<semaphore_mem>>) src(%dma_wait3A_82 : memref<80xi32, #tpu.memory_space<hbm>>) dst(%arg8 : memref<80xi32, #tpu.memory_space<vmem>>)
    %dma_start3A_83 = arith.constant 0 : i32
    %dma_start3A_84 = arith.constant 0 : i32
    %dma_start3A_85 = tpu.memref_slice %arg13[%dma_start3A_83, %dma_start3A_84] : memref<10000x128xf32, #tpu.memory_space<vmem_shared>> -> memref<10000x128xf32, #tpu.memory_space<vmem_shared>>
    tpu.enqueue_indirect_dma source(%arg11 : memref<80x128xf32, #tpu.memory_space<vmem>>) target(%dma_start3A_85 : memref<10000x128xf32, #tpu.memory_space<vmem_shared>>) offsets(%arg8 : memref<80xi32, #tpu.memory_space<vmem>>) semaphore(%arg18 : memref<!tpu.dma_semaphore, #tpu.memory_space<semaphore_mem>>) {add = true}
    %dma_wait3A_86 = arith.constant 0 : i32
    %dma_wait3A_87 = arith.constant 0 : i32
    %dma_wait3A_88 = tpu.memref_slice %arg13[%dma_wait3A_86, %dma_wait3A_87] : memref<10000x128xf32, #tpu.memory_space<vmem_shared>> -> memref<10000x128xf32, #tpu.memory_space<vmem_shared>>
    tpu.wait_indirect_dma semaphore(%arg17 : memref<!tpu.dma_semaphore, #tpu.memory_space<semaphore_mem>>) src(%arg10 : memref<80x128xf32, #tpu.memory_space<vmem>>) dst(%dma_wait3A_88 : memref<10000x128xf32, #tpu.memory_space<vmem_shared>>)
    %dma_start3A_89 = arith.constant 3 : i32
    %dma_start3A_90 = arith.constant 0 : i32
    %dma_start3A_91 = tpu.memref_slice %arg4[%add3A, %dma_start3A_89, %dma_start3A_90] : memref<32x125x80xi32, #tpu.memory_space<hbm>> -> memref<1x1x80xi32, #tpu.memory_space<hbm>>
    %dma_start3A_92 = tpu.memref_squeeze %dma_start3A_91 : memref<1x1x80xi32, #tpu.memory_space<hbm>> -> memref<80xi32, #tpu.memory_space<hbm>>
    %dma_start3A_93 = arith.constant 0 : i32
    %dma_start3A_94 = tpu.memref_slice %arg4[%add3A, %dma_start3A_89, %dma_start3A_93] : memref<32x125x80xi32, #tpu.memory_space<hbm>> -> memref<1x1x80xi32, #tpu.memory_space<hbm>>
    %dma_start3A_95 = tpu.memref_squeeze %dma_start3A_94 : memref<1x1x80xi32, #tpu.memory_space<hbm>> -> memref<80xi32, #tpu.memory_space<hbm>>
    tpu.enqueue_dma source(%dma_start3A_95 : memref<80xi32, #tpu.memory_space<hbm>>) target(%arg7 : memref<80xi32, #tpu.memory_space<vmem>>) target_semaphore(%arg20 : memref<!tpu.dma_semaphore, #tpu.memory_space<semaphore_mem>>)
    %dma_start3A_96 = arith.constant 240 : i32
    %dma_start3A_97 = tpu.memref_slice %arg6[%dma_start3A_96] : memref<10000xi32, #tpu.memory_space<vmem>> -> memref<80xi32, #tpu.memory_space<vmem>>
    %dma_start3A_98 = arith.constant 0 : i32
    %dma_start3A_99 = arith.constant 0 : i32
    %dma_start3A_100 = tpu.memref_slice %arg2[%dma_start3A_98, %dma_start3A_99] : memref<10000x128xf32, #tpu.memory_space<hbm>> -> memref<10000x128xf32, #tpu.memory_space<hbm>>
    tpu.enqueue_indirect_dma source(%dma_start3A_100 : memref<10000x128xf32, #tpu.memory_space<hbm>>) target(%arg10 : memref<80x128xf32, #tpu.memory_space<vmem>>) offsets(%dma_start3A_97 : memref<80xi32, #tpu.memory_space<vmem>>) semaphore(%arg14 : memref<!tpu.dma_semaphore, #tpu.memory_space<semaphore_mem>>)
    %dma_wait3A_101 = arith.constant 0 : i32
    %dma_wait3A_102 = tpu.memref_slice %arg6[%dma_wait3A_101] : memref<10000xi32, #tpu.memory_space<vmem>> -> memref<80xi32, #tpu.memory_space<vmem>>
    %dma_wait3A_103 = arith.constant 0 : i32
    %dma_wait3A_104 = arith.constant 0 : i32
    %dma_wait3A_105 = tpu.memref_slice %arg2[%dma_wait3A_103, %dma_wait3A_104] : memref<10000x128xf32, #tpu.memory_space<hbm>> -> memref<10000x128xf32, #tpu.memory_space<hbm>>
    tpu.wait_indirect_dma semaphore(%arg16 : memref<!tpu.dma_semaphore, #tpu.memory_space<semaphore_mem>>) src(%dma_wait3A_105 : memref<10000x128xf32, #tpu.memory_space<hbm>>) dst(%arg12 : memref<80x128xf32, #tpu.memory_space<vmem>>)
    %dma_wait3A_106 = arith.constant 0 : i32
    %dma_wait3A_107 = arith.constant 0 : i32
    %dma_wait3A_108 = tpu.memref_slice %arg4[%add3A, %dma_wait3A_106, %dma_wait3A_107] : memref<32x125x80xi32, #tpu.memory_space<hbm>> -> memref<1x1x80xi32, #tpu.memory_space<hbm>>
    %dma_wait3A_109 = tpu.memref_squeeze %dma_wait3A_108 : memref<1x1x80xi32, #tpu.memory_space<hbm>> -> memref<80xi32, #tpu.memory_space<hbm>>
    %dma_wait3A_110 = arith.constant 0 : i32
    %dma_wait3A_111 = tpu.memref_slice %arg4[%add3A, %dma_wait3A_106, %dma_wait3A_110] : memref<32x125x80xi32, #tpu.memory_space<hbm>> -> memref<1x1x80xi32, #tpu.memory_space<hbm>>
    %dma_wait3A_112 = tpu.memref_squeeze %dma_wait3A_111 : memref<1x1x80xi32, #tpu.memory_space<hbm>> -> memref<80xi32, #tpu.memory_space<hbm>>
    tpu.wait_dma2 semaphore(%arg22 : memref<!tpu.dma_semaphore, #tpu.memory_space<semaphore_mem>>) src(%dma_wait3A_112 : memref<80xi32, #tpu.memory_space<hbm>>) dst(%arg9 : memref<80xi32, #tpu.memory_space<vmem>>)
    %dma_start3A_113 = arith.constant 0 : i32
    %dma_start3A_114 = arith.constant 0 : i32
    %dma_start3A_115 = tpu.memref_slice %arg13[%dma_start3A_113, %dma_start3A_114] : memref<10000x128xf32, #tpu.memory_space<vmem_shared>> -> memref<10000x128xf32, #tpu.memory_space<vmem_shared>>
    tpu.enqueue_indirect_dma source(%arg12 : memref<80x128xf32, #tpu.memory_space<vmem>>) target(%dma_start3A_115 : memref<10000x128xf32, #tpu.memory_space<vmem_shared>>) offsets(%arg9 : memref<80xi32, #tpu.memory_space<vmem>>) semaphore(%arg19 : memref<!tpu.dma_semaphore, #tpu.memory_space<semaphore_mem>>) {add = true}
    %dma_wait3A_116 = arith.constant 0 : i32
    %dma_wait3A_117 = arith.constant 0 : i32
    %dma_wait3A_118 = tpu.memref_slice %arg13[%dma_wait3A_116, %dma_wait3A_117] : memref<10000x128xf32, #tpu.memory_space<vmem_shared>> -> memref<10000x128xf32, #tpu.memory_space<vmem_shared>>
    tpu.wait_indirect_dma semaphore(%arg18 : memref<!tpu.dma_semaphore, #tpu.memory_space<semaphore_mem>>) src(%arg11 : memref<80x128xf32, #tpu.memory_space<vmem>>) dst(%dma_wait3A_118 : memref<10000x128xf32, #tpu.memory_space<vmem_shared>>)
    %dma_start3A_119 = arith.constant 4 : i32
    %dma_start3A_120 = arith.constant 0 : i32
    %dma_start3A_121 = tpu.memref_slice %arg4[%add3A, %dma_start3A_119, %dma_start3A_120] : memref<32x125x80xi32, #tpu.memory_space<hbm>> -> memref<1x1x80xi32, #tpu.memory_space<hbm>>
    %dma_start3A_122 = tpu.memref_squeeze %dma_start3A_121 : memref<1x1x80xi32, #tpu.memory_space<hbm>> -> memref<80xi32, #tpu.memory_space<hbm>>
    %dma_start3A_123 = arith.constant 0 : i32
    %dma_start3A_124 = tpu.memref_slice %arg4[%add3A, %dma_start3A_119, %dma_start3A_123] : memref<32x125x80xi32, #tpu.memory_space<hbm>> -> memref<1x1x80xi32, #tpu.memory_space<hbm>>
    %dma_start3A_125 = tpu.memref_squeeze %dma_start3A_124 : memref<1x1x80xi32, #tpu.memory_space<hbm>> -> memref<80xi32, #tpu.memory_space<hbm>>
    tpu.enqueue_dma source(%dma_start3A_125 : memref<80xi32, #tpu.memory_space<hbm>>) target(%arg8 : memref<80xi32, #tpu.memory_space<vmem>>) target_semaphore(%arg21 : memref<!tpu.dma_semaphore, #tpu.memory_space<semaphore_mem>>)
    %dma_start3A_126 = arith.constant 320 : i32
    %dma_start3A_127 = tpu.memref_slice %arg6[%dma_start3A_126] : memref<10000xi32, #tpu.memory_space<vmem>> -> memref<80xi32, #tpu.memory_space<vmem>>
    %dma_start3A_128 = arith.constant 0 : i32
    %dma_start3A_129 = arith.constant 0 : i32
    %dma_start3A_130 = tpu.memref_slice %arg2[%dma_start3A_128, %dma_start3A_129] : memref<10000x128xf32, #tpu.memory_space<hbm>> -> memref<10000x128xf32, #tpu.memory_space<hbm>>
    tpu.enqueue_indirect_dma source(%dma_start3A_130 : memref<10000x128xf32, #tpu.memory_space<hbm>>) target(%arg11 : memref<80x128xf32, #tpu.memory_space<vmem>>) offsets(%dma_start3A_127 : memref<80xi32, #tpu.memory_space<vmem>>) semaphore(%arg15 : memref<!tpu.dma_semaphore, #tpu.memory_space<semaphore_mem>>)
    %scan3A_131 = arith.constant 0 : i32
    %scan3A_132 = arith.constant 1 : i32
    %scan3A_133 = arith.constant 40 : i32
    %scan3A_134 = arith.addi %scan3A_132, %scan3A_133 : i32
    %scan3A_135 = arith.constant 1 : i32
    %scan3A_136 = scf.for %scan3A_241 = %scan3A_132 to %scan3A_134 step %scan3A_135 iter_args(%scan3A_242 = %scan3A_131) -> (i32)  : i32 {
      %mul3A_243 = arith.constant 3 : i32
      %mul3A_244 = arith.muli %mul3A_243, %scan3A_241 : i32
      %add3A_245 = arith.constant 0 : i32
      %add3A_246 = arith.addi %mul3A_244, %add3A_245 : i32
      %dma_wait3A_247 = arith.constant 0 : i32
      %dma_wait3A_248 = tpu.memref_slice %arg6[%dma_wait3A_247] : memref<10000xi32, #tpu.memory_space<vmem>> -> memref<80xi32, #tpu.memory_space<vmem>>
      %dma_wait3A_249 = arith.constant 0 : i32
      %dma_wait3A_250 = arith.constant 0 : i32
      %dma_wait3A_251 = tpu.memref_slice %arg2[%dma_wait3A_249, %dma_wait3A_250] : memref<10000x128xf32, #tpu.memory_space<hbm>> -> memref<10000x128xf32, #tpu.memory_space<hbm>>
      tpu.wait_indirect_dma semaphore(%arg14 : memref<!tpu.dma_semaphore, #tpu.memory_space<semaphore_mem>>) src(%dma_wait3A_251 : memref<10000x128xf32, #tpu.memory_space<hbm>>) dst(%arg10 : memref<80x128xf32, #tpu.memory_space<vmem>>)
      %dma_wait3A_252 = arith.constant 0 : i32
      %dma_wait3A_253 = arith.constant 0 : i32
      %dma_wait3A_254 = tpu.memref_slice %arg4[%add3A, %dma_wait3A_252, %dma_wait3A_253] : memref<32x125x80xi32, #tpu.memory_space<hbm>> -> memref<1x1x80xi32, #tpu.memory_space<hbm>>
      %dma_wait3A_255 = tpu.memref_squeeze %dma_wait3A_254 : memref<1x1x80xi32, #tpu.memory_space<hbm>> -> memref<80xi32, #tpu.memory_space<hbm>>
      %dma_wait3A_256 = arith.constant 0 : i32
      %dma_wait3A_257 = tpu.memref_slice %arg4[%add3A, %dma_wait3A_252, %dma_wait3A_256] : memref<32x125x80xi32, #tpu.memory_space<hbm>> -> memref<1x1x80xi32, #tpu.memory_space<hbm>>
      %dma_wait3A_258 = tpu.memref_squeeze %dma_wait3A_257 : memref<1x1x80xi32, #tpu.memory_space<hbm>> -> memref<80xi32, #tpu.memory_space<hbm>>
      tpu.wait_dma2 semaphore(%arg20 : memref<!tpu.dma_semaphore, #tpu.memory_space<semaphore_mem>>) src(%dma_wait3A_258 : memref<80xi32, #tpu.memory_space<hbm>>) dst(%arg7 : memref<80xi32, #tpu.memory_space<vmem>>)
      %dma_start3A_259 = arith.constant 0 : i32
      %dma_start3A_260 = arith.constant 0 : i32
      %dma_start3A_261 = tpu.memref_slice %arg13[%dma_start3A_259, %dma_start3A_260] : memref<10000x128xf32, #tpu.memory_space<vmem_shared>> -> memref<10000x128xf32, #tpu.memory_space<vmem_shared>>
      tpu.enqueue_indirect_dma source(%arg10 : memref<80x128xf32, #tpu.memory_space<vmem>>) target(%dma_start3A_261 : memref<10000x128xf32, #tpu.memory_space<vmem_shared>>) offsets(%arg7 : memref<80xi32, #tpu.memory_space<vmem>>) semaphore(%arg17 : memref<!tpu.dma_semaphore, #tpu.memory_space<semaphore_mem>>) {add = true}
      %dma_wait3A_262 = arith.constant 0 : i32
      %dma_wait3A_263 = arith.constant 0 : i32
      %dma_wait3A_264 = tpu.memref_slice %arg13[%dma_wait3A_262, %dma_wait3A_263] : memref<10000x128xf32, #tpu.memory_space<vmem_shared>> -> memref<10000x128xf32, #tpu.memory_space<vmem_shared>>
      tpu.wait_indirect_dma semaphore(%arg19 : memref<!tpu.dma_semaphore, #tpu.memory_space<semaphore_mem>>) src(%arg12 : memref<80x128xf32, #tpu.memory_space<vmem>>) dst(%dma_wait3A_264 : memref<10000x128xf32, #tpu.memory_space<vmem_shared>>)
      %add3A_265 = arith.constant 2 : i32
      %add3A_266 = arith.addi %add3A_246, %add3A_265 : i32
      %dma_start3A_267 = arith.constant 0 : i32
      %dma_start3A_268 = tpu.memref_slice %arg4[%add3A, %add3A_266, %dma_start3A_267] : memref<32x125x80xi32, #tpu.memory_space<hbm>> -> memref<1x1x80xi32, #tpu.memory_space<hbm>>
      %dma_start3A_269 = tpu.memref_squeeze %dma_start3A_268 : memref<1x1x80xi32, #tpu.memory_space<hbm>> -> memref<80xi32, #tpu.memory_space<hbm>>
      %dma_start3A_270 = arith.constant 0 : i32
      %dma_start3A_271 = tpu.memref_slice %arg4[%add3A, %add3A_266, %dma_start3A_270] : memref<32x125x80xi32, #tpu.memory_space<hbm>> -> memref<1x1x80xi32, #tpu.memory_space<hbm>>
      %dma_start3A_272 = tpu.memref_squeeze %dma_start3A_271 : memref<1x1x80xi32, #tpu.memory_space<hbm>> -> memref<80xi32, #tpu.memory_space<hbm>>
      tpu.enqueue_dma source(%dma_start3A_272 : memref<80xi32, #tpu.memory_space<hbm>>) target(%arg9 : memref<80xi32, #tpu.memory_space<vmem>>) target_semaphore(%arg22 : memref<!tpu.dma_semaphore, #tpu.memory_space<semaphore_mem>>)
      %add3A_273 = arith.constant 2 : i32
      %add3A_274 = arith.addi %add3A_246, %add3A_273 : i32
      %mul3A_275 = arith.constant 80 : i32
      %mul3A_276 = arith.muli %add3A_274, %mul3A_275 : i32
      %dma_start3A_277 = tpu.memref_slice %arg6[%mul3A_276] : memref<10000xi32, #tpu.memory_space<vmem>> -> memref<80xi32, #tpu.memory_space<vmem>>
      %dma_start3A_278 = arith.constant 0 : i32
      %dma_start3A_279 = arith.constant 0 : i32
      %dma_start3A_280 = tpu.memref_slice %arg2[%dma_start3A_278, %dma_start3A_279] : memref<10000x128xf32, #tpu.memory_space<hbm>> -> memref<10000x128xf32, #tpu.memory_space<hbm>>
      tpu.enqueue_indirect_dma source(%dma_start3A_280 : memref<10000x128xf32, #tpu.memory_space<hbm>>) target(%arg12 : memref<80x128xf32, #tpu.memory_space<vmem>>) offsets(%dma_start3A_277 : memref<80xi32, #tpu.memory_space<vmem>>) semaphore(%arg16 : memref<!tpu.dma_semaphore, #tpu.memory_space<semaphore_mem>>)
      %mul3A_281 = arith.constant 3 : i32
      %mul3A_282 = arith.muli %mul3A_281, %scan3A_241 : i32
      %add3A_283 = arith.constant 1 : i32
      %add3A_284 = arith.addi %mul3A_282, %add3A_283 : i32
      %dma_wait3A_285 = arith.constant 0 : i32
      %dma_wait3A_286 = tpu.memref_slice %arg6[%dma_wait3A_285] : memref<10000xi32, #tpu.memory_space<vmem>> -> memref<80xi32, #tpu.memory_space<vmem>>
      %dma_wait3A_287 = arith.constant 0 : i32
      %dma_wait3A_288 = arith.constant 0 : i32
      %dma_wait3A_289 = tpu.memref_slice %arg2[%dma_wait3A_287, %dma_wait3A_288] : memref<10000x128xf32, #tpu.memory_space<hbm>> -> memref<10000x128xf32, #tpu.memory_space<hbm>>
      tpu.wait_indirect_dma semaphore(%arg15 : memref<!tpu.dma_semaphore, #tpu.memory_space<semaphore_mem>>) src(%dma_wait3A_289 : memref<10000x128xf32, #tpu.memory_space<hbm>>) dst(%arg11 : memref<80x128xf32, #tpu.memory_space<vmem>>)
      %dma_wait3A_290 = arith.constant 0 : i32
      %dma_wait3A_291 = arith.constant 0 : i32
      %dma_wait3A_292 = tpu.memref_slice %arg4[%add3A, %dma_wait3A_290, %dma_wait3A_291] : memref<32x125x80xi32, #tpu.memory_space<hbm>> -> memref<1x1x80xi32, #tpu.memory_space<hbm>>
      %dma_wait3A_293 = tpu.memref_squeeze %dma_wait3A_292 : memref<1x1x80xi32, #tpu.memory_space<hbm>> -> memref<80xi32, #tpu.memory_space<hbm>>
      %dma_wait3A_294 = arith.constant 0 : i32
      %dma_wait3A_295 = tpu.memref_slice %arg4[%add3A, %dma_wait3A_290, %dma_wait3A_294] : memref<32x125x80xi32, #tpu.memory_space<hbm>> -> memref<1x1x80xi32, #tpu.memory_space<hbm>>
      %dma_wait3A_296 = tpu.memref_squeeze %dma_wait3A_295 : memref<1x1x80xi32, #tpu.memory_space<hbm>> -> memref<80xi32, #tpu.memory_space<hbm>>
      tpu.wait_dma2 semaphore(%arg21 : memref<!tpu.dma_semaphore, #tpu.memory_space<semaphore_mem>>) src(%dma_wait3A_296 : memref<80xi32, #tpu.memory_space<hbm>>) dst(%arg8 : memref<80xi32, #tpu.memory_space<vmem>>)
      %dma_start3A_297 = arith.constant 0 : i32
      %dma_start3A_298 = arith.constant 0 : i32
      %dma_start3A_299 = tpu.memref_slice %arg13[%dma_start3A_297, %dma_start3A_298] : memref<10000x128xf32, #tpu.memory_space<vmem_shared>> -> memref<10000x128xf32, #tpu.memory_space<vmem_shared>>
      tpu.enqueue_indirect_dma source(%arg11 : memref<80x128xf32, #tpu.memory_space<vmem>>) target(%dma_start3A_299 : memref<10000x128xf32, #tpu.memory_space<vmem_shared>>) offsets(%arg8 : memref<80xi32, #tpu.memory_space<vmem>>) semaphore(%arg18 : memref<!tpu.dma_semaphore, #tpu.memory_space<semaphore_mem>>) {add = true}
      %dma_wait3A_300 = arith.constant 0 : i32
      %dma_wait3A_301 = arith.constant 0 : i32
      %dma_wait3A_302 = tpu.memref_slice %arg13[%dma_wait3A_300, %dma_wait3A_301] : memref<10000x128xf32, #tpu.memory_space<vmem_shared>> -> memref<10000x128xf32, #tpu.memory_space<vmem_shared>>
      tpu.wait_indirect_dma semaphore(%arg17 : memref<!tpu.dma_semaphore, #tpu.memory_space<semaphore_mem>>) src(%arg10 : memref<80x128xf32, #tpu.memory_space<vmem>>) dst(%dma_wait3A_302 : memref<10000x128xf32, #tpu.memory_space<vmem_shared>>)
      %add3A_303 = arith.constant 2 : i32
      %add3A_304 = arith.addi %add3A_284, %add3A_303 : i32
      %dma_start3A_305 = arith.constant 0 : i32
      %dma_start3A_306 = tpu.memref_slice %arg4[%add3A, %add3A_304, %dma_start3A_305] : memref<32x125x80xi32, #tpu.memory_space<hbm>> -> memref<1x1x80xi32, #tpu.memory_space<hbm>>
      %dma_start3A_307 = tpu.memref_squeeze %dma_start3A_306 : memref<1x1x80xi32, #tpu.memory_space<hbm>> -> memref<80xi32, #tpu.memory_space<hbm>>
      %dma_start3A_308 = arith.constant 0 : i32
      %dma_start3A_309 = tpu.memref_slice %arg4[%add3A, %add3A_304, %dma_start3A_308] : memref<32x125x80xi32, #tpu.memory_space<hbm>> -> memref<1x1x80xi32, #tpu.memory_space<hbm>>
      %dma_start3A_310 = tpu.memref_squeeze %dma_start3A_309 : memref<1x1x80xi32, #tpu.memory_space<hbm>> -> memref<80xi32, #tpu.memory_space<hbm>>
      tpu.enqueue_dma source(%dma_start3A_310 : memref<80xi32, #tpu.memory_space<hbm>>) target(%arg7 : memref<80xi32, #tpu.memory_space<vmem>>) target_semaphore(%arg20 : memref<!tpu.dma_semaphore, #tpu.memory_space<semaphore_mem>>)
      %add3A_311 = arith.constant 2 : i32
      %add3A_312 = arith.addi %add3A_284, %add3A_311 : i32
      %mul3A_313 = arith.constant 80 : i32
      %mul3A_314 = arith.muli %add3A_312, %mul3A_313 : i32
      %dma_start3A_315 = tpu.memref_slice %arg6[%mul3A_314] : memref<10000xi32, #tpu.memory_space<vmem>> -> memref<80xi32, #tpu.memory_space<vmem>>
      %dma_start3A_316 = arith.constant 0 : i32
      %dma_start3A_317 = arith.constant 0 : i32
      %dma_start3A_318 = tpu.memref_slice %arg2[%dma_start3A_316, %dma_start3A_317] : memref<10000x128xf32, #tpu.memory_space<hbm>> -> memref<10000x128xf32, #tpu.memory_space<hbm>>
      tpu.enqueue_indirect_dma source(%dma_start3A_318 : memref<10000x128xf32, #tpu.memory_space<hbm>>) target(%arg10 : memref<80x128xf32, #tpu.memory_space<vmem>>) offsets(%dma_start3A_315 : memref<80xi32, #tpu.memory_space<vmem>>) semaphore(%arg14 : memref<!tpu.dma_semaphore, #tpu.memory_space<semaphore_mem>>)
      %mul3A_319 = arith.constant 3 : i32
      %mul3A_320 = arith.muli %mul3A_319, %scan3A_241 : i32
      %add3A_321 = arith.constant 2 : i32
      %add3A_322 = arith.addi %mul3A_320, %add3A_321 : i32
      %dma_wait3A_323 = arith.constant 0 : i32
      %dma_wait3A_324 = tpu.memref_slice %arg6[%dma_wait3A_323] : memref<10000xi32, #tpu.memory_space<vmem>> -> memref<80xi32, #tpu.memory_space<vmem>>
      %dma_wait3A_325 = arith.constant 0 : i32
      %dma_wait3A_326 = arith.constant 0 : i32
      %dma_wait3A_327 = tpu.memref_slice %arg2[%dma_wait3A_325, %dma_wait3A_326] : memref<10000x128xf32, #tpu.memory_space<hbm>> -> memref<10000x128xf32, #tpu.memory_space<hbm>>
      tpu.wait_indirect_dma semaphore(%arg16 : memref<!tpu.dma_semaphore, #tpu.memory_space<semaphore_mem>>) src(%dma_wait3A_327 : memref<10000x128xf32, #tpu.memory_space<hbm>>) dst(%arg12 : memref<80x128xf32, #tpu.memory_space<vmem>>)
      %dma_wait3A_328 = arith.constant 0 : i32
      %dma_wait3A_329 = arith.constant 0 : i32
      %dma_wait3A_330 = tpu.memref_slice %arg4[%add3A, %dma_wait3A_328, %dma_wait3A_329] : memref<32x125x80xi32, #tpu.memory_space<hbm>> -> memref<1x1x80xi32, #tpu.memory_space<hbm>>
      %dma_wait3A_331 = tpu.memref_squeeze %dma_wait3A_330 : memref<1x1x80xi32, #tpu.memory_space<hbm>> -> memref<80xi32, #tpu.memory_space<hbm>>
      %dma_wait3A_332 = arith.constant 0 : i32
      %dma_wait3A_333 = tpu.memref_slice %arg4[%add3A, %dma_wait3A_328, %dma_wait3A_332] : memref<32x125x80xi32, #tpu.memory_space<hbm>> -> memref<1x1x80xi32, #tpu.memory_space<hbm>>
      %dma_wait3A_334 = tpu.memref_squeeze %dma_wait3A_333 : memref<1x1x80xi32, #tpu.memory_space<hbm>> -> memref<80xi32, #tpu.memory_space<hbm>>
      tpu.wait_dma2 semaphore(%arg22 : memref<!tpu.dma_semaphore, #tpu.memory_space<semaphore_mem>>) src(%dma_wait3A_334 : memref<80xi32, #tpu.memory_space<hbm>>) dst(%arg9 : memref<80xi32, #tpu.memory_space<vmem>>)
      %dma_start3A_335 = arith.constant 0 : i32
      %dma_start3A_336 = arith.constant 0 : i32
      %dma_start3A_337 = tpu.memref_slice %arg13[%dma_start3A_335, %dma_start3A_336] : memref<10000x128xf32, #tpu.memory_space<vmem_shared>> -> memref<10000x128xf32, #tpu.memory_space<vmem_shared>>
      tpu.enqueue_indirect_dma source(%arg12 : memref<80x128xf32, #tpu.memory_space<vmem>>) target(%dma_start3A_337 : memref<10000x128xf32, #tpu.memory_space<vmem_shared>>) offsets(%arg9 : memref<80xi32, #tpu.memory_space<vmem>>) semaphore(%arg19 : memref<!tpu.dma_semaphore, #tpu.memory_space<semaphore_mem>>) {add = true}
      %dma_wait3A_338 = arith.constant 0 : i32
      %dma_wait3A_339 = arith.constant 0 : i32
      %dma_wait3A_340 = tpu.memref_slice %arg13[%dma_wait3A_338, %dma_wait3A_339] : memref<10000x128xf32, #tpu.memory_space<vmem_shared>> -> memref<10000x128xf32, #tpu.memory_space<vmem_shared>>
      tpu.wait_indirect_dma semaphore(%arg18 : memref<!tpu.dma_semaphore, #tpu.memory_space<semaphore_mem>>) src(%arg11 : memref<80x128xf32, #tpu.memory_space<vmem>>) dst(%dma_wait3A_340 : memref<10000x128xf32, #tpu.memory_space<vmem_shared>>)
      %add3A_341 = arith.constant 2 : i32
      %add3A_342 = arith.addi %add3A_322, %add3A_341 : i32
      %dma_start3A_343 = arith.constant 0 : i32
      %dma_start3A_344 = tpu.memref_slice %arg4[%add3A, %add3A_342, %dma_start3A_343] : memref<32x125x80xi32, #tpu.memory_space<hbm>> -> memref<1x1x80xi32, #tpu.memory_space<hbm>>
      %dma_start3A_345 = tpu.memref_squeeze %dma_start3A_344 : memref<1x1x80xi32, #tpu.memory_space<hbm>> -> memref<80xi32, #tpu.memory_space<hbm>>
      %dma_start3A_346 = arith.constant 0 : i32
      %dma_start3A_347 = tpu.memref_slice %arg4[%add3A, %add3A_342, %dma_start3A_346] : memref<32x125x80xi32, #tpu.memory_space<hbm>> -> memref<1x1x80xi32, #tpu.memory_space<hbm>>
      %dma_start3A_348 = tpu.memref_squeeze %dma_start3A_347 : memref<1x1x80xi32, #tpu.memory_space<hbm>> -> memref<80xi32, #tpu.memory_space<hbm>>
      tpu.enqueue_dma source(%dma_start3A_348 : memref<80xi32, #tpu.memory_space<hbm>>) target(%arg8 : memref<80xi32, #tpu.memory_space<vmem>>) target_semaphore(%arg21 : memref<!tpu.dma_semaphore, #tpu.memory_space<semaphore_mem>>)
      %add3A_349 = arith.constant 2 : i32
      %add3A_350 = arith.addi %add3A_322, %add3A_349 : i32
      %mul3A_351 = arith.constant 80 : i32
      %mul3A_352 = arith.muli %add3A_350, %mul3A_351 : i32
      %dma_start3A_353 = tpu.memref_slice %arg6[%mul3A_352] : memref<10000xi32, #tpu.memory_space<vmem>> -> memref<80xi32, #tpu.memory_space<vmem>>
      %dma_start3A_354 = arith.constant 0 : i32
      %dma_start3A_355 = arith.constant 0 : i32
      %dma_start3A_356 = tpu.memref_slice %arg2[%dma_start3A_354, %dma_start3A_355] : memref<10000x128xf32, #tpu.memory_space<hbm>> -> memref<10000x128xf32, #tpu.memory_space<hbm>>
      tpu.enqueue_indirect_dma source(%dma_start3A_356 : memref<10000x128xf32, #tpu.memory_space<hbm>>) target(%arg11 : memref<80x128xf32, #tpu.memory_space<vmem>>) offsets(%dma_start3A_353 : memref<80xi32, #tpu.memory_space<vmem>>) semaphore(%arg15 : memref<!tpu.dma_semaphore, #tpu.memory_space<semaphore_mem>>)
      %scan3A_357 = arith.constant 0 : i32
      scf.yield %scan3A_357 : i32
    }
    %scan3A_137 = arith.constant 40 : i32
    %dma_wait3A_138 = arith.constant 0 : i32
    %dma_wait3A_139 = tpu.memref_slice %arg6[%dma_wait3A_138] : memref<10000xi32, #tpu.memory_space<vmem>> -> memref<80xi32, #tpu.memory_space<vmem>>
    %dma_wait3A_140 = arith.constant 0 : i32
    %dma_wait3A_141 = arith.constant 0 : i32
    %dma_wait3A_142 = tpu.memref_slice %arg2[%dma_wait3A_140, %dma_wait3A_141] : memref<10000x128xf32, #tpu.memory_space<hbm>> -> memref<10000x128xf32, #tpu.memory_space<hbm>>
    tpu.wait_indirect_dma semaphore(%arg14 : memref<!tpu.dma_semaphore, #tpu.memory_space<semaphore_mem>>) src(%dma_wait3A_142 : memref<10000x128xf32, #tpu.memory_space<hbm>>) dst(%arg10 : memref<80x128xf32, #tpu.memory_space<vmem>>)
    %dma_wait3A_143 = arith.constant 0 : i32
    %dma_wait3A_144 = arith.constant 0 : i32
    %dma_wait3A_145 = tpu.memref_slice %arg4[%add3A, %dma_wait3A_143, %dma_wait3A_144] : memref<32x125x80xi32, #tpu.memory_space<hbm>> -> memref<1x1x80xi32, #tpu.memory_space<hbm>>
    %dma_wait3A_146 = tpu.memref_squeeze %dma_wait3A_145 : memref<1x1x80xi32, #tpu.memory_space<hbm>> -> memref<80xi32, #tpu.memory_space<hbm>>
    %dma_wait3A_147 = arith.constant 0 : i32
    %dma_wait3A_148 = tpu.memref_slice %arg4[%add3A, %dma_wait3A_143, %dma_wait3A_147] : memref<32x125x80xi32, #tpu.memory_space<hbm>> -> memref<1x1x80xi32, #tpu.memory_space<hbm>>
    %dma_wait3A_149 = tpu.memref_squeeze %dma_wait3A_148 : memref<1x1x80xi32, #tpu.memory_space<hbm>> -> memref<80xi32, #tpu.memory_space<hbm>>
    tpu.wait_dma2 semaphore(%arg20 : memref<!tpu.dma_semaphore, #tpu.memory_space<semaphore_mem>>) src(%dma_wait3A_149 : memref<80xi32, #tpu.memory_space<hbm>>) dst(%arg7 : memref<80xi32, #tpu.memory_space<vmem>>)
    %dma_start3A_150 = arith.constant 0 : i32
    %dma_start3A_151 = arith.constant 0 : i32
    %dma_start3A_152 = tpu.memref_slice %arg13[%dma_start3A_150, %dma_start3A_151] : memref<10000x128xf32, #tpu.memory_space<vmem_shared>> -> memref<10000x128xf32, #tpu.memory_space<vmem_shared>>
    tpu.enqueue_indirect_dma source(%arg10 : memref<80x128xf32, #tpu.memory_space<vmem>>) target(%dma_start3A_152 : memref<10000x128xf32, #tpu.memory_space<vmem_shared>>) offsets(%arg7 : memref<80xi32, #tpu.memory_space<vmem>>) semaphore(%arg17 : memref<!tpu.dma_semaphore, #tpu.memory_space<semaphore_mem>>) {add = true}
    %dma_wait3A_153 = arith.constant 0 : i32
    %dma_wait3A_154 = tpu.memref_slice %arg6[%dma_wait3A_153] : memref<10000xi32, #tpu.memory_space<vmem>> -> memref<80xi32, #tpu.memory_space<vmem>>
    %dma_wait3A_155 = arith.constant 0 : i32
    %dma_wait3A_156 = arith.constant 0 : i32
    %dma_wait3A_157 = tpu.memref_slice %arg2[%dma_wait3A_155, %dma_wait3A_156] : memref<10000x128xf32, #tpu.memory_space<hbm>> -> memref<10000x128xf32, #tpu.memory_space<hbm>>
    tpu.wait_indirect_dma semaphore(%arg15 : memref<!tpu.dma_semaphore, #tpu.memory_space<semaphore_mem>>) src(%dma_wait3A_157 : memref<10000x128xf32, #tpu.memory_space<hbm>>) dst(%arg11 : memref<80x128xf32, #tpu.memory_space<vmem>>)
    %dma_wait3A_158 = arith.constant 0 : i32
    %dma_wait3A_159 = arith.constant 0 : i32
    %dma_wait3A_160 = tpu.memref_slice %arg4[%add3A, %dma_wait3A_158, %dma_wait3A_159] : memref<32x125x80xi32, #tpu.memory_space<hbm>> -> memref<1x1x80xi32, #tpu.memory_space<hbm>>
    %dma_wait3A_161 = tpu.memref_squeeze %dma_wait3A_160 : memref<1x1x80xi32, #tpu.memory_space<hbm>> -> memref<80xi32, #tpu.memory_space<hbm>>
    %dma_wait3A_162 = arith.constant 0 : i32
    %dma_wait3A_163 = tpu.memref_slice %arg4[%add3A, %dma_wait3A_158, %dma_wait3A_162] : memref<32x125x80xi32, #tpu.memory_space<hbm>> -> memref<1x1x80xi32, #tpu.memory_space<hbm>>
    %dma_wait3A_164 = tpu.memref_squeeze %dma_wait3A_163 : memref<1x1x80xi32, #tpu.memory_space<hbm>> -> memref<80xi32, #tpu.memory_space<hbm>>
    tpu.wait_dma2 semaphore(%arg21 : memref<!tpu.dma_semaphore, #tpu.memory_space<semaphore_mem>>) src(%dma_wait3A_164 : memref<80xi32, #tpu.memory_space<hbm>>) dst(%arg8 : memref<80xi32, #tpu.memory_space<vmem>>)
    %dma_start3A_165 = arith.constant 0 : i32
    %dma_start3A_166 = arith.constant 0 : i32
    %dma_start3A_167 = tpu.memref_slice %arg13[%dma_start3A_165, %dma_start3A_166] : memref<10000x128xf32, #tpu.memory_space<vmem_shared>> -> memref<10000x128xf32, #tpu.memory_space<vmem_shared>>
    tpu.enqueue_indirect_dma source(%arg11 : memref<80x128xf32, #tpu.memory_space<vmem>>) target(%dma_start3A_167 : memref<10000x128xf32, #tpu.memory_space<vmem_shared>>) offsets(%arg8 : memref<80xi32, #tpu.memory_space<vmem>>) semaphore(%arg18 : memref<!tpu.dma_semaphore, #tpu.memory_space<semaphore_mem>>) {add = true}
    %dma_wait3A_168 = arith.constant 0 : i32
    %dma_wait3A_169 = arith.constant 0 : i32
    %dma_wait3A_170 = tpu.memref_slice %arg13[%dma_wait3A_168, %dma_wait3A_169] : memref<10000x128xf32, #tpu.memory_space<vmem_shared>> -> memref<10000x128xf32, #tpu.memory_space<vmem_shared>>
    tpu.wait_indirect_dma semaphore(%arg19 : memref<!tpu.dma_semaphore, #tpu.memory_space<semaphore_mem>>) src(%arg12 : memref<80x128xf32, #tpu.memory_space<vmem>>) dst(%dma_wait3A_170 : memref<10000x128xf32, #tpu.memory_space<vmem_shared>>)
    %dma_wait3A_171 = arith.constant 0 : i32
    %dma_wait3A_172 = arith.constant 0 : i32
    %dma_wait3A_173 = tpu.memref_slice %arg13[%dma_wait3A_171, %dma_wait3A_172] : memref<10000x128xf32, #tpu.memory_space<vmem_shared>> -> memref<10000x128xf32, #tpu.memory_space<vmem_shared>>
    tpu.wait_indirect_dma semaphore(%arg17 : memref<!tpu.dma_semaphore, #tpu.memory_space<semaphore_mem>>) src(%arg10 : memref<80x128xf32, #tpu.memory_space<vmem>>) dst(%dma_wait3A_173 : memref<10000x128xf32, #tpu.memory_space<vmem_shared>>)
    %dma_wait3A_174 = arith.constant 0 : i32
    %dma_wait3A_175 = arith.constant 0 : i32
    %dma_wait3A_176 = tpu.memref_slice %arg13[%dma_wait3A_174, %dma_wait3A_175] : memref<10000x128xf32, #tpu.memory_space<vmem_shared>> -> memref<10000x128xf32, #tpu.memory_space<vmem_shared>>
    tpu.wait_indirect_dma semaphore(%arg18 : memref<!tpu.dma_semaphore, #tpu.memory_space<semaphore_mem>>) src(%arg11 : memref<80x128xf32, #tpu.memory_space<vmem>>) dst(%dma_wait3A_176 : memref<10000x128xf32, #tpu.memory_space<vmem_shared>>)
    %barrier3A_177 = arith.constant 0 : index
    tpu.barrier barrier_id(%barrier3A_177)
    %mul3A_178 = arith.constant 640 : i32
    %mul3A_179 = arith.muli %arg1, %mul3A_178 : i32
    %add3A_180 = arith.constant 0 : i32
    %add3A_181 = arith.addi %mul3A_179, %add3A_180 : i32
    %dma_start3A_182 = arith.constant 0 : i32
    %dma_start3A_183 = tpu.memref_slice %arg13[%add3A_181, %dma_start3A_182] : memref<10000x128xf32, #tpu.memory_space<vmem_shared>> -> memref<80x128xf32, #tpu.memory_space<vmem_shared>>
    %dma_start3A_184 = arith.constant 0 : i32
    %dma_start3A_185 = tpu.memref_slice %arg13[%add3A_181, %dma_start3A_184] : memref<10000x128xf32, #tpu.memory_space<vmem_shared>> -> memref<80x128xf32, #tpu.memory_space<vmem_shared>>
    tpu.enqueue_dma source(%dma_start3A_185 : memref<80x128xf32, #tpu.memory_space<vmem_shared>>) target(%arg10 : memref<80x128xf32, #tpu.memory_space<vmem>>) target_semaphore(%arg14 : memref<!tpu.dma_semaphore, #tpu.memory_space<semaphore_mem>>)
    %gt3A = arith.constant 0 : i32
    %gt3A_186 = arith.cmpi sgt, %select_n3A, %gt3A : i32
    %convert_element_type3A = arith.extui %gt3A_186 : i1 to i32
    %cond3A = arith.constant 0 : i32
    %cond3A_187 = arith.cmpi ne, %convert_element_type3A, %cond3A : i32
    scf.if %cond3A_187 {
      %mul3A_241 = arith.constant 640 : i32
      %mul3A_242 = arith.muli %arg1, %mul3A_241 : i32
      %dma_wait3A_243 = arith.constant 0 : i32
      %dma_wait3A_244 = tpu.memref_slice %arg13[%mul3A_242, %dma_wait3A_243] : memref<10000x128xf32, #tpu.memory_space<vmem_shared>> -> memref<80x128xf32, #tpu.memory_space<vmem_shared>>
      %dma_wait3A_245 = arith.constant 0 : i32
      %dma_wait3A_246 = tpu.memref_slice %arg13[%mul3A_242, %dma_wait3A_245] : memref<10000x128xf32, #tpu.memory_space<vmem_shared>> -> memref<80x128xf32, #tpu.memory_space<vmem_shared>>
      tpu.wait_dma2 semaphore(%arg14 : memref<!tpu.dma_semaphore, #tpu.memory_space<semaphore_mem>>) src(%dma_wait3A_246 : memref<80x128xf32, #tpu.memory_space<vmem_shared>>) dst(%arg10 : memref<80x128xf32, #tpu.memory_space<vmem>>)
      %gt3A_247 = arith.constant 1 : i32
      %gt3A_248 = arith.cmpi sgt, %select_n3A, %gt3A_247 : i32
      %convert_element_type3A_249 = arith.extui %gt3A_248 : i1 to i32
      %cond3A_250 = arith.constant 0 : i32
      %cond3A_251 = arith.cmpi ne, %convert_element_type3A_249, %cond3A_250 : i32
      scf.if %cond3A_251 {
        %mul3A_263 = arith.constant 640 : i32
        %mul3A_264 = arith.muli %arg1, %mul3A_263 : i32
        %add3A_265 = arith.constant 80 : i32
        %add3A_266 = arith.addi %mul3A_264, %add3A_265 : i32
        %dma_start3A_267 = arith.constant 0 : i32
        %dma_start3A_268 = tpu.memref_slice %arg13[%add3A_266, %dma_start3A_267] : memref<10000x128xf32, #tpu.memory_space<vmem_shared>> -> memref<80x128xf32, #tpu.memory_space<vmem_shared>>
        %dma_start3A_269 = arith.constant 0 : i32
        %dma_start3A_270 = tpu.memref_slice %arg13[%add3A_266, %dma_start3A_269] : memref<10000x128xf32, #tpu.memory_space<vmem_shared>> -> memref<80x128xf32, #tpu.memory_space<vmem_shared>>
        tpu.enqueue_dma source(%dma_start3A_270 : memref<80x128xf32, #tpu.memory_space<vmem_shared>>) target(%arg11 : memref<80x128xf32, #tpu.memory_space<vmem>>) target_semaphore(%arg15 : memref<!tpu.dma_semaphore, #tpu.memory_space<semaphore_mem>>)
      } else {
      }
      %mul3A_252 = arith.constant 10000 : i32
      %mul3A_253 = arith.muli %arg0, %mul3A_252 : i32
      %mul3A_254 = arith.constant 640 : i32
      %mul3A_255 = arith.muli %arg1, %mul3A_254 : i32
      %add3A_256 = arith.addi %mul3A_253, %mul3A_255 : i32
      %add3A_257 = arith.constant 0 : i32
      %add3A_258 = arith.addi %add3A_256, %add3A_257 : i32
      %dma_start3A_259 = arith.constant 0 : i32
      %dma_start3A_260 = tpu.memref_slice %arg5[%add3A_258, %dma_start3A_259] : memref<20000x128xf32, #tpu.memory_space<hbm>> -> memref<80x128xf32, #tpu.memory_space<hbm>>
      %dma_start3A_261 = arith.constant 0 : i32
      %dma_start3A_262 = tpu.memref_slice %arg5[%add3A_258, %dma_start3A_261] : memref<20000x128xf32, #tpu.memory_space<hbm>> -> memref<80x128xf32, #tpu.memory_space<hbm>>
      tpu.enqueue_dma source(%arg10 : memref<80x128xf32, #tpu.memory_space<vmem>>) target(%dma_start3A_262 : memref<80x128xf32, #tpu.memory_space<hbm>>) target_semaphore(%arg17 : memref<!tpu.dma_semaphore, #tpu.memory_space<semaphore_mem>>)
    } else {
    }
    %gt3A_188 = arith.constant 1 : i32
    %gt3A_189 = arith.cmpi sgt, %select_n3A, %gt3A_188 : i32
    %convert_element_type3A_190 = arith.extui %gt3A_189 : i1 to i32
    %cond3A_191 = arith.constant 0 : i32
    %cond3A_192 = arith.cmpi ne, %convert_element_type3A_190, %cond3A_191 : i32
    scf.if %cond3A_192 {
      %mul3A_241 = arith.constant 640 : i32
      %mul3A_242 = arith.muli %arg1, %mul3A_241 : i32
      %dma_wait3A_243 = arith.constant 0 : i32
      %dma_wait3A_244 = tpu.memref_slice %arg13[%mul3A_242, %dma_wait3A_243] : memref<10000x128xf32, #tpu.memory_space<vmem_shared>> -> memref<80x128xf32, #tpu.memory_space<vmem_shared>>
      %dma_wait3A_245 = arith.constant 0 : i32
      %dma_wait3A_246 = tpu.memref_slice %arg13[%mul3A_242, %dma_wait3A_245] : memref<10000x128xf32, #tpu.memory_space<vmem_shared>> -> memref<80x128xf32, #tpu.memory_space<vmem_shared>>
      tpu.wait_dma2 semaphore(%arg15 : memref<!tpu.dma_semaphore, #tpu.memory_space<semaphore_mem>>) src(%dma_wait3A_246 : memref<80x128xf32, #tpu.memory_space<vmem_shared>>) dst(%arg11 : memref<80x128xf32, #tpu.memory_space<vmem>>)
      %gt3A_247 = arith.constant 2 : i32
      %gt3A_248 = arith.cmpi sgt, %select_n3A, %gt3A_247 : i32
      %convert_element_type3A_249 = arith.extui %gt3A_248 : i1 to i32
      %cond3A_250 = arith.constant 0 : i32
      %cond3A_251 = arith.cmpi ne, %convert_element_type3A_249, %cond3A_250 : i32
      scf.if %cond3A_251 {
        %mul3A_263 = arith.constant 10000 : i32
        %mul3A_264 = arith.muli %arg0, %mul3A_263 : i32
        %mul3A_265 = arith.constant 640 : i32
        %mul3A_266 = arith.muli %arg1, %mul3A_265 : i32
        %add3A_267 = arith.addi %mul3A_264, %mul3A_266 : i32
        %dma_wait3A_268 = arith.constant 0 : i32
        %dma_wait3A_269 = tpu.memref_slice %arg5[%add3A_267, %dma_wait3A_268] : memref<20000x128xf32, #tpu.memory_space<hbm>> -> memref<80x128xf32, #tpu.memory_space<hbm>>
        %dma_wait3A_270 = arith.constant 0 : i32
        %dma_wait3A_271 = tpu.memref_slice %arg5[%add3A_267, %dma_wait3A_270] : memref<20000x128xf32, #tpu.memory_space<hbm>> -> memref<80x128xf32, #tpu.memory_space<hbm>>
        tpu.wait_dma2 semaphore(%arg17 : memref<!tpu.dma_semaphore, #tpu.memory_space<semaphore_mem>>) src(%arg10 : memref<80x128xf32, #tpu.memory_space<vmem>>) dst(%dma_wait3A_271 : memref<80x128xf32, #tpu.memory_space<hbm>>)
        %mul3A_272 = arith.constant 640 : i32
        %mul3A_273 = arith.muli %arg1, %mul3A_272 : i32
        %add3A_274 = arith.constant 160 : i32
        %add3A_275 = arith.addi %mul3A_273, %add3A_274 : i32
        %dma_start3A_276 = arith.constant 0 : i32
        %dma_start3A_277 = tpu.memref_slice %arg13[%add3A_275, %dma_start3A_276] : memref<10000x128xf32, #tpu.memory_space<vmem_shared>> -> memref<80x128xf32, #tpu.memory_space<vmem_shared>>
        %dma_start3A_278 = arith.constant 0 : i32
        %dma_start3A_279 = tpu.memref_slice %arg13[%add3A_275, %dma_start3A_278] : memref<10000x128xf32, #tpu.memory_space<vmem_shared>> -> memref<80x128xf32, #tpu.memory_space<vmem_shared>>
        tpu.enqueue_dma source(%dma_start3A_279 : memref<80x128xf32, #tpu.memory_space<vmem_shared>>) target(%arg10 : memref<80x128xf32, #tpu.memory_space<vmem>>) target_semaphore(%arg14 : memref<!tpu.dma_semaphore, #tpu.memory_space<semaphore_mem>>)
      } else {
      }
      %mul3A_252 = arith.constant 10000 : i32
      %mul3A_253 = arith.muli %arg0, %mul3A_252 : i32
      %mul3A_254 = arith.constant 640 : i32
      %mul3A_255 = arith.muli %arg1, %mul3A_254 : i32
      %add3A_256 = arith.addi %mul3A_253, %mul3A_255 : i32
      %add3A_257 = arith.constant 80 : i32
      %add3A_258 = arith.addi %add3A_256, %add3A_257 : i32
      %dma_start3A_259 = arith.constant 0 : i32
      %dma_start3A_260 = tpu.memref_slice %arg5[%add3A_258, %dma_start3A_259] : memref<20000x128xf32, #tpu.memory_space<hbm>> -> memref<80x128xf32, #tpu.memory_space<hbm>>
      %dma_start3A_261 = arith.constant 0 : i32
      %dma_start3A_262 = tpu.memref_slice %arg5[%add3A_258, %dma_start3A_261] : memref<20000x128xf32, #tpu.memory_space<hbm>> -> memref<80x128xf32, #tpu.memory_space<hbm>>
      tpu.enqueue_dma source(%arg11 : memref<80x128xf32, #tpu.memory_space<vmem>>) target(%dma_start3A_262 : memref<80x128xf32, #tpu.memory_space<hbm>>) target_semaphore(%arg18 : memref<!tpu.dma_semaphore, #tpu.memory_space<semaphore_mem>>)
    } else {
    }
    %gt3A_193 = arith.constant 2 : i32
    %gt3A_194 = arith.cmpi sgt, %select_n3A, %gt3A_193 : i32
    %convert_element_type3A_195 = arith.extui %gt3A_194 : i1 to i32
    %cond3A_196 = arith.constant 0 : i32
    %cond3A_197 = arith.cmpi ne, %convert_element_type3A_195, %cond3A_196 : i32
    scf.if %cond3A_197 {
      %mul3A_241 = arith.constant 640 : i32
      %mul3A_242 = arith.muli %arg1, %mul3A_241 : i32
      %dma_wait3A_243 = arith.constant 0 : i32
      %dma_wait3A_244 = tpu.memref_slice %arg13[%mul3A_242, %dma_wait3A_243] : memref<10000x128xf32, #tpu.memory_space<vmem_shared>> -> memref<80x128xf32, #tpu.memory_space<vmem_shared>>
      %dma_wait3A_245 = arith.constant 0 : i32
      %dma_wait3A_246 = tpu.memref_slice %arg13[%mul3A_242, %dma_wait3A_245] : memref<10000x128xf32, #tpu.memory_space<vmem_shared>> -> memref<80x128xf32, #tpu.memory_space<vmem_shared>>
      tpu.wait_dma2 semaphore(%arg14 : memref<!tpu.dma_semaphore, #tpu.memory_space<semaphore_mem>>) src(%dma_wait3A_246 : memref<80x128xf32, #tpu.memory_space<vmem_shared>>) dst(%arg10 : memref<80x128xf32, #tpu.memory_space<vmem>>)
      %gt3A_247 = arith.constant 3 : i32
      %gt3A_248 = arith.cmpi sgt, %select_n3A, %gt3A_247 : i32
      %convert_element_type3A_249 = arith.extui %gt3A_248 : i1 to i32
      %cond3A_250 = arith.constant 0 : i32
      %cond3A_251 = arith.cmpi ne, %convert_element_type3A_249, %cond3A_250 : i32
      scf.if %cond3A_251 {
        %mul3A_263 = arith.constant 10000 : i32
        %mul3A_264 = arith.muli %arg0, %mul3A_263 : i32
        %mul3A_265 = arith.constant 640 : i32
        %mul3A_266 = arith.muli %arg1, %mul3A_265 : i32
        %add3A_267 = arith.addi %mul3A_264, %mul3A_266 : i32
        %dma_wait3A_268 = arith.constant 0 : i32
        %dma_wait3A_269 = tpu.memref_slice %arg5[%add3A_267, %dma_wait3A_268] : memref<20000x128xf32, #tpu.memory_space<hbm>> -> memref<80x128xf32, #tpu.memory_space<hbm>>
        %dma_wait3A_270 = arith.constant 0 : i32
        %dma_wait3A_271 = tpu.memref_slice %arg5[%add3A_267, %dma_wait3A_270] : memref<20000x128xf32, #tpu.memory_space<hbm>> -> memref<80x128xf32, #tpu.memory_space<hbm>>
        tpu.wait_dma2 semaphore(%arg18 : memref<!tpu.dma_semaphore, #tpu.memory_space<semaphore_mem>>) src(%arg11 : memref<80x128xf32, #tpu.memory_space<vmem>>) dst(%dma_wait3A_271 : memref<80x128xf32, #tpu.memory_space<hbm>>)
        %mul3A_272 = arith.constant 640 : i32
        %mul3A_273 = arith.muli %arg1, %mul3A_272 : i32
        %add3A_274 = arith.constant 240 : i32
        %add3A_275 = arith.addi %mul3A_273, %add3A_274 : i32
        %dma_start3A_276 = arith.constant 0 : i32
        %dma_start3A_277 = tpu.memref_slice %arg13[%add3A_275, %dma_start3A_276] : memref<10000x128xf32, #tpu.memory_space<vmem_shared>> -> memref<80x128xf32, #tpu.memory_space<vmem_shared>>
        %dma_start3A_278 = arith.constant 0 : i32
        %dma_start3A_279 = tpu.memref_slice %arg13[%add3A_275, %dma_start3A_278] : memref<10000x128xf32, #tpu.memory_space<vmem_shared>> -> memref<80x128xf32, #tpu.memory_space<vmem_shared>>
        tpu.enqueue_dma source(%dma_start3A_279 : memref<80x128xf32, #tpu.memory_space<vmem_shared>>) target(%arg11 : memref<80x128xf32, #tpu.memory_space<vmem>>) target_semaphore(%arg15 : memref<!tpu.dma_semaphore, #tpu.memory_space<semaphore_mem>>)
      } else {
      }
      %mul3A_252 = arith.constant 10000 : i32
      %mul3A_253 = arith.muli %arg0, %mul3A_252 : i32
      %mul3A_254 = arith.constant 640 : i32
      %mul3A_255 = arith.muli %arg1, %mul3A_254 : i32
      %add3A_256 = arith.addi %mul3A_253, %mul3A_255 : i32
      %add3A_257 = arith.constant 160 : i32
      %add3A_258 = arith.addi %add3A_256, %add3A_257 : i32
      %dma_start3A_259 = arith.constant 0 : i32
      %dma_start3A_260 = tpu.memref_slice %arg5[%add3A_258, %dma_start3A_259] : memref<20000x128xf32, #tpu.memory_space<hbm>> -> memref<80x128xf32, #tpu.memory_space<hbm>>
      %dma_start3A_261 = arith.constant 0 : i32
      %dma_start3A_262 = tpu.memref_slice %arg5[%add3A_258, %dma_start3A_261] : memref<20000x128xf32, #tpu.memory_space<hbm>> -> memref<80x128xf32, #tpu.memory_space<hbm>>
      tpu.enqueue_dma source(%arg10 : memref<80x128xf32, #tpu.memory_space<vmem>>) target(%dma_start3A_262 : memref<80x128xf32, #tpu.memory_space<hbm>>) target_semaphore(%arg17 : memref<!tpu.dma_semaphore, #tpu.memory_space<semaphore_mem>>)
    } else {
    }
    %gt3A_198 = arith.constant 3 : i32
    %gt3A_199 = arith.cmpi sgt, %select_n3A, %gt3A_198 : i32
    %convert_element_type3A_200 = arith.extui %gt3A_199 : i1 to i32
    %cond3A_201 = arith.constant 0 : i32
    %cond3A_202 = arith.cmpi ne, %convert_element_type3A_200, %cond3A_201 : i32
    scf.if %cond3A_202 {
      %mul3A_241 = arith.constant 640 : i32
      %mul3A_242 = arith.muli %arg1, %mul3A_241 : i32
      %dma_wait3A_243 = arith.constant 0 : i32
      %dma_wait3A_244 = tpu.memref_slice %arg13[%mul3A_242, %dma_wait3A_243] : memref<10000x128xf32, #tpu.memory_space<vmem_shared>> -> memref<80x128xf32, #tpu.memory_space<vmem_shared>>
      %dma_wait3A_245 = arith.constant 0 : i32
      %dma_wait3A_246 = tpu.memref_slice %arg13[%mul3A_242, %dma_wait3A_245] : memref<10000x128xf32, #tpu.memory_space<vmem_shared>> -> memref<80x128xf32, #tpu.memory_space<vmem_shared>>
      tpu.wait_dma2 semaphore(%arg15 : memref<!tpu.dma_semaphore, #tpu.memory_space<semaphore_mem>>) src(%dma_wait3A_246 : memref<80x128xf32, #tpu.memory_space<vmem_shared>>) dst(%arg11 : memref<80x128xf32, #tpu.memory_space<vmem>>)
      %gt3A_247 = arith.constant 4 : i32
      %gt3A_248 = arith.cmpi sgt, %select_n3A, %gt3A_247 : i32
      %convert_element_type3A_249 = arith.extui %gt3A_248 : i1 to i32
      %cond3A_250 = arith.constant 0 : i32
      %cond3A_251 = arith.cmpi ne, %convert_element_type3A_249, %cond3A_250 : i32
      scf.if %cond3A_251 {
        %mul3A_263 = arith.constant 10000 : i32
        %mul3A_264 = arith.muli %arg0, %mul3A_263 : i32
        %mul3A_265 = arith.constant 640 : i32
        %mul3A_266 = arith.muli %arg1, %mul3A_265 : i32
        %add3A_267 = arith.addi %mul3A_264, %mul3A_266 : i32
        %dma_wait3A_268 = arith.constant 0 : i32
        %dma_wait3A_269 = tpu.memref_slice %arg5[%add3A_267, %dma_wait3A_268] : memref<20000x128xf32, #tpu.memory_space<hbm>> -> memref<80x128xf32, #tpu.memory_space<hbm>>
        %dma_wait3A_270 = arith.constant 0 : i32
        %dma_wait3A_271 = tpu.memref_slice %arg5[%add3A_267, %dma_wait3A_270] : memref<20000x128xf32, #tpu.memory_space<hbm>> -> memref<80x128xf32, #tpu.memory_space<hbm>>
        tpu.wait_dma2 semaphore(%arg17 : memref<!tpu.dma_semaphore, #tpu.memory_space<semaphore_mem>>) src(%arg10 : memref<80x128xf32, #tpu.memory_space<vmem>>) dst(%dma_wait3A_271 : memref<80x128xf32, #tpu.memory_space<hbm>>)
        %mul3A_272 = arith.constant 640 : i32
        %mul3A_273 = arith.muli %arg1, %mul3A_272 : i32
        %add3A_274 = arith.constant 320 : i32
        %add3A_275 = arith.addi %mul3A_273, %add3A_274 : i32
        %dma_start3A_276 = arith.constant 0 : i32
        %dma_start3A_277 = tpu.memref_slice %arg13[%add3A_275, %dma_start3A_276] : memref<10000x128xf32, #tpu.memory_space<vmem_shared>> -> memref<80x128xf32, #tpu.memory_space<vmem_shared>>
        %dma_start3A_278 = arith.constant 0 : i32
        %dma_start3A_279 = tpu.memref_slice %arg13[%add3A_275, %dma_start3A_278] : memref<10000x128xf32, #tpu.memory_space<vmem_shared>> -> memref<80x128xf32, #tpu.memory_space<vmem_shared>>
        tpu.enqueue_dma source(%dma_start3A_279 : memref<80x128xf32, #tpu.memory_space<vmem_shared>>) target(%arg10 : memref<80x128xf32, #tpu.memory_space<vmem>>) target_semaphore(%arg14 : memref<!tpu.dma_semaphore, #tpu.memory_space<semaphore_mem>>)
      } else {
      }
      %mul3A_252 = arith.constant 10000 : i32
      %mul3A_253 = arith.muli %arg0, %mul3A_252 : i32
      %mul3A_254 = arith.constant 640 : i32
      %mul3A_255 = arith.muli %arg1, %mul3A_254 : i32
      %add3A_256 = arith.addi %mul3A_253, %mul3A_255 : i32
      %add3A_257 = arith.constant 240 : i32
      %add3A_258 = arith.addi %add3A_256, %add3A_257 : i32
      %dma_start3A_259 = arith.constant 0 : i32
      %dma_start3A_260 = tpu.memref_slice %arg5[%add3A_258, %dma_start3A_259] : memref<20000x128xf32, #tpu.memory_space<hbm>> -> memref<80x128xf32, #tpu.memory_space<hbm>>
      %dma_start3A_261 = arith.constant 0 : i32
      %dma_start3A_262 = tpu.memref_slice %arg5[%add3A_258, %dma_start3A_261] : memref<20000x128xf32, #tpu.memory_space<hbm>> -> memref<80x128xf32, #tpu.memory_space<hbm>>
      tpu.enqueue_dma source(%arg11 : memref<80x128xf32, #tpu.memory_space<vmem>>) target(%dma_start3A_262 : memref<80x128xf32, #tpu.memory_space<hbm>>) target_semaphore(%arg18 : memref<!tpu.dma_semaphore, #tpu.memory_space<semaphore_mem>>)
    } else {
    }
    %gt3A_203 = arith.constant 4 : i32
    %gt3A_204 = arith.cmpi sgt, %select_n3A, %gt3A_203 : i32
    %convert_element_type3A_205 = arith.extui %gt3A_204 : i1 to i32
    %cond3A_206 = arith.constant 0 : i32
    %cond3A_207 = arith.cmpi ne, %convert_element_type3A_205, %cond3A_206 : i32
    scf.if %cond3A_207 {
      %mul3A_241 = arith.constant 640 : i32
      %mul3A_242 = arith.muli %arg1, %mul3A_241 : i32
      %dma_wait3A_243 = arith.constant 0 : i32
      %dma_wait3A_244 = tpu.memref_slice %arg13[%mul3A_242, %dma_wait3A_243] : memref<10000x128xf32, #tpu.memory_space<vmem_shared>> -> memref<80x128xf32, #tpu.memory_space<vmem_shared>>
      %dma_wait3A_245 = arith.constant 0 : i32
      %dma_wait3A_246 = tpu.memref_slice %arg13[%mul3A_242, %dma_wait3A_245] : memref<10000x128xf32, #tpu.memory_space<vmem_shared>> -> memref<80x128xf32, #tpu.memory_space<vmem_shared>>
      tpu.wait_dma2 semaphore(%arg14 : memref<!tpu.dma_semaphore, #tpu.memory_space<semaphore_mem>>) src(%dma_wait3A_246 : memref<80x128xf32, #tpu.memory_space<vmem_shared>>) dst(%arg10 : memref<80x128xf32, #tpu.memory_space<vmem>>)
      %gt3A_247 = arith.constant 5 : i32
      %gt3A_248 = arith.cmpi sgt, %select_n3A, %gt3A_247 : i32
      %convert_element_type3A_249 = arith.extui %gt3A_248 : i1 to i32
      %cond3A_250 = arith.constant 0 : i32
      %cond3A_251 = arith.cmpi ne, %convert_element_type3A_249, %cond3A_250 : i32
      scf.if %cond3A_251 {
        %mul3A_263 = arith.constant 10000 : i32
        %mul3A_264 = arith.muli %arg0, %mul3A_263 : i32
        %mul3A_265 = arith.constant 640 : i32
        %mul3A_266 = arith.muli %arg1, %mul3A_265 : i32
        %add3A_267 = arith.addi %mul3A_264, %mul3A_266 : i32
        %dma_wait3A_268 = arith.constant 0 : i32
        %dma_wait3A_269 = tpu.memref_slice %arg5[%add3A_267, %dma_wait3A_268] : memref<20000x128xf32, #tpu.memory_space<hbm>> -> memref<80x128xf32, #tpu.memory_space<hbm>>
        %dma_wait3A_270 = arith.constant 0 : i32
        %dma_wait3A_271 = tpu.memref_slice %arg5[%add3A_267, %dma_wait3A_270] : memref<20000x128xf32, #tpu.memory_space<hbm>> -> memref<80x128xf32, #tpu.memory_space<hbm>>
        tpu.wait_dma2 semaphore(%arg18 : memref<!tpu.dma_semaphore, #tpu.memory_space<semaphore_mem>>) src(%arg11 : memref<80x128xf32, #tpu.memory_space<vmem>>) dst(%dma_wait3A_271 : memref<80x128xf32, #tpu.memory_space<hbm>>)
        %mul3A_272 = arith.constant 640 : i32
        %mul3A_273 = arith.muli %arg1, %mul3A_272 : i32
        %add3A_274 = arith.constant 400 : i32
        %add3A_275 = arith.addi %mul3A_273, %add3A_274 : i32
        %dma_start3A_276 = arith.constant 0 : i32
        %dma_start3A_277 = tpu.memref_slice %arg13[%add3A_275, %dma_start3A_276] : memref<10000x128xf32, #tpu.memory_space<vmem_shared>> -> memref<80x128xf32, #tpu.memory_space<vmem_shared>>
        %dma_start3A_278 = arith.constant 0 : i32
        %dma_start3A_279 = tpu.memref_slice %arg13[%add3A_275, %dma_start3A_278] : memref<10000x128xf32, #tpu.memory_space<vmem_shared>> -> memref<80x128xf32, #tpu.memory_space<vmem_shared>>
        tpu.enqueue_dma source(%dma_start3A_279 : memref<80x128xf32, #tpu.memory_space<vmem_shared>>) target(%arg11 : memref<80x128xf32, #tpu.memory_space<vmem>>) target_semaphore(%arg15 : memref<!tpu.dma_semaphore, #tpu.memory_space<semaphore_mem>>)
      } else {
      }
      %mul3A_252 = arith.constant 10000 : i32
      %mul3A_253 = arith.muli %arg0, %mul3A_252 : i32
      %mul3A_254 = arith.constant 640 : i32
      %mul3A_255 = arith.muli %arg1, %mul3A_254 : i32
      %add3A_256 = arith.addi %mul3A_253, %mul3A_255 : i32
      %add3A_257 = arith.constant 320 : i32
      %add3A_258 = arith.addi %add3A_256, %add3A_257 : i32
      %dma_start3A_259 = arith.constant 0 : i32
      %dma_start3A_260 = tpu.memref_slice %arg5[%add3A_258, %dma_start3A_259] : memref<20000x128xf32, #tpu.memory_space<hbm>> -> memref<80x128xf32, #tpu.memory_space<hbm>>
      %dma_start3A_261 = arith.constant 0 : i32
      %dma_start3A_262 = tpu.memref_slice %arg5[%add3A_258, %dma_start3A_261] : memref<20000x128xf32, #tpu.memory_space<hbm>> -> memref<80x128xf32, #tpu.memory_space<hbm>>
      tpu.enqueue_dma source(%arg10 : memref<80x128xf32, #tpu.memory_space<vmem>>) target(%dma_start3A_262 : memref<80x128xf32, #tpu.memory_space<hbm>>) target_semaphore(%arg17 : memref<!tpu.dma_semaphore, #tpu.memory_space<semaphore_mem>>)
    } else {
    }
    %gt3A_208 = arith.constant 5 : i32
    %gt3A_209 = arith.cmpi sgt, %select_n3A, %gt3A_208 : i32
    %convert_element_type3A_210 = arith.extui %gt3A_209 : i1 to i32
    %cond3A_211 = arith.constant 0 : i32
    %cond3A_212 = arith.cmpi ne, %convert_element_type3A_210, %cond3A_211 : i32
    scf.if %cond3A_212 {
      %mul3A_241 = arith.constant 640 : i32
      %mul3A_242 = arith.muli %arg1, %mul3A_241 : i32
      %dma_wait3A_243 = arith.constant 0 : i32
      %dma_wait3A_244 = tpu.memref_slice %arg13[%mul3A_242, %dma_wait3A_243] : memref<10000x128xf32, #tpu.memory_space<vmem_shared>> -> memref<80x128xf32, #tpu.memory_space<vmem_shared>>
      %dma_wait3A_245 = arith.constant 0 : i32
      %dma_wait3A_246 = tpu.memref_slice %arg13[%mul3A_242, %dma_wait3A_245] : memref<10000x128xf32, #tpu.memory_space<vmem_shared>> -> memref<80x128xf32, #tpu.memory_space<vmem_shared>>
      tpu.wait_dma2 semaphore(%arg15 : memref<!tpu.dma_semaphore, #tpu.memory_space<semaphore_mem>>) src(%dma_wait3A_246 : memref<80x128xf32, #tpu.memory_space<vmem_shared>>) dst(%arg11 : memref<80x128xf32, #tpu.memory_space<vmem>>)
      %gt3A_247 = arith.constant 6 : i32
      %gt3A_248 = arith.cmpi sgt, %select_n3A, %gt3A_247 : i32
      %convert_element_type3A_249 = arith.extui %gt3A_248 : i1 to i32
      %cond3A_250 = arith.constant 0 : i32
      %cond3A_251 = arith.cmpi ne, %convert_element_type3A_249, %cond3A_250 : i32
      scf.if %cond3A_251 {
        %mul3A_263 = arith.constant 10000 : i32
        %mul3A_264 = arith.muli %arg0, %mul3A_263 : i32
        %mul3A_265 = arith.constant 640 : i32
        %mul3A_266 = arith.muli %arg1, %mul3A_265 : i32
        %add3A_267 = arith.addi %mul3A_264, %mul3A_266 : i32
        %dma_wait3A_268 = arith.constant 0 : i32
        %dma_wait3A_269 = tpu.memref_slice %arg5[%add3A_267, %dma_wait3A_268] : memref<20000x128xf32, #tpu.memory_space<hbm>> -> memref<80x128xf32, #tpu.memory_space<hbm>>
        %dma_wait3A_270 = arith.constant 0 : i32
        %dma_wait3A_271 = tpu.memref_slice %arg5[%add3A_267, %dma_wait3A_270] : memref<20000x128xf32, #tpu.memory_space<hbm>> -> memref<80x128xf32, #tpu.memory_space<hbm>>
        tpu.wait_dma2 semaphore(%arg17 : memref<!tpu.dma_semaphore, #tpu.memory_space<semaphore_mem>>) src(%arg10 : memref<80x128xf32, #tpu.memory_space<vmem>>) dst(%dma_wait3A_271 : memref<80x128xf32, #tpu.memory_space<hbm>>)
        %mul3A_272 = arith.constant 640 : i32
        %mul3A_273 = arith.muli %arg1, %mul3A_272 : i32
        %add3A_274 = arith.constant 480 : i32
        %add3A_275 = arith.addi %mul3A_273, %add3A_274 : i32
        %dma_start3A_276 = arith.constant 0 : i32
        %dma_start3A_277 = tpu.memref_slice %arg13[%add3A_275, %dma_start3A_276] : memref<10000x128xf32, #tpu.memory_space<vmem_shared>> -> memref<80x128xf32, #tpu.memory_space<vmem_shared>>
        %dma_start3A_278 = arith.constant 0 : i32
        %dma_start3A_279 = tpu.memref_slice %arg13[%add3A_275, %dma_start3A_278] : memref<10000x128xf32, #tpu.memory_space<vmem_shared>> -> memref<80x128xf32, #tpu.memory_space<vmem_shared>>
        tpu.enqueue_dma source(%dma_start3A_279 : memref<80x128xf32, #tpu.memory_space<vmem_shared>>) target(%arg10 : memref<80x128xf32, #tpu.memory_space<vmem>>) target_semaphore(%arg14 : memref<!tpu.dma_semaphore, #tpu.memory_space<semaphore_mem>>)
      } else {
      }
      %mul3A_252 = arith.constant 10000 : i32
      %mul3A_253 = arith.muli %arg0, %mul3A_252 : i32
      %mul3A_254 = arith.constant 640 : i32
      %mul3A_255 = arith.muli %arg1, %mul3A_254 : i32
      %add3A_256 = arith.addi %mul3A_253, %mul3A_255 : i32
      %add3A_257 = arith.constant 400 : i32
      %add3A_258 = arith.addi %add3A_256, %add3A_257 : i32
      %dma_start3A_259 = arith.constant 0 : i32
      %dma_start3A_260 = tpu.memref_slice %arg5[%add3A_258, %dma_start3A_259] : memref<20000x128xf32, #tpu.memory_space<hbm>> -> memref<80x128xf32, #tpu.memory_space<hbm>>
      %dma_start3A_261 = arith.constant 0 : i32
      %dma_start3A_262 = tpu.memref_slice %arg5[%add3A_258, %dma_start3A_261] : memref<20000x128xf32, #tpu.memory_space<hbm>> -> memref<80x128xf32, #tpu.memory_space<hbm>>
      tpu.enqueue_dma source(%arg11 : memref<80x128xf32, #tpu.memory_space<vmem>>) target(%dma_start3A_262 : memref<80x128xf32, #tpu.memory_space<hbm>>) target_semaphore(%arg18 : memref<!tpu.dma_semaphore, #tpu.memory_space<semaphore_mem>>)
    } else {
    }
    %gt3A_213 = arith.constant 6 : i32
    %gt3A_214 = arith.cmpi sgt, %select_n3A, %gt3A_213 : i32
    %convert_element_type3A_215 = arith.extui %gt3A_214 : i1 to i32
    %cond3A_216 = arith.constant 0 : i32
    %cond3A_217 = arith.cmpi ne, %convert_element_type3A_215, %cond3A_216 : i32
    scf.if %cond3A_217 {
      %mul3A_241 = arith.constant 640 : i32
      %mul3A_242 = arith.muli %arg1, %mul3A_241 : i32
      %dma_wait3A_243 = arith.constant 0 : i32
      %dma_wait3A_244 = tpu.memref_slice %arg13[%mul3A_242, %dma_wait3A_243] : memref<10000x128xf32, #tpu.memory_space<vmem_shared>> -> memref<80x128xf32, #tpu.memory_space<vmem_shared>>
      %dma_wait3A_245 = arith.constant 0 : i32
      %dma_wait3A_246 = tpu.memref_slice %arg13[%mul3A_242, %dma_wait3A_245] : memref<10000x128xf32, #tpu.memory_space<vmem_shared>> -> memref<80x128xf32, #tpu.memory_space<vmem_shared>>
      tpu.wait_dma2 semaphore(%arg14 : memref<!tpu.dma_semaphore, #tpu.memory_space<semaphore_mem>>) src(%dma_wait3A_246 : memref<80x128xf32, #tpu.memory_space<vmem_shared>>) dst(%arg10 : memref<80x128xf32, #tpu.memory_space<vmem>>)
      %gt3A_247 = arith.constant 7 : i32
      %gt3A_248 = arith.cmpi sgt, %select_n3A, %gt3A_247 : i32
      %convert_element_type3A_249 = arith.extui %gt3A_248 : i1 to i32
      %cond3A_250 = arith.constant 0 : i32
      %cond3A_251 = arith.cmpi ne, %convert_element_type3A_249, %cond3A_250 : i32
      scf.if %cond3A_251 {
        %mul3A_263 = arith.constant 10000 : i32
        %mul3A_264 = arith.muli %arg0, %mul3A_263 : i32
        %mul3A_265 = arith.constant 640 : i32
        %mul3A_266 = arith.muli %arg1, %mul3A_265 : i32
        %add3A_267 = arith.addi %mul3A_264, %mul3A_266 : i32
        %dma_wait3A_268 = arith.constant 0 : i32
        %dma_wait3A_269 = tpu.memref_slice %arg5[%add3A_267, %dma_wait3A_268] : memref<20000x128xf32, #tpu.memory_space<hbm>> -> memref<80x128xf32, #tpu.memory_space<hbm>>
        %dma_wait3A_270 = arith.constant 0 : i32
        %dma_wait3A_271 = tpu.memref_slice %arg5[%add3A_267, %dma_wait3A_270] : memref<20000x128xf32, #tpu.memory_space<hbm>> -> memref<80x128xf32, #tpu.memory_space<hbm>>
        tpu.wait_dma2 semaphore(%arg18 : memref<!tpu.dma_semaphore, #tpu.memory_space<semaphore_mem>>) src(%arg11 : memref<80x128xf32, #tpu.memory_space<vmem>>) dst(%dma_wait3A_271 : memref<80x128xf32, #tpu.memory_space<hbm>>)
        %mul3A_272 = arith.constant 640 : i32
        %mul3A_273 = arith.muli %arg1, %mul3A_272 : i32
        %add3A_274 = arith.constant 560 : i32
        %add3A_275 = arith.addi %mul3A_273, %add3A_274 : i32
        %dma_start3A_276 = arith.constant 0 : i32
        %dma_start3A_277 = tpu.memref_slice %arg13[%add3A_275, %dma_start3A_276] : memref<10000x128xf32, #tpu.memory_space<vmem_shared>> -> memref<80x128xf32, #tpu.memory_space<vmem_shared>>
        %dma_start3A_278 = arith.constant 0 : i32
        %dma_start3A_279 = tpu.memref_slice %arg13[%add3A_275, %dma_start3A_278] : memref<10000x128xf32, #tpu.memory_space<vmem_shared>> -> memref<80x128xf32, #tpu.memory_space<vmem_shared>>
        tpu.enqueue_dma source(%dma_start3A_279 : memref<80x128xf32, #tpu.memory_space<vmem_shared>>) target(%arg11 : memref<80x128xf32, #tpu.memory_space<vmem>>) target_semaphore(%arg15 : memref<!tpu.dma_semaphore, #tpu.memory_space<semaphore_mem>>)
      } else {
      }
      %mul3A_252 = arith.constant 10000 : i32
      %mul3A_253 = arith.muli %arg0, %mul3A_252 : i32
      %mul3A_254 = arith.constant 640 : i32
      %mul3A_255 = arith.muli %arg1, %mul3A_254 : i32
      %add3A_256 = arith.addi %mul3A_253, %mul3A_255 : i32
      %add3A_257 = arith.constant 480 : i32
      %add3A_258 = arith.addi %add3A_256, %add3A_257 : i32
      %dma_start3A_259 = arith.constant 0 : i32
      %dma_start3A_260 = tpu.memref_slice %arg5[%add3A_258, %dma_start3A_259] : memref<20000x128xf32, #tpu.memory_space<hbm>> -> memref<80x128xf32, #tpu.memory_space<hbm>>
      %dma_start3A_261 = arith.constant 0 : i32
      %dma_start3A_262 = tpu.memref_slice %arg5[%add3A_258, %dma_start3A_261] : memref<20000x128xf32, #tpu.memory_space<hbm>> -> memref<80x128xf32, #tpu.memory_space<hbm>>
      tpu.enqueue_dma source(%arg10 : memref<80x128xf32, #tpu.memory_space<vmem>>) target(%dma_start3A_262 : memref<80x128xf32, #tpu.memory_space<hbm>>) target_semaphore(%arg17 : memref<!tpu.dma_semaphore, #tpu.memory_space<semaphore_mem>>)
    } else {
    }
    %gt3A_218 = arith.constant 7 : i32
    %gt3A_219 = arith.cmpi sgt, %select_n3A, %gt3A_218 : i32
    %convert_element_type3A_220 = arith.extui %gt3A_219 : i1 to i32
    %cond3A_221 = arith.constant 0 : i32
    %cond3A_222 = arith.cmpi ne, %convert_element_type3A_220, %cond3A_221 : i32
    scf.if %cond3A_222 {
      %mul3A_241 = arith.constant 640 : i32
      %mul3A_242 = arith.muli %arg1, %mul3A_241 : i32
      %dma_wait3A_243 = arith.constant 0 : i32
      %dma_wait3A_244 = tpu.memref_slice %arg13[%mul3A_242, %dma_wait3A_243] : memref<10000x128xf32, #tpu.memory_space<vmem_shared>> -> memref<80x128xf32, #tpu.memory_space<vmem_shared>>
      %dma_wait3A_245 = arith.constant 0 : i32
      %dma_wait3A_246 = tpu.memref_slice %arg13[%mul3A_242, %dma_wait3A_245] : memref<10000x128xf32, #tpu.memory_space<vmem_shared>> -> memref<80x128xf32, #tpu.memory_space<vmem_shared>>
      tpu.wait_dma2 semaphore(%arg15 : memref<!tpu.dma_semaphore, #tpu.memory_space<semaphore_mem>>) src(%dma_wait3A_246 : memref<80x128xf32, #tpu.memory_space<vmem_shared>>) dst(%arg11 : memref<80x128xf32, #tpu.memory_space<vmem>>)
      %gt3A_247 = arith.constant 8 : i32
      %gt3A_248 = arith.cmpi sgt, %select_n3A, %gt3A_247 : i32
      %convert_element_type3A_249 = arith.extui %gt3A_248 : i1 to i32
      %cond3A_250 = arith.constant 0 : i32
      %cond3A_251 = arith.cmpi ne, %convert_element_type3A_249, %cond3A_250 : i32
      scf.if %cond3A_251 {
        %mul3A_263 = arith.constant 10000 : i32
        %mul3A_264 = arith.muli %arg0, %mul3A_263 : i32
        %mul3A_265 = arith.constant 640 : i32
        %mul3A_266 = arith.muli %arg1, %mul3A_265 : i32
        %add3A_267 = arith.addi %mul3A_264, %mul3A_266 : i32
        %dma_wait3A_268 = arith.constant 0 : i32
        %dma_wait3A_269 = tpu.memref_slice %arg5[%add3A_267, %dma_wait3A_268] : memref<20000x128xf32, #tpu.memory_space<hbm>> -> memref<80x128xf32, #tpu.memory_space<hbm>>
        %dma_wait3A_270 = arith.constant 0 : i32
        %dma_wait3A_271 = tpu.memref_slice %arg5[%add3A_267, %dma_wait3A_270] : memref<20000x128xf32, #tpu.memory_space<hbm>> -> memref<80x128xf32, #tpu.memory_space<hbm>>
        tpu.wait_dma2 semaphore(%arg17 : memref<!tpu.dma_semaphore, #tpu.memory_space<semaphore_mem>>) src(%arg10 : memref<80x128xf32, #tpu.memory_space<vmem>>) dst(%dma_wait3A_271 : memref<80x128xf32, #tpu.memory_space<hbm>>)
        %mul3A_272 = arith.constant 640 : i32
        %mul3A_273 = arith.muli %arg1, %mul3A_272 : i32
        %add3A_274 = arith.constant 640 : i32
        %add3A_275 = arith.addi %mul3A_273, %add3A_274 : i32
        %dma_start3A_276 = arith.constant 0 : i32
        %dma_start3A_277 = tpu.memref_slice %arg13[%add3A_275, %dma_start3A_276] : memref<10000x128xf32, #tpu.memory_space<vmem_shared>> -> memref<80x128xf32, #tpu.memory_space<vmem_shared>>
        %dma_start3A_278 = arith.constant 0 : i32
        %dma_start3A_279 = tpu.memref_slice %arg13[%add3A_275, %dma_start3A_278] : memref<10000x128xf32, #tpu.memory_space<vmem_shared>> -> memref<80x128xf32, #tpu.memory_space<vmem_shared>>
        tpu.enqueue_dma source(%dma_start3A_279 : memref<80x128xf32, #tpu.memory_space<vmem_shared>>) target(%arg10 : memref<80x128xf32, #tpu.memory_space<vmem>>) target_semaphore(%arg14 : memref<!tpu.dma_semaphore, #tpu.memory_space<semaphore_mem>>)
      } else {
      }
      %mul3A_252 = arith.constant 10000 : i32
      %mul3A_253 = arith.muli %arg0, %mul3A_252 : i32
      %mul3A_254 = arith.constant 640 : i32
      %mul3A_255 = arith.muli %arg1, %mul3A_254 : i32
      %add3A_256 = arith.addi %mul3A_253, %mul3A_255 : i32
      %add3A_257 = arith.constant 560 : i32
      %add3A_258 = arith.addi %add3A_256, %add3A_257 : i32
      %dma_start3A_259 = arith.constant 0 : i32
      %dma_start3A_260 = tpu.memref_slice %arg5[%add3A_258, %dma_start3A_259] : memref<20000x128xf32, #tpu.memory_space<hbm>> -> memref<80x128xf32, #tpu.memory_space<hbm>>
      %dma_start3A_261 = arith.constant 0 : i32
      %dma_start3A_262 = tpu.memref_slice %arg5[%add3A_258, %dma_start3A_261] : memref<20000x128xf32, #tpu.memory_space<hbm>> -> memref<80x128xf32, #tpu.memory_space<hbm>>
      tpu.enqueue_dma source(%arg11 : memref<80x128xf32, #tpu.memory_space<vmem>>) target(%dma_start3A_262 : memref<80x128xf32, #tpu.memory_space<hbm>>) target_semaphore(%arg18 : memref<!tpu.dma_semaphore, #tpu.memory_space<semaphore_mem>>)
    } else {
    }
    %mul3A_223 = arith.constant 10000 : i32
    %mul3A_224 = arith.muli %arg0, %mul3A_223 : i32
    %mul3A_225 = arith.constant 640 : i32
    %mul3A_226 = arith.muli %arg1, %mul3A_225 : i32
    %add3A_227 = arith.addi %mul3A_224, %mul3A_226 : i32
    %dma_wait3A_228 = arith.constant 0 : i32
    %dma_wait3A_229 = tpu.memref_slice %arg5[%add3A_227, %dma_wait3A_228] : memref<20000x128xf32, #tpu.memory_space<hbm>> -> memref<80x128xf32, #tpu.memory_space<hbm>>
    %dma_wait3A_230 = arith.constant 0 : i32
    %dma_wait3A_231 = tpu.memref_slice %arg5[%add3A_227, %dma_wait3A_230] : memref<20000x128xf32, #tpu.memory_space<hbm>> -> memref<80x128xf32, #tpu.memory_space<hbm>>
    tpu.wait_dma2 semaphore(%arg17 : memref<!tpu.dma_semaphore, #tpu.memory_space<semaphore_mem>>) src(%arg10 : memref<80x128xf32, #tpu.memory_space<vmem>>) dst(%dma_wait3A_231 : memref<80x128xf32, #tpu.memory_space<hbm>>)
    %mul3A_232 = arith.constant 10000 : i32
    %mul3A_233 = arith.muli %arg0, %mul3A_232 : i32
    %mul3A_234 = arith.constant 640 : i32
    %mul3A_235 = arith.muli %arg1, %mul3A_234 : i32
    %add3A_236 = arith.addi %mul3A_233, %mul3A_235 : i32
    %dma_wait3A_237 = arith.constant 0 : i32
    %dma_wait3A_238 = tpu.memref_slice %arg5[%add3A_236, %dma_wait3A_237] : memref<20000x128xf32, #tpu.memory_space<hbm>> -> memref<80x128xf32, #tpu.memory_space<hbm>>
    %dma_wait3A_239 = arith.constant 0 : i32
    %dma_wait3A_240 = tpu.memref_slice %arg5[%add3A_236, %dma_wait3A_239] : memref<20000x128xf32, #tpu.memory_space<hbm>> -> memref<80x128xf32, #tpu.memory_space<hbm>>
    tpu.wait_dma2 semaphore(%arg18 : memref<!tpu.dma_semaphore, #tpu.memory_space<semaphore_mem>>) src(%arg11 : memref<80x128xf32, #tpu.memory_space<vmem>>) dst(%dma_wait3A_240 : memref<80x128xf32, #tpu.memory_space<hbm>>)
    return
  }
}

#map = affine_map<(d0, d1) -> (0)>
module attributes {stable_mosaic.version = 14 : i64} {
  func.func @_deg_body(%arg0: i32, %arg1: i32, %arg2: memref<320000xi32, #tpu.memory_space<hbm>>, %arg3: memref<10240xf32, #tpu.memory_space<hbm>>, %arg4: memref<10240xf32, #tpu.memory_space<hbm>>, %arg5: memref<10000xi32, #tpu.memory_space<vmem>>, %arg6: memref<10240xf32, #tpu.memory_space<vmem>>, %arg7: memref<640xf32, #tpu.memory_space<vmem>>, %arg8: memref<163840xf32, #tpu.memory_space<vmem_shared>>) attributes {dimension_semantics = [#tpu.dimension_semantics<core_parallel>, #tpu.dimension_semantics<subcore_parallel>], iteration_bounds = array<i64: 2, 16>, scalar_prefetch = 0 : i64, scratch_operands = 4 : i64, tpu.core_type = #tpu.core_type<sc_vector_subcore>, window_params = [{transform_indices = #map}, {transform_indices = #map}, {transform_indices = #map}]} {
    %mul3A = arith.constant 16 : i32
    %mul3A_0 = arith.muli %arg0, %mul3A : i32
    %add3A = arith.addi %mul3A_0, %arg1 : i32
    %scan3A = arith.constant 0 : i32
    %scan3A_1 = arith.constant 0 : i32
    %scan3A_2 = arith.constant 640 : i32
    %scan3A_3 = arith.addi %scan3A_1, %scan3A_2 : i32
    %scan3A_4 = arith.constant 1 : i32
    %scan3A_5 = scf.for %scan3A_97 = %scan3A_1 to %scan3A_3 step %scan3A_4 iter_args(%scan3A_98 = %scan3A) -> (i32)  : i32 {
      %broadcast_in_dim3A_99 = arith.constant 0.000000e+00 : f32
      %broadcast_in_dim3A_100 = vector.broadcast %broadcast_in_dim3A_99 : f32 to vector<16xf32>
      %mul3A_101 = arith.constant 16 : i32
      %mul3A_102 = arith.muli %scan3A_97, %mul3A_101 : i32
      %swap3A = arith.index_cast %mul3A_102 : i32 to index
      %swap3A_103 = tpu.vector_load %arg6[%swap3A] {strides = array<i32>} : memref<10240xf32, #tpu.memory_space<vmem>>, vector<16xf32>,
      tpu.vector_store %arg6[%swap3A], %broadcast_in_dim3A_100 {strides = array<i32>} : memref<10240xf32, #tpu.memory_space<vmem>>, vector<16xf32>,
      %scan3A_104 = arith.constant 0 : i32
      scf.yield %scan3A_104 : i32
    }
    %scan3A_6 = arith.constant 640 : i32
    %mul3A_7 = arith.constant 10000 : i32
    %mul3A_8 = arith.muli %add3A, %mul3A_7 : i32
    "tpu.region"() ({
      %run_scoped3A = tpu.sem_alloc : memref<!tpu.dma_semaphore, #tpu.memory_space<semaphore_mem>>
      %dma_start3A = tpu.memref_slice %arg2[%mul3A_8] : memref<320000xi32, #tpu.memory_space<hbm>> -> memref<10000xi32, #tpu.memory_space<hbm>>
      %dma_start3A_97 = tpu.memref_slice %arg2[%mul3A_8] : memref<320000xi32, #tpu.memory_space<hbm>> -> memref<10000xi32, #tpu.memory_space<hbm>>
      tpu.enqueue_dma source(%dma_start3A_97 : memref<10000xi32, #tpu.memory_space<hbm>>) target(%arg5 : memref<10000xi32, #tpu.memory_space<vmem>>) target_semaphore(%run_scoped3A : memref<!tpu.dma_semaphore, #tpu.memory_space<semaphore_mem>>)
      %dma_wait3A = tpu.memref_slice %arg2[%mul3A_8] : memref<320000xi32, #tpu.memory_space<hbm>> -> memref<10000xi32, #tpu.memory_space<hbm>>
      %dma_wait3A_98 = tpu.memref_slice %arg2[%mul3A_8] : memref<320000xi32, #tpu.memory_space<hbm>> -> memref<10000xi32, #tpu.memory_space<hbm>>
      tpu.wait_dma2 semaphore(%run_scoped3A : memref<!tpu.dma_semaphore, #tpu.memory_space<semaphore_mem>>) src(%dma_wait3A_98 : memref<10000xi32, #tpu.memory_space<hbm>>) dst(%arg5 : memref<10000xi32, #tpu.memory_space<vmem>>)
      tpu.yield
    }) : () -> ()
    %broadcast_in_dim3A = arith.constant 1.000000e+00 : f32
    %broadcast_in_dim3A_9 = vector.broadcast %broadcast_in_dim3A : f32 to vector<16xf32>
    %scan3A_10 = arith.constant 0 : i32
    %scan3A_11 = arith.constant 0 : i32
    %scan3A_12 = arith.constant 625 : i32
    %scan3A_13 = arith.addi %scan3A_11, %scan3A_12 : i32
    %scan3A_14 = arith.constant 1 : i32
    %scan3A_15 = scf.for %scan3A_97 = %scan3A_11 to %scan3A_13 step %scan3A_14 iter_args(%scan3A_98 = %scan3A_10) -> (i32)  : i32 {
      %mul3A_99 = arith.constant 16 : i32
      %mul3A_100 = arith.muli %scan3A_97, %mul3A_99 : i32
      %get3A = arith.index_cast %mul3A_100 : i32 to index
      %get3A_101 = tpu.vector_load %arg5[%get3A] {strides = array<i32>} : memref<10000xi32, #tpu.memory_space<vmem>>, vector<16xi32>,
      tpu.vector_store_idx %arg6[%get3A_101], %broadcast_in_dim3A_9 {add = true} : memref<10240xf32, #tpu.memory_space<vmem>>[vector<16xi32>], vector<16xf32>,
      %scan3A_102 = arith.constant 0 : i32
      scf.yield %scan3A_102 : i32
    }
    %scan3A_16 = arith.constant 625 : i32
    %mul3A_17 = arith.constant 10240 : i32
    %mul3A_18 = arith.muli %arg1, %mul3A_17 : i32
    "tpu.region"() ({
      %run_scoped3A = tpu.sem_alloc : memref<!tpu.dma_semaphore, #tpu.memory_space<semaphore_mem>>
      %dma_start3A = tpu.memref_slice %arg8[%mul3A_18] : memref<163840xf32, #tpu.memory_space<vmem_shared>> -> memref<10240xf32, #tpu.memory_space<vmem_shared>>
      %dma_start3A_97 = tpu.memref_slice %arg8[%mul3A_18] : memref<163840xf32, #tpu.memory_space<vmem_shared>> -> memref<10240xf32, #tpu.memory_space<vmem_shared>>
      tpu.enqueue_dma source(%arg6 : memref<10240xf32, #tpu.memory_space<vmem>>) target(%dma_start3A_97 : memref<10240xf32, #tpu.memory_space<vmem_shared>>) target_semaphore(%run_scoped3A : memref<!tpu.dma_semaphore, #tpu.memory_space<semaphore_mem>>)
      %dma_wait3A = tpu.memref_slice %arg8[%mul3A_18] : memref<163840xf32, #tpu.memory_space<vmem_shared>> -> memref<10240xf32, #tpu.memory_space<vmem_shared>>
      %dma_wait3A_98 = tpu.memref_slice %arg8[%mul3A_18] : memref<163840xf32, #tpu.memory_space<vmem_shared>> -> memref<10240xf32, #tpu.memory_space<vmem_shared>>
      tpu.wait_dma2 semaphore(%run_scoped3A : memref<!tpu.dma_semaphore, #tpu.memory_space<semaphore_mem>>) src(%arg6 : memref<10240xf32, #tpu.memory_space<vmem>>) dst(%dma_wait3A_98 : memref<10240xf32, #tpu.memory_space<vmem_shared>>)
      tpu.yield
    }) : () -> ()
    %barrier3A = arith.constant 0 : index
    tpu.barrier barrier_id(%barrier3A)
    %mul3A_19 = arith.constant 640 : i32
    %mul3A_20 = arith.muli %arg1, %mul3A_19 : i32
    %add3A_21 = arith.constant 0 : i32
    %add3A_22 = arith.addi %add3A_21, %mul3A_20 : i32
    "tpu.region"() ({
      %run_scoped3A = tpu.sem_alloc : memref<!tpu.dma_semaphore, #tpu.memory_space<semaphore_mem>>
      %dma_start3A = arith.constant 0 : i32
      %dma_start3A_97 = tpu.memref_slice %arg6[%dma_start3A] : memref<10240xf32, #tpu.memory_space<vmem>> -> memref<640xf32, #tpu.memory_space<vmem>>
      %dma_start3A_98 = tpu.memref_slice %arg8[%add3A_22] : memref<163840xf32, #tpu.memory_space<vmem_shared>> -> memref<640xf32, #tpu.memory_space<vmem_shared>>
      %dma_start3A_99 = arith.constant 0 : i32
      %dma_start3A_100 = tpu.memref_slice %arg6[%dma_start3A_99] : memref<10240xf32, #tpu.memory_space<vmem>> -> memref<640xf32, #tpu.memory_space<vmem>>
      %dma_start3A_101 = tpu.memref_slice %arg8[%add3A_22] : memref<163840xf32, #tpu.memory_space<vmem_shared>> -> memref<640xf32, #tpu.memory_space<vmem_shared>>
      tpu.enqueue_dma source(%dma_start3A_101 : memref<640xf32, #tpu.memory_space<vmem_shared>>) target(%dma_start3A_100 : memref<640xf32, #tpu.memory_space<vmem>>) target_semaphore(%run_scoped3A : memref<!tpu.dma_semaphore, #tpu.memory_space<semaphore_mem>>)
      %dma_wait3A = arith.constant 0 : i32
      %dma_wait3A_102 = tpu.memref_slice %arg6[%dma_wait3A] : memref<10240xf32, #tpu.memory_space<vmem>> -> memref<640xf32, #tpu.memory_space<vmem>>
      %dma_wait3A_103 = tpu.memref_slice %arg8[%add3A_22] : memref<163840xf32, #tpu.memory_space<vmem_shared>> -> memref<640xf32, #tpu.memory_space<vmem_shared>>
      %dma_wait3A_104 = arith.constant 0 : i32
      %dma_wait3A_105 = tpu.memref_slice %arg6[%dma_wait3A_104] : memref<10240xf32, #tpu.memory_space<vmem>> -> memref<640xf32, #tpu.memory_space<vmem>>
      %dma_wait3A_106 = tpu.memref_slice %arg8[%add3A_22] : memref<163840xf32, #tpu.memory_space<vmem_shared>> -> memref<640xf32, #tpu.memory_space<vmem_shared>>
      tpu.wait_dma2 semaphore(%run_scoped3A : memref<!tpu.dma_semaphore, #tpu.memory_space<semaphore_mem>>) src(%dma_wait3A_106 : memref<640xf32, #tpu.memory_space<vmem_shared>>) dst(%dma_wait3A_105 : memref<640xf32, #tpu.memory_space<vmem>>)
      tpu.yield
    }) : () -> ()
    %mul3A_23 = arith.constant 640 : i32
    %mul3A_24 = arith.muli %arg1, %mul3A_23 : i32
    %add3A_25 = arith.constant 10240 : i32
    %add3A_26 = arith.addi %add3A_25, %mul3A_24 : i32
    "tpu.region"() ({
      %run_scoped3A = tpu.sem_alloc : memref<!tpu.dma_semaphore, #tpu.memory_space<semaphore_mem>>
      %dma_start3A = arith.constant 640 : i32
      %dma_start3A_97 = tpu.memref_slice %arg6[%dma_start3A] : memref<10240xf32, #tpu.memory_space<vmem>> -> memref<640xf32, #tpu.memory_space<vmem>>
      %dma_start3A_98 = tpu.memref_slice %arg8[%add3A_26] : memref<163840xf32, #tpu.memory_space<vmem_shared>> -> memref<640xf32, #tpu.memory_space<vmem_shared>>
      %dma_start3A_99 = arith.constant 640 : i32
      %dma_start3A_100 = tpu.memref_slice %arg6[%dma_start3A_99] : memref<10240xf32, #tpu.memory_space<vmem>> -> memref<640xf32, #tpu.memory_space<vmem>>
      %dma_start3A_101 = tpu.memref_slice %arg8[%add3A_26] : memref<163840xf32, #tpu.memory_space<vmem_shared>> -> memref<640xf32, #tpu.memory_space<vmem_shared>>
      tpu.enqueue_dma source(%dma_start3A_101 : memref<640xf32, #tpu.memory_space<vmem_shared>>) target(%dma_start3A_100 : memref<640xf32, #tpu.memory_space<vmem>>) target_semaphore(%run_scoped3A : memref<!tpu.dma_semaphore, #tpu.memory_space<semaphore_mem>>)
      %dma_wait3A = arith.constant 640 : i32
      %dma_wait3A_102 = tpu.memref_slice %arg6[%dma_wait3A] : memref<10240xf32, #tpu.memory_space<vmem>> -> memref<640xf32, #tpu.memory_space<vmem>>
      %dma_wait3A_103 = tpu.memref_slice %arg8[%add3A_26] : memref<163840xf32, #tpu.memory_space<vmem_shared>> -> memref<640xf32, #tpu.memory_space<vmem_shared>>
      %dma_wait3A_104 = arith.constant 640 : i32
      %dma_wait3A_105 = tpu.memref_slice %arg6[%dma_wait3A_104] : memref<10240xf32, #tpu.memory_space<vmem>> -> memref<640xf32, #tpu.memory_space<vmem>>
      %dma_wait3A_106 = tpu.memref_slice %arg8[%add3A_26] : memref<163840xf32, #tpu.memory_space<vmem_shared>> -> memref<640xf32, #tpu.memory_space<vmem_shared>>
      tpu.wait_dma2 semaphore(%run_scoped3A : memref<!tpu.dma_semaphore, #tpu.memory_space<semaphore_mem>>) src(%dma_wait3A_106 : memref<640xf32, #tpu.memory_space<vmem_shared>>) dst(%dma_wait3A_105 : memref<640xf32, #tpu.memory_space<vmem>>)
      tpu.yield
    }) : () -> ()
    %mul3A_27 = arith.constant 640 : i32
    %mul3A_28 = arith.muli %arg1, %mul3A_27 : i32
    %add3A_29 = arith.constant 20480 : i32
    %add3A_30 = arith.addi %add3A_29, %mul3A_28 : i32
    "tpu.region"() ({
      %run_scoped3A = tpu.sem_alloc : memref<!tpu.dma_semaphore, #tpu.memory_space<semaphore_mem>>
      %dma_start3A = arith.constant 1280 : i32
      %dma_start3A_97 = tpu.memref_slice %arg6[%dma_start3A] : memref<10240xf32, #tpu.memory_space<vmem>> -> memref<640xf32, #tpu.memory_space<vmem>>
      %dma_start3A_98 = tpu.memref_slice %arg8[%add3A_30] : memref<163840xf32, #tpu.memory_space<vmem_shared>> -> memref<640xf32, #tpu.memory_space<vmem_shared>>
      %dma_start3A_99 = arith.constant 1280 : i32
      %dma_start3A_100 = tpu.memref_slice %arg6[%dma_start3A_99] : memref<10240xf32, #tpu.memory_space<vmem>> -> memref<640xf32, #tpu.memory_space<vmem>>
      %dma_start3A_101 = tpu.memref_slice %arg8[%add3A_30] : memref<163840xf32, #tpu.memory_space<vmem_shared>> -> memref<640xf32, #tpu.memory_space<vmem_shared>>
      tpu.enqueue_dma source(%dma_start3A_101 : memref<640xf32, #tpu.memory_space<vmem_shared>>) target(%dma_start3A_100 : memref<640xf32, #tpu.memory_space<vmem>>) target_semaphore(%run_scoped3A : memref<!tpu.dma_semaphore, #tpu.memory_space<semaphore_mem>>)
      %dma_wait3A = arith.constant 1280 : i32
      %dma_wait3A_102 = tpu.memref_slice %arg6[%dma_wait3A] : memref<10240xf32, #tpu.memory_space<vmem>> -> memref<640xf32, #tpu.memory_space<vmem>>
      %dma_wait3A_103 = tpu.memref_slice %arg8[%add3A_30] : memref<163840xf32, #tpu.memory_space<vmem_shared>> -> memref<640xf32, #tpu.memory_space<vmem_shared>>
      %dma_wait3A_104 = arith.constant 1280 : i32
      %dma_wait3A_105 = tpu.memref_slice %arg6[%dma_wait3A_104] : memref<10240xf32, #tpu.memory_space<vmem>> -> memref<640xf32, #tpu.memory_space<vmem>>
      %dma_wait3A_106 = tpu.memref_slice %arg8[%add3A_30] : memref<163840xf32, #tpu.memory_space<vmem_shared>> -> memref<640xf32, #tpu.memory_space<vmem_shared>>
      tpu.wait_dma2 semaphore(%run_scoped3A : memref<!tpu.dma_semaphore, #tpu.memory_space<semaphore_mem>>) src(%dma_wait3A_106 : memref<640xf32, #tpu.memory_space<vmem_shared>>) dst(%dma_wait3A_105 : memref<640xf32, #tpu.memory_space<vmem>>)
      tpu.yield
    }) : () -> ()
    %mul3A_31 = arith.constant 640 : i32
    %mul3A_32 = arith.muli %arg1, %mul3A_31 : i32
    %add3A_33 = arith.constant 30720 : i32
    %add3A_34 = arith.addi %add3A_33, %mul3A_32 : i32
    "tpu.region"() ({
      %run_scoped3A = tpu.sem_alloc : memref<!tpu.dma_semaphore, #tpu.memory_space<semaphore_mem>>
      %dma_start3A = arith.constant 1920 : i32
      %dma_start3A_97 = tpu.memref_slice %arg6[%dma_start3A] : memref<10240xf32, #tpu.memory_space<vmem>> -> memref<640xf32, #tpu.memory_space<vmem>>
      %dma_start3A_98 = tpu.memref_slice %arg8[%add3A_34] : memref<163840xf32, #tpu.memory_space<vmem_shared>> -> memref<640xf32, #tpu.memory_space<vmem_shared>>
      %dma_start3A_99 = arith.constant 1920 : i32
      %dma_start3A_100 = tpu.memref_slice %arg6[%dma_start3A_99] : memref<10240xf32, #tpu.memory_space<vmem>> -> memref<640xf32, #tpu.memory_space<vmem>>
      %dma_start3A_101 = tpu.memref_slice %arg8[%add3A_34] : memref<163840xf32, #tpu.memory_space<vmem_shared>> -> memref<640xf32, #tpu.memory_space<vmem_shared>>
      tpu.enqueue_dma source(%dma_start3A_101 : memref<640xf32, #tpu.memory_space<vmem_shared>>) target(%dma_start3A_100 : memref<640xf32, #tpu.memory_space<vmem>>) target_semaphore(%run_scoped3A : memref<!tpu.dma_semaphore, #tpu.memory_space<semaphore_mem>>)
      %dma_wait3A = arith.constant 1920 : i32
      %dma_wait3A_102 = tpu.memref_slice %arg6[%dma_wait3A] : memref<10240xf32, #tpu.memory_space<vmem>> -> memref<640xf32, #tpu.memory_space<vmem>>
      %dma_wait3A_103 = tpu.memref_slice %arg8[%add3A_34] : memref<163840xf32, #tpu.memory_space<vmem_shared>> -> memref<640xf32, #tpu.memory_space<vmem_shared>>
      %dma_wait3A_104 = arith.constant 1920 : i32
      %dma_wait3A_105 = tpu.memref_slice %arg6[%dma_wait3A_104] : memref<10240xf32, #tpu.memory_space<vmem>> -> memref<640xf32, #tpu.memory_space<vmem>>
      %dma_wait3A_106 = tpu.memref_slice %arg8[%add3A_34] : memref<163840xf32, #tpu.memory_space<vmem_shared>> -> memref<640xf32, #tpu.memory_space<vmem_shared>>
      tpu.wait_dma2 semaphore(%run_scoped3A : memref<!tpu.dma_semaphore, #tpu.memory_space<semaphore_mem>>) src(%dma_wait3A_106 : memref<640xf32, #tpu.memory_space<vmem_shared>>) dst(%dma_wait3A_105 : memref<640xf32, #tpu.memory_space<vmem>>)
      tpu.yield
    }) : () -> ()
    %mul3A_35 = arith.constant 640 : i32
    %mul3A_36 = arith.muli %arg1, %mul3A_35 : i32
    %add3A_37 = arith.constant 40960 : i32
    %add3A_38 = arith.addi %add3A_37, %mul3A_36 : i32
    "tpu.region"() ({
      %run_scoped3A = tpu.sem_alloc : memref<!tpu.dma_semaphore, #tpu.memory_space<semaphore_mem>>
      %dma_start3A = arith.constant 2560 : i32
      %dma_start3A_97 = tpu.memref_slice %arg6[%dma_start3A] : memref<10240xf32, #tpu.memory_space<vmem>> -> memref<640xf32, #tpu.memory_space<vmem>>
      %dma_start3A_98 = tpu.memref_slice %arg8[%add3A_38] : memref<163840xf32, #tpu.memory_space<vmem_shared>> -> memref<640xf32, #tpu.memory_space<vmem_shared>>
      %dma_start3A_99 = arith.constant 2560 : i32
      %dma_start3A_100 = tpu.memref_slice %arg6[%dma_start3A_99] : memref<10240xf32, #tpu.memory_space<vmem>> -> memref<640xf32, #tpu.memory_space<vmem>>
      %dma_start3A_101 = tpu.memref_slice %arg8[%add3A_38] : memref<163840xf32, #tpu.memory_space<vmem_shared>> -> memref<640xf32, #tpu.memory_space<vmem_shared>>
      tpu.enqueue_dma source(%dma_start3A_101 : memref<640xf32, #tpu.memory_space<vmem_shared>>) target(%dma_start3A_100 : memref<640xf32, #tpu.memory_space<vmem>>) target_semaphore(%run_scoped3A : memref<!tpu.dma_semaphore, #tpu.memory_space<semaphore_mem>>)
      %dma_wait3A = arith.constant 2560 : i32
      %dma_wait3A_102 = tpu.memref_slice %arg6[%dma_wait3A] : memref<10240xf32, #tpu.memory_space<vmem>> -> memref<640xf32, #tpu.memory_space<vmem>>
      %dma_wait3A_103 = tpu.memref_slice %arg8[%add3A_38] : memref<163840xf32, #tpu.memory_space<vmem_shared>> -> memref<640xf32, #tpu.memory_space<vmem_shared>>
      %dma_wait3A_104 = arith.constant 2560 : i32
      %dma_wait3A_105 = tpu.memref_slice %arg6[%dma_wait3A_104] : memref<10240xf32, #tpu.memory_space<vmem>> -> memref<640xf32, #tpu.memory_space<vmem>>
      %dma_wait3A_106 = tpu.memref_slice %arg8[%add3A_38] : memref<163840xf32, #tpu.memory_space<vmem_shared>> -> memref<640xf32, #tpu.memory_space<vmem_shared>>
      tpu.wait_dma2 semaphore(%run_scoped3A : memref<!tpu.dma_semaphore, #tpu.memory_space<semaphore_mem>>) src(%dma_wait3A_106 : memref<640xf32, #tpu.memory_space<vmem_shared>>) dst(%dma_wait3A_105 : memref<640xf32, #tpu.memory_space<vmem>>)
      tpu.yield
    }) : () -> ()
    %mul3A_39 = arith.constant 640 : i32
    %mul3A_40 = arith.muli %arg1, %mul3A_39 : i32
    %add3A_41 = arith.constant 51200 : i32
    %add3A_42 = arith.addi %add3A_41, %mul3A_40 : i32
    "tpu.region"() ({
      %run_scoped3A = tpu.sem_alloc : memref<!tpu.dma_semaphore, #tpu.memory_space<semaphore_mem>>
      %dma_start3A = arith.constant 3200 : i32
      %dma_start3A_97 = tpu.memref_slice %arg6[%dma_start3A] : memref<10240xf32, #tpu.memory_space<vmem>> -> memref<640xf32, #tpu.memory_space<vmem>>
      %dma_start3A_98 = tpu.memref_slice %arg8[%add3A_42] : memref<163840xf32, #tpu.memory_space<vmem_shared>> -> memref<640xf32, #tpu.memory_space<vmem_shared>>
      %dma_start3A_99 = arith.constant 3200 : i32
      %dma_start3A_100 = tpu.memref_slice %arg6[%dma_start3A_99] : memref<10240xf32, #tpu.memory_space<vmem>> -> memref<640xf32, #tpu.memory_space<vmem>>
      %dma_start3A_101 = tpu.memref_slice %arg8[%add3A_42] : memref<163840xf32, #tpu.memory_space<vmem_shared>> -> memref<640xf32, #tpu.memory_space<vmem_shared>>
      tpu.enqueue_dma source(%dma_start3A_101 : memref<640xf32, #tpu.memory_space<vmem_shared>>) target(%dma_start3A_100 : memref<640xf32, #tpu.memory_space<vmem>>) target_semaphore(%run_scoped3A : memref<!tpu.dma_semaphore, #tpu.memory_space<semaphore_mem>>)
      %dma_wait3A = arith.constant 3200 : i32
      %dma_wait3A_102 = tpu.memref_slice %arg6[%dma_wait3A] : memref<10240xf32, #tpu.memory_space<vmem>> -> memref<640xf32, #tpu.memory_space<vmem>>
      %dma_wait3A_103 = tpu.memref_slice %arg8[%add3A_42] : memref<163840xf32, #tpu.memory_space<vmem_shared>> -> memref<640xf32, #tpu.memory_space<vmem_shared>>
      %dma_wait3A_104 = arith.constant 3200 : i32
      %dma_wait3A_105 = tpu.memref_slice %arg6[%dma_wait3A_104] : memref<10240xf32, #tpu.memory_space<vmem>> -> memref<640xf32, #tpu.memory_space<vmem>>
      %dma_wait3A_106 = tpu.memref_slice %arg8[%add3A_42] : memref<163840xf32, #tpu.memory_space<vmem_shared>> -> memref<640xf32, #tpu.memory_space<vmem_shared>>
      tpu.wait_dma2 semaphore(%run_scoped3A : memref<!tpu.dma_semaphore, #tpu.memory_space<semaphore_mem>>) src(%dma_wait3A_106 : memref<640xf32, #tpu.memory_space<vmem_shared>>) dst(%dma_wait3A_105 : memref<640xf32, #tpu.memory_space<vmem>>)
      tpu.yield
    }) : () -> ()
    %mul3A_43 = arith.constant 640 : i32
    %mul3A_44 = arith.muli %arg1, %mul3A_43 : i32
    %add3A_45 = arith.constant 61440 : i32
    %add3A_46 = arith.addi %add3A_45, %mul3A_44 : i32
    "tpu.region"() ({
      %run_scoped3A = tpu.sem_alloc : memref<!tpu.dma_semaphore, #tpu.memory_space<semaphore_mem>>
      %dma_start3A = arith.constant 3840 : i32
      %dma_start3A_97 = tpu.memref_slice %arg6[%dma_start3A] : memref<10240xf32, #tpu.memory_space<vmem>> -> memref<640xf32, #tpu.memory_space<vmem>>
      %dma_start3A_98 = tpu.memref_slice %arg8[%add3A_46] : memref<163840xf32, #tpu.memory_space<vmem_shared>> -> memref<640xf32, #tpu.memory_space<vmem_shared>>
      %dma_start3A_99 = arith.constant 3840 : i32
      %dma_start3A_100 = tpu.memref_slice %arg6[%dma_start3A_99] : memref<10240xf32, #tpu.memory_space<vmem>> -> memref<640xf32, #tpu.memory_space<vmem>>
      %dma_start3A_101 = tpu.memref_slice %arg8[%add3A_46] : memref<163840xf32, #tpu.memory_space<vmem_shared>> -> memref<640xf32, #tpu.memory_space<vmem_shared>>
      tpu.enqueue_dma source(%dma_start3A_101 : memref<640xf32, #tpu.memory_space<vmem_shared>>) target(%dma_start3A_100 : memref<640xf32, #tpu.memory_space<vmem>>) target_semaphore(%run_scoped3A : memref<!tpu.dma_semaphore, #tpu.memory_space<semaphore_mem>>)
      %dma_wait3A = arith.constant 3840 : i32
      %dma_wait3A_102 = tpu.memref_slice %arg6[%dma_wait3A] : memref<10240xf32, #tpu.memory_space<vmem>> -> memref<640xf32, #tpu.memory_space<vmem>>
      %dma_wait3A_103 = tpu.memref_slice %arg8[%add3A_46] : memref<163840xf32, #tpu.memory_space<vmem_shared>> -> memref<640xf32, #tpu.memory_space<vmem_shared>>
      %dma_wait3A_104 = arith.constant 3840 : i32
      %dma_wait3A_105 = tpu.memref_slice %arg6[%dma_wait3A_104] : memref<10240xf32, #tpu.memory_space<vmem>> -> memref<640xf32, #tpu.memory_space<vmem>>
      %dma_wait3A_106 = tpu.memref_slice %arg8[%add3A_46] : memref<163840xf32, #tpu.memory_space<vmem_shared>> -> memref<640xf32, #tpu.memory_space<vmem_shared>>
      tpu.wait_dma2 semaphore(%run_scoped3A : memref<!tpu.dma_semaphore, #tpu.memory_space<semaphore_mem>>) src(%dma_wait3A_106 : memref<640xf32, #tpu.memory_space<vmem_shared>>) dst(%dma_wait3A_105 : memref<640xf32, #tpu.memory_space<vmem>>)
      tpu.yield
    }) : () -> ()
    %mul3A_47 = arith.constant 640 : i32
    %mul3A_48 = arith.muli %arg1, %mul3A_47 : i32
    %add3A_49 = arith.constant 71680 : i32
    %add3A_50 = arith.addi %add3A_49, %mul3A_48 : i32
    "tpu.region"() ({
      %run_scoped3A = tpu.sem_alloc : memref<!tpu.dma_semaphore, #tpu.memory_space<semaphore_mem>>
      %dma_start3A = arith.constant 4480 : i32
      %dma_start3A_97 = tpu.memref_slice %arg6[%dma_start3A] : memref<10240xf32, #tpu.memory_space<vmem>> -> memref<640xf32, #tpu.memory_space<vmem>>
      %dma_start3A_98 = tpu.memref_slice %arg8[%add3A_50] : memref<163840xf32, #tpu.memory_space<vmem_shared>> -> memref<640xf32, #tpu.memory_space<vmem_shared>>
      %dma_start3A_99 = arith.constant 4480 : i32
      %dma_start3A_100 = tpu.memref_slice %arg6[%dma_start3A_99] : memref<10240xf32, #tpu.memory_space<vmem>> -> memref<640xf32, #tpu.memory_space<vmem>>
      %dma_start3A_101 = tpu.memref_slice %arg8[%add3A_50] : memref<163840xf32, #tpu.memory_space<vmem_shared>> -> memref<640xf32, #tpu.memory_space<vmem_shared>>
      tpu.enqueue_dma source(%dma_start3A_101 : memref<640xf32, #tpu.memory_space<vmem_shared>>) target(%dma_start3A_100 : memref<640xf32, #tpu.memory_space<vmem>>) target_semaphore(%run_scoped3A : memref<!tpu.dma_semaphore, #tpu.memory_space<semaphore_mem>>)
      %dma_wait3A = arith.constant 4480 : i32
      %dma_wait3A_102 = tpu.memref_slice %arg6[%dma_wait3A] : memref<10240xf32, #tpu.memory_space<vmem>> -> memref<640xf32, #tpu.memory_space<vmem>>
      %dma_wait3A_103 = tpu.memref_slice %arg8[%add3A_50] : memref<163840xf32, #tpu.memory_space<vmem_shared>> -> memref<640xf32, #tpu.memory_space<vmem_shared>>
      %dma_wait3A_104 = arith.constant 4480 : i32
      %dma_wait3A_105 = tpu.memref_slice %arg6[%dma_wait3A_104] : memref<10240xf32, #tpu.memory_space<vmem>> -> memref<640xf32, #tpu.memory_space<vmem>>
      %dma_wait3A_106 = tpu.memref_slice %arg8[%add3A_50] : memref<163840xf32, #tpu.memory_space<vmem_shared>> -> memref<640xf32, #tpu.memory_space<vmem_shared>>
      tpu.wait_dma2 semaphore(%run_scoped3A : memref<!tpu.dma_semaphore, #tpu.memory_space<semaphore_mem>>) src(%dma_wait3A_106 : memref<640xf32, #tpu.memory_space<vmem_shared>>) dst(%dma_wait3A_105 : memref<640xf32, #tpu.memory_space<vmem>>)
      tpu.yield
    }) : () -> ()
    %mul3A_51 = arith.constant 640 : i32
    %mul3A_52 = arith.muli %arg1, %mul3A_51 : i32
    %add3A_53 = arith.constant 81920 : i32
    %add3A_54 = arith.addi %add3A_53, %mul3A_52 : i32
    "tpu.region"() ({
      %run_scoped3A = tpu.sem_alloc : memref<!tpu.dma_semaphore, #tpu.memory_space<semaphore_mem>>
      %dma_start3A = arith.constant 5120 : i32
      %dma_start3A_97 = tpu.memref_slice %arg6[%dma_start3A] : memref<10240xf32, #tpu.memory_space<vmem>> -> memref<640xf32, #tpu.memory_space<vmem>>
      %dma_start3A_98 = tpu.memref_slice %arg8[%add3A_54] : memref<163840xf32, #tpu.memory_space<vmem_shared>> -> memref<640xf32, #tpu.memory_space<vmem_shared>>
      %dma_start3A_99 = arith.constant 5120 : i32
      %dma_start3A_100 = tpu.memref_slice %arg6[%dma_start3A_99] : memref<10240xf32, #tpu.memory_space<vmem>> -> memref<640xf32, #tpu.memory_space<vmem>>
      %dma_start3A_101 = tpu.memref_slice %arg8[%add3A_54] : memref<163840xf32, #tpu.memory_space<vmem_shared>> -> memref<640xf32, #tpu.memory_space<vmem_shared>>
      tpu.enqueue_dma source(%dma_start3A_101 : memref<640xf32, #tpu.memory_space<vmem_shared>>) target(%dma_start3A_100 : memref<640xf32, #tpu.memory_space<vmem>>) target_semaphore(%run_scoped3A : memref<!tpu.dma_semaphore, #tpu.memory_space<semaphore_mem>>)
      %dma_wait3A = arith.constant 5120 : i32
      %dma_wait3A_102 = tpu.memref_slice %arg6[%dma_wait3A] : memref<10240xf32, #tpu.memory_space<vmem>> -> memref<640xf32, #tpu.memory_space<vmem>>
      %dma_wait3A_103 = tpu.memref_slice %arg8[%add3A_54] : memref<163840xf32, #tpu.memory_space<vmem_shared>> -> memref<640xf32, #tpu.memory_space<vmem_shared>>
      %dma_wait3A_104 = arith.constant 5120 : i32
      %dma_wait3A_105 = tpu.memref_slice %arg6[%dma_wait3A_104] : memref<10240xf32, #tpu.memory_space<vmem>> -> memref<640xf32, #tpu.memory_space<vmem>>
      %dma_wait3A_106 = tpu.memref_slice %arg8[%add3A_54] : memref<163840xf32, #tpu.memory_space<vmem_shared>> -> memref<640xf32, #tpu.memory_space<vmem_shared>>
      tpu.wait_dma2 semaphore(%run_scoped3A : memref<!tpu.dma_semaphore, #tpu.memory_space<semaphore_mem>>) src(%dma_wait3A_106 : memref<640xf32, #tpu.memory_space<vmem_shared>>) dst(%dma_wait3A_105 : memref<640xf32, #tpu.memory_space<vmem>>)
      tpu.yield
    }) : () -> ()
    %mul3A_55 = arith.constant 640 : i32
    %mul3A_56 = arith.muli %arg1, %mul3A_55 : i32
    %add3A_57 = arith.constant 92160 : i32
    %add3A_58 = arith.addi %add3A_57, %mul3A_56 : i32
    "tpu.region"() ({
      %run_scoped3A = tpu.sem_alloc : memref<!tpu.dma_semaphore, #tpu.memory_space<semaphore_mem>>
      %dma_start3A = arith.constant 5760 : i32
      %dma_start3A_97 = tpu.memref_slice %arg6[%dma_start3A] : memref<10240xf32, #tpu.memory_space<vmem>> -> memref<640xf32, #tpu.memory_space<vmem>>
      %dma_start3A_98 = tpu.memref_slice %arg8[%add3A_58] : memref<163840xf32, #tpu.memory_space<vmem_shared>> -> memref<640xf32, #tpu.memory_space<vmem_shared>>
      %dma_start3A_99 = arith.constant 5760 : i32
      %dma_start3A_100 = tpu.memref_slice %arg6[%dma_start3A_99] : memref<10240xf32, #tpu.memory_space<vmem>> -> memref<640xf32, #tpu.memory_space<vmem>>
      %dma_start3A_101 = tpu.memref_slice %arg8[%add3A_58] : memref<163840xf32, #tpu.memory_space<vmem_shared>> -> memref<640xf32, #tpu.memory_space<vmem_shared>>
      tpu.enqueue_dma source(%dma_start3A_101 : memref<640xf32, #tpu.memory_space<vmem_shared>>) target(%dma_start3A_100 : memref<640xf32, #tpu.memory_space<vmem>>) target_semaphore(%run_scoped3A : memref<!tpu.dma_semaphore, #tpu.memory_space<semaphore_mem>>)
      %dma_wait3A = arith.constant 5760 : i32
      %dma_wait3A_102 = tpu.memref_slice %arg6[%dma_wait3A] : memref<10240xf32, #tpu.memory_space<vmem>> -> memref<640xf32, #tpu.memory_space<vmem>>
      %dma_wait3A_103 = tpu.memref_slice %arg8[%add3A_58] : memref<163840xf32, #tpu.memory_space<vmem_shared>> -> memref<640xf32, #tpu.memory_space<vmem_shared>>
      %dma_wait3A_104 = arith.constant 5760 : i32
      %dma_wait3A_105 = tpu.memref_slice %arg6[%dma_wait3A_104] : memref<10240xf32, #tpu.memory_space<vmem>> -> memref<640xf32, #tpu.memory_space<vmem>>
      %dma_wait3A_106 = tpu.memref_slice %arg8[%add3A_58] : memref<163840xf32, #tpu.memory_space<vmem_shared>> -> memref<640xf32, #tpu.memory_space<vmem_shared>>
      tpu.wait_dma2 semaphore(%run_scoped3A : memref<!tpu.dma_semaphore, #tpu.memory_space<semaphore_mem>>) src(%dma_wait3A_106 : memref<640xf32, #tpu.memory_space<vmem_shared>>) dst(%dma_wait3A_105 : memref<640xf32, #tpu.memory_space<vmem>>)
      tpu.yield
    }) : () -> ()
    %mul3A_59 = arith.constant 640 : i32
    %mul3A_60 = arith.muli %arg1, %mul3A_59 : i32
    %add3A_61 = arith.constant 102400 : i32
    %add3A_62 = arith.addi %add3A_61, %mul3A_60 : i32
    "tpu.region"() ({
      %run_scoped3A = tpu.sem_alloc : memref<!tpu.dma_semaphore, #tpu.memory_space<semaphore_mem>>
      %dma_start3A = arith.constant 6400 : i32
      %dma_start3A_97 = tpu.memref_slice %arg6[%dma_start3A] : memref<10240xf32, #tpu.memory_space<vmem>> -> memref<640xf32, #tpu.memory_space<vmem>>
      %dma_start3A_98 = tpu.memref_slice %arg8[%add3A_62] : memref<163840xf32, #tpu.memory_space<vmem_shared>> -> memref<640xf32, #tpu.memory_space<vmem_shared>>
      %dma_start3A_99 = arith.constant 6400 : i32
      %dma_start3A_100 = tpu.memref_slice %arg6[%dma_start3A_99] : memref<10240xf32, #tpu.memory_space<vmem>> -> memref<640xf32, #tpu.memory_space<vmem>>
      %dma_start3A_101 = tpu.memref_slice %arg8[%add3A_62] : memref<163840xf32, #tpu.memory_space<vmem_shared>> -> memref<640xf32, #tpu.memory_space<vmem_shared>>
      tpu.enqueue_dma source(%dma_start3A_101 : memref<640xf32, #tpu.memory_space<vmem_shared>>) target(%dma_start3A_100 : memref<640xf32, #tpu.memory_space<vmem>>) target_semaphore(%run_scoped3A : memref<!tpu.dma_semaphore, #tpu.memory_space<semaphore_mem>>)
      %dma_wait3A = arith.constant 6400 : i32
      %dma_wait3A_102 = tpu.memref_slice %arg6[%dma_wait3A] : memref<10240xf32, #tpu.memory_space<vmem>> -> memref<640xf32, #tpu.memory_space<vmem>>
      %dma_wait3A_103 = tpu.memref_slice %arg8[%add3A_62] : memref<163840xf32, #tpu.memory_space<vmem_shared>> -> memref<640xf32, #tpu.memory_space<vmem_shared>>
      %dma_wait3A_104 = arith.constant 6400 : i32
      %dma_wait3A_105 = tpu.memref_slice %arg6[%dma_wait3A_104] : memref<10240xf32, #tpu.memory_space<vmem>> -> memref<640xf32, #tpu.memory_space<vmem>>
      %dma_wait3A_106 = tpu.memref_slice %arg8[%add3A_62] : memref<163840xf32, #tpu.memory_space<vmem_shared>> -> memref<640xf32, #tpu.memory_space<vmem_shared>>
      tpu.wait_dma2 semaphore(%run_scoped3A : memref<!tpu.dma_semaphore, #tpu.memory_space<semaphore_mem>>) src(%dma_wait3A_106 : memref<640xf32, #tpu.memory_space<vmem_shared>>) dst(%dma_wait3A_105 : memref<640xf32, #tpu.memory_space<vmem>>)
      tpu.yield
    }) : () -> ()
    %mul3A_63 = arith.constant 640 : i32
    %mul3A_64 = arith.muli %arg1, %mul3A_63 : i32
    %add3A_65 = arith.constant 112640 : i32
    %add3A_66 = arith.addi %add3A_65, %mul3A_64 : i32
    "tpu.region"() ({
      %run_scoped3A = tpu.sem_alloc : memref<!tpu.dma_semaphore, #tpu.memory_space<semaphore_mem>>
      %dma_start3A = arith.constant 7040 : i32
      %dma_start3A_97 = tpu.memref_slice %arg6[%dma_start3A] : memref<10240xf32, #tpu.memory_space<vmem>> -> memref<640xf32, #tpu.memory_space<vmem>>
      %dma_start3A_98 = tpu.memref_slice %arg8[%add3A_66] : memref<163840xf32, #tpu.memory_space<vmem_shared>> -> memref<640xf32, #tpu.memory_space<vmem_shared>>
      %dma_start3A_99 = arith.constant 7040 : i32
      %dma_start3A_100 = tpu.memref_slice %arg6[%dma_start3A_99] : memref<10240xf32, #tpu.memory_space<vmem>> -> memref<640xf32, #tpu.memory_space<vmem>>
      %dma_start3A_101 = tpu.memref_slice %arg8[%add3A_66] : memref<163840xf32, #tpu.memory_space<vmem_shared>> -> memref<640xf32, #tpu.memory_space<vmem_shared>>
      tpu.enqueue_dma source(%dma_start3A_101 : memref<640xf32, #tpu.memory_space<vmem_shared>>) target(%dma_start3A_100 : memref<640xf32, #tpu.memory_space<vmem>>) target_semaphore(%run_scoped3A : memref<!tpu.dma_semaphore, #tpu.memory_space<semaphore_mem>>)
      %dma_wait3A = arith.constant 7040 : i32
      %dma_wait3A_102 = tpu.memref_slice %arg6[%dma_wait3A] : memref<10240xf32, #tpu.memory_space<vmem>> -> memref<640xf32, #tpu.memory_space<vmem>>
      %dma_wait3A_103 = tpu.memref_slice %arg8[%add3A_66] : memref<163840xf32, #tpu.memory_space<vmem_shared>> -> memref<640xf32, #tpu.memory_space<vmem_shared>>
      %dma_wait3A_104 = arith.constant 7040 : i32
      %dma_wait3A_105 = tpu.memref_slice %arg6[%dma_wait3A_104] : memref<10240xf32, #tpu.memory_space<vmem>> -> memref<640xf32, #tpu.memory_space<vmem>>
      %dma_wait3A_106 = tpu.memref_slice %arg8[%add3A_66] : memref<163840xf32, #tpu.memory_space<vmem_shared>> -> memref<640xf32, #tpu.memory_space<vmem_shared>>
      tpu.wait_dma2 semaphore(%run_scoped3A : memref<!tpu.dma_semaphore, #tpu.memory_space<semaphore_mem>>) src(%dma_wait3A_106 : memref<640xf32, #tpu.memory_space<vmem_shared>>) dst(%dma_wait3A_105 : memref<640xf32, #tpu.memory_space<vmem>>)
      tpu.yield
    }) : () -> ()
    %mul3A_67 = arith.constant 640 : i32
    %mul3A_68 = arith.muli %arg1, %mul3A_67 : i32
    %add3A_69 = arith.constant 122880 : i32
    %add3A_70 = arith.addi %add3A_69, %mul3A_68 : i32
    "tpu.region"() ({
      %run_scoped3A = tpu.sem_alloc : memref<!tpu.dma_semaphore, #tpu.memory_space<semaphore_mem>>
      %dma_start3A = arith.constant 7680 : i32
      %dma_start3A_97 = tpu.memref_slice %arg6[%dma_start3A] : memref<10240xf32, #tpu.memory_space<vmem>> -> memref<640xf32, #tpu.memory_space<vmem>>
      %dma_start3A_98 = tpu.memref_slice %arg8[%add3A_70] : memref<163840xf32, #tpu.memory_space<vmem_shared>> -> memref<640xf32, #tpu.memory_space<vmem_shared>>
      %dma_start3A_99 = arith.constant 7680 : i32
      %dma_start3A_100 = tpu.memref_slice %arg6[%dma_start3A_99] : memref<10240xf32, #tpu.memory_space<vmem>> -> memref<640xf32, #tpu.memory_space<vmem>>
      %dma_start3A_101 = tpu.memref_slice %arg8[%add3A_70] : memref<163840xf32, #tpu.memory_space<vmem_shared>> -> memref<640xf32, #tpu.memory_space<vmem_shared>>
      tpu.enqueue_dma source(%dma_start3A_101 : memref<640xf32, #tpu.memory_space<vmem_shared>>) target(%dma_start3A_100 : memref<640xf32, #tpu.memory_space<vmem>>) target_semaphore(%run_scoped3A : memref<!tpu.dma_semaphore, #tpu.memory_space<semaphore_mem>>)
      %dma_wait3A = arith.constant 7680 : i32
      %dma_wait3A_102 = tpu.memref_slice %arg6[%dma_wait3A] : memref<10240xf32, #tpu.memory_space<vmem>> -> memref<640xf32, #tpu.memory_space<vmem>>
      %dma_wait3A_103 = tpu.memref_slice %arg8[%add3A_70] : memref<163840xf32, #tpu.memory_space<vmem_shared>> -> memref<640xf32, #tpu.memory_space<vmem_shared>>
      %dma_wait3A_104 = arith.constant 7680 : i32
      %dma_wait3A_105 = tpu.memref_slice %arg6[%dma_wait3A_104] : memref<10240xf32, #tpu.memory_space<vmem>> -> memref<640xf32, #tpu.memory_space<vmem>>
      %dma_wait3A_106 = tpu.memref_slice %arg8[%add3A_70] : memref<163840xf32, #tpu.memory_space<vmem_shared>> -> memref<640xf32, #tpu.memory_space<vmem_shared>>
      tpu.wait_dma2 semaphore(%run_scoped3A : memref<!tpu.dma_semaphore, #tpu.memory_space<semaphore_mem>>) src(%dma_wait3A_106 : memref<640xf32, #tpu.memory_space<vmem_shared>>) dst(%dma_wait3A_105 : memref<640xf32, #tpu.memory_space<vmem>>)
      tpu.yield
    }) : () -> ()
    %mul3A_71 = arith.constant 640 : i32
    %mul3A_72 = arith.muli %arg1, %mul3A_71 : i32
    %add3A_73 = arith.constant 133120 : i32
    %add3A_74 = arith.addi %add3A_73, %mul3A_72 : i32
    "tpu.region"() ({
      %run_scoped3A = tpu.sem_alloc : memref<!tpu.dma_semaphore, #tpu.memory_space<semaphore_mem>>
      %dma_start3A = arith.constant 8320 : i32
      %dma_start3A_97 = tpu.memref_slice %arg6[%dma_start3A] : memref<10240xf32, #tpu.memory_space<vmem>> -> memref<640xf32, #tpu.memory_space<vmem>>
      %dma_start3A_98 = tpu.memref_slice %arg8[%add3A_74] : memref<163840xf32, #tpu.memory_space<vmem_shared>> -> memref<640xf32, #tpu.memory_space<vmem_shared>>
      %dma_start3A_99 = arith.constant 8320 : i32
      %dma_start3A_100 = tpu.memref_slice %arg6[%dma_start3A_99] : memref<10240xf32, #tpu.memory_space<vmem>> -> memref<640xf32, #tpu.memory_space<vmem>>
      %dma_start3A_101 = tpu.memref_slice %arg8[%add3A_74] : memref<163840xf32, #tpu.memory_space<vmem_shared>> -> memref<640xf32, #tpu.memory_space<vmem_shared>>
      tpu.enqueue_dma source(%dma_start3A_101 : memref<640xf32, #tpu.memory_space<vmem_shared>>) target(%dma_start3A_100 : memref<640xf32, #tpu.memory_space<vmem>>) target_semaphore(%run_scoped3A : memref<!tpu.dma_semaphore, #tpu.memory_space<semaphore_mem>>)
      %dma_wait3A = arith.constant 8320 : i32
      %dma_wait3A_102 = tpu.memref_slice %arg6[%dma_wait3A] : memref<10240xf32, #tpu.memory_space<vmem>> -> memref<640xf32, #tpu.memory_space<vmem>>
      %dma_wait3A_103 = tpu.memref_slice %arg8[%add3A_74] : memref<163840xf32, #tpu.memory_space<vmem_shared>> -> memref<640xf32, #tpu.memory_space<vmem_shared>>
      %dma_wait3A_104 = arith.constant 8320 : i32
      %dma_wait3A_105 = tpu.memref_slice %arg6[%dma_wait3A_104] : memref<10240xf32, #tpu.memory_space<vmem>> -> memref<640xf32, #tpu.memory_space<vmem>>
      %dma_wait3A_106 = tpu.memref_slice %arg8[%add3A_74] : memref<163840xf32, #tpu.memory_space<vmem_shared>> -> memref<640xf32, #tpu.memory_space<vmem_shared>>
      tpu.wait_dma2 semaphore(%run_scoped3A : memref<!tpu.dma_semaphore, #tpu.memory_space<semaphore_mem>>) src(%dma_wait3A_106 : memref<640xf32, #tpu.memory_space<vmem_shared>>) dst(%dma_wait3A_105 : memref<640xf32, #tpu.memory_space<vmem>>)
      tpu.yield
    }) : () -> ()
    %mul3A_75 = arith.constant 640 : i32
    %mul3A_76 = arith.muli %arg1, %mul3A_75 : i32
    %add3A_77 = arith.constant 143360 : i32
    %add3A_78 = arith.addi %add3A_77, %mul3A_76 : i32
    "tpu.region"() ({
      %run_scoped3A = tpu.sem_alloc : memref<!tpu.dma_semaphore, #tpu.memory_space<semaphore_mem>>
      %dma_start3A = arith.constant 8960 : i32
      %dma_start3A_97 = tpu.memref_slice %arg6[%dma_start3A] : memref<10240xf32, #tpu.memory_space<vmem>> -> memref<640xf32, #tpu.memory_space<vmem>>
      %dma_start3A_98 = tpu.memref_slice %arg8[%add3A_78] : memref<163840xf32, #tpu.memory_space<vmem_shared>> -> memref<640xf32, #tpu.memory_space<vmem_shared>>
      %dma_start3A_99 = arith.constant 8960 : i32
      %dma_start3A_100 = tpu.memref_slice %arg6[%dma_start3A_99] : memref<10240xf32, #tpu.memory_space<vmem>> -> memref<640xf32, #tpu.memory_space<vmem>>
      %dma_start3A_101 = tpu.memref_slice %arg8[%add3A_78] : memref<163840xf32, #tpu.memory_space<vmem_shared>> -> memref<640xf32, #tpu.memory_space<vmem_shared>>
      tpu.enqueue_dma source(%dma_start3A_101 : memref<640xf32, #tpu.memory_space<vmem_shared>>) target(%dma_start3A_100 : memref<640xf32, #tpu.memory_space<vmem>>) target_semaphore(%run_scoped3A : memref<!tpu.dma_semaphore, #tpu.memory_space<semaphore_mem>>)
      %dma_wait3A = arith.constant 8960 : i32
      %dma_wait3A_102 = tpu.memref_slice %arg6[%dma_wait3A] : memref<10240xf32, #tpu.memory_space<vmem>> -> memref<640xf32, #tpu.memory_space<vmem>>
      %dma_wait3A_103 = tpu.memref_slice %arg8[%add3A_78] : memref<163840xf32, #tpu.memory_space<vmem_shared>> -> memref<640xf32, #tpu.memory_space<vmem_shared>>
      %dma_wait3A_104 = arith.constant 8960 : i32
      %dma_wait3A_105 = tpu.memref_slice %arg6[%dma_wait3A_104] : memref<10240xf32, #tpu.memory_space<vmem>> -> memref<640xf32, #tpu.memory_space<vmem>>
      %dma_wait3A_106 = tpu.memref_slice %arg8[%add3A_78] : memref<163840xf32, #tpu.memory_space<vmem_shared>> -> memref<640xf32, #tpu.memory_space<vmem_shared>>
      tpu.wait_dma2 semaphore(%run_scoped3A : memref<!tpu.dma_semaphore, #tpu.memory_space<semaphore_mem>>) src(%dma_wait3A_106 : memref<640xf32, #tpu.memory_space<vmem_shared>>) dst(%dma_wait3A_105 : memref<640xf32, #tpu.memory_space<vmem>>)
      tpu.yield
    }) : () -> ()
    %mul3A_79 = arith.constant 640 : i32
    %mul3A_80 = arith.muli %arg1, %mul3A_79 : i32
    %add3A_81 = arith.constant 153600 : i32
    %add3A_82 = arith.addi %add3A_81, %mul3A_80 : i32
    "tpu.region"() ({
      %run_scoped3A = tpu.sem_alloc : memref<!tpu.dma_semaphore, #tpu.memory_space<semaphore_mem>>
      %dma_start3A = arith.constant 9600 : i32
      %dma_start3A_97 = tpu.memref_slice %arg6[%dma_start3A] : memref<10240xf32, #tpu.memory_space<vmem>> -> memref<640xf32, #tpu.memory_space<vmem>>
      %dma_start3A_98 = tpu.memref_slice %arg8[%add3A_82] : memref<163840xf32, #tpu.memory_space<vmem_shared>> -> memref<640xf32, #tpu.memory_space<vmem_shared>>
      %dma_start3A_99 = arith.constant 9600 : i32
      %dma_start3A_100 = tpu.memref_slice %arg6[%dma_start3A_99] : memref<10240xf32, #tpu.memory_space<vmem>> -> memref<640xf32, #tpu.memory_space<vmem>>
      %dma_start3A_101 = tpu.memref_slice %arg8[%add3A_82] : memref<163840xf32, #tpu.memory_space<vmem_shared>> -> memref<640xf32, #tpu.memory_space<vmem_shared>>
      tpu.enqueue_dma source(%dma_start3A_101 : memref<640xf32, #tpu.memory_space<vmem_shared>>) target(%dma_start3A_100 : memref<640xf32, #tpu.memory_space<vmem>>) target_semaphore(%run_scoped3A : memref<!tpu.dma_semaphore, #tpu.memory_space<semaphore_mem>>)
      %dma_wait3A = arith.constant 9600 : i32
      %dma_wait3A_102 = tpu.memref_slice %arg6[%dma_wait3A] : memref<10240xf32, #tpu.memory_space<vmem>> -> memref<640xf32, #tpu.memory_space<vmem>>
      %dma_wait3A_103 = tpu.memref_slice %arg8[%add3A_82] : memref<163840xf32, #tpu.memory_space<vmem_shared>> -> memref<640xf32, #tpu.memory_space<vmem_shared>>
      %dma_wait3A_104 = arith.constant 9600 : i32
      %dma_wait3A_105 = tpu.memref_slice %arg6[%dma_wait3A_104] : memref<10240xf32, #tpu.memory_space<vmem>> -> memref<640xf32, #tpu.memory_space<vmem>>
      %dma_wait3A_106 = tpu.memref_slice %arg8[%add3A_82] : memref<163840xf32, #tpu.memory_space<vmem_shared>> -> memref<640xf32, #tpu.memory_space<vmem_shared>>
      tpu.wait_dma2 semaphore(%run_scoped3A : memref<!tpu.dma_semaphore, #tpu.memory_space<semaphore_mem>>) src(%dma_wait3A_106 : memref<640xf32, #tpu.memory_space<vmem_shared>>) dst(%dma_wait3A_105 : memref<640xf32, #tpu.memory_space<vmem>>)
      tpu.yield
    }) : () -> ()
    %scan3A_83 = arith.constant 0 : i32
    %scan3A_84 = arith.constant 0 : i32
    %scan3A_85 = arith.constant 40 : i32
    %scan3A_86 = arith.addi %scan3A_84, %scan3A_85 : i32
    %scan3A_87 = arith.constant 1 : i32
    %scan3A_88 = scf.for %scan3A_97 = %scan3A_84 to %scan3A_86 step %scan3A_87 iter_args(%scan3A_98 = %scan3A_83) -> (i32)  : i32 {
      %mul3A_99 = arith.constant 16 : i32
      %mul3A_100 = arith.muli %scan3A_97, %mul3A_99 : i32
      %get3A = arith.index_cast %mul3A_100 : i32 to index
      %get3A_101 = tpu.vector_load %arg6[%get3A] {strides = array<i32>} : memref<10240xf32, #tpu.memory_space<vmem>>, vector<16xf32>,
      %mul3A_102 = arith.constant 16 : i32
      %mul3A_103 = arith.muli %scan3A_97, %mul3A_102 : i32
      %add3A_104 = arith.constant 640 : i32
      %add3A_105 = arith.addi %add3A_104, %mul3A_103 : i32
      %get3A_106 = arith.index_cast %add3A_105 : i32 to index
      %get3A_107 = tpu.vector_load %arg6[%get3A_106] {strides = array<i32>} : memref<10240xf32, #tpu.memory_space<vmem>>, vector<16xf32>,
      %add3A_108 = arith.addf %get3A_101, %get3A_107 : vector<16xf32>
      %mul3A_109 = arith.constant 16 : i32
      %mul3A_110 = arith.muli %scan3A_97, %mul3A_109 : i32
      %add3A_111 = arith.constant 1280 : i32
      %add3A_112 = arith.addi %add3A_111, %mul3A_110 : i32
      %get3A_113 = arith.index_cast %add3A_112 : i32 to index
      %get3A_114 = tpu.vector_load %arg6[%get3A_113] {strides = array<i32>} : memref<10240xf32, #tpu.memory_space<vmem>>, vector<16xf32>,
      %add3A_115 = arith.addf %add3A_108, %get3A_114 : vector<16xf32>
      %mul3A_116 = arith.constant 16 : i32
      %mul3A_117 = arith.muli %scan3A_97, %mul3A_116 : i32
      %add3A_118 = arith.constant 1920 : i32
      %add3A_119 = arith.addi %add3A_118, %mul3A_117 : i32
      %get3A_120 = arith.index_cast %add3A_119 : i32 to index
      %get3A_121 = tpu.vector_load %arg6[%get3A_120] {strides = array<i32>} : memref<10240xf32, #tpu.memory_space<vmem>>, vector<16xf32>,
      %add3A_122 = arith.addf %add3A_115, %get3A_121 : vector<16xf32>
      %mul3A_123 = arith.constant 16 : i32
      %mul3A_124 = arith.muli %scan3A_97, %mul3A_123 : i32
      %add3A_125 = arith.constant 2560 : i32
      %add3A_126 = arith.addi %add3A_125, %mul3A_124 : i32
      %get3A_127 = arith.index_cast %add3A_126 : i32 to index
      %get3A_128 = tpu.vector_load %arg6[%get3A_127] {strides = array<i32>} : memref<10240xf32, #tpu.memory_space<vmem>>, vector<16xf32>,
      %add3A_129 = arith.addf %add3A_122, %get3A_128 : vector<16xf32>
      %mul3A_130 = arith.constant 16 : i32
      %mul3A_131 = arith.muli %scan3A_97, %mul3A_130 : i32
      %add3A_132 = arith.constant 3200 : i32
      %add3A_133 = arith.addi %add3A_132, %mul3A_131 : i32
      %get3A_134 = arith.index_cast %add3A_133 : i32 to index
      %get3A_135 = tpu.vector_load %arg6[%get3A_134] {strides = array<i32>} : memref<10240xf32, #tpu.memory_space<vmem>>, vector<16xf32>,
      %add3A_136 = arith.addf %add3A_129, %get3A_135 : vector<16xf32>
      %mul3A_137 = arith.constant 16 : i32
      %mul3A_138 = arith.muli %scan3A_97, %mul3A_137 : i32
      %add3A_139 = arith.constant 3840 : i32
      %add3A_140 = arith.addi %add3A_139, %mul3A_138 : i32
      %get3A_141 = arith.index_cast %add3A_140 : i32 to index
      %get3A_142 = tpu.vector_load %arg6[%get3A_141] {strides = array<i32>} : memref<10240xf32, #tpu.memory_space<vmem>>, vector<16xf32>,
      %add3A_143 = arith.addf %add3A_136, %get3A_142 : vector<16xf32>
      %mul3A_144 = arith.constant 16 : i32
      %mul3A_145 = arith.muli %scan3A_97, %mul3A_144 : i32
      %add3A_146 = arith.constant 4480 : i32
      %add3A_147 = arith.addi %add3A_146, %mul3A_145 : i32
      %get3A_148 = arith.index_cast %add3A_147 : i32 to index
      %get3A_149 = tpu.vector_load %arg6[%get3A_148] {strides = array<i32>} : memref<10240xf32, #tpu.memory_space<vmem>>, vector<16xf32>,
      %add3A_150 = arith.addf %add3A_143, %get3A_149 : vector<16xf32>
      %mul3A_151 = arith.constant 16 : i32
      %mul3A_152 = arith.muli %scan3A_97, %mul3A_151 : i32
      %add3A_153 = arith.constant 5120 : i32
      %add3A_154 = arith.addi %add3A_153, %mul3A_152 : i32
      %get3A_155 = arith.index_cast %add3A_154 : i32 to index
      %get3A_156 = tpu.vector_load %arg6[%get3A_155] {strides = array<i32>} : memref<10240xf32, #tpu.memory_space<vmem>>, vector<16xf32>,
      %add3A_157 = arith.addf %add3A_150, %get3A_156 : vector<16xf32>
      %mul3A_158 = arith.constant 16 : i32
      %mul3A_159 = arith.muli %scan3A_97, %mul3A_158 : i32
      %add3A_160 = arith.constant 5760 : i32
      %add3A_161 = arith.addi %add3A_160, %mul3A_159 : i32
      %get3A_162 = arith.index_cast %add3A_161 : i32 to index
      %get3A_163 = tpu.vector_load %arg6[%get3A_162] {strides = array<i32>} : memref<10240xf32, #tpu.memory_space<vmem>>, vector<16xf32>,
      %add3A_164 = arith.addf %add3A_157, %get3A_163 : vector<16xf32>
      %mul3A_165 = arith.constant 16 : i32
      %mul3A_166 = arith.muli %scan3A_97, %mul3A_165 : i32
      %add3A_167 = arith.constant 6400 : i32
      %add3A_168 = arith.addi %add3A_167, %mul3A_166 : i32
      %get3A_169 = arith.index_cast %add3A_168 : i32 to index
      %get3A_170 = tpu.vector_load %arg6[%get3A_169] {strides = array<i32>} : memref<10240xf32, #tpu.memory_space<vmem>>, vector<16xf32>,
      %add3A_171 = arith.addf %add3A_164, %get3A_170 : vector<16xf32>
      %mul3A_172 = arith.constant 16 : i32
      %mul3A_173 = arith.muli %scan3A_97, %mul3A_172 : i32
      %add3A_174 = arith.constant 7040 : i32
      %add3A_175 = arith.addi %add3A_174, %mul3A_173 : i32
      %get3A_176 = arith.index_cast %add3A_175 : i32 to index
      %get3A_177 = tpu.vector_load %arg6[%get3A_176] {strides = array<i32>} : memref<10240xf32, #tpu.memory_space<vmem>>, vector<16xf32>,
      %add3A_178 = arith.addf %add3A_171, %get3A_177 : vector<16xf32>
      %mul3A_179 = arith.constant 16 : i32
      %mul3A_180 = arith.muli %scan3A_97, %mul3A_179 : i32
      %add3A_181 = arith.constant 7680 : i32
      %add3A_182 = arith.addi %add3A_181, %mul3A_180 : i32
      %get3A_183 = arith.index_cast %add3A_182 : i32 to index
      %get3A_184 = tpu.vector_load %arg6[%get3A_183] {strides = array<i32>} : memref<10240xf32, #tpu.memory_space<vmem>>, vector<16xf32>,
      %add3A_185 = arith.addf %add3A_178, %get3A_184 : vector<16xf32>
      %mul3A_186 = arith.constant 16 : i32
      %mul3A_187 = arith.muli %scan3A_97, %mul3A_186 : i32
      %add3A_188 = arith.constant 8320 : i32
      %add3A_189 = arith.addi %add3A_188, %mul3A_187 : i32
      %get3A_190 = arith.index_cast %add3A_189 : i32 to index
      %get3A_191 = tpu.vector_load %arg6[%get3A_190] {strides = array<i32>} : memref<10240xf32, #tpu.memory_space<vmem>>, vector<16xf32>,
      %add3A_192 = arith.addf %add3A_185, %get3A_191 : vector<16xf32>
      %mul3A_193 = arith.constant 16 : i32
      %mul3A_194 = arith.muli %scan3A_97, %mul3A_193 : i32
      %add3A_195 = arith.constant 8960 : i32
      %add3A_196 = arith.addi %add3A_195, %mul3A_194 : i32
      %get3A_197 = arith.index_cast %add3A_196 : i32 to index
      %get3A_198 = tpu.vector_load %arg6[%get3A_197] {strides = array<i32>} : memref<10240xf32, #tpu.memory_space<vmem>>, vector<16xf32>,
      %add3A_199 = arith.addf %add3A_192, %get3A_198 : vector<16xf32>
      %mul3A_200 = arith.constant 16 : i32
      %mul3A_201 = arith.muli %scan3A_97, %mul3A_200 : i32
      %add3A_202 = arith.constant 9600 : i32
      %add3A_203 = arith.addi %add3A_202, %mul3A_201 : i32
      %get3A_204 = arith.index_cast %add3A_203 : i32 to index
      %get3A_205 = tpu.vector_load %arg6[%get3A_204] {strides = array<i32>} : memref<10240xf32, #tpu.memory_space<vmem>>, vector<16xf32>,
      %add3A_206 = arith.addf %add3A_199, %get3A_205 : vector<16xf32>
      %mul3A_207 = arith.constant 16 : i32
      %mul3A_208 = arith.muli %scan3A_97, %mul3A_207 : i32
      %swap3A = arith.index_cast %mul3A_208 : i32 to index
      %swap3A_209 = tpu.vector_load %arg7[%swap3A] {strides = array<i32>} : memref<640xf32, #tpu.memory_space<vmem>>, vector<16xf32>,
      tpu.vector_store %arg7[%swap3A], %add3A_206 {strides = array<i32>} : memref<640xf32, #tpu.memory_space<vmem>>, vector<16xf32>,
      %scan3A_210 = arith.constant 0 : i32
      scf.yield %scan3A_210 : i32
    }
    %scan3A_89 = arith.constant 40 : i32
    %eq3A = arith.constant 0 : i32
    %eq3A_90 = arith.cmpi eq, %arg0, %eq3A : i32
    %convert_element_type3A = arith.extui %eq3A_90 : i1 to i32
    %cond3A = arith.constant 0 : i32
    %cond3A_91 = arith.cmpi ne, %convert_element_type3A, %cond3A : i32
    scf.if %cond3A_91 {
      %mul3A_97 = arith.constant 640 : i32
      %mul3A_98 = arith.muli %arg1, %mul3A_97 : i32
      "tpu.region"() ({
        %run_scoped3A = tpu.sem_alloc : memref<!tpu.dma_semaphore, #tpu.memory_space<semaphore_mem>>
        %dma_start3A = tpu.memref_slice %arg3[%mul3A_98] : memref<10240xf32, #tpu.memory_space<hbm>> -> memref<640xf32, #tpu.memory_space<hbm>>
        %dma_start3A_99 = tpu.memref_slice %arg3[%mul3A_98] : memref<10240xf32, #tpu.memory_space<hbm>> -> memref<640xf32, #tpu.memory_space<hbm>>
        tpu.enqueue_dma source(%arg7 : memref<640xf32, #tpu.memory_space<vmem>>) target(%dma_start3A_99 : memref<640xf32, #tpu.memory_space<hbm>>) target_semaphore(%run_scoped3A : memref<!tpu.dma_semaphore, #tpu.memory_space<semaphore_mem>>)
        %dma_wait3A = tpu.memref_slice %arg3[%mul3A_98] : memref<10240xf32, #tpu.memory_space<hbm>> -> memref<640xf32, #tpu.memory_space<hbm>>
        %dma_wait3A_100 = tpu.memref_slice %arg3[%mul3A_98] : memref<10240xf32, #tpu.memory_space<hbm>> -> memref<640xf32, #tpu.memory_space<hbm>>
        tpu.wait_dma2 semaphore(%run_scoped3A : memref<!tpu.dma_semaphore, #tpu.memory_space<semaphore_mem>>) src(%arg7 : memref<640xf32, #tpu.memory_space<vmem>>) dst(%dma_wait3A_100 : memref<640xf32, #tpu.memory_space<hbm>>)
        tpu.yield
      }) : () -> ()
    } else {
    }
    %eq3A_92 = arith.constant 1 : i32
    %eq3A_93 = arith.cmpi eq, %arg0, %eq3A_92 : i32
    %convert_element_type3A_94 = arith.extui %eq3A_93 : i1 to i32
    %cond3A_95 = arith.constant 0 : i32
    %cond3A_96 = arith.cmpi ne, %convert_element_type3A_94, %cond3A_95 : i32
    scf.if %cond3A_96 {
      %mul3A_97 = arith.constant 640 : i32
      %mul3A_98 = arith.muli %arg1, %mul3A_97 : i32
      "tpu.region"() ({
        %run_scoped3A = tpu.sem_alloc : memref<!tpu.dma_semaphore, #tpu.memory_space<semaphore_mem>>
        %dma_start3A = tpu.memref_slice %arg4[%mul3A_98] : memref<10240xf32, #tpu.memory_space<hbm>> -> memref<640xf32, #tpu.memory_space<hbm>>
        %dma_start3A_99 = tpu.memref_slice %arg4[%mul3A_98] : memref<10240xf32, #tpu.memory_space<hbm>> -> memref<640xf32, #tpu.memory_space<hbm>>
        tpu.enqueue_dma source(%arg7 : memref<640xf32, #tpu.memory_space<vmem>>) target(%dma_start3A_99 : memref<640xf32, #tpu.memory_space<hbm>>) target_semaphore(%run_scoped3A : memref<!tpu.dma_semaphore, #tpu.memory_space<semaphore_mem>>)
        %dma_wait3A = tpu.memref_slice %arg4[%mul3A_98] : memref<10240xf32, #tpu.memory_space<hbm>> -> memref<640xf32, #tpu.memory_space<hbm>>
        %dma_wait3A_100 = tpu.memref_slice %arg4[%mul3A_98] : memref<10240xf32, #tpu.memory_space<hbm>> -> memref<640xf32, #tpu.memory_space<hbm>>
        tpu.wait_dma2 semaphore(%run_scoped3A : memref<!tpu.dma_semaphore, #tpu.memory_space<semaphore_mem>>) src(%arg7 : memref<640xf32, #tpu.memory_space<vmem>>) dst(%dma_wait3A_100 : memref<640xf32, #tpu.memory_space<hbm>>)
        tpu.yield
      }) : () -> ()
    } else {
    }
    return
  }
}

#map = affine_map<(d0, d1) -> (0, 0)>
#map1 = affine_map<(d0, d1) -> (0)>
#map2 = affine_map<(d0, d1) -> (0, 0, 0)>
module attributes {stable_mosaic.version = 14 : i64} {
  func.func @_agg_body(%arg0: i32, %arg1: i32, %arg2: memref<10000x128xf32, #tpu.memory_space<hbm>>, %arg3: memref<320000xi32, #tpu.memory_space<hbm>>, %arg4: memref<32x125x80xi32, #tpu.memory_space<hbm>>, %arg5: memref<20000x128xf32, #tpu.memory_space<hbm>>, %arg6: memref<10000xi32, #tpu.memory_space<vmem>>, %arg7: memref<80xi32, #tpu.memory_space<vmem>>, %arg8: memref<80xi32, #tpu.memory_space<vmem>>, %arg9: memref<80xi32, #tpu.memory_space<vmem>>, %arg10: memref<80x128xf32, #tpu.memory_space<vmem>>, %arg11: memref<80x128xf32, #tpu.memory_space<vmem>>, %arg12: memref<80x128xf32, #tpu.memory_space<vmem>>, %arg13: memref<10000x128xf32, #tpu.memory_space<vmem_shared>>, %arg14: memref<!tpu.dma_semaphore, #tpu.memory_space<semaphore_mem>>, %arg15: memref<!tpu.dma_semaphore, #tpu.memory_space<semaphore_mem>>, %arg16: memref<!tpu.dma_semaphore, #tpu.memory_space<semaphore_mem>>, %arg17: memref<!tpu.dma_semaphore, #tpu.memory_space<semaphore_mem>>, %arg18: memref<!tpu.dma_semaphore, #tpu.memory_space<semaphore_mem>>, %arg19: memref<!tpu.dma_semaphore, #tpu.memory_space<semaphore_mem>>, %arg20: memref<!tpu.dma_semaphore, #tpu.memory_space<semaphore_mem>>, %arg21: memref<!tpu.dma_semaphore, #tpu.memory_space<semaphore_mem>>, %arg22: memref<!tpu.dma_semaphore, #tpu.memory_space<semaphore_mem>>) attributes {dimension_semantics = [#tpu.dimension_semantics<core_parallel>, #tpu.dimension_semantics<subcore_parallel>], iteration_bounds = array<i64: 2, 16>, scalar_prefetch = 0 : i64, scratch_operands = 17 : i64, tpu.core_type = #tpu.core_type<sc_vector_subcore>, window_params = [{transform_indices = #map}, {transform_indices = #map1}, {transform_indices = #map2}, {transform_indices = #map}]} {
    %mul3A = arith.constant 16 : i32
    %mul3A_0 = arith.muli %arg0, %mul3A : i32
    %add3A = arith.addi %mul3A_0, %arg1 : i32
    %eq3A = arith.constant 15 : i32
    %eq3A_1 = arith.cmpi eq, %arg1, %eq3A : i32
    %jit3A = arith.constant 5 : i32
    %jit3A_2 = arith.constant 8 : i32
    %select_n3A = arith.select %eq3A_1, %jit3A, %jit3A_2 : i32
    %scan3A = arith.constant 0 : i32
    %scan3A_3 = arith.constant 0 : i32
    %scan3A_4 = arith.constant 80 : i32
    %scan3A_5 = arith.addi %scan3A_3, %scan3A_4 : i32
    %scan3A_6 = arith.constant 1 : i32
    %scan3A_7 = scf.for %scan3A_241 = %scan3A_3 to %scan3A_5 step %scan3A_6 iter_args(%scan3A_242 = %scan3A) -> (i32)  : i32 {
      %broadcast_in_dim3A = arith.constant 0.000000e+00 : f32
      %broadcast_in_dim3A_243 = vector.broadcast %broadcast_in_dim3A : f32 to vector<16xf32>
      %swap3A = arith.index_cast %scan3A_241 : i32 to index
      %swap3A_244 = arith.constant 0 : index
      %swap3A_245 = tpu.vector_load %arg10[%swap3A, %swap3A_244] {strides = array<i32>} : memref<80x128xf32, #tpu.memory_space<vmem>>, vector<1x16xf32>,
      %swap3A_246 = vector.shape_cast %swap3A_245 : vector<1x16xf32> to vector<16xf32>
      %swap3A_247 = vector.shape_cast %broadcast_in_dim3A_243 : vector<16xf32> to vector<1x16xf32>
      tpu.vector_store %arg10[%swap3A, %swap3A_244], %swap3A_247 {strides = array<i32>} : memref<80x128xf32, #tpu.memory_space<vmem>>, vector<1x16xf32>,
      %broadcast_in_dim3A_248 = arith.constant 0.000000e+00 : f32
      %broadcast_in_dim3A_249 = vector.broadcast %broadcast_in_dim3A_248 : f32 to vector<16xf32>
      %swap3A_250 = arith.index_cast %scan3A_241 : i32 to index
      %swap3A_251 = arith.constant 16 : index
      %swap3A_252 = tpu.vector_load %arg10[%swap3A_250, %swap3A_251] {strides = array<i32>} : memref<80x128xf32, #tpu.memory_space<vmem>>, vector<1x16xf32>,
      %swap3A_253 = vector.shape_cast %swap3A_252 : vector<1x16xf32> to vector<16xf32>
      %swap3A_254 = vector.shape_cast %broadcast_in_dim3A_249 : vector<16xf32> to vector<1x16xf32>
      tpu.vector_store %arg10[%swap3A_250, %swap3A_251], %swap3A_254 {strides = array<i32>} : memref<80x128xf32, #tpu.memory_space<vmem>>, vector<1x16xf32>,
      %broadcast_in_dim3A_255 = arith.constant 0.000000e+00 : f32
      %broadcast_in_dim3A_256 = vector.broadcast %broadcast_in_dim3A_255 : f32 to vector<16xf32>
      %swap3A_257 = arith.index_cast %scan3A_241 : i32 to index
      %swap3A_258 = arith.constant 32 : index
      %swap3A_259 = tpu.vector_load %arg10[%swap3A_257, %swap3A_258] {strides = array<i32>} : memref<80x128xf32, #tpu.memory_space<vmem>>, vector<1x16xf32>,
      %swap3A_260 = vector.shape_cast %swap3A_259 : vector<1x16xf32> to vector<16xf32>
      %swap3A_261 = vector.shape_cast %broadcast_in_dim3A_256 : vector<16xf32> to vector<1x16xf32>
      tpu.vector_store %arg10[%swap3A_257, %swap3A_258], %swap3A_261 {strides = array<i32>} : memref<80x128xf32, #tpu.memory_space<vmem>>, vector<1x16xf32>,
      %broadcast_in_dim3A_262 = arith.constant 0.000000e+00 : f32
      %broadcast_in_dim3A_263 = vector.broadcast %broadcast_in_dim3A_262 : f32 to vector<16xf32>
      %swap3A_264 = arith.index_cast %scan3A_241 : i32 to index
      %swap3A_265 = arith.constant 48 : index
      %swap3A_266 = tpu.vector_load %arg10[%swap3A_264, %swap3A_265] {strides = array<i32>} : memref<80x128xf32, #tpu.memory_space<vmem>>, vector<1x16xf32>,
      %swap3A_267 = vector.shape_cast %swap3A_266 : vector<1x16xf32> to vector<16xf32>
      %swap3A_268 = vector.shape_cast %broadcast_in_dim3A_263 : vector<16xf32> to vector<1x16xf32>
      tpu.vector_store %arg10[%swap3A_264, %swap3A_265], %swap3A_268 {strides = array<i32>} : memref<80x128xf32, #tpu.memory_space<vmem>>, vector<1x16xf32>,
      %broadcast_in_dim3A_269 = arith.constant 0.000000e+00 : f32
      %broadcast_in_dim3A_270 = vector.broadcast %broadcast_in_dim3A_269 : f32 to vector<16xf32>
      %swap3A_271 = arith.index_cast %scan3A_241 : i32 to index
      %swap3A_272 = arith.constant 64 : index
      %swap3A_273 = tpu.vector_load %arg10[%swap3A_271, %swap3A_272] {strides = array<i32>} : memref<80x128xf32, #tpu.memory_space<vmem>>, vector<1x16xf32>,
      %swap3A_274 = vector.shape_cast %swap3A_273 : vector<1x16xf32> to vector<16xf32>
      %swap3A_275 = vector.shape_cast %broadcast_in_dim3A_270 : vector<16xf32> to vector<1x16xf32>
      tpu.vector_store %arg10[%swap3A_271, %swap3A_272], %swap3A_275 {strides = array<i32>} : memref<80x128xf32, #tpu.memory_space<vmem>>, vector<1x16xf32>,
      %broadcast_in_dim3A_276 = arith.constant 0.000000e+00 : f32
      %broadcast_in_dim3A_277 = vector.broadcast %broadcast_in_dim3A_276 : f32 to vector<16xf32>
      %swap3A_278 = arith.index_cast %scan3A_241 : i32 to index
      %swap3A_279 = arith.constant 80 : index
      %swap3A_280 = tpu.vector_load %arg10[%swap3A_278, %swap3A_279] {strides = array<i32>} : memref<80x128xf32, #tpu.memory_space<vmem>>, vector<1x16xf32>,
      %swap3A_281 = vector.shape_cast %swap3A_280 : vector<1x16xf32> to vector<16xf32>
      %swap3A_282 = vector.shape_cast %broadcast_in_dim3A_277 : vector<16xf32> to vector<1x16xf32>
      tpu.vector_store %arg10[%swap3A_278, %swap3A_279], %swap3A_282 {strides = array<i32>} : memref<80x128xf32, #tpu.memory_space<vmem>>, vector<1x16xf32>,
      %broadcast_in_dim3A_283 = arith.constant 0.000000e+00 : f32
      %broadcast_in_dim3A_284 = vector.broadcast %broadcast_in_dim3A_283 : f32 to vector<16xf32>
      %swap3A_285 = arith.index_cast %scan3A_241 : i32 to index
      %swap3A_286 = arith.constant 96 : index
      %swap3A_287 = tpu.vector_load %arg10[%swap3A_285, %swap3A_286] {strides = array<i32>} : memref<80x128xf32, #tpu.memory_space<vmem>>, vector<1x16xf32>,
      %swap3A_288 = vector.shape_cast %swap3A_287 : vector<1x16xf32> to vector<16xf32>
      %swap3A_289 = vector.shape_cast %broadcast_in_dim3A_284 : vector<16xf32> to vector<1x16xf32>
      tpu.vector_store %arg10[%swap3A_285, %swap3A_286], %swap3A_289 {strides = array<i32>} : memref<80x128xf32, #tpu.memory_space<vmem>>, vector<1x16xf32>,
      %broadcast_in_dim3A_290 = arith.constant 0.000000e+00 : f32
      %broadcast_in_dim3A_291 = vector.broadcast %broadcast_in_dim3A_290 : f32 to vector<16xf32>
      %swap3A_292 = arith.index_cast %scan3A_241 : i32 to index
      %swap3A_293 = arith.constant 112 : index
      %swap3A_294 = tpu.vector_load %arg10[%swap3A_292, %swap3A_293] {strides = array<i32>} : memref<80x128xf32, #tpu.memory_space<vmem>>, vector<1x16xf32>,
      %swap3A_295 = vector.shape_cast %swap3A_294 : vector<1x16xf32> to vector<16xf32>
      %swap3A_296 = vector.shape_cast %broadcast_in_dim3A_291 : vector<16xf32> to vector<1x16xf32>
      tpu.vector_store %arg10[%swap3A_292, %swap3A_293], %swap3A_296 {strides = array<i32>} : memref<80x128xf32, #tpu.memory_space<vmem>>, vector<1x16xf32>,
      %scan3A_297 = arith.constant 0 : i32
      scf.yield %scan3A_297 : i32
    }
    %scan3A_8 = arith.constant 80 : i32
    %while3A = arith.constant 0 : i32
    %while3A_9 = arith.constant 0 : i32
    %while3A_10 = arith.subi %select_n3A, %while3A : i32
    %while3A_11 = arith.addi %while3A, %while3A_10 : i32
    %while3A_12 = arith.constant 1 : i32
    %while3A_13 = arith.divsi %while3A_10, %while3A_12 : i32
    %while3A_14 = arith.muli %while3A_13, %while3A_12 : i32
    %while3A_15 = arith.addi %while3A, %while3A_14 : i32
    %while3A_16 = arith.constant 1 : i32
    %while3A_17 = scf.for %while3A_241 = %while3A to %while3A_15 step %while3A_16 iter_args(%while3A_242 = %while3A_9) -> (i32)  : i32 {
      %mul3A_243 = arith.constant 640 : i32
      %mul3A_244 = arith.muli %arg1, %mul3A_243 : i32
      %mul3A_245 = arith.constant 80 : i32
      %mul3A_246 = arith.muli %while3A_241, %mul3A_245 : i32
      %add3A_247 = arith.addi %mul3A_244, %mul3A_246 : i32
      "tpu.region"() ({
        %run_scoped3A = tpu.sem_alloc : memref<!tpu.dma_semaphore, #tpu.memory_space<semaphore_mem>>
        %dma_start3A_249 = arith.constant 0 : i32
        %dma_start3A_250 = tpu.memref_slice %arg13[%add3A_247, %dma_start3A_249] : memref<10000x128xf32, #tpu.memory_space<vmem_shared>> -> memref<80x128xf32, #tpu.memory_space<vmem_shared>>
        %dma_start3A_251 = arith.constant 0 : i32
        %dma_start3A_252 = tpu.memref_slice %arg13[%add3A_247, %dma_start3A_251] : memref<10000x128xf32, #tpu.memory_space<vmem_shared>> -> memref<80x128xf32, #tpu.memory_space<vmem_shared>>
        tpu.enqueue_dma source(%arg10 : memref<80x128xf32, #tpu.memory_space<vmem>>) target(%dma_start3A_252 : memref<80x128xf32, #tpu.memory_space<vmem_shared>>) target_semaphore(%run_scoped3A : memref<!tpu.dma_semaphore, #tpu.memory_space<semaphore_mem>>)
        %dma_wait3A_253 = arith.constant 0 : i32
        %dma_wait3A_254 = tpu.memref_slice %arg13[%add3A_247, %dma_wait3A_253] : memref<10000x128xf32, #tpu.memory_space<vmem_shared>> -> memref<80x128xf32, #tpu.memory_space<vmem_shared>>
        %dma_wait3A_255 = arith.constant 0 : i32
        %dma_wait3A_256 = tpu.memref_slice %arg13[%add3A_247, %dma_wait3A_255] : memref<10000x128xf32, #tpu.memory_space<vmem_shared>> -> memref<80x128xf32, #tpu.memory_space<vmem_shared>>
        tpu.wait_dma2 semaphore(%run_scoped3A : memref<!tpu.dma_semaphore, #tpu.memory_space<semaphore_mem>>) src(%arg10 : memref<80x128xf32, #tpu.memory_space<vmem>>) dst(%dma_wait3A_256 : memref<80x128xf32, #tpu.memory_space<vmem_shared>>)
        tpu.yield
      }) : () -> ()
      %while3A_248 = arith.constant 0 : i32
      scf.yield %while3A_248 : i32
    }
    %while3A_18 = arith.constant 1 : i32
    %while3A_19 = scf.for %while3A_241 = %while3A_15 to %while3A_11 step %while3A_18 iter_args(%while3A_242 = %while3A_17) -> (i32)  : i32 {
      %mul3A_243 = arith.constant 640 : i32
      %mul3A_244 = arith.muli %arg1, %mul3A_243 : i32
      %mul3A_245 = arith.constant 80 : i32
      %mul3A_246 = arith.muli %while3A_241, %mul3A_245 : i32
      %add3A_247 = arith.addi %mul3A_244, %mul3A_246 : i32
      "tpu.region"() ({
        %run_scoped3A = tpu.sem_alloc : memref<!tpu.dma_semaphore, #tpu.memory_space<semaphore_mem>>
        %dma_start3A_249 = arith.constant 0 : i32
        %dma_start3A_250 = tpu.memref_slice %arg13[%add3A_247, %dma_start3A_249] : memref<10000x128xf32, #tpu.memory_space<vmem_shared>> -> memref<80x128xf32, #tpu.memory_space<vmem_shared>>
        %dma_start3A_251 = arith.constant 0 : i32
        %dma_start3A_252 = tpu.memref_slice %arg13[%add3A_247, %dma_start3A_251] : memref<10000x128xf32, #tpu.memory_space<vmem_shared>> -> memref<80x128xf32, #tpu.memory_space<vmem_shared>>
        tpu.enqueue_dma source(%arg10 : memref<80x128xf32, #tpu.memory_space<vmem>>) target(%dma_start3A_252 : memref<80x128xf32, #tpu.memory_space<vmem_shared>>) target_semaphore(%run_scoped3A : memref<!tpu.dma_semaphore, #tpu.memory_space<semaphore_mem>>)
        %dma_wait3A_253 = arith.constant 0 : i32
        %dma_wait3A_254 = tpu.memref_slice %arg13[%add3A_247, %dma_wait3A_253] : memref<10000x128xf32, #tpu.memory_space<vmem_shared>> -> memref<80x128xf32, #tpu.memory_space<vmem_shared>>
        %dma_wait3A_255 = arith.constant 0 : i32
        %dma_wait3A_256 = tpu.memref_slice %arg13[%add3A_247, %dma_wait3A_255] : memref<10000x128xf32, #tpu.memory_space<vmem_shared>> -> memref<80x128xf32, #tpu.memory_space<vmem_shared>>
        tpu.wait_dma2 semaphore(%run_scoped3A : memref<!tpu.dma_semaphore, #tpu.memory_space<semaphore_mem>>) src(%arg10 : memref<80x128xf32, #tpu.memory_space<vmem>>) dst(%dma_wait3A_256 : memref<80x128xf32, #tpu.memory_space<vmem_shared>>)
        tpu.yield
      }) : () -> ()
      %while3A_248 = arith.constant 0 : i32
      scf.yield %while3A_248 : i32
    }
    %mul3A_20 = arith.constant 10000 : i32
    %mul3A_21 = arith.muli %add3A, %mul3A_20 : i32
    "tpu.region"() ({
      %run_scoped3A = tpu.sem_alloc : memref<!tpu.dma_semaphore, #tpu.memory_space<semaphore_mem>>
      %dma_start3A_241 = tpu.memref_slice %arg3[%mul3A_21] : memref<320000xi32, #tpu.memory_space<hbm>> -> memref<10000xi32, #tpu.memory_space<hbm>>
      %dma_start3A_242 = tpu.memref_slice %arg3[%mul3A_21] : memref<320000xi32, #tpu.memory_space<hbm>> -> memref<10000xi32, #tpu.memory_space<hbm>>
      tpu.enqueue_dma source(%dma_start3A_242 : memref<10000xi32, #tpu.memory_space<hbm>>) target(%arg6 : memref<10000xi32, #tpu.memory_space<vmem>>) target_semaphore(%run_scoped3A : memref<!tpu.dma_semaphore, #tpu.memory_space<semaphore_mem>>)
      %dma_wait3A_243 = tpu.memref_slice %arg3[%mul3A_21] : memref<320000xi32, #tpu.memory_space<hbm>> -> memref<10000xi32, #tpu.memory_space<hbm>>
      %dma_wait3A_244 = tpu.memref_slice %arg3[%mul3A_21] : memref<320000xi32, #tpu.memory_space<hbm>> -> memref<10000xi32, #tpu.memory_space<hbm>>
      tpu.wait_dma2 semaphore(%run_scoped3A : memref<!tpu.dma_semaphore, #tpu.memory_space<semaphore_mem>>) src(%dma_wait3A_244 : memref<10000xi32, #tpu.memory_space<hbm>>) dst(%arg6 : memref<10000xi32, #tpu.memory_space<vmem>>)
      tpu.yield
    }) : () -> ()
    %barrier3A = arith.constant 0 : index
    tpu.barrier barrier_id(%barrier3A)
    %dma_start3A = arith.constant 0 : i32
    %dma_start3A_22 = arith.constant 0 : i32
    %dma_start3A_23 = tpu.memref_slice %arg4[%add3A, %dma_start3A, %dma_start3A_22] : memref<32x125x80xi32, #tpu.memory_space<hbm>> -> memref<1x1x80xi32, #tpu.memory_space<hbm>>
    %dma_start3A_24 = tpu.memref_squeeze %dma_start3A_23 : memref<1x1x80xi32, #tpu.memory_space<hbm>> -> memref<80xi32, #tpu.memory_space<hbm>>
    %dma_start3A_25 = arith.constant 0 : i32
    %dma_start3A_26 = tpu.memref_slice %arg4[%add3A, %dma_start3A, %dma_start3A_25] : memref<32x125x80xi32, #tpu.memory_space<hbm>> -> memref<1x1x80xi32, #tpu.memory_space<hbm>>
    %dma_start3A_27 = tpu.memref_squeeze %dma_start3A_26 : memref<1x1x80xi32, #tpu.memory_space<hbm>> -> memref<80xi32, #tpu.memory_space<hbm>>
    tpu.enqueue_dma source(%dma_start3A_27 : memref<80xi32, #tpu.memory_space<hbm>>) target(%arg7 : memref<80xi32, #tpu.memory_space<vmem>>) target_semaphore(%arg20 : memref<!tpu.dma_semaphore, #tpu.memory_space<semaphore_mem>>)
    %dma_start3A_28 = arith.constant 0 : i32
    %dma_start3A_29 = tpu.memref_slice %arg6[%dma_start3A_28] : memref<10000xi32, #tpu.memory_space<vmem>> -> memref<80xi32, #tpu.memory_space<vmem>>
    %dma_start3A_30 = arith.constant 0 : i32
    %dma_start3A_31 = arith.constant 0 : i32
    %dma_start3A_32 = tpu.memref_slice %arg2[%dma_start3A_30, %dma_start3A_31] : memref<10000x128xf32, #tpu.memory_space<hbm>> -> memref<10000x128xf32, #tpu.memory_space<hbm>>
    tpu.enqueue_indirect_dma source(%dma_start3A_32 : memref<10000x128xf32, #tpu.memory_space<hbm>>) target(%arg10 : memref<80x128xf32, #tpu.memory_space<vmem>>) offsets(%dma_start3A_29 : memref<80xi32, #tpu.memory_space<vmem>>) semaphore(%arg14 : memref<!tpu.dma_semaphore, #tpu.memory_space<semaphore_mem>>)
    %dma_start3A_33 = arith.constant 1 : i32
    %dma_start3A_34 = arith.constant 0 : i32
    %dma_start3A_35 = tpu.memref_slice %arg4[%add3A, %dma_start3A_33, %dma_start3A_34] : memref<32x125x80xi32, #tpu.memory_space<hbm>> -> memref<1x1x80xi32, #tpu.memory_space<hbm>>
    %dma_start3A_36 = tpu.memref_squeeze %dma_start3A_35 : memref<1x1x80xi32, #tpu.memory_space<hbm>> -> memref<80xi32, #tpu.memory_space<hbm>>
    %dma_start3A_37 = arith.constant 0 : i32
    %dma_start3A_38 = tpu.memref_slice %arg4[%add3A, %dma_start3A_33, %dma_start3A_37] : memref<32x125x80xi32, #tpu.memory_space<hbm>> -> memref<1x1x80xi32, #tpu.memory_space<hbm>>
    %dma_start3A_39 = tpu.memref_squeeze %dma_start3A_38 : memref<1x1x80xi32, #tpu.memory_space<hbm>> -> memref<80xi32, #tpu.memory_space<hbm>>
    tpu.enqueue_dma source(%dma_start3A_39 : memref<80xi32, #tpu.memory_space<hbm>>) target(%arg8 : memref<80xi32, #tpu.memory_space<vmem>>) target_semaphore(%arg21 : memref<!tpu.dma_semaphore, #tpu.memory_space<semaphore_mem>>)
    %dma_start3A_40 = arith.constant 80 : i32
    %dma_start3A_41 = tpu.memref_slice %arg6[%dma_start3A_40] : memref<10000xi32, #tpu.memory_space<vmem>> -> memref<80xi32, #tpu.memory_space<vmem>>
    %dma_start3A_42 = arith.constant 0 : i32
    %dma_start3A_43 = arith.constant 0 : i32
    %dma_start3A_44 = tpu.memref_slice %arg2[%dma_start3A_42, %dma_start3A_43] : memref<10000x128xf32, #tpu.memory_space<hbm>> -> memref<10000x128xf32, #tpu.memory_space<hbm>>
    tpu.enqueue_indirect_dma source(%dma_start3A_44 : memref<10000x128xf32, #tpu.memory_space<hbm>>) target(%arg11 : memref<80x128xf32, #tpu.memory_space<vmem>>) offsets(%dma_start3A_41 : memref<80xi32, #tpu.memory_space<vmem>>) semaphore(%arg15 : memref<!tpu.dma_semaphore, #tpu.memory_space<semaphore_mem>>)
    %dma_wait3A = arith.constant 0 : i32
    %dma_wait3A_45 = tpu.memref_slice %arg6[%dma_wait3A] : memref<10000xi32, #tpu.memory_space<vmem>> -> memref<80xi32, #tpu.memory_space<vmem>>
    %dma_wait3A_46 = arith.constant 0 : i32
    %dma_wait3A_47 = arith.constant 0 : i32
    %dma_wait3A_48 = tpu.memref_slice %arg2[%dma_wait3A_46, %dma_wait3A_47] : memref<10000x128xf32, #tpu.memory_space<hbm>> -> memref<10000x128xf32, #tpu.memory_space<hbm>>
    tpu.wait_indirect_dma semaphore(%arg14 : memref<!tpu.dma_semaphore, #tpu.memory_space<semaphore_mem>>) src(%dma_wait3A_48 : memref<10000x128xf32, #tpu.memory_space<hbm>>) dst(%arg10 : memref<80x128xf32, #tpu.memory_space<vmem>>)
    %dma_wait3A_49 = arith.constant 0 : i32
    %dma_wait3A_50 = arith.constant 0 : i32
    %dma_wait3A_51 = tpu.memref_slice %arg4[%add3A, %dma_wait3A_49, %dma_wait3A_50] : memref<32x125x80xi32, #tpu.memory_space<hbm>> -> memref<1x1x80xi32, #tpu.memory_space<hbm>>
    %dma_wait3A_52 = tpu.memref_squeeze %dma_wait3A_51 : memref<1x1x80xi32, #tpu.memory_space<hbm>> -> memref<80xi32, #tpu.memory_space<hbm>>
    %dma_wait3A_53 = arith.constant 0 : i32
    %dma_wait3A_54 = tpu.memref_slice %arg4[%add3A, %dma_wait3A_49, %dma_wait3A_53] : memref<32x125x80xi32, #tpu.memory_space<hbm>> -> memref<1x1x80xi32, #tpu.memory_space<hbm>>
    %dma_wait3A_55 = tpu.memref_squeeze %dma_wait3A_54 : memref<1x1x80xi32, #tpu.memory_space<hbm>> -> memref<80xi32, #tpu.memory_space<hbm>>
    tpu.wait_dma2 semaphore(%arg20 : memref<!tpu.dma_semaphore, #tpu.memory_space<semaphore_mem>>) src(%dma_wait3A_55 : memref<80xi32, #tpu.memory_space<hbm>>) dst(%arg7 : memref<80xi32, #tpu.memory_space<vmem>>)
    %dma_start3A_56 = arith.constant 0 : i32
    %dma_start3A_57 = arith.constant 0 : i32
    %dma_start3A_58 = tpu.memref_slice %arg13[%dma_start3A_56, %dma_start3A_57] : memref<10000x128xf32, #tpu.memory_space<vmem_shared>> -> memref<10000x128xf32, #tpu.memory_space<vmem_shared>>
    tpu.enqueue_indirect_dma source(%arg10 : memref<80x128xf32, #tpu.memory_space<vmem>>) target(%dma_start3A_58 : memref<10000x128xf32, #tpu.memory_space<vmem_shared>>) offsets(%arg7 : memref<80xi32, #tpu.memory_space<vmem>>) semaphore(%arg17 : memref<!tpu.dma_semaphore, #tpu.memory_space<semaphore_mem>>) {add = true}
    %dma_start3A_59 = arith.constant 2 : i32
    %dma_start3A_60 = arith.constant 0 : i32
    %dma_start3A_61 = tpu.memref_slice %arg4[%add3A, %dma_start3A_59, %dma_start3A_60] : memref<32x125x80xi32, #tpu.memory_space<hbm>> -> memref<1x1x80xi32, #tpu.memory_space<hbm>>
    %dma_start3A_62 = tpu.memref_squeeze %dma_start3A_61 : memref<1x1x80xi32, #tpu.memory_space<hbm>> -> memref<80xi32, #tpu.memory_space<hbm>>
    %dma_start3A_63 = arith.constant 0 : i32
    %dma_start3A_64 = tpu.memref_slice %arg4[%add3A, %dma_start3A_59, %dma_start3A_63] : memref<32x125x80xi32, #tpu.memory_space<hbm>> -> memref<1x1x80xi32, #tpu.memory_space<hbm>>
    %dma_start3A_65 = tpu.memref_squeeze %dma_start3A_64 : memref<1x1x80xi32, #tpu.memory_space<hbm>> -> memref<80xi32, #tpu.memory_space<hbm>>
    tpu.enqueue_dma source(%dma_start3A_65 : memref<80xi32, #tpu.memory_space<hbm>>) target(%arg9 : memref<80xi32, #tpu.memory_space<vmem>>) target_semaphore(%arg22 : memref<!tpu.dma_semaphore, #tpu.memory_space<semaphore_mem>>)
    %dma_start3A_66 = arith.constant 160 : i32
    %dma_start3A_67 = tpu.memref_slice %arg6[%dma_start3A_66] : memref<10000xi32, #tpu.memory_space<vmem>> -> memref<80xi32, #tpu.memory_space<vmem>>
    %dma_start3A_68 = arith.constant 0 : i32
    %dma_start3A_69 = arith.constant 0 : i32
    %dma_start3A_70 = tpu.memref_slice %arg2[%dma_start3A_68, %dma_start3A_69] : memref<10000x128xf32, #tpu.memory_space<hbm>> -> memref<10000x128xf32, #tpu.memory_space<hbm>>
    tpu.enqueue_indirect_dma source(%dma_start3A_70 : memref<10000x128xf32, #tpu.memory_space<hbm>>) target(%arg12 : memref<80x128xf32, #tpu.memory_space<vmem>>) offsets(%dma_start3A_67 : memref<80xi32, #tpu.memory_space<vmem>>) semaphore(%arg16 : memref<!tpu.dma_semaphore, #tpu.memory_space<semaphore_mem>>)
    %dma_wait3A_71 = arith.constant 0 : i32
    %dma_wait3A_72 = tpu.memref_slice %arg6[%dma_wait3A_71] : memref<10000xi32, #tpu.memory_space<vmem>> -> memref<80xi32, #tpu.memory_space<vmem>>
    %dma_wait3A_73 = arith.constant 0 : i32
    %dma_wait3A_74 = arith.constant 0 : i32
    %dma_wait3A_75 = tpu.memref_slice %arg2[%dma_wait3A_73, %dma_wait3A_74] : memref<10000x128xf32, #tpu.memory_space<hbm>> -> memref<10000x128xf32, #tpu.memory_space<hbm>>
    tpu.wait_indirect_dma semaphore(%arg15 : memref<!tpu.dma_semaphore, #tpu.memory_space<semaphore_mem>>) src(%dma_wait3A_75 : memref<10000x128xf32, #tpu.memory_space<hbm>>) dst(%arg11 : memref<80x128xf32, #tpu.memory_space<vmem>>)
    %dma_wait3A_76 = arith.constant 0 : i32
    %dma_wait3A_77 = arith.constant 0 : i32
    %dma_wait3A_78 = tpu.memref_slice %arg4[%add3A, %dma_wait3A_76, %dma_wait3A_77] : memref<32x125x80xi32, #tpu.memory_space<hbm>> -> memref<1x1x80xi32, #tpu.memory_space<hbm>>
    %dma_wait3A_79 = tpu.memref_squeeze %dma_wait3A_78 : memref<1x1x80xi32, #tpu.memory_space<hbm>> -> memref<80xi32, #tpu.memory_space<hbm>>
    %dma_wait3A_80 = arith.constant 0 : i32
    %dma_wait3A_81 = tpu.memref_slice %arg4[%add3A, %dma_wait3A_76, %dma_wait3A_80] : memref<32x125x80xi32, #tpu.memory_space<hbm>> -> memref<1x1x80xi32, #tpu.memory_space<hbm>>
    %dma_wait3A_82 = tpu.memref_squeeze %dma_wait3A_81 : memref<1x1x80xi32, #tpu.memory_space<hbm>> -> memref<80xi32, #tpu.memory_space<hbm>>
    tpu.wait_dma2 semaphore(%arg21 : memref<!tpu.dma_semaphore, #tpu.memory_space<semaphore_mem>>) src(%dma_wait3A_82 : memref<80xi32, #tpu.memory_space<hbm>>) dst(%arg8 : memref<80xi32, #tpu.memory_space<vmem>>)
    %dma_start3A_83 = arith.constant 0 : i32
    %dma_start3A_84 = arith.constant 0 : i32
    %dma_start3A_85 = tpu.memref_slice %arg13[%dma_start3A_83, %dma_start3A_84] : memref<10000x128xf32, #tpu.memory_space<vmem_shared>> -> memref<10000x128xf32, #tpu.memory_space<vmem_shared>>
    tpu.enqueue_indirect_dma source(%arg11 : memref<80x128xf32, #tpu.memory_space<vmem>>) target(%dma_start3A_85 : memref<10000x128xf32, #tpu.memory_space<vmem_shared>>) offsets(%arg8 : memref<80xi32, #tpu.memory_space<vmem>>) semaphore(%arg18 : memref<!tpu.dma_semaphore, #tpu.memory_space<semaphore_mem>>) {add = true}
    %dma_wait3A_86 = arith.constant 0 : i32
    %dma_wait3A_87 = arith.constant 0 : i32
    %dma_wait3A_88 = tpu.memref_slice %arg13[%dma_wait3A_86, %dma_wait3A_87] : memref<10000x128xf32, #tpu.memory_space<vmem_shared>> -> memref<10000x128xf32, #tpu.memory_space<vmem_shared>>
    tpu.wait_indirect_dma semaphore(%arg17 : memref<!tpu.dma_semaphore, #tpu.memory_space<semaphore_mem>>) src(%arg10 : memref<80x128xf32, #tpu.memory_space<vmem>>) dst(%dma_wait3A_88 : memref<10000x128xf32, #tpu.memory_space<vmem_shared>>)
    %dma_start3A_89 = arith.constant 3 : i32
    %dma_start3A_90 = arith.constant 0 : i32
    %dma_start3A_91 = tpu.memref_slice %arg4[%add3A, %dma_start3A_89, %dma_start3A_90] : memref<32x125x80xi32, #tpu.memory_space<hbm>> -> memref<1x1x80xi32, #tpu.memory_space<hbm>>
    %dma_start3A_92 = tpu.memref_squeeze %dma_start3A_91 : memref<1x1x80xi32, #tpu.memory_space<hbm>> -> memref<80xi32, #tpu.memory_space<hbm>>
    %dma_start3A_93 = arith.constant 0 : i32
    %dma_start3A_94 = tpu.memref_slice %arg4[%add3A, %dma_start3A_89, %dma_start3A_93] : memref<32x125x80xi32, #tpu.memory_space<hbm>> -> memref<1x1x80xi32, #tpu.memory_space<hbm>>
    %dma_start3A_95 = tpu.memref_squeeze %dma_start3A_94 : memref<1x1x80xi32, #tpu.memory_space<hbm>> -> memref<80xi32, #tpu.memory_space<hbm>>
    tpu.enqueue_dma source(%dma_start3A_95 : memref<80xi32, #tpu.memory_space<hbm>>) target(%arg7 : memref<80xi32, #tpu.memory_space<vmem>>) target_semaphore(%arg20 : memref<!tpu.dma_semaphore, #tpu.memory_space<semaphore_mem>>)
    %dma_start3A_96 = arith.constant 240 : i32
    %dma_start3A_97 = tpu.memref_slice %arg6[%dma_start3A_96] : memref<10000xi32, #tpu.memory_space<vmem>> -> memref<80xi32, #tpu.memory_space<vmem>>
    %dma_start3A_98 = arith.constant 0 : i32
    %dma_start3A_99 = arith.constant 0 : i32
    %dma_start3A_100 = tpu.memref_slice %arg2[%dma_start3A_98, %dma_start3A_99] : memref<10000x128xf32, #tpu.memory_space<hbm>> -> memref<10000x128xf32, #tpu.memory_space<hbm>>
    tpu.enqueue_indirect_dma source(%dma_start3A_100 : memref<10000x128xf32, #tpu.memory_space<hbm>>) target(%arg10 : memref<80x128xf32, #tpu.memory_space<vmem>>) offsets(%dma_start3A_97 : memref<80xi32, #tpu.memory_space<vmem>>) semaphore(%arg14 : memref<!tpu.dma_semaphore, #tpu.memory_space<semaphore_mem>>)
    %dma_wait3A_101 = arith.constant 0 : i32
    %dma_wait3A_102 = tpu.memref_slice %arg6[%dma_wait3A_101] : memref<10000xi32, #tpu.memory_space<vmem>> -> memref<80xi32, #tpu.memory_space<vmem>>
    %dma_wait3A_103 = arith.constant 0 : i32
    %dma_wait3A_104 = arith.constant 0 : i32
    %dma_wait3A_105 = tpu.memref_slice %arg2[%dma_wait3A_103, %dma_wait3A_104] : memref<10000x128xf32, #tpu.memory_space<hbm>> -> memref<10000x128xf32, #tpu.memory_space<hbm>>
    tpu.wait_indirect_dma semaphore(%arg16 : memref<!tpu.dma_semaphore, #tpu.memory_space<semaphore_mem>>) src(%dma_wait3A_105 : memref<10000x128xf32, #tpu.memory_space<hbm>>) dst(%arg12 : memref<80x128xf32, #tpu.memory_space<vmem>>)
    %dma_wait3A_106 = arith.constant 0 : i32
    %dma_wait3A_107 = arith.constant 0 : i32
    %dma_wait3A_108 = tpu.memref_slice %arg4[%add3A, %dma_wait3A_106, %dma_wait3A_107] : memref<32x125x80xi32, #tpu.memory_space<hbm>> -> memref<1x1x80xi32, #tpu.memory_space<hbm>>
    %dma_wait3A_109 = tpu.memref_squeeze %dma_wait3A_108 : memref<1x1x80xi32, #tpu.memory_space<hbm>> -> memref<80xi32, #tpu.memory_space<hbm>>
    %dma_wait3A_110 = arith.constant 0 : i32
    %dma_wait3A_111 = tpu.memref_slice %arg4[%add3A, %dma_wait3A_106, %dma_wait3A_110] : memref<32x125x80xi32, #tpu.memory_space<hbm>> -> memref<1x1x80xi32, #tpu.memory_space<hbm>>
    %dma_wait3A_112 = tpu.memref_squeeze %dma_wait3A_111 : memref<1x1x80xi32, #tpu.memory_space<hbm>> -> memref<80xi32, #tpu.memory_space<hbm>>
    tpu.wait_dma2 semaphore(%arg22 : memref<!tpu.dma_semaphore, #tpu.memory_space<semaphore_mem>>) src(%dma_wait3A_112 : memref<80xi32, #tpu.memory_space<hbm>>) dst(%arg9 : memref<80xi32, #tpu.memory_space<vmem>>)
    %dma_start3A_113 = arith.constant 0 : i32
    %dma_start3A_114 = arith.constant 0 : i32
    %dma_start3A_115 = tpu.memref_slice %arg13[%dma_start3A_113, %dma_start3A_114] : memref<10000x128xf32, #tpu.memory_space<vmem_shared>> -> memref<10000x128xf32, #tpu.memory_space<vmem_shared>>
    tpu.enqueue_indirect_dma source(%arg12 : memref<80x128xf32, #tpu.memory_space<vmem>>) target(%dma_start3A_115 : memref<10000x128xf32, #tpu.memory_space<vmem_shared>>) offsets(%arg9 : memref<80xi32, #tpu.memory_space<vmem>>) semaphore(%arg19 : memref<!tpu.dma_semaphore, #tpu.memory_space<semaphore_mem>>) {add = true}
    %dma_wait3A_116 = arith.constant 0 : i32
    %dma_wait3A_117 = arith.constant 0 : i32
    %dma_wait3A_118 = tpu.memref_slice %arg13[%dma_wait3A_116, %dma_wait3A_117] : memref<10000x128xf32, #tpu.memory_space<vmem_shared>> -> memref<10000x128xf32, #tpu.memory_space<vmem_shared>>
    tpu.wait_indirect_dma semaphore(%arg18 : memref<!tpu.dma_semaphore, #tpu.memory_space<semaphore_mem>>) src(%arg11 : memref<80x128xf32, #tpu.memory_space<vmem>>) dst(%dma_wait3A_118 : memref<10000x128xf32, #tpu.memory_space<vmem_shared>>)
    %dma_start3A_119 = arith.constant 4 : i32
    %dma_start3A_120 = arith.constant 0 : i32
    %dma_start3A_121 = tpu.memref_slice %arg4[%add3A, %dma_start3A_119, %dma_start3A_120] : memref<32x125x80xi32, #tpu.memory_space<hbm>> -> memref<1x1x80xi32, #tpu.memory_space<hbm>>
    %dma_start3A_122 = tpu.memref_squeeze %dma_start3A_121 : memref<1x1x80xi32, #tpu.memory_space<hbm>> -> memref<80xi32, #tpu.memory_space<hbm>>
    %dma_start3A_123 = arith.constant 0 : i32
    %dma_start3A_124 = tpu.memref_slice %arg4[%add3A, %dma_start3A_119, %dma_start3A_123] : memref<32x125x80xi32, #tpu.memory_space<hbm>> -> memref<1x1x80xi32, #tpu.memory_space<hbm>>
    %dma_start3A_125 = tpu.memref_squeeze %dma_start3A_124 : memref<1x1x80xi32, #tpu.memory_space<hbm>> -> memref<80xi32, #tpu.memory_space<hbm>>
    tpu.enqueue_dma source(%dma_start3A_125 : memref<80xi32, #tpu.memory_space<hbm>>) target(%arg8 : memref<80xi32, #tpu.memory_space<vmem>>) target_semaphore(%arg21 : memref<!tpu.dma_semaphore, #tpu.memory_space<semaphore_mem>>)
    %dma_start3A_126 = arith.constant 320 : i32
    %dma_start3A_127 = tpu.memref_slice %arg6[%dma_start3A_126] : memref<10000xi32, #tpu.memory_space<vmem>> -> memref<80xi32, #tpu.memory_space<vmem>>
    %dma_start3A_128 = arith.constant 0 : i32
    %dma_start3A_129 = arith.constant 0 : i32
    %dma_start3A_130 = tpu.memref_slice %arg2[%dma_start3A_128, %dma_start3A_129] : memref<10000x128xf32, #tpu.memory_space<hbm>> -> memref<10000x128xf32, #tpu.memory_space<hbm>>
    tpu.enqueue_indirect_dma source(%dma_start3A_130 : memref<10000x128xf32, #tpu.memory_space<hbm>>) target(%arg11 : memref<80x128xf32, #tpu.memory_space<vmem>>) offsets(%dma_start3A_127 : memref<80xi32, #tpu.memory_space<vmem>>) semaphore(%arg15 : memref<!tpu.dma_semaphore, #tpu.memory_space<semaphore_mem>>)
    %scan3A_131 = arith.constant 0 : i32
    %scan3A_132 = arith.constant 1 : i32
    %scan3A_133 = arith.constant 40 : i32
    %scan3A_134 = arith.addi %scan3A_132, %scan3A_133 : i32
    %scan3A_135 = arith.constant 1 : i32
    %scan3A_136 = scf.for %scan3A_241 = %scan3A_132 to %scan3A_134 step %scan3A_135 iter_args(%scan3A_242 = %scan3A_131) -> (i32)  : i32 {
      %mul3A_243 = arith.constant 3 : i32
      %mul3A_244 = arith.muli %mul3A_243, %scan3A_241 : i32
      %add3A_245 = arith.constant 0 : i32
      %add3A_246 = arith.addi %mul3A_244, %add3A_245 : i32
      %dma_wait3A_247 = arith.constant 0 : i32
      %dma_wait3A_248 = tpu.memref_slice %arg6[%dma_wait3A_247] : memref<10000xi32, #tpu.memory_space<vmem>> -> memref<80xi32, #tpu.memory_space<vmem>>
      %dma_wait3A_249 = arith.constant 0 : i32
      %dma_wait3A_250 = arith.constant 0 : i32
      %dma_wait3A_251 = tpu.memref_slice %arg2[%dma_wait3A_249, %dma_wait3A_250] : memref<10000x128xf32, #tpu.memory_space<hbm>> -> memref<10000x128xf32, #tpu.memory_space<hbm>>
      tpu.wait_indirect_dma semaphore(%arg14 : memref<!tpu.dma_semaphore, #tpu.memory_space<semaphore_mem>>) src(%dma_wait3A_251 : memref<10000x128xf32, #tpu.memory_space<hbm>>) dst(%arg10 : memref<80x128xf32, #tpu.memory_space<vmem>>)
      %dma_wait3A_252 = arith.constant 0 : i32
      %dma_wait3A_253 = arith.constant 0 : i32
      %dma_wait3A_254 = tpu.memref_slice %arg4[%add3A, %dma_wait3A_252, %dma_wait3A_253] : memref<32x125x80xi32, #tpu.memory_space<hbm>> -> memref<1x1x80xi32, #tpu.memory_space<hbm>>
      %dma_wait3A_255 = tpu.memref_squeeze %dma_wait3A_254 : memref<1x1x80xi32, #tpu.memory_space<hbm>> -> memref<80xi32, #tpu.memory_space<hbm>>
      %dma_wait3A_256 = arith.constant 0 : i32
      %dma_wait3A_257 = tpu.memref_slice %arg4[%add3A, %dma_wait3A_252, %dma_wait3A_256] : memref<32x125x80xi32, #tpu.memory_space<hbm>> -> memref<1x1x80xi32, #tpu.memory_space<hbm>>
      %dma_wait3A_258 = tpu.memref_squeeze %dma_wait3A_257 : memref<1x1x80xi32, #tpu.memory_space<hbm>> -> memref<80xi32, #tpu.memory_space<hbm>>
      tpu.wait_dma2 semaphore(%arg20 : memref<!tpu.dma_semaphore, #tpu.memory_space<semaphore_mem>>) src(%dma_wait3A_258 : memref<80xi32, #tpu.memory_space<hbm>>) dst(%arg7 : memref<80xi32, #tpu.memory_space<vmem>>)
      %dma_start3A_259 = arith.constant 0 : i32
      %dma_start3A_260 = arith.constant 0 : i32
      %dma_start3A_261 = tpu.memref_slice %arg13[%dma_start3A_259, %dma_start3A_260] : memref<10000x128xf32, #tpu.memory_space<vmem_shared>> -> memref<10000x128xf32, #tpu.memory_space<vmem_shared>>
      tpu.enqueue_indirect_dma source(%arg10 : memref<80x128xf32, #tpu.memory_space<vmem>>) target(%dma_start3A_261 : memref<10000x128xf32, #tpu.memory_space<vmem_shared>>) offsets(%arg7 : memref<80xi32, #tpu.memory_space<vmem>>) semaphore(%arg17 : memref<!tpu.dma_semaphore, #tpu.memory_space<semaphore_mem>>) {add = true}
      %dma_wait3A_262 = arith.constant 0 : i32
      %dma_wait3A_263 = arith.constant 0 : i32
      %dma_wait3A_264 = tpu.memref_slice %arg13[%dma_wait3A_262, %dma_wait3A_263] : memref<10000x128xf32, #tpu.memory_space<vmem_shared>> -> memref<10000x128xf32, #tpu.memory_space<vmem_shared>>
      tpu.wait_indirect_dma semaphore(%arg19 : memref<!tpu.dma_semaphore, #tpu.memory_space<semaphore_mem>>) src(%arg12 : memref<80x128xf32, #tpu.memory_space<vmem>>) dst(%dma_wait3A_264 : memref<10000x128xf32, #tpu.memory_space<vmem_shared>>)
      %add3A_265 = arith.constant 2 : i32
      %add3A_266 = arith.addi %add3A_246, %add3A_265 : i32
      %dma_start3A_267 = arith.constant 0 : i32
      %dma_start3A_268 = tpu.memref_slice %arg4[%add3A, %add3A_266, %dma_start3A_267] : memref<32x125x80xi32, #tpu.memory_space<hbm>> -> memref<1x1x80xi32, #tpu.memory_space<hbm>>
      %dma_start3A_269 = tpu.memref_squeeze %dma_start3A_268 : memref<1x1x80xi32, #tpu.memory_space<hbm>> -> memref<80xi32, #tpu.memory_space<hbm>>
      %dma_start3A_270 = arith.constant 0 : i32
      %dma_start3A_271 = tpu.memref_slice %arg4[%add3A, %add3A_266, %dma_start3A_270] : memref<32x125x80xi32, #tpu.memory_space<hbm>> -> memref<1x1x80xi32, #tpu.memory_space<hbm>>
      %dma_start3A_272 = tpu.memref_squeeze %dma_start3A_271 : memref<1x1x80xi32, #tpu.memory_space<hbm>> -> memref<80xi32, #tpu.memory_space<hbm>>
      tpu.enqueue_dma source(%dma_start3A_272 : memref<80xi32, #tpu.memory_space<hbm>>) target(%arg9 : memref<80xi32, #tpu.memory_space<vmem>>) target_semaphore(%arg22 : memref<!tpu.dma_semaphore, #tpu.memory_space<semaphore_mem>>)
      %add3A_273 = arith.constant 2 : i32
      %add3A_274 = arith.addi %add3A_246, %add3A_273 : i32
      %mul3A_275 = arith.constant 80 : i32
      %mul3A_276 = arith.muli %add3A_274, %mul3A_275 : i32
      %dma_start3A_277 = tpu.memref_slice %arg6[%mul3A_276] : memref<10000xi32, #tpu.memory_space<vmem>> -> memref<80xi32, #tpu.memory_space<vmem>>
      %dma_start3A_278 = arith.constant 0 : i32
      %dma_start3A_279 = arith.constant 0 : i32
      %dma_start3A_280 = tpu.memref_slice %arg2[%dma_start3A_278, %dma_start3A_279] : memref<10000x128xf32, #tpu.memory_space<hbm>> -> memref<10000x128xf32, #tpu.memory_space<hbm>>
      tpu.enqueue_indirect_dma source(%dma_start3A_280 : memref<10000x128xf32, #tpu.memory_space<hbm>>) target(%arg12 : memref<80x128xf32, #tpu.memory_space<vmem>>) offsets(%dma_start3A_277 : memref<80xi32, #tpu.memory_space<vmem>>) semaphore(%arg16 : memref<!tpu.dma_semaphore, #tpu.memory_space<semaphore_mem>>)
      %mul3A_281 = arith.constant 3 : i32
      %mul3A_282 = arith.muli %mul3A_281, %scan3A_241 : i32
      %add3A_283 = arith.constant 1 : i32
      %add3A_284 = arith.addi %mul3A_282, %add3A_283 : i32
      %dma_wait3A_285 = arith.constant 0 : i32
      %dma_wait3A_286 = tpu.memref_slice %arg6[%dma_wait3A_285] : memref<10000xi32, #tpu.memory_space<vmem>> -> memref<80xi32, #tpu.memory_space<vmem>>
      %dma_wait3A_287 = arith.constant 0 : i32
      %dma_wait3A_288 = arith.constant 0 : i32
      %dma_wait3A_289 = tpu.memref_slice %arg2[%dma_wait3A_287, %dma_wait3A_288] : memref<10000x128xf32, #tpu.memory_space<hbm>> -> memref<10000x128xf32, #tpu.memory_space<hbm>>
      tpu.wait_indirect_dma semaphore(%arg15 : memref<!tpu.dma_semaphore, #tpu.memory_space<semaphore_mem>>) src(%dma_wait3A_289 : memref<10000x128xf32, #tpu.memory_space<hbm>>) dst(%arg11 : memref<80x128xf32, #tpu.memory_space<vmem>>)
      %dma_wait3A_290 = arith.constant 0 : i32
      %dma_wait3A_291 = arith.constant 0 : i32
      %dma_wait3A_292 = tpu.memref_slice %arg4[%add3A, %dma_wait3A_290, %dma_wait3A_291] : memref<32x125x80xi32, #tpu.memory_space<hbm>> -> memref<1x1x80xi32, #tpu.memory_space<hbm>>
      %dma_wait3A_293 = tpu.memref_squeeze %dma_wait3A_292 : memref<1x1x80xi32, #tpu.memory_space<hbm>> -> memref<80xi32, #tpu.memory_space<hbm>>
      %dma_wait3A_294 = arith.constant 0 : i32
      %dma_wait3A_295 = tpu.memref_slice %arg4[%add3A, %dma_wait3A_290, %dma_wait3A_294] : memref<32x125x80xi32, #tpu.memory_space<hbm>> -> memref<1x1x80xi32, #tpu.memory_space<hbm>>
      %dma_wait3A_296 = tpu.memref_squeeze %dma_wait3A_295 : memref<1x1x80xi32, #tpu.memory_space<hbm>> -> memref<80xi32, #tpu.memory_space<hbm>>
      tpu.wait_dma2 semaphore(%arg21 : memref<!tpu.dma_semaphore, #tpu.memory_space<semaphore_mem>>) src(%dma_wait3A_296 : memref<80xi32, #tpu.memory_space<hbm>>) dst(%arg8 : memref<80xi32, #tpu.memory_space<vmem>>)
      %dma_start3A_297 = arith.constant 0 : i32
      %dma_start3A_298 = arith.constant 0 : i32
      %dma_start3A_299 = tpu.memref_slice %arg13[%dma_start3A_297, %dma_start3A_298] : memref<10000x128xf32, #tpu.memory_space<vmem_shared>> -> memref<10000x128xf32, #tpu.memory_space<vmem_shared>>
      tpu.enqueue_indirect_dma source(%arg11 : memref<80x128xf32, #tpu.memory_space<vmem>>) target(%dma_start3A_299 : memref<10000x128xf32, #tpu.memory_space<vmem_shared>>) offsets(%arg8 : memref<80xi32, #tpu.memory_space<vmem>>) semaphore(%arg18 : memref<!tpu.dma_semaphore, #tpu.memory_space<semaphore_mem>>) {add = true}
      %dma_wait3A_300 = arith.constant 0 : i32
      %dma_wait3A_301 = arith.constant 0 : i32
      %dma_wait3A_302 = tpu.memref_slice %arg13[%dma_wait3A_300, %dma_wait3A_301] : memref<10000x128xf32, #tpu.memory_space<vmem_shared>> -> memref<10000x128xf32, #tpu.memory_space<vmem_shared>>
      tpu.wait_indirect_dma semaphore(%arg17 : memref<!tpu.dma_semaphore, #tpu.memory_space<semaphore_mem>>) src(%arg10 : memref<80x128xf32, #tpu.memory_space<vmem>>) dst(%dma_wait3A_302 : memref<10000x128xf32, #tpu.memory_space<vmem_shared>>)
      %add3A_303 = arith.constant 2 : i32
      %add3A_304 = arith.addi %add3A_284, %add3A_303 : i32
      %dma_start3A_305 = arith.constant 0 : i32
      %dma_start3A_306 = tpu.memref_slice %arg4[%add3A, %add3A_304, %dma_start3A_305] : memref<32x125x80xi32, #tpu.memory_space<hbm>> -> memref<1x1x80xi32, #tpu.memory_space<hbm>>
      %dma_start3A_307 = tpu.memref_squeeze %dma_start3A_306 : memref<1x1x80xi32, #tpu.memory_space<hbm>> -> memref<80xi32, #tpu.memory_space<hbm>>
      %dma_start3A_308 = arith.constant 0 : i32
      %dma_start3A_309 = tpu.memref_slice %arg4[%add3A, %add3A_304, %dma_start3A_308] : memref<32x125x80xi32, #tpu.memory_space<hbm>> -> memref<1x1x80xi32, #tpu.memory_space<hbm>>
      %dma_start3A_310 = tpu.memref_squeeze %dma_start3A_309 : memref<1x1x80xi32, #tpu.memory_space<hbm>> -> memref<80xi32, #tpu.memory_space<hbm>>
      tpu.enqueue_dma source(%dma_start3A_310 : memref<80xi32, #tpu.memory_space<hbm>>) target(%arg7 : memref<80xi32, #tpu.memory_space<vmem>>) target_semaphore(%arg20 : memref<!tpu.dma_semaphore, #tpu.memory_space<semaphore_mem>>)
      %add3A_311 = arith.constant 2 : i32
      %add3A_312 = arith.addi %add3A_284, %add3A_311 : i32
      %mul3A_313 = arith.constant 80 : i32
      %mul3A_314 = arith.muli %add3A_312, %mul3A_313 : i32
      %dma_start3A_315 = tpu.memref_slice %arg6[%mul3A_314] : memref<10000xi32, #tpu.memory_space<vmem>> -> memref<80xi32, #tpu.memory_space<vmem>>
      %dma_start3A_316 = arith.constant 0 : i32
      %dma_start3A_317 = arith.constant 0 : i32
      %dma_start3A_318 = tpu.memref_slice %arg2[%dma_start3A_316, %dma_start3A_317] : memref<10000x128xf32, #tpu.memory_space<hbm>> -> memref<10000x128xf32, #tpu.memory_space<hbm>>
      tpu.enqueue_indirect_dma source(%dma_start3A_318 : memref<10000x128xf32, #tpu.memory_space<hbm>>) target(%arg10 : memref<80x128xf32, #tpu.memory_space<vmem>>) offsets(%dma_start3A_315 : memref<80xi32, #tpu.memory_space<vmem>>) semaphore(%arg14 : memref<!tpu.dma_semaphore, #tpu.memory_space<semaphore_mem>>)
      %mul3A_319 = arith.constant 3 : i32
      %mul3A_320 = arith.muli %mul3A_319, %scan3A_241 : i32
      %add3A_321 = arith.constant 2 : i32
      %add3A_322 = arith.addi %mul3A_320, %add3A_321 : i32
      %dma_wait3A_323 = arith.constant 0 : i32
      %dma_wait3A_324 = tpu.memref_slice %arg6[%dma_wait3A_323] : memref<10000xi32, #tpu.memory_space<vmem>> -> memref<80xi32, #tpu.memory_space<vmem>>
      %dma_wait3A_325 = arith.constant 0 : i32
      %dma_wait3A_326 = arith.constant 0 : i32
      %dma_wait3A_327 = tpu.memref_slice %arg2[%dma_wait3A_325, %dma_wait3A_326] : memref<10000x128xf32, #tpu.memory_space<hbm>> -> memref<10000x128xf32, #tpu.memory_space<hbm>>
      tpu.wait_indirect_dma semaphore(%arg16 : memref<!tpu.dma_semaphore, #tpu.memory_space<semaphore_mem>>) src(%dma_wait3A_327 : memref<10000x128xf32, #tpu.memory_space<hbm>>) dst(%arg12 : memref<80x128xf32, #tpu.memory_space<vmem>>)
      %dma_wait3A_328 = arith.constant 0 : i32
      %dma_wait3A_329 = arith.constant 0 : i32
      %dma_wait3A_330 = tpu.memref_slice %arg4[%add3A, %dma_wait3A_328, %dma_wait3A_329] : memref<32x125x80xi32, #tpu.memory_space<hbm>> -> memref<1x1x80xi32, #tpu.memory_space<hbm>>
      %dma_wait3A_331 = tpu.memref_squeeze %dma_wait3A_330 : memref<1x1x80xi32, #tpu.memory_space<hbm>> -> memref<80xi32, #tpu.memory_space<hbm>>
      %dma_wait3A_332 = arith.constant 0 : i32
      %dma_wait3A_333 = tpu.memref_slice %arg4[%add3A, %dma_wait3A_328, %dma_wait3A_332] : memref<32x125x80xi32, #tpu.memory_space<hbm>> -> memref<1x1x80xi32, #tpu.memory_space<hbm>>
      %dma_wait3A_334 = tpu.memref_squeeze %dma_wait3A_333 : memref<1x1x80xi32, #tpu.memory_space<hbm>> -> memref<80xi32, #tpu.memory_space<hbm>>
      tpu.wait_dma2 semaphore(%arg22 : memref<!tpu.dma_semaphore, #tpu.memory_space<semaphore_mem>>) src(%dma_wait3A_334 : memref<80xi32, #tpu.memory_space<hbm>>) dst(%arg9 : memref<80xi32, #tpu.memory_space<vmem>>)
      %dma_start3A_335 = arith.constant 0 : i32
      %dma_start3A_336 = arith.constant 0 : i32
      %dma_start3A_337 = tpu.memref_slice %arg13[%dma_start3A_335, %dma_start3A_336] : memref<10000x128xf32, #tpu.memory_space<vmem_shared>> -> memref<10000x128xf32, #tpu.memory_space<vmem_shared>>
      tpu.enqueue_indirect_dma source(%arg12 : memref<80x128xf32, #tpu.memory_space<vmem>>) target(%dma_start3A_337 : memref<10000x128xf32, #tpu.memory_space<vmem_shared>>) offsets(%arg9 : memref<80xi32, #tpu.memory_space<vmem>>) semaphore(%arg19 : memref<!tpu.dma_semaphore, #tpu.memory_space<semaphore_mem>>) {add = true}
      %dma_wait3A_338 = arith.constant 0 : i32
      %dma_wait3A_339 = arith.constant 0 : i32
      %dma_wait3A_340 = tpu.memref_slice %arg13[%dma_wait3A_338, %dma_wait3A_339] : memref<10000x128xf32, #tpu.memory_space<vmem_shared>> -> memref<10000x128xf32, #tpu.memory_space<vmem_shared>>
      tpu.wait_indirect_dma semaphore(%arg18 : memref<!tpu.dma_semaphore, #tpu.memory_space<semaphore_mem>>) src(%arg11 : memref<80x128xf32, #tpu.memory_space<vmem>>) dst(%dma_wait3A_340 : memref<10000x128xf32, #tpu.memory_space<vmem_shared>>)
      %add3A_341 = arith.constant 2 : i32
      %add3A_342 = arith.addi %add3A_322, %add3A_341 : i32
      %dma_start3A_343 = arith.constant 0 : i32
      %dma_start3A_344 = tpu.memref_slice %arg4[%add3A, %add3A_342, %dma_start3A_343] : memref<32x125x80xi32, #tpu.memory_space<hbm>> -> memref<1x1x80xi32, #tpu.memory_space<hbm>>
      %dma_start3A_345 = tpu.memref_squeeze %dma_start3A_344 : memref<1x1x80xi32, #tpu.memory_space<hbm>> -> memref<80xi32, #tpu.memory_space<hbm>>
      %dma_start3A_346 = arith.constant 0 : i32
      %dma_start3A_347 = tpu.memref_slice %arg4[%add3A, %add3A_342, %dma_start3A_346] : memref<32x125x80xi32, #tpu.memory_space<hbm>> -> memref<1x1x80xi32, #tpu.memory_space<hbm>>
      %dma_start3A_348 = tpu.memref_squeeze %dma_start3A_347 : memref<1x1x80xi32, #tpu.memory_space<hbm>> -> memref<80xi32, #tpu.memory_space<hbm>>
      tpu.enqueue_dma source(%dma_start3A_348 : memref<80xi32, #tpu.memory_space<hbm>>) target(%arg8 : memref<80xi32, #tpu.memory_space<vmem>>) target_semaphore(%arg21 : memref<!tpu.dma_semaphore, #tpu.memory_space<semaphore_mem>>)
      %add3A_349 = arith.constant 2 : i32
      %add3A_350 = arith.addi %add3A_322, %add3A_349 : i32
      %mul3A_351 = arith.constant 80 : i32
      %mul3A_352 = arith.muli %add3A_350, %mul3A_351 : i32
      %dma_start3A_353 = tpu.memref_slice %arg6[%mul3A_352] : memref<10000xi32, #tpu.memory_space<vmem>> -> memref<80xi32, #tpu.memory_space<vmem>>
      %dma_start3A_354 = arith.constant 0 : i32
      %dma_start3A_355 = arith.constant 0 : i32
      %dma_start3A_356 = tpu.memref_slice %arg2[%dma_start3A_354, %dma_start3A_355] : memref<10000x128xf32, #tpu.memory_space<hbm>> -> memref<10000x128xf32, #tpu.memory_space<hbm>>
      tpu.enqueue_indirect_dma source(%dma_start3A_356 : memref<10000x128xf32, #tpu.memory_space<hbm>>) target(%arg11 : memref<80x128xf32, #tpu.memory_space<vmem>>) offsets(%dma_start3A_353 : memref<80xi32, #tpu.memory_space<vmem>>) semaphore(%arg15 : memref<!tpu.dma_semaphore, #tpu.memory_space<semaphore_mem>>)
      %scan3A_357 = arith.constant 0 : i32
      scf.yield %scan3A_357 : i32
    }
    %scan3A_137 = arith.constant 40 : i32
    %dma_wait3A_138 = arith.constant 0 : i32
    %dma_wait3A_139 = tpu.memref_slice %arg6[%dma_wait3A_138] : memref<10000xi32, #tpu.memory_space<vmem>> -> memref<80xi32, #tpu.memory_space<vmem>>
    %dma_wait3A_140 = arith.constant 0 : i32
    %dma_wait3A_141 = arith.constant 0 : i32
    %dma_wait3A_142 = tpu.memref_slice %arg2[%dma_wait3A_140, %dma_wait3A_141] : memref<10000x128xf32, #tpu.memory_space<hbm>> -> memref<10000x128xf32, #tpu.memory_space<hbm>>
    tpu.wait_indirect_dma semaphore(%arg14 : memref<!tpu.dma_semaphore, #tpu.memory_space<semaphore_mem>>) src(%dma_wait3A_142 : memref<10000x128xf32, #tpu.memory_space<hbm>>) dst(%arg10 : memref<80x128xf32, #tpu.memory_space<vmem>>)
    %dma_wait3A_143 = arith.constant 0 : i32
    %dma_wait3A_144 = arith.constant 0 : i32
    %dma_wait3A_145 = tpu.memref_slice %arg4[%add3A, %dma_wait3A_143, %dma_wait3A_144] : memref<32x125x80xi32, #tpu.memory_space<hbm>> -> memref<1x1x80xi32, #tpu.memory_space<hbm>>
    %dma_wait3A_146 = tpu.memref_squeeze %dma_wait3A_145 : memref<1x1x80xi32, #tpu.memory_space<hbm>> -> memref<80xi32, #tpu.memory_space<hbm>>
    %dma_wait3A_147 = arith.constant 0 : i32
    %dma_wait3A_148 = tpu.memref_slice %arg4[%add3A, %dma_wait3A_143, %dma_wait3A_147] : memref<32x125x80xi32, #tpu.memory_space<hbm>> -> memref<1x1x80xi32, #tpu.memory_space<hbm>>
    %dma_wait3A_149 = tpu.memref_squeeze %dma_wait3A_148 : memref<1x1x80xi32, #tpu.memory_space<hbm>> -> memref<80xi32, #tpu.memory_space<hbm>>
    tpu.wait_dma2 semaphore(%arg20 : memref<!tpu.dma_semaphore, #tpu.memory_space<semaphore_mem>>) src(%dma_wait3A_149 : memref<80xi32, #tpu.memory_space<hbm>>) dst(%arg7 : memref<80xi32, #tpu.memory_space<vmem>>)
    %dma_start3A_150 = arith.constant 0 : i32
    %dma_start3A_151 = arith.constant 0 : i32
    %dma_start3A_152 = tpu.memref_slice %arg13[%dma_start3A_150, %dma_start3A_151] : memref<10000x128xf32, #tpu.memory_space<vmem_shared>> -> memref<10000x128xf32, #tpu.memory_space<vmem_shared>>
    tpu.enqueue_indirect_dma source(%arg10 : memref<80x128xf32, #tpu.memory_space<vmem>>) target(%dma_start3A_152 : memref<10000x128xf32, #tpu.memory_space<vmem_shared>>) offsets(%arg7 : memref<80xi32, #tpu.memory_space<vmem>>) semaphore(%arg17 : memref<!tpu.dma_semaphore, #tpu.memory_space<semaphore_mem>>) {add = true}
    %dma_wait3A_153 = arith.constant 0 : i32
    %dma_wait3A_154 = tpu.memref_slice %arg6[%dma_wait3A_153] : memref<10000xi32, #tpu.memory_space<vmem>> -> memref<80xi32, #tpu.memory_space<vmem>>
    %dma_wait3A_155 = arith.constant 0 : i32
    %dma_wait3A_156 = arith.constant 0 : i32
    %dma_wait3A_157 = tpu.memref_slice %arg2[%dma_wait3A_155, %dma_wait3A_156] : memref<10000x128xf32, #tpu.memory_space<hbm>> -> memref<10000x128xf32, #tpu.memory_space<hbm>>
    tpu.wait_indirect_dma semaphore(%arg15 : memref<!tpu.dma_semaphore, #tpu.memory_space<semaphore_mem>>) src(%dma_wait3A_157 : memref<10000x128xf32, #tpu.memory_space<hbm>>) dst(%arg11 : memref<80x128xf32, #tpu.memory_space<vmem>>)
    %dma_wait3A_158 = arith.constant 0 : i32
    %dma_wait3A_159 = arith.constant 0 : i32
    %dma_wait3A_160 = tpu.memref_slice %arg4[%add3A, %dma_wait3A_158, %dma_wait3A_159] : memref<32x125x80xi32, #tpu.memory_space<hbm>> -> memref<1x1x80xi32, #tpu.memory_space<hbm>>
    %dma_wait3A_161 = tpu.memref_squeeze %dma_wait3A_160 : memref<1x1x80xi32, #tpu.memory_space<hbm>> -> memref<80xi32, #tpu.memory_space<hbm>>
    %dma_wait3A_162 = arith.constant 0 : i32
    %dma_wait3A_163 = tpu.memref_slice %arg4[%add3A, %dma_wait3A_158, %dma_wait3A_162] : memref<32x125x80xi32, #tpu.memory_space<hbm>> -> memref<1x1x80xi32, #tpu.memory_space<hbm>>
    %dma_wait3A_164 = tpu.memref_squeeze %dma_wait3A_163 : memref<1x1x80xi32, #tpu.memory_space<hbm>> -> memref<80xi32, #tpu.memory_space<hbm>>
    tpu.wait_dma2 semaphore(%arg21 : memref<!tpu.dma_semaphore, #tpu.memory_space<semaphore_mem>>) src(%dma_wait3A_164 : memref<80xi32, #tpu.memory_space<hbm>>) dst(%arg8 : memref<80xi32, #tpu.memory_space<vmem>>)
    %dma_start3A_165 = arith.constant 0 : i32
    %dma_start3A_166 = arith.constant 0 : i32
    %dma_start3A_167 = tpu.memref_slice %arg13[%dma_start3A_165, %dma_start3A_166] : memref<10000x128xf32, #tpu.memory_space<vmem_shared>> -> memref<10000x128xf32, #tpu.memory_space<vmem_shared>>
    tpu.enqueue_indirect_dma source(%arg11 : memref<80x128xf32, #tpu.memory_space<vmem>>) target(%dma_start3A_167 : memref<10000x128xf32, #tpu.memory_space<vmem_shared>>) offsets(%arg8 : memref<80xi32, #tpu.memory_space<vmem>>) semaphore(%arg18 : memref<!tpu.dma_semaphore, #tpu.memory_space<semaphore_mem>>) {add = true}
    %dma_wait3A_168 = arith.constant 0 : i32
    %dma_wait3A_169 = arith.constant 0 : i32
    %dma_wait3A_170 = tpu.memref_slice %arg13[%dma_wait3A_168, %dma_wait3A_169] : memref<10000x128xf32, #tpu.memory_space<vmem_shared>> -> memref<10000x128xf32, #tpu.memory_space<vmem_shared>>
    tpu.wait_indirect_dma semaphore(%arg19 : memref<!tpu.dma_semaphore, #tpu.memory_space<semaphore_mem>>) src(%arg12 : memref<80x128xf32, #tpu.memory_space<vmem>>) dst(%dma_wait3A_170 : memref<10000x128xf32, #tpu.memory_space<vmem_shared>>)
    %dma_wait3A_171 = arith.constant 0 : i32
    %dma_wait3A_172 = arith.constant 0 : i32
    %dma_wait3A_173 = tpu.memref_slice %arg13[%dma_wait3A_171, %dma_wait3A_172] : memref<10000x128xf32, #tpu.memory_space<vmem_shared>> -> memref<10000x128xf32, #tpu.memory_space<vmem_shared>>
    tpu.wait_indirect_dma semaphore(%arg17 : memref<!tpu.dma_semaphore, #tpu.memory_space<semaphore_mem>>) src(%arg10 : memref<80x128xf32, #tpu.memory_space<vmem>>) dst(%dma_wait3A_173 : memref<10000x128xf32, #tpu.memory_space<vmem_shared>>)
    %dma_wait3A_174 = arith.constant 0 : i32
    %dma_wait3A_175 = arith.constant 0 : i32
    %dma_wait3A_176 = tpu.memref_slice %arg13[%dma_wait3A_174, %dma_wait3A_175] : memref<10000x128xf32, #tpu.memory_space<vmem_shared>> -> memref<10000x128xf32, #tpu.memory_space<vmem_shared>>
    tpu.wait_indirect_dma semaphore(%arg18 : memref<!tpu.dma_semaphore, #tpu.memory_space<semaphore_mem>>) src(%arg11 : memref<80x128xf32, #tpu.memory_space<vmem>>) dst(%dma_wait3A_176 : memref<10000x128xf32, #tpu.memory_space<vmem_shared>>)
    %barrier3A_177 = arith.constant 0 : index
    tpu.barrier barrier_id(%barrier3A_177)
    %mul3A_178 = arith.constant 640 : i32
    %mul3A_179 = arith.muli %arg1, %mul3A_178 : i32
    %add3A_180 = arith.constant 0 : i32
    %add3A_181 = arith.addi %mul3A_179, %add3A_180 : i32
    %dma_start3A_182 = arith.constant 0 : i32
    %dma_start3A_183 = tpu.memref_slice %arg13[%add3A_181, %dma_start3A_182] : memref<10000x128xf32, #tpu.memory_space<vmem_shared>> -> memref<80x128xf32, #tpu.memory_space<vmem_shared>>
    %dma_start3A_184 = arith.constant 0 : i32
    %dma_start3A_185 = tpu.memref_slice %arg13[%add3A_181, %dma_start3A_184] : memref<10000x128xf32, #tpu.memory_space<vmem_shared>> -> memref<80x128xf32, #tpu.memory_space<vmem_shared>>
    tpu.enqueue_dma source(%dma_start3A_185 : memref<80x128xf32, #tpu.memory_space<vmem_shared>>) target(%arg10 : memref<80x128xf32, #tpu.memory_space<vmem>>) target_semaphore(%arg14 : memref<!tpu.dma_semaphore, #tpu.memory_space<semaphore_mem>>)
    %gt3A = arith.constant 0 : i32
    %gt3A_186 = arith.cmpi sgt, %select_n3A, %gt3A : i32
    %convert_element_type3A = arith.extui %gt3A_186 : i1 to i32
    %cond3A = arith.constant 0 : i32
    %cond3A_187 = arith.cmpi ne, %convert_element_type3A, %cond3A : i32
    scf.if %cond3A_187 {
      %mul3A_241 = arith.constant 640 : i32
      %mul3A_242 = arith.muli %arg1, %mul3A_241 : i32
      %dma_wait3A_243 = arith.constant 0 : i32
      %dma_wait3A_244 = tpu.memref_slice %arg13[%mul3A_242, %dma_wait3A_243] : memref<10000x128xf32, #tpu.memory_space<vmem_shared>> -> memref<80x128xf32, #tpu.memory_space<vmem_shared>>
      %dma_wait3A_245 = arith.constant 0 : i32
      %dma_wait3A_246 = tpu.memref_slice %arg13[%mul3A_242, %dma_wait3A_245] : memref<10000x128xf32, #tpu.memory_space<vmem_shared>> -> memref<80x128xf32, #tpu.memory_space<vmem_shared>>
      tpu.wait_dma2 semaphore(%arg14 : memref<!tpu.dma_semaphore, #tpu.memory_space<semaphore_mem>>) src(%dma_wait3A_246 : memref<80x128xf32, #tpu.memory_space<vmem_shared>>) dst(%arg10 : memref<80x128xf32, #tpu.memory_space<vmem>>)
      %gt3A_247 = arith.constant 1 : i32
      %gt3A_248 = arith.cmpi sgt, %select_n3A, %gt3A_247 : i32
      %convert_element_type3A_249 = arith.extui %gt3A_248 : i1 to i32
      %cond3A_250 = arith.constant 0 : i32
      %cond3A_251 = arith.cmpi ne, %convert_element_type3A_249, %cond3A_250 : i32
      scf.if %cond3A_251 {
        %mul3A_263 = arith.constant 640 : i32
        %mul3A_264 = arith.muli %arg1, %mul3A_263 : i32
        %add3A_265 = arith.constant 80 : i32
        %add3A_266 = arith.addi %mul3A_264, %add3A_265 : i32
        %dma_start3A_267 = arith.constant 0 : i32
        %dma_start3A_268 = tpu.memref_slice %arg13[%add3A_266, %dma_start3A_267] : memref<10000x128xf32, #tpu.memory_space<vmem_shared>> -> memref<80x128xf32, #tpu.memory_space<vmem_shared>>
        %dma_start3A_269 = arith.constant 0 : i32
        %dma_start3A_270 = tpu.memref_slice %arg13[%add3A_266, %dma_start3A_269] : memref<10000x128xf32, #tpu.memory_space<vmem_shared>> -> memref<80x128xf32, #tpu.memory_space<vmem_shared>>
        tpu.enqueue_dma source(%dma_start3A_270 : memref<80x128xf32, #tpu.memory_space<vmem_shared>>) target(%arg11 : memref<80x128xf32, #tpu.memory_space<vmem>>) target_semaphore(%arg15 : memref<!tpu.dma_semaphore, #tpu.memory_space<semaphore_mem>>)
      } else {
      }
      %mul3A_252 = arith.constant 10000 : i32
      %mul3A_253 = arith.muli %arg0, %mul3A_252 : i32
      %mul3A_254 = arith.constant 640 : i32
      %mul3A_255 = arith.muli %arg1, %mul3A_254 : i32
      %add3A_256 = arith.addi %mul3A_253, %mul3A_255 : i32
      %add3A_257 = arith.constant 0 : i32
      %add3A_258 = arith.addi %add3A_256, %add3A_257 : i32
      %dma_start3A_259 = arith.constant 0 : i32
      %dma_start3A_260 = tpu.memref_slice %arg5[%add3A_258, %dma_start3A_259] : memref<20000x128xf32, #tpu.memory_space<hbm>> -> memref<80x128xf32, #tpu.memory_space<hbm>>
      %dma_start3A_261 = arith.constant 0 : i32
      %dma_start3A_262 = tpu.memref_slice %arg5[%add3A_258, %dma_start3A_261] : memref<20000x128xf32, #tpu.memory_space<hbm>> -> memref<80x128xf32, #tpu.memory_space<hbm>>
      tpu.enqueue_dma source(%arg10 : memref<80x128xf32, #tpu.memory_space<vmem>>) target(%dma_start3A_262 : memref<80x128xf32, #tpu.memory_space<hbm>>) target_semaphore(%arg17 : memref<!tpu.dma_semaphore, #tpu.memory_space<semaphore_mem>>)
    } else {
    }
    %gt3A_188 = arith.constant 1 : i32
    %gt3A_189 = arith.cmpi sgt, %select_n3A, %gt3A_188 : i32
    %convert_element_type3A_190 = arith.extui %gt3A_189 : i1 to i32
    %cond3A_191 = arith.constant 0 : i32
    %cond3A_192 = arith.cmpi ne, %convert_element_type3A_190, %cond3A_191 : i32
    scf.if %cond3A_192 {
      %mul3A_241 = arith.constant 640 : i32
      %mul3A_242 = arith.muli %arg1, %mul3A_241 : i32
      %dma_wait3A_243 = arith.constant 0 : i32
      %dma_wait3A_244 = tpu.memref_slice %arg13[%mul3A_242, %dma_wait3A_243] : memref<10000x128xf32, #tpu.memory_space<vmem_shared>> -> memref<80x128xf32, #tpu.memory_space<vmem_shared>>
      %dma_wait3A_245 = arith.constant 0 : i32
      %dma_wait3A_246 = tpu.memref_slice %arg13[%mul3A_242, %dma_wait3A_245] : memref<10000x128xf32, #tpu.memory_space<vmem_shared>> -> memref<80x128xf32, #tpu.memory_space<vmem_shared>>
      tpu.wait_dma2 semaphore(%arg15 : memref<!tpu.dma_semaphore, #tpu.memory_space<semaphore_mem>>) src(%dma_wait3A_246 : memref<80x128xf32, #tpu.memory_space<vmem_shared>>) dst(%arg11 : memref<80x128xf32, #tpu.memory_space<vmem>>)
      %gt3A_247 = arith.constant 2 : i32
      %gt3A_248 = arith.cmpi sgt, %select_n3A, %gt3A_247 : i32
      %convert_element_type3A_249 = arith.extui %gt3A_248 : i1 to i32
      %cond3A_250 = arith.constant 0 : i32
      %cond3A_251 = arith.cmpi ne, %convert_element_type3A_249, %cond3A_250 : i32
      scf.if %cond3A_251 {
        %mul3A_263 = arith.constant 10000 : i32
        %mul3A_264 = arith.muli %arg0, %mul3A_263 : i32
        %mul3A_265 = arith.constant 640 : i32
        %mul3A_266 = arith.muli %arg1, %mul3A_265 : i32
        %add3A_267 = arith.addi %mul3A_264, %mul3A_266 : i32
        %dma_wait3A_268 = arith.constant 0 : i32
        %dma_wait3A_269 = tpu.memref_slice %arg5[%add3A_267, %dma_wait3A_268] : memref<20000x128xf32, #tpu.memory_space<hbm>> -> memref<80x128xf32, #tpu.memory_space<hbm>>
        %dma_wait3A_270 = arith.constant 0 : i32
        %dma_wait3A_271 = tpu.memref_slice %arg5[%add3A_267, %dma_wait3A_270] : memref<20000x128xf32, #tpu.memory_space<hbm>> -> memref<80x128xf32, #tpu.memory_space<hbm>>
        tpu.wait_dma2 semaphore(%arg17 : memref<!tpu.dma_semaphore, #tpu.memory_space<semaphore_mem>>) src(%arg10 : memref<80x128xf32, #tpu.memory_space<vmem>>) dst(%dma_wait3A_271 : memref<80x128xf32, #tpu.memory_space<hbm>>)
        %mul3A_272 = arith.constant 640 : i32
        %mul3A_273 = arith.muli %arg1, %mul3A_272 : i32
        %add3A_274 = arith.constant 160 : i32
        %add3A_275 = arith.addi %mul3A_273, %add3A_274 : i32
        %dma_start3A_276 = arith.constant 0 : i32
        %dma_start3A_277 = tpu.memref_slice %arg13[%add3A_275, %dma_start3A_276] : memref<10000x128xf32, #tpu.memory_space<vmem_shared>> -> memref<80x128xf32, #tpu.memory_space<vmem_shared>>
        %dma_start3A_278 = arith.constant 0 : i32
        %dma_start3A_279 = tpu.memref_slice %arg13[%add3A_275, %dma_start3A_278] : memref<10000x128xf32, #tpu.memory_space<vmem_shared>> -> memref<80x128xf32, #tpu.memory_space<vmem_shared>>
        tpu.enqueue_dma source(%dma_start3A_279 : memref<80x128xf32, #tpu.memory_space<vmem_shared>>) target(%arg10 : memref<80x128xf32, #tpu.memory_space<vmem>>) target_semaphore(%arg14 : memref<!tpu.dma_semaphore, #tpu.memory_space<semaphore_mem>>)
      } else {
      }
      %mul3A_252 = arith.constant 10000 : i32
      %mul3A_253 = arith.muli %arg0, %mul3A_252 : i32
      %mul3A_254 = arith.constant 640 : i32
      %mul3A_255 = arith.muli %arg1, %mul3A_254 : i32
      %add3A_256 = arith.addi %mul3A_253, %mul3A_255 : i32
      %add3A_257 = arith.constant 80 : i32
      %add3A_258 = arith.addi %add3A_256, %add3A_257 : i32
      %dma_start3A_259 = arith.constant 0 : i32
      %dma_start3A_260 = tpu.memref_slice %arg5[%add3A_258, %dma_start3A_259] : memref<20000x128xf32, #tpu.memory_space<hbm>> -> memref<80x128xf32, #tpu.memory_space<hbm>>
      %dma_start3A_261 = arith.constant 0 : i32
      %dma_start3A_262 = tpu.memref_slice %arg5[%add3A_258, %dma_start3A_261] : memref<20000x128xf32, #tpu.memory_space<hbm>> -> memref<80x128xf32, #tpu.memory_space<hbm>>
      tpu.enqueue_dma source(%arg11 : memref<80x128xf32, #tpu.memory_space<vmem>>) target(%dma_start3A_262 : memref<80x128xf32, #tpu.memory_space<hbm>>) target_semaphore(%arg18 : memref<!tpu.dma_semaphore, #tpu.memory_space<semaphore_mem>>)
    } else {
    }
    %gt3A_193 = arith.constant 2 : i32
    %gt3A_194 = arith.cmpi sgt, %select_n3A, %gt3A_193 : i32
    %convert_element_type3A_195 = arith.extui %gt3A_194 : i1 to i32
    %cond3A_196 = arith.constant 0 : i32
    %cond3A_197 = arith.cmpi ne, %convert_element_type3A_195, %cond3A_196 : i32
    scf.if %cond3A_197 {
      %mul3A_241 = arith.constant 640 : i32
      %mul3A_242 = arith.muli %arg1, %mul3A_241 : i32
      %dma_wait3A_243 = arith.constant 0 : i32
      %dma_wait3A_244 = tpu.memref_slice %arg13[%mul3A_242, %dma_wait3A_243] : memref<10000x128xf32, #tpu.memory_space<vmem_shared>> -> memref<80x128xf32, #tpu.memory_space<vmem_shared>>
      %dma_wait3A_245 = arith.constant 0 : i32
      %dma_wait3A_246 = tpu.memref_slice %arg13[%mul3A_242, %dma_wait3A_245] : memref<10000x128xf32, #tpu.memory_space<vmem_shared>> -> memref<80x128xf32, #tpu.memory_space<vmem_shared>>
      tpu.wait_dma2 semaphore(%arg14 : memref<!tpu.dma_semaphore, #tpu.memory_space<semaphore_mem>>) src(%dma_wait3A_246 : memref<80x128xf32, #tpu.memory_space<vmem_shared>>) dst(%arg10 : memref<80x128xf32, #tpu.memory_space<vmem>>)
      %gt3A_247 = arith.constant 3 : i32
      %gt3A_248 = arith.cmpi sgt, %select_n3A, %gt3A_247 : i32
      %convert_element_type3A_249 = arith.extui %gt3A_248 : i1 to i32
      %cond3A_250 = arith.constant 0 : i32
      %cond3A_251 = arith.cmpi ne, %convert_element_type3A_249, %cond3A_250 : i32
      scf.if %cond3A_251 {
        %mul3A_263 = arith.constant 10000 : i32
        %mul3A_264 = arith.muli %arg0, %mul3A_263 : i32
        %mul3A_265 = arith.constant 640 : i32
        %mul3A_266 = arith.muli %arg1, %mul3A_265 : i32
        %add3A_267 = arith.addi %mul3A_264, %mul3A_266 : i32
        %dma_wait3A_268 = arith.constant 0 : i32
        %dma_wait3A_269 = tpu.memref_slice %arg5[%add3A_267, %dma_wait3A_268] : memref<20000x128xf32, #tpu.memory_space<hbm>> -> memref<80x128xf32, #tpu.memory_space<hbm>>
        %dma_wait3A_270 = arith.constant 0 : i32
        %dma_wait3A_271 = tpu.memref_slice %arg5[%add3A_267, %dma_wait3A_270] : memref<20000x128xf32, #tpu.memory_space<hbm>> -> memref<80x128xf32, #tpu.memory_space<hbm>>
        tpu.wait_dma2 semaphore(%arg18 : memref<!tpu.dma_semaphore, #tpu.memory_space<semaphore_mem>>) src(%arg11 : memref<80x128xf32, #tpu.memory_space<vmem>>) dst(%dma_wait3A_271 : memref<80x128xf32, #tpu.memory_space<hbm>>)
        %mul3A_272 = arith.constant 640 : i32
        %mul3A_273 = arith.muli %arg1, %mul3A_272 : i32
        %add3A_274 = arith.constant 240 : i32
        %add3A_275 = arith.addi %mul3A_273, %add3A_274 : i32
        %dma_start3A_276 = arith.constant 0 : i32
        %dma_start3A_277 = tpu.memref_slice %arg13[%add3A_275, %dma_start3A_276] : memref<10000x128xf32, #tpu.memory_space<vmem_shared>> -> memref<80x128xf32, #tpu.memory_space<vmem_shared>>
        %dma_start3A_278 = arith.constant 0 : i32
        %dma_start3A_279 = tpu.memref_slice %arg13[%add3A_275, %dma_start3A_278] : memref<10000x128xf32, #tpu.memory_space<vmem_shared>> -> memref<80x128xf32, #tpu.memory_space<vmem_shared>>
        tpu.enqueue_dma source(%dma_start3A_279 : memref<80x128xf32, #tpu.memory_space<vmem_shared>>) target(%arg11 : memref<80x128xf32, #tpu.memory_space<vmem>>) target_semaphore(%arg15 : memref<!tpu.dma_semaphore, #tpu.memory_space<semaphore_mem>>)
      } else {
      }
      %mul3A_252 = arith.constant 10000 : i32
      %mul3A_253 = arith.muli %arg0, %mul3A_252 : i32
      %mul3A_254 = arith.constant 640 : i32
      %mul3A_255 = arith.muli %arg1, %mul3A_254 : i32
      %add3A_256 = arith.addi %mul3A_253, %mul3A_255 : i32
      %add3A_257 = arith.constant 160 : i32
      %add3A_258 = arith.addi %add3A_256, %add3A_257 : i32
      %dma_start3A_259 = arith.constant 0 : i32
      %dma_start3A_260 = tpu.memref_slice %arg5[%add3A_258, %dma_start3A_259] : memref<20000x128xf32, #tpu.memory_space<hbm>> -> memref<80x128xf32, #tpu.memory_space<hbm>>
      %dma_start3A_261 = arith.constant 0 : i32
      %dma_start3A_262 = tpu.memref_slice %arg5[%add3A_258, %dma_start3A_261] : memref<20000x128xf32, #tpu.memory_space<hbm>> -> memref<80x128xf32, #tpu.memory_space<hbm>>
      tpu.enqueue_dma source(%arg10 : memref<80x128xf32, #tpu.memory_space<vmem>>) target(%dma_start3A_262 : memref<80x128xf32, #tpu.memory_space<hbm>>) target_semaphore(%arg17 : memref<!tpu.dma_semaphore, #tpu.memory_space<semaphore_mem>>)
    } else {
    }
    %gt3A_198 = arith.constant 3 : i32
    %gt3A_199 = arith.cmpi sgt, %select_n3A, %gt3A_198 : i32
    %convert_element_type3A_200 = arith.extui %gt3A_199 : i1 to i32
    %cond3A_201 = arith.constant 0 : i32
    %cond3A_202 = arith.cmpi ne, %convert_element_type3A_200, %cond3A_201 : i32
    scf.if %cond3A_202 {
      %mul3A_241 = arith.constant 640 : i32
      %mul3A_242 = arith.muli %arg1, %mul3A_241 : i32
      %dma_wait3A_243 = arith.constant 0 : i32
      %dma_wait3A_244 = tpu.memref_slice %arg13[%mul3A_242, %dma_wait3A_243] : memref<10000x128xf32, #tpu.memory_space<vmem_shared>> -> memref<80x128xf32, #tpu.memory_space<vmem_shared>>
      %dma_wait3A_245 = arith.constant 0 : i32
      %dma_wait3A_246 = tpu.memref_slice %arg13[%mul3A_242, %dma_wait3A_245] : memref<10000x128xf32, #tpu.memory_space<vmem_shared>> -> memref<80x128xf32, #tpu.memory_space<vmem_shared>>
      tpu.wait_dma2 semaphore(%arg15 : memref<!tpu.dma_semaphore, #tpu.memory_space<semaphore_mem>>) src(%dma_wait3A_246 : memref<80x128xf32, #tpu.memory_space<vmem_shared>>) dst(%arg11 : memref<80x128xf32, #tpu.memory_space<vmem>>)
      %gt3A_247 = arith.constant 4 : i32
      %gt3A_248 = arith.cmpi sgt, %select_n3A, %gt3A_247 : i32
      %convert_element_type3A_249 = arith.extui %gt3A_248 : i1 to i32
      %cond3A_250 = arith.constant 0 : i32
      %cond3A_251 = arith.cmpi ne, %convert_element_type3A_249, %cond3A_250 : i32
      scf.if %cond3A_251 {
        %mul3A_263 = arith.constant 10000 : i32
        %mul3A_264 = arith.muli %arg0, %mul3A_263 : i32
        %mul3A_265 = arith.constant 640 : i32
        %mul3A_266 = arith.muli %arg1, %mul3A_265 : i32
        %add3A_267 = arith.addi %mul3A_264, %mul3A_266 : i32
        %dma_wait3A_268 = arith.constant 0 : i32
        %dma_wait3A_269 = tpu.memref_slice %arg5[%add3A_267, %dma_wait3A_268] : memref<20000x128xf32, #tpu.memory_space<hbm>> -> memref<80x128xf32, #tpu.memory_space<hbm>>
        %dma_wait3A_270 = arith.constant 0 : i32
        %dma_wait3A_271 = tpu.memref_slice %arg5[%add3A_267, %dma_wait3A_270] : memref<20000x128xf32, #tpu.memory_space<hbm>> -> memref<80x128xf32, #tpu.memory_space<hbm>>
        tpu.wait_dma2 semaphore(%arg17 : memref<!tpu.dma_semaphore, #tpu.memory_space<semaphore_mem>>) src(%arg10 : memref<80x128xf32, #tpu.memory_space<vmem>>) dst(%dma_wait3A_271 : memref<80x128xf32, #tpu.memory_space<hbm>>)
        %mul3A_272 = arith.constant 640 : i32
        %mul3A_273 = arith.muli %arg1, %mul3A_272 : i32
        %add3A_274 = arith.constant 320 : i32
        %add3A_275 = arith.addi %mul3A_273, %add3A_274 : i32
        %dma_start3A_276 = arith.constant 0 : i32
        %dma_start3A_277 = tpu.memref_slice %arg13[%add3A_275, %dma_start3A_276] : memref<10000x128xf32, #tpu.memory_space<vmem_shared>> -> memref<80x128xf32, #tpu.memory_space<vmem_shared>>
        %dma_start3A_278 = arith.constant 0 : i32
        %dma_start3A_279 = tpu.memref_slice %arg13[%add3A_275, %dma_start3A_278] : memref<10000x128xf32, #tpu.memory_space<vmem_shared>> -> memref<80x128xf32, #tpu.memory_space<vmem_shared>>
        tpu.enqueue_dma source(%dma_start3A_279 : memref<80x128xf32, #tpu.memory_space<vmem_shared>>) target(%arg10 : memref<80x128xf32, #tpu.memory_space<vmem>>) target_semaphore(%arg14 : memref<!tpu.dma_semaphore, #tpu.memory_space<semaphore_mem>>)
      } else {
      }
      %mul3A_252 = arith.constant 10000 : i32
      %mul3A_253 = arith.muli %arg0, %mul3A_252 : i32
      %mul3A_254 = arith.constant 640 : i32
      %mul3A_255 = arith.muli %arg1, %mul3A_254 : i32
      %add3A_256 = arith.addi %mul3A_253, %mul3A_255 : i32
      %add3A_257 = arith.constant 240 : i32
      %add3A_258 = arith.addi %add3A_256, %add3A_257 : i32
      %dma_start3A_259 = arith.constant 0 : i32
      %dma_start3A_260 = tpu.memref_slice %arg5[%add3A_258, %dma_start3A_259] : memref<20000x128xf32, #tpu.memory_space<hbm>> -> memref<80x128xf32, #tpu.memory_space<hbm>>
      %dma_start3A_261 = arith.constant 0 : i32
      %dma_start3A_262 = tpu.memref_slice %arg5[%add3A_258, %dma_start3A_261] : memref<20000x128xf32, #tpu.memory_space<hbm>> -> memref<80x128xf32, #tpu.memory_space<hbm>>
      tpu.enqueue_dma source(%arg11 : memref<80x128xf32, #tpu.memory_space<vmem>>) target(%dma_start3A_262 : memref<80x128xf32, #tpu.memory_space<hbm>>) target_semaphore(%arg18 : memref<!tpu.dma_semaphore, #tpu.memory_space<semaphore_mem>>)
    } else {
    }
    %gt3A_203 = arith.constant 4 : i32
    %gt3A_204 = arith.cmpi sgt, %select_n3A, %gt3A_203 : i32
    %convert_element_type3A_205 = arith.extui %gt3A_204 : i1 to i32
    %cond3A_206 = arith.constant 0 : i32
    %cond3A_207 = arith.cmpi ne, %convert_element_type3A_205, %cond3A_206 : i32
    scf.if %cond3A_207 {
      %mul3A_241 = arith.constant 640 : i32
      %mul3A_242 = arith.muli %arg1, %mul3A_241 : i32
      %dma_wait3A_243 = arith.constant 0 : i32
      %dma_wait3A_244 = tpu.memref_slice %arg13[%mul3A_242, %dma_wait3A_243] : memref<10000x128xf32, #tpu.memory_space<vmem_shared>> -> memref<80x128xf32, #tpu.memory_space<vmem_shared>>
      %dma_wait3A_245 = arith.constant 0 : i32
      %dma_wait3A_246 = tpu.memref_slice %arg13[%mul3A_242, %dma_wait3A_245] : memref<10000x128xf32, #tpu.memory_space<vmem_shared>> -> memref<80x128xf32, #tpu.memory_space<vmem_shared>>
      tpu.wait_dma2 semaphore(%arg14 : memref<!tpu.dma_semaphore, #tpu.memory_space<semaphore_mem>>) src(%dma_wait3A_246 : memref<80x128xf32, #tpu.memory_space<vmem_shared>>) dst(%arg10 : memref<80x128xf32, #tpu.memory_space<vmem>>)
      %gt3A_247 = arith.constant 5 : i32
      %gt3A_248 = arith.cmpi sgt, %select_n3A, %gt3A_247 : i32
      %convert_element_type3A_249 = arith.extui %gt3A_248 : i1 to i32
      %cond3A_250 = arith.constant 0 : i32
      %cond3A_251 = arith.cmpi ne, %convert_element_type3A_249, %cond3A_250 : i32
      scf.if %cond3A_251 {
        %mul3A_263 = arith.constant 10000 : i32
        %mul3A_264 = arith.muli %arg0, %mul3A_263 : i32
        %mul3A_265 = arith.constant 640 : i32
        %mul3A_266 = arith.muli %arg1, %mul3A_265 : i32
        %add3A_267 = arith.addi %mul3A_264, %mul3A_266 : i32
        %dma_wait3A_268 = arith.constant 0 : i32
        %dma_wait3A_269 = tpu.memref_slice %arg5[%add3A_267, %dma_wait3A_268] : memref<20000x128xf32, #tpu.memory_space<hbm>> -> memref<80x128xf32, #tpu.memory_space<hbm>>
        %dma_wait3A_270 = arith.constant 0 : i32
        %dma_wait3A_271 = tpu.memref_slice %arg5[%add3A_267, %dma_wait3A_270] : memref<20000x128xf32, #tpu.memory_space<hbm>> -> memref<80x128xf32, #tpu.memory_space<hbm>>
        tpu.wait_dma2 semaphore(%arg18 : memref<!tpu.dma_semaphore, #tpu.memory_space<semaphore_mem>>) src(%arg11 : memref<80x128xf32, #tpu.memory_space<vmem>>) dst(%dma_wait3A_271 : memref<80x128xf32, #tpu.memory_space<hbm>>)
        %mul3A_272 = arith.constant 640 : i32
        %mul3A_273 = arith.muli %arg1, %mul3A_272 : i32
        %add3A_274 = arith.constant 400 : i32
        %add3A_275 = arith.addi %mul3A_273, %add3A_274 : i32
        %dma_start3A_276 = arith.constant 0 : i32
        %dma_start3A_277 = tpu.memref_slice %arg13[%add3A_275, %dma_start3A_276] : memref<10000x128xf32, #tpu.memory_space<vmem_shared>> -> memref<80x128xf32, #tpu.memory_space<vmem_shared>>
        %dma_start3A_278 = arith.constant 0 : i32
        %dma_start3A_279 = tpu.memref_slice %arg13[%add3A_275, %dma_start3A_278] : memref<10000x128xf32, #tpu.memory_space<vmem_shared>> -> memref<80x128xf32, #tpu.memory_space<vmem_shared>>
        tpu.enqueue_dma source(%dma_start3A_279 : memref<80x128xf32, #tpu.memory_space<vmem_shared>>) target(%arg11 : memref<80x128xf32, #tpu.memory_space<vmem>>) target_semaphore(%arg15 : memref<!tpu.dma_semaphore, #tpu.memory_space<semaphore_mem>>)
      } else {
      }
      %mul3A_252 = arith.constant 10000 : i32
      %mul3A_253 = arith.muli %arg0, %mul3A_252 : i32
      %mul3A_254 = arith.constant 640 : i32
      %mul3A_255 = arith.muli %arg1, %mul3A_254 : i32
      %add3A_256 = arith.addi %mul3A_253, %mul3A_255 : i32
      %add3A_257 = arith.constant 320 : i32
      %add3A_258 = arith.addi %add3A_256, %add3A_257 : i32
      %dma_start3A_259 = arith.constant 0 : i32
      %dma_start3A_260 = tpu.memref_slice %arg5[%add3A_258, %dma_start3A_259] : memref<20000x128xf32, #tpu.memory_space<hbm>> -> memref<80x128xf32, #tpu.memory_space<hbm>>
      %dma_start3A_261 = arith.constant 0 : i32
      %dma_start3A_262 = tpu.memref_slice %arg5[%add3A_258, %dma_start3A_261] : memref<20000x128xf32, #tpu.memory_space<hbm>> -> memref<80x128xf32, #tpu.memory_space<hbm>>
      tpu.enqueue_dma source(%arg10 : memref<80x128xf32, #tpu.memory_space<vmem>>) target(%dma_start3A_262 : memref<80x128xf32, #tpu.memory_space<hbm>>) target_semaphore(%arg17 : memref<!tpu.dma_semaphore, #tpu.memory_space<semaphore_mem>>)
    } else {
    }
    %gt3A_208 = arith.constant 5 : i32
    %gt3A_209 = arith.cmpi sgt, %select_n3A, %gt3A_208 : i32
    %convert_element_type3A_210 = arith.extui %gt3A_209 : i1 to i32
    %cond3A_211 = arith.constant 0 : i32
    %cond3A_212 = arith.cmpi ne, %convert_element_type3A_210, %cond3A_211 : i32
    scf.if %cond3A_212 {
      %mul3A_241 = arith.constant 640 : i32
      %mul3A_242 = arith.muli %arg1, %mul3A_241 : i32
      %dma_wait3A_243 = arith.constant 0 : i32
      %dma_wait3A_244 = tpu.memref_slice %arg13[%mul3A_242, %dma_wait3A_243] : memref<10000x128xf32, #tpu.memory_space<vmem_shared>> -> memref<80x128xf32, #tpu.memory_space<vmem_shared>>
      %dma_wait3A_245 = arith.constant 0 : i32
      %dma_wait3A_246 = tpu.memref_slice %arg13[%mul3A_242, %dma_wait3A_245] : memref<10000x128xf32, #tpu.memory_space<vmem_shared>> -> memref<80x128xf32, #tpu.memory_space<vmem_shared>>
      tpu.wait_dma2 semaphore(%arg15 : memref<!tpu.dma_semaphore, #tpu.memory_space<semaphore_mem>>) src(%dma_wait3A_246 : memref<80x128xf32, #tpu.memory_space<vmem_shared>>) dst(%arg11 : memref<80x128xf32, #tpu.memory_space<vmem>>)
      %gt3A_247 = arith.constant 6 : i32
      %gt3A_248 = arith.cmpi sgt, %select_n3A, %gt3A_247 : i32
      %convert_element_type3A_249 = arith.extui %gt3A_248 : i1 to i32
      %cond3A_250 = arith.constant 0 : i32
      %cond3A_251 = arith.cmpi ne, %convert_element_type3A_249, %cond3A_250 : i32
      scf.if %cond3A_251 {
        %mul3A_263 = arith.constant 10000 : i32
        %mul3A_264 = arith.muli %arg0, %mul3A_263 : i32
        %mul3A_265 = arith.constant 640 : i32
        %mul3A_266 = arith.muli %arg1, %mul3A_265 : i32
        %add3A_267 = arith.addi %mul3A_264, %mul3A_266 : i32
        %dma_wait3A_268 = arith.constant 0 : i32
        %dma_wait3A_269 = tpu.memref_slice %arg5[%add3A_267, %dma_wait3A_268] : memref<20000x128xf32, #tpu.memory_space<hbm>> -> memref<80x128xf32, #tpu.memory_space<hbm>>
        %dma_wait3A_270 = arith.constant 0 : i32
        %dma_wait3A_271 = tpu.memref_slice %arg5[%add3A_267, %dma_wait3A_270] : memref<20000x128xf32, #tpu.memory_space<hbm>> -> memref<80x128xf32, #tpu.memory_space<hbm>>
        tpu.wait_dma2 semaphore(%arg17 : memref<!tpu.dma_semaphore, #tpu.memory_space<semaphore_mem>>) src(%arg10 : memref<80x128xf32, #tpu.memory_space<vmem>>) dst(%dma_wait3A_271 : memref<80x128xf32, #tpu.memory_space<hbm>>)
        %mul3A_272 = arith.constant 640 : i32
        %mul3A_273 = arith.muli %arg1, %mul3A_272 : i32
        %add3A_274 = arith.constant 480 : i32
        %add3A_275 = arith.addi %mul3A_273, %add3A_274 : i32
        %dma_start3A_276 = arith.constant 0 : i32
        %dma_start3A_277 = tpu.memref_slice %arg13[%add3A_275, %dma_start3A_276] : memref<10000x128xf32, #tpu.memory_space<vmem_shared>> -> memref<80x128xf32, #tpu.memory_space<vmem_shared>>
        %dma_start3A_278 = arith.constant 0 : i32
        %dma_start3A_279 = tpu.memref_slice %arg13[%add3A_275, %dma_start3A_278] : memref<10000x128xf32, #tpu.memory_space<vmem_shared>> -> memref<80x128xf32, #tpu.memory_space<vmem_shared>>
        tpu.enqueue_dma source(%dma_start3A_279 : memref<80x128xf32, #tpu.memory_space<vmem_shared>>) target(%arg10 : memref<80x128xf32, #tpu.memory_space<vmem>>) target_semaphore(%arg14 : memref<!tpu.dma_semaphore, #tpu.memory_space<semaphore_mem>>)
      } else {
      }
      %mul3A_252 = arith.constant 10000 : i32
      %mul3A_253 = arith.muli %arg0, %mul3A_252 : i32
      %mul3A_254 = arith.constant 640 : i32
      %mul3A_255 = arith.muli %arg1, %mul3A_254 : i32
      %add3A_256 = arith.addi %mul3A_253, %mul3A_255 : i32
      %add3A_257 = arith.constant 400 : i32
      %add3A_258 = arith.addi %add3A_256, %add3A_257 : i32
      %dma_start3A_259 = arith.constant 0 : i32
      %dma_start3A_260 = tpu.memref_slice %arg5[%add3A_258, %dma_start3A_259] : memref<20000x128xf32, #tpu.memory_space<hbm>> -> memref<80x128xf32, #tpu.memory_space<hbm>>
      %dma_start3A_261 = arith.constant 0 : i32
      %dma_start3A_262 = tpu.memref_slice %arg5[%add3A_258, %dma_start3A_261] : memref<20000x128xf32, #tpu.memory_space<hbm>> -> memref<80x128xf32, #tpu.memory_space<hbm>>
      tpu.enqueue_dma source(%arg11 : memref<80x128xf32, #tpu.memory_space<vmem>>) target(%dma_start3A_262 : memref<80x128xf32, #tpu.memory_space<hbm>>) target_semaphore(%arg18 : memref<!tpu.dma_semaphore, #tpu.memory_space<semaphore_mem>>)
    } else {
    }
    %gt3A_213 = arith.constant 6 : i32
    %gt3A_214 = arith.cmpi sgt, %select_n3A, %gt3A_213 : i32
    %convert_element_type3A_215 = arith.extui %gt3A_214 : i1 to i32
    %cond3A_216 = arith.constant 0 : i32
    %cond3A_217 = arith.cmpi ne, %convert_element_type3A_215, %cond3A_216 : i32
    scf.if %cond3A_217 {
      %mul3A_241 = arith.constant 640 : i32
      %mul3A_242 = arith.muli %arg1, %mul3A_241 : i32
      %dma_wait3A_243 = arith.constant 0 : i32
      %dma_wait3A_244 = tpu.memref_slice %arg13[%mul3A_242, %dma_wait3A_243] : memref<10000x128xf32, #tpu.memory_space<vmem_shared>> -> memref<80x128xf32, #tpu.memory_space<vmem_shared>>
      %dma_wait3A_245 = arith.constant 0 : i32
      %dma_wait3A_246 = tpu.memref_slice %arg13[%mul3A_242, %dma_wait3A_245] : memref<10000x128xf32, #tpu.memory_space<vmem_shared>> -> memref<80x128xf32, #tpu.memory_space<vmem_shared>>
      tpu.wait_dma2 semaphore(%arg14 : memref<!tpu.dma_semaphore, #tpu.memory_space<semaphore_mem>>) src(%dma_wait3A_246 : memref<80x128xf32, #tpu.memory_space<vmem_shared>>) dst(%arg10 : memref<80x128xf32, #tpu.memory_space<vmem>>)
      %gt3A_247 = arith.constant 7 : i32
      %gt3A_248 = arith.cmpi sgt, %select_n3A, %gt3A_247 : i32
      %convert_element_type3A_249 = arith.extui %gt3A_248 : i1 to i32
      %cond3A_250 = arith.constant 0 : i32
      %cond3A_251 = arith.cmpi ne, %convert_element_type3A_249, %cond3A_250 : i32
      scf.if %cond3A_251 {
        %mul3A_263 = arith.constant 10000 : i32
        %mul3A_264 = arith.muli %arg0, %mul3A_263 : i32
        %mul3A_265 = arith.constant 640 : i32
        %mul3A_266 = arith.muli %arg1, %mul3A_265 : i32
        %add3A_267 = arith.addi %mul3A_264, %mul3A_266 : i32
        %dma_wait3A_268 = arith.constant 0 : i32
        %dma_wait3A_269 = tpu.memref_slice %arg5[%add3A_267, %dma_wait3A_268] : memref<20000x128xf32, #tpu.memory_space<hbm>> -> memref<80x128xf32, #tpu.memory_space<hbm>>
        %dma_wait3A_270 = arith.constant 0 : i32
        %dma_wait3A_271 = tpu.memref_slice %arg5[%add3A_267, %dma_wait3A_270] : memref<20000x128xf32, #tpu.memory_space<hbm>> -> memref<80x128xf32, #tpu.memory_space<hbm>>
        tpu.wait_dma2 semaphore(%arg18 : memref<!tpu.dma_semaphore, #tpu.memory_space<semaphore_mem>>) src(%arg11 : memref<80x128xf32, #tpu.memory_space<vmem>>) dst(%dma_wait3A_271 : memref<80x128xf32, #tpu.memory_space<hbm>>)
        %mul3A_272 = arith.constant 640 : i32
        %mul3A_273 = arith.muli %arg1, %mul3A_272 : i32
        %add3A_274 = arith.constant 560 : i32
        %add3A_275 = arith.addi %mul3A_273, %add3A_274 : i32
        %dma_start3A_276 = arith.constant 0 : i32
        %dma_start3A_277 = tpu.memref_slice %arg13[%add3A_275, %dma_start3A_276] : memref<10000x128xf32, #tpu.memory_space<vmem_shared>> -> memref<80x128xf32, #tpu.memory_space<vmem_shared>>
        %dma_start3A_278 = arith.constant 0 : i32
        %dma_start3A_279 = tpu.memref_slice %arg13[%add3A_275, %dma_start3A_278] : memref<10000x128xf32, #tpu.memory_space<vmem_shared>> -> memref<80x128xf32, #tpu.memory_space<vmem_shared>>
        tpu.enqueue_dma source(%dma_start3A_279 : memref<80x128xf32, #tpu.memory_space<vmem_shared>>) target(%arg11 : memref<80x128xf32, #tpu.memory_space<vmem>>) target_semaphore(%arg15 : memref<!tpu.dma_semaphore, #tpu.memory_space<semaphore_mem>>)
      } else {
      }
      %mul3A_252 = arith.constant 10000 : i32
      %mul3A_253 = arith.muli %arg0, %mul3A_252 : i32
      %mul3A_254 = arith.constant 640 : i32
      %mul3A_255 = arith.muli %arg1, %mul3A_254 : i32
      %add3A_256 = arith.addi %mul3A_253, %mul3A_255 : i32
      %add3A_257 = arith.constant 480 : i32
      %add3A_258 = arith.addi %add3A_256, %add3A_257 : i32
      %dma_start3A_259 = arith.constant 0 : i32
      %dma_start3A_260 = tpu.memref_slice %arg5[%add3A_258, %dma_start3A_259] : memref<20000x128xf32, #tpu.memory_space<hbm>> -> memref<80x128xf32, #tpu.memory_space<hbm>>
      %dma_start3A_261 = arith.constant 0 : i32
      %dma_start3A_262 = tpu.memref_slice %arg5[%add3A_258, %dma_start3A_261] : memref<20000x128xf32, #tpu.memory_space<hbm>> -> memref<80x128xf32, #tpu.memory_space<hbm>>
      tpu.enqueue_dma source(%arg10 : memref<80x128xf32, #tpu.memory_space<vmem>>) target(%dma_start3A_262 : memref<80x128xf32, #tpu.memory_space<hbm>>) target_semaphore(%arg17 : memref<!tpu.dma_semaphore, #tpu.memory_space<semaphore_mem>>)
    } else {
    }
    %gt3A_218 = arith.constant 7 : i32
    %gt3A_219 = arith.cmpi sgt, %select_n3A, %gt3A_218 : i32
    %convert_element_type3A_220 = arith.extui %gt3A_219 : i1 to i32
    %cond3A_221 = arith.constant 0 : i32
    %cond3A_222 = arith.cmpi ne, %convert_element_type3A_220, %cond3A_221 : i32
    scf.if %cond3A_222 {
      %mul3A_241 = arith.constant 640 : i32
      %mul3A_242 = arith.muli %arg1, %mul3A_241 : i32
      %dma_wait3A_243 = arith.constant 0 : i32
      %dma_wait3A_244 = tpu.memref_slice %arg13[%mul3A_242, %dma_wait3A_243] : memref<10000x128xf32, #tpu.memory_space<vmem_shared>> -> memref<80x128xf32, #tpu.memory_space<vmem_shared>>
      %dma_wait3A_245 = arith.constant 0 : i32
      %dma_wait3A_246 = tpu.memref_slice %arg13[%mul3A_242, %dma_wait3A_245] : memref<10000x128xf32, #tpu.memory_space<vmem_shared>> -> memref<80x128xf32, #tpu.memory_space<vmem_shared>>
      tpu.wait_dma2 semaphore(%arg15 : memref<!tpu.dma_semaphore, #tpu.memory_space<semaphore_mem>>) src(%dma_wait3A_246 : memref<80x128xf32, #tpu.memory_space<vmem_shared>>) dst(%arg11 : memref<80x128xf32, #tpu.memory_space<vmem>>)
      %gt3A_247 = arith.constant 8 : i32
      %gt3A_248 = arith.cmpi sgt, %select_n3A, %gt3A_247 : i32
      %convert_element_type3A_249 = arith.extui %gt3A_248 : i1 to i32
      %cond3A_250 = arith.constant 0 : i32
      %cond3A_251 = arith.cmpi ne, %convert_element_type3A_249, %cond3A_250 : i32
      scf.if %cond3A_251 {
        %mul3A_263 = arith.constant 10000 : i32
        %mul3A_264 = arith.muli %arg0, %mul3A_263 : i32
        %mul3A_265 = arith.constant 640 : i32
        %mul3A_266 = arith.muli %arg1, %mul3A_265 : i32
        %add3A_267 = arith.addi %mul3A_264, %mul3A_266 : i32
        %dma_wait3A_268 = arith.constant 0 : i32
        %dma_wait3A_269 = tpu.memref_slice %arg5[%add3A_267, %dma_wait3A_268] : memref<20000x128xf32, #tpu.memory_space<hbm>> -> memref<80x128xf32, #tpu.memory_space<hbm>>
        %dma_wait3A_270 = arith.constant 0 : i32
        %dma_wait3A_271 = tpu.memref_slice %arg5[%add3A_267, %dma_wait3A_270] : memref<20000x128xf32, #tpu.memory_space<hbm>> -> memref<80x128xf32, #tpu.memory_space<hbm>>
        tpu.wait_dma2 semaphore(%arg17 : memref<!tpu.dma_semaphore, #tpu.memory_space<semaphore_mem>>) src(%arg10 : memref<80x128xf32, #tpu.memory_space<vmem>>) dst(%dma_wait3A_271 : memref<80x128xf32, #tpu.memory_space<hbm>>)
        %mul3A_272 = arith.constant 640 : i32
        %mul3A_273 = arith.muli %arg1, %mul3A_272 : i32
        %add3A_274 = arith.constant 640 : i32
        %add3A_275 = arith.addi %mul3A_273, %add3A_274 : i32
        %dma_start3A_276 = arith.constant 0 : i32
        %dma_start3A_277 = tpu.memref_slice %arg13[%add3A_275, %dma_start3A_276] : memref<10000x128xf32, #tpu.memory_space<vmem_shared>> -> memref<80x128xf32, #tpu.memory_space<vmem_shared>>
        %dma_start3A_278 = arith.constant 0 : i32
        %dma_start3A_279 = tpu.memref_slice %arg13[%add3A_275, %dma_start3A_278] : memref<10000x128xf32, #tpu.memory_space<vmem_shared>> -> memref<80x128xf32, #tpu.memory_space<vmem_shared>>
        tpu.enqueue_dma source(%dma_start3A_279 : memref<80x128xf32, #tpu.memory_space<vmem_shared>>) target(%arg10 : memref<80x128xf32, #tpu.memory_space<vmem>>) target_semaphore(%arg14 : memref<!tpu.dma_semaphore, #tpu.memory_space<semaphore_mem>>)
      } else {
      }
      %mul3A_252 = arith.constant 10000 : i32
      %mul3A_253 = arith.muli %arg0, %mul3A_252 : i32
      %mul3A_254 = arith.constant 640 : i32
      %mul3A_255 = arith.muli %arg1, %mul3A_254 : i32
      %add3A_256 = arith.addi %mul3A_253, %mul3A_255 : i32
      %add3A_257 = arith.constant 560 : i32
      %add3A_258 = arith.addi %add3A_256, %add3A_257 : i32
      %dma_start3A_259 = arith.constant 0 : i32
      %dma_start3A_260 = tpu.memref_slice %arg5[%add3A_258, %dma_start3A_259] : memref<20000x128xf32, #tpu.memory_space<hbm>> -> memref<80x128xf32, #tpu.memory_space<hbm>>
      %dma_start3A_261 = arith.constant 0 : i32
      %dma_start3A_262 = tpu.memref_slice %arg5[%add3A_258, %dma_start3A_261] : memref<20000x128xf32, #tpu.memory_space<hbm>> -> memref<80x128xf32, #tpu.memory_space<hbm>>
      tpu.enqueue_dma source(%arg11 : memref<80x128xf32, #tpu.memory_space<vmem>>) target(%dma_start3A_262 : memref<80x128xf32, #tpu.memory_space<hbm>>) target_semaphore(%arg18 : memref<!tpu.dma_semaphore, #tpu.memory_space<semaphore_mem>>)
    } else {
    }
    %mul3A_223 = arith.constant 10000 : i32
    %mul3A_224 = arith.muli %arg0, %mul3A_223 : i32
    %mul3A_225 = arith.constant 640 : i32
    %mul3A_226 = arith.muli %arg1, %mul3A_225 : i32
    %add3A_227 = arith.addi %mul3A_224, %mul3A_226 : i32
    %dma_wait3A_228 = arith.constant 0 : i32
    %dma_wait3A_229 = tpu.memref_slice %arg5[%add3A_227, %dma_wait3A_228] : memref<20000x128xf32, #tpu.memory_space<hbm>> -> memref<80x128xf32, #tpu.memory_space<hbm>>
    %dma_wait3A_230 = arith.constant 0 : i32
    %dma_wait3A_231 = tpu.memref_slice %arg5[%add3A_227, %dma_wait3A_230] : memref<20000x128xf32, #tpu.memory_space<hbm>> -> memref<80x128xf32, #tpu.memory_space<hbm>>
    tpu.wait_dma2 semaphore(%arg17 : memref<!tpu.dma_semaphore, #tpu.memory_space<semaphore_mem>>) src(%arg10 : memref<80x128xf32, #tpu.memory_space<vmem>>) dst(%dma_wait3A_231 : memref<80x128xf32, #tpu.memory_space<hbm>>)
    %mul3A_232 = arith.constant 10000 : i32
    %mul3A_233 = arith.muli %arg0, %mul3A_232 : i32
    %mul3A_234 = arith.constant 640 : i32
    %mul3A_235 = arith.muli %arg1, %mul3A_234 : i32
    %add3A_236 = arith.addi %mul3A_233, %mul3A_235 : i32
    %dma_wait3A_237 = arith.constant 0 : i32
    %dma_wait3A_238 = tpu.memref_slice %arg5[%add3A_236, %dma_wait3A_237] : memref<20000x128xf32, #tpu.memory_space<hbm>> -> memref<80x128xf32, #tpu.memory_space<hbm>>
    %dma_wait3A_239 = arith.constant 0 : i32
    %dma_wait3A_240 = tpu.memref_slice %arg5[%add3A_236, %dma_wait3A_239] : memref<20000x128xf32, #tpu.memory_space<hbm>> -> memref<80x128xf32, #tpu.memory_space<hbm>>
    tpu.wait_dma2 semaphore(%arg18 : memref<!tpu.dma_semaphore, #tpu.memory_space<semaphore_mem>>) src(%arg11 : memref<80x128xf32, #tpu.memory_space<vmem>>) dst(%dma_wait3A_240 : memref<80x128xf32, #tpu.memory_space<hbm>>)
    return
  }
}

module attributes {stable_mosaic.version = 14 : i64} {
  func.func @_prep_body(%arg0: i32, %arg1: memref<1000x1xf32, #tpu.memory_space<vmem>>, %arg2: memref<1000x1xf32, #tpu.memory_space<vmem>>, %arg3: memref<1000x128xf32, #tpu.memory_space<vmem>>, %arg4: memref<128x128xf32, #tpu.memory_space<vmem>>, %arg5: memref<1000x128xf32, #tpu.memory_space<vmem>>, %arg6: memref<1000x1xf32, #tpu.memory_space<vmem>>) attributes {dimension_semantics = [#tpu.dimension_semantics<arbitrary>], iteration_bounds = array<i64: 10>, scalar_prefetch = 0 : i64, scratch_operands = 0 : i64, tpu.core_type = #tpu.core_type<tc>, window_params = [{transform_indices = @transform_0, window_bounds = array<i64: 1000, 1>}, {transform_indices = @transform_1, window_bounds = array<i64: 1000, 1>}, {transform_indices = @transform_2, window_bounds = array<i64: 1000, 128>}, {pipeline_mode = #tpu.pipeline_mode<synchronous>, transform_indices = @transform_3, window_bounds = array<i64: 128, 128>}, {transform_indices = @transform_4, window_bounds = array<i64: 1000, 128>}, {transform_indices = @transform_5, window_bounds = array<i64: 1000, 1>}]} {
    %get3A = arith.constant 0 : index
    %get3A_0 = arith.constant 0 : index
    %get3A_1 = vector.load %arg1[%get3A, %get3A_0] : memref<1000x1xf32, #tpu.memory_space<vmem>>, vector<1000x1xf32>
    %get3A_2 = arith.constant 0 : index
    %get3A_3 = arith.constant 0 : index
    %get3A_4 = vector.load %arg2[%get3A_2, %get3A_3] : memref<1000x1xf32, #tpu.memory_space<vmem>>, vector<1000x1xf32>
    %add3A = arith.addf %get3A_1, %get3A_4 : vector<1000x1xf32>
    %add3A_5 = arith.constant 1.000000e+00 : f32
    %add3A_6 = vector.broadcast %add3A_5 : f32 to vector<1000x1xf32>
    %add3A_7 = arith.addf %add3A, %add3A_6 : vector<1000x1xf32>
    %rsqrt3A = math.rsqrt %add3A_7 : vector<1000x1xf32>
    %get3A_8 = arith.constant 0 : index
    %get3A_9 = arith.constant 0 : index
    %get3A_10 = vector.load %arg3[%get3A_8, %get3A_9] : memref<1000x128xf32, #tpu.memory_space<vmem>>, vector<1000x128xf32>
    %get3A_11 = arith.constant 0 : index
    %get3A_12 = arith.constant 0 : index
    %get3A_13 = vector.load %arg4[%get3A_11, %get3A_12] : memref<128x128xf32, #tpu.memory_space<vmem>>, vector<128x128xf32>
    %dot_general3A = arith.constant dense<0.000000e+00> : vector<1000x128xf32>
    %dot_general3A_14 = tpu.matmul %get3A_10, %get3A_13, %dot_general3A {dimension_numbers = #tpu.dot_dimension_numbers<[1], [1], [0], [0], [0, 0, 1, 0], [], []>, precision = #tpu.contract_precision<fp32>, transpose_lhs_hint = false} : vector<1000x128xf32>, vector<128x128xf32>, vector<1000x128xf32> -> vector<1000x128xf32>
    %mul3A = vector.broadcast %rsqrt3A : vector<1000x1xf32> to vector<1000x128xf32>
    %mul3A_15 = arith.mulf %dot_general3A_14, %mul3A : vector<1000x128xf32>
    %swap3A = arith.constant 0 : index
    %swap3A_16 = arith.constant 0 : index
    %swap3A_17 = vector.load %arg5[%swap3A, %swap3A_16] : memref<1000x128xf32, #tpu.memory_space<vmem>>, vector<1000x128xf32>
    tpu.vector_store %arg5[%swap3A, %swap3A_16], %mul3A_15 {strides = array<i32>} : memref<1000x128xf32, #tpu.memory_space<vmem>>, vector<1000x128xf32>,
    %swap3A_18 = arith.constant 0 : index
    %swap3A_19 = arith.constant 0 : index
    %swap3A_20 = vector.load %arg6[%swap3A_18, %swap3A_19] : memref<1000x1xf32, #tpu.memory_space<vmem>>, vector<1000x1xf32>
    tpu.vector_store %arg6[%swap3A_18, %swap3A_19], %rsqrt3A {strides = array<i32>} : memref<1000x1xf32, #tpu.memory_space<vmem>>, vector<1000x1xf32>,
    return
  }
  func.func @transform_0(%arg0: i32) -> (i32, i32) {
    %c0_i32 = arith.constant 0 : i32
    %c0_i32_0 = arith.constant 0 : i32
    return %arg0, %c0_i32 : i32, i32
  }
  func.func @transform_1(%arg0: i32) -> (i32, i32) {
    %c0_i32 = arith.constant 0 : i32
    %c0_i32_0 = arith.constant 0 : i32
    return %arg0, %c0_i32 : i32, i32
  }
  func.func @transform_2(%arg0: i32) -> (i32, i32) {
    %c0_i32 = arith.constant 0 : i32
    %c0_i32_0 = arith.constant 0 : i32
    return %arg0, %c0_i32 : i32, i32
  }
  func.func @transform_3(%arg0: i32) -> (i32, i32) {
    %c0_i32 = arith.constant 0 : i32
    %c0_i32_0 = arith.constant 0 : i32
    %c0_i32_1 = arith.constant 0 : i32
    return %c0_i32, %c0_i32_0 : i32, i32
  }
  func.func @transform_4(%arg0: i32) -> (i32, i32) {
    %c0_i32 = arith.constant 0 : i32
    %c0_i32_0 = arith.constant 0 : i32
    return %arg0, %c0_i32 : i32, i32
  }
  func.func @transform_5(%arg0: i32) -> (i32, i32) {
    %c0_i32 = arith.constant 0 : i32
    %c0_i32_0 = arith.constant 0 : i32
    return %arg0, %c0_i32 : i32, i32
  }
}

module attributes {stable_mosaic.version = 14 : i64} {
  func.func @_mid_body(%arg0: i32, %arg1: memref<1000x128xf32, #tpu.memory_space<vmem>>, %arg2: memref<1000x128xf32, #tpu.memory_space<vmem>>, %arg3: memref<1000x128xf32, #tpu.memory_space<vmem>>, %arg4: memref<1000x1xf32, #tpu.memory_space<vmem>>, %arg5: memref<1x128xf32, #tpu.memory_space<vmem>>, %arg6: memref<128x128xf32, #tpu.memory_space<vmem>>, %arg7: memref<1000x128xf32, #tpu.memory_space<vmem>>) attributes {dimension_semantics = [#tpu.dimension_semantics<arbitrary>], iteration_bounds = array<i64: 10>, scalar_prefetch = 0 : i64, scratch_operands = 0 : i64, tpu.core_type = #tpu.core_type<tc>, window_params = [{transform_indices = @transform_0, window_bounds = array<i64: 1000, 128>}, {transform_indices = @transform_1, window_bounds = array<i64: 1000, 128>}, {transform_indices = @transform_2, window_bounds = array<i64: 1000, 128>}, {transform_indices = @transform_3, window_bounds = array<i64: 1000, 1>}, {pipeline_mode = #tpu.pipeline_mode<synchronous>, transform_indices = @transform_4, window_bounds = array<i64: 1, 128>}, {pipeline_mode = #tpu.pipeline_mode<synchronous>, transform_indices = @transform_5, window_bounds = array<i64: 128, 128>}, {transform_indices = @transform_6, window_bounds = array<i64: 1000, 128>}]} {
    %get3A = arith.constant 0 : index
    %get3A_0 = arith.constant 0 : index
    %get3A_1 = vector.load %arg4[%get3A, %get3A_0] : memref<1000x1xf32, #tpu.memory_space<vmem>>, vector<1000x1xf32>
    %get3A_2 = arith.constant 0 : index
    %get3A_3 = arith.constant 0 : index
    %get3A_4 = vector.load %arg2[%get3A_2, %get3A_3] : memref<1000x128xf32, #tpu.memory_space<vmem>>, vector<1000x128xf32>
    %get3A_5 = arith.constant 0 : index
    %get3A_6 = arith.constant 0 : index
    %get3A_7 = vector.load %arg3[%get3A_5, %get3A_6] : memref<1000x128xf32, #tpu.memory_space<vmem>>, vector<1000x128xf32>
    %add3A = arith.addf %get3A_4, %get3A_7 : vector<1000x128xf32>
    %get3A_8 = arith.constant 0 : index
    %get3A_9 = arith.constant 0 : index
    %get3A_10 = vector.load %arg1[%get3A_8, %get3A_9] : memref<1000x128xf32, #tpu.memory_space<vmem>>, vector<1000x128xf32>
    %add3A_11 = arith.addf %add3A, %get3A_10 : vector<1000x128xf32>
    %mul3A = vector.broadcast %get3A_1 : vector<1000x1xf32> to vector<1000x128xf32>
    %mul3A_12 = arith.mulf %mul3A, %add3A_11 : vector<1000x128xf32>
    %get3A_13 = arith.constant 0 : index
    %get3A_14 = arith.constant 0 : index
    %get3A_15 = vector.load %arg5[%get3A_13, %get3A_14] : memref<1x128xf32, #tpu.memory_space<vmem>>, vector<1x128xf32>
    %add3A_16 = vector.broadcast %get3A_15 : vector<1x128xf32> to vector<1000x128xf32>
    %add3A_17 = arith.addf %mul3A_12, %add3A_16 : vector<1000x128xf32>
    %max3A = arith.constant 0.000000e+00 : f32
    %max3A_18 = vector.broadcast %max3A : f32 to vector<1000x128xf32>
    %max3A_19 = arith.maximumf %add3A_17, %max3A_18 : vector<1000x128xf32>
    %get3A_20 = arith.constant 0 : index
    %get3A_21 = arith.constant 0 : index
    %get3A_22 = vector.load %arg6[%get3A_20, %get3A_21] : memref<128x128xf32, #tpu.memory_space<vmem>>, vector<128x128xf32>
    %dot_general3A = arith.constant dense<0.000000e+00> : vector<1000x128xf32>
    %dot_general3A_23 = tpu.matmul %max3A_19, %get3A_22, %dot_general3A {dimension_numbers = #tpu.dot_dimension_numbers<[1], [1], [0], [0], [0, 0, 1, 0], [], []>, precision = #tpu.contract_precision<fp32>, transpose_lhs_hint = false} : vector<1000x128xf32>, vector<128x128xf32>, vector<1000x128xf32> -> vector<1000x128xf32>
    %mul3A_24 = vector.broadcast %get3A_1 : vector<1000x1xf32> to vector<1000x128xf32>
    %mul3A_25 = arith.mulf %dot_general3A_23, %mul3A_24 : vector<1000x128xf32>
    %swap3A = arith.constant 0 : index
    %swap3A_26 = arith.constant 0 : index
    %swap3A_27 = vector.load %arg7[%swap3A, %swap3A_26] : memref<1000x128xf32, #tpu.memory_space<vmem>>, vector<1000x128xf32>
    tpu.vector_store %arg7[%swap3A, %swap3A_26], %mul3A_25 {strides = array<i32>} : memref<1000x128xf32, #tpu.memory_space<vmem>>, vector<1000x128xf32>,
    return
  }
  func.func @transform_0(%arg0: i32) -> (i32, i32) {
    %c0_i32 = arith.constant 0 : i32
    %c0_i32_0 = arith.constant 0 : i32
    return %arg0, %c0_i32 : i32, i32
  }
  func.func @transform_1(%arg0: i32) -> (i32, i32) {
    %c0_i32 = arith.constant 0 : i32
    %c0_i32_0 = arith.constant 0 : i32
    return %arg0, %c0_i32 : i32, i32
  }
  func.func @transform_2(%arg0: i32) -> (i32, i32) {
    %add3A = arith.constant 10 : i32
    %add3A_0 = arith.addi %arg0, %add3A : i32
    %c0_i32 = arith.constant 0 : i32
    %c0_i32_1 = arith.constant 0 : i32
    return %add3A_0, %c0_i32 : i32, i32
  }
  func.func @transform_3(%arg0: i32) -> (i32, i32) {
    %c0_i32 = arith.constant 0 : i32
    %c0_i32_0 = arith.constant 0 : i32
    return %arg0, %c0_i32 : i32, i32
  }
  func.func @transform_4(%arg0: i32) -> (i32, i32) {
    %c0_i32 = arith.constant 0 : i32
    %c0_i32_0 = arith.constant 0 : i32
    %c0_i32_1 = arith.constant 0 : i32
    return %c0_i32, %c0_i32_0 : i32, i32
  }
  func.func @transform_5(%arg0: i32) -> (i32, i32) {
    %c0_i32 = arith.constant 0 : i32
    %c0_i32_0 = arith.constant 0 : i32
    %c0_i32_1 = arith.constant 0 : i32
    return %c0_i32, %c0_i32_0 : i32, i32
  }
  func.func @transform_6(%arg0: i32) -> (i32, i32) {
    %c0_i32 = arith.constant 0 : i32
    %c0_i32_0 = arith.constant 0 : i32
    return %arg0, %c0_i32 : i32, i32
  }
}

module attributes {stable_mosaic.version = 14 : i64} {
  func.func @_final_body(%arg0: i32, %arg1: memref<1000x128xf32, #tpu.memory_space<vmem>>, %arg2: memref<1000x128xf32, #tpu.memory_space<vmem>>, %arg3: memref<1000x128xf32, #tpu.memory_space<vmem>>, %arg4: memref<1000x1xf32, #tpu.memory_space<vmem>>, %arg5: memref<1x128xf32, #tpu.memory_space<vmem>>, %arg6: memref<1000x1xi32, #tpu.memory_space<vmem>>, %arg7: memref<40x128xf32, #tpu.memory_space<vmem>>, %arg8: memref<1x40xf32, #tpu.memory_space<vmem>>, %arg9: memref<64x40xf32, #tpu.memory_space<vmem>>, %arg10: memref<64x128xf32, #tpu.memory_space<vmem>>, %arg11: memref<64x128xf32, #tpu.memory_space<vmem>>) attributes {dimension_semantics = [#tpu.dimension_semantics<arbitrary>], iteration_bounds = array<i64: 10>, scalar_prefetch = 0 : i64, scratch_operands = 2 : i64, tpu.core_type = #tpu.core_type<tc>, window_params = [{transform_indices = @transform_0, window_bounds = array<i64: 1000, 128>}, {transform_indices = @transform_1, window_bounds = array<i64: 1000, 128>}, {transform_indices = @transform_2, window_bounds = array<i64: 1000, 128>}, {transform_indices = @transform_3, window_bounds = array<i64: 1000, 1>}, {pipeline_mode = #tpu.pipeline_mode<synchronous>, transform_indices = @transform_4, window_bounds = array<i64: 1, 128>}, {transform_indices = @transform_5, window_bounds = array<i64: 1000, 1>}, {pipeline_mode = #tpu.pipeline_mode<synchronous>, transform_indices = @transform_6, window_bounds = array<i64: 40, 128>}, {pipeline_mode = #tpu.pipeline_mode<synchronous>, transform_indices = @transform_7, window_bounds = array<i64: 1, 40>}, {pipeline_mode = #tpu.pipeline_mode<synchronous>, transform_indices = @transform_8, window_bounds = array<i64: 64, 40>}]} {
    %eq3A = arith.constant 0 : i32
    %eq3A_0 = arith.cmpi eq, %arg0, %eq3A : i32
    %convert_element_type3A = arith.extui %eq3A_0 : i1 to i32
    %cond3A = arith.constant 0 : i32
    %cond3A_1 = arith.cmpi ne, %convert_element_type3A, %cond3A : i32
    scf.if %cond3A_1 {
      %broadcast_in_dim3A_49 = arith.constant 0.000000e+00 : f32
      %broadcast_in_dim3A_50 = vector.broadcast %broadcast_in_dim3A_49 : f32 to vector<64x128xf32>
      %swap3A_51 = arith.constant 0 : index
      %swap3A_52 = arith.constant 0 : index
      %swap3A_53 = vector.load %arg10[%swap3A_51, %swap3A_52] : memref<64x128xf32, #tpu.memory_space<vmem>>, vector<64x128xf32>
      tpu.vector_store %arg10[%swap3A_51, %swap3A_52], %broadcast_in_dim3A_50 {strides = array<i32>} : memref<64x128xf32, #tpu.memory_space<vmem>>, vector<64x128xf32>,
      %broadcast_in_dim3A_54 = arith.constant 0.000000e+00 : f32
      %broadcast_in_dim3A_55 = vector.broadcast %broadcast_in_dim3A_54 : f32 to vector<64x128xf32>
      %swap3A_56 = arith.constant 0 : index
      %swap3A_57 = arith.constant 0 : index
      %swap3A_58 = vector.load %arg11[%swap3A_56, %swap3A_57] : memref<64x128xf32, #tpu.memory_space<vmem>>, vector<64x128xf32>
      tpu.vector_store %arg11[%swap3A_56, %swap3A_57], %broadcast_in_dim3A_55 {strides = array<i32>} : memref<64x128xf32, #tpu.memory_space<vmem>>, vector<64x128xf32>,
    } else {
    }
    %get3A = arith.constant 0 : index
    %get3A_2 = arith.constant 0 : index
    %get3A_3 = vector.load %arg4[%get3A, %get3A_2] : memref<1000x1xf32, #tpu.memory_space<vmem>>, vector<1000x1xf32>
    %get3A_4 = arith.constant 0 : index
    %get3A_5 = arith.constant 0 : index
    %get3A_6 = vector.load %arg2[%get3A_4, %get3A_5] : memref<1000x128xf32, #tpu.memory_space<vmem>>, vector<1000x128xf32>
    %get3A_7 = arith.constant 0 : index
    %get3A_8 = arith.constant 0 : index
    %get3A_9 = vector.load %arg3[%get3A_7, %get3A_8] : memref<1000x128xf32, #tpu.memory_space<vmem>>, vector<1000x128xf32>
    %add3A = arith.addf %get3A_6, %get3A_9 : vector<1000x128xf32>
    %get3A_10 = arith.constant 0 : index
    %get3A_11 = arith.constant 0 : index
    %get3A_12 = vector.load %arg1[%get3A_10, %get3A_11] : memref<1000x128xf32, #tpu.memory_space<vmem>>, vector<1000x128xf32>
    %add3A_13 = arith.addf %add3A, %get3A_12 : vector<1000x128xf32>
    %mul3A = vector.broadcast %get3A_3 : vector<1000x1xf32> to vector<1000x128xf32>
    %mul3A_14 = arith.mulf %mul3A, %add3A_13 : vector<1000x128xf32>
    %get3A_15 = arith.constant 0 : index
    %get3A_16 = arith.constant 0 : index
    %get3A_17 = vector.load %arg5[%get3A_15, %get3A_16] : memref<1x128xf32, #tpu.memory_space<vmem>>, vector<1x128xf32>
    %add3A_18 = vector.broadcast %get3A_17 : vector<1x128xf32> to vector<1000x128xf32>
    %add3A_19 = arith.addf %mul3A_14, %add3A_18 : vector<1000x128xf32>
    %get3A_20 = arith.constant 0 : index
    %get3A_21 = arith.constant 0 : index
    %get3A_22 = vector.load %arg6[%get3A_20, %get3A_21] : memref<1000x1xi32, #tpu.memory_space<vmem>>, vector<1000x1xi32>
    %iota3A = tpu.iota {dimensions = array<i32: 1>} : vector<1000x64xi32>
    %eq3A_23 = vector.broadcast %get3A_22 : vector<1000x1xi32> to vector<1000x64xi32>
    %eq3A_24 = arith.cmpi eq, %eq3A_23, %iota3A : vector<1000x64xi32>
    %convert_element_type3A_25 = arith.extui %eq3A_24 : vector<1000x64xi1> to vector<1000x64xi32>
    %convert_element_type3A_26 = arith.sitofp %convert_element_type3A_25 : vector<1000x64xi32> to vector<1000x64xf32>
    %get3A_27 = arith.constant 0 : index
    %get3A_28 = arith.constant 0 : index
    %get3A_29 = vector.load %arg10[%get3A_27, %get3A_28] : memref<64x128xf32, #tpu.memory_space<vmem>>, vector<64x128xf32>
    %dot_general3A = arith.constant dense<0.000000e+00> : vector<64x128xf32>
    %dot_general3A_30 = tpu.matmul %convert_element_type3A_26, %add3A_19, %dot_general3A {dimension_numbers = #tpu.dot_dimension_numbers<[0], [0], [1], [1], [0, 1, 1, 1], [], []>, precision = #tpu.contract_precision<fp32>, transpose_lhs_hint = false} : vector<1000x64xf32>, vector<1000x128xf32>, vector<64x128xf32> -> vector<64x128xf32>
    %add3A_31 = arith.addf %get3A_29, %dot_general3A_30 : vector<64x128xf32>
    %swap3A = arith.constant 0 : index
    %swap3A_32 = arith.constant 0 : index
    %swap3A_33 = vector.load %arg10[%swap3A, %swap3A_32] : memref<64x128xf32, #tpu.memory_space<vmem>>, vector<64x128xf32>
    tpu.vector_store %arg10[%swap3A, %swap3A_32], %add3A_31 {strides = array<i32>} : memref<64x128xf32, #tpu.memory_space<vmem>>, vector<64x128xf32>,
    %get3A_34 = arith.constant 0 : index
    %get3A_35 = arith.constant 0 : index
    %get3A_36 = vector.load %arg11[%get3A_34, %get3A_35] : memref<64x128xf32, #tpu.memory_space<vmem>>, vector<64x128xf32>
    %broadcast_in_dim3A = arith.constant 1.000000e+00 : f32
    %broadcast_in_dim3A_37 = vector.broadcast %broadcast_in_dim3A : f32 to vector<1000x128xf32>
    %dot_general3A_38 = arith.constant dense<0.000000e+00> : vector<64x128xf32>
    %dot_general3A_39 = tpu.matmul %convert_element_type3A_26, %broadcast_in_dim3A_37, %dot_general3A_38 {dimension_numbers = #tpu.dot_dimension_numbers<[0], [0], [1], [1], [0, 1, 1, 1], [], []>, precision = #tpu.contract_precision<fp32>, transpose_lhs_hint = false} : vector<1000x64xf32>, vector<1000x128xf32>, vector<64x128xf32> -> vector<64x128xf32>
    %add3A_40 = arith.addf %get3A_36, %dot_general3A_39 : vector<64x128xf32>
    %swap3A_41 = arith.constant 0 : index
    %swap3A_42 = arith.constant 0 : index
    %swap3A_43 = vector.load %arg11[%swap3A_41, %swap3A_42] : memref<64x128xf32, #tpu.memory_space<vmem>>, vector<64x128xf32>
    tpu.vector_store %arg11[%swap3A_41, %swap3A_42], %add3A_40 {strides = array<i32>} : memref<64x128xf32, #tpu.memory_space<vmem>>, vector<64x128xf32>,
    %eq3A_44 = arith.constant 9 : i32
    %eq3A_45 = arith.cmpi eq, %arg0, %eq3A_44 : i32
    %convert_element_type3A_46 = arith.extui %eq3A_45 : i1 to i32
    %cond3A_47 = arith.constant 0 : i32
    %cond3A_48 = arith.cmpi ne, %convert_element_type3A_46, %cond3A_47 : i32
    scf.if %cond3A_48 {
      %get3A_49 = arith.constant 0 : index
      %get3A_50 = arith.constant 0 : index
      %get3A_51 = vector.load %arg10[%get3A_49, %get3A_50] : memref<64x128xf32, #tpu.memory_space<vmem>>, vector<64x128xf32>
      %get3A_52 = arith.constant 0 : index
      %get3A_53 = arith.constant 0 : index
      %get3A_54 = vector.load %arg11[%get3A_52, %get3A_53] : memref<64x128xf32, #tpu.memory_space<vmem>>, vector<64x128xf32>
      %max3A = arith.constant 1.000000e+00 : f32
      %max3A_55 = vector.broadcast %max3A : f32 to vector<64x128xf32>
      %max3A_56 = arith.maximumf %get3A_54, %max3A_55 : vector<64x128xf32>
      %div3A = arith.divf %get3A_51, %max3A_56 : vector<64x128xf32>
      %get3A_57 = arith.constant 0 : index
      %get3A_58 = arith.constant 0 : index
      %get3A_59 = vector.load %arg7[%get3A_57, %get3A_58] : memref<40x128xf32, #tpu.memory_space<vmem>>, vector<40x128xf32>
      %dot_general3A_60 = arith.constant dense<0.000000e+00> : vector<64x40xf32>
      %dot_general3A_61 = tpu.matmul %div3A, %get3A_59, %dot_general3A_60 {dimension_numbers = #tpu.dot_dimension_numbers<[1], [1], [0], [0], [0, 0, 1, 0], [], []>, precision = #tpu.contract_precision<fp32>, transpose_lhs_hint = false} : vector<64x128xf32>, vector<40x128xf32>, vector<64x40xf32> -> vector<64x40xf32>
      %get3A_62 = arith.constant 0 : index
      %get3A_63 = arith.constant 0 : index
      %get3A_64 = vector.load %arg8[%get3A_62, %get3A_63] : memref<1x40xf32, #tpu.memory_space<vmem>>, vector<1x40xf32>
      %add3A_65 = vector.broadcast %get3A_64 : vector<1x40xf32> to vector<64x40xf32>
      %add3A_66 = arith.addf %dot_general3A_61, %add3A_65 : vector<64x40xf32>
      %swap3A_67 = arith.constant 0 : index
      %swap3A_68 = arith.constant 0 : index
      %swap3A_69 = vector.load %arg9[%swap3A_67, %swap3A_68] : memref<64x40xf32, #tpu.memory_space<vmem>>, vector<64x40xf32>
      tpu.vector_store %arg9[%swap3A_67, %swap3A_68], %add3A_66 {strides = array<i32>} : memref<64x40xf32, #tpu.memory_space<vmem>>, vector<64x40xf32>,
    } else {
    }
    return
  }
  func.func @transform_0(%arg0: i32) -> (i32, i32) {
    %c0_i32 = arith.constant 0 : i32
    %c0_i32_0 = arith.constant 0 : i32
    return %arg0, %c0_i32 : i32, i32
  }
  func.func @transform_1(%arg0: i32) -> (i32, i32) {
    %c0_i32 = arith.constant 0 : i32
    %c0_i32_0 = arith.constant 0 : i32
    return %arg0, %c0_i32 : i32, i32
  }
  func.func @transform_2(%arg0: i32) -> (i32, i32) {
    %add3A = arith.constant 10 : i32
    %add3A_0 = arith.addi %arg0, %add3A : i32
    %c0_i32 = arith.constant 0 : i32
    %c0_i32_1 = arith.constant 0 : i32
    return %add3A_0, %c0_i32 : i32, i32
  }
  func.func @transform_3(%arg0: i32) -> (i32, i32) {
    %c0_i32 = arith.constant 0 : i32
    %c0_i32_0 = arith.constant 0 : i32
    return %arg0, %c0_i32 : i32, i32
  }
  func.func @transform_4(%arg0: i32) -> (i32, i32) {
    %c0_i32 = arith.constant 0 : i32
    %c0_i32_0 = arith.constant 0 : i32
    %c0_i32_1 = arith.constant 0 : i32
    return %c0_i32, %c0_i32_0 : i32, i32
  }
  func.func @transform_5(%arg0: i32) -> (i32, i32) {
    %c0_i32 = arith.constant 0 : i32
    %c0_i32_0 = arith.constant 0 : i32
    return %arg0, %c0_i32 : i32, i32
  }
  func.func @transform_6(%arg0: i32) -> (i32, i32) {
    %c0_i32 = arith.constant 0 : i32
    %c0_i32_0 = arith.constant 0 : i32
    %c0_i32_1 = arith.constant 0 : i32
    return %c0_i32, %c0_i32_0 : i32, i32
  }
  func.func @transform_7(%arg0: i32) -> (i32, i32) {
    %c0_i32 = arith.constant 0 : i32
    %c0_i32_0 = arith.constant 0 : i32
    %c0_i32_1 = arith.constant 0 : i32
    return %c0_i32, %c0_i32_0 : i32, i32
  }
  func.func @transform_8(%arg0: i32) -> (i32, i32) {
    %c0_i32 = arith.constant 0 : i32
    %c0_i32_0 = arith.constant 0 : i32
    %c0_i32_1 = arith.constant 0 : i32
    return %c0_i32, %c0_i32_0 : i32, i32
  }
}

</mosaic_0001>

<sc_bundles>
// kernel: kernel.10.cloned.1.call-start
scs
__scs_entry_jumppad:
0x0: {  	(pc) =	sbr.rel $0x88, $3  }
0x1: {  	(tag) =	ssettag $0x0;
	lr =	simm.s32 $0x1  }
0x2: {  	[smem:$0x3F96] =	sst lr;
	_ =	strace $0xD0000000  }
0x3: {  	_ = 	snop  }
0x4: {  	_ = 	snop  }
0x5: {  	_ = 	snop  }
0x6: {  	_ = 	snop  }
0x7: {  	_ = 	snop  }
__scs_overlays_trampoline_lowered:
0x8: {  	[smem:$0x3FA5] =	sst s0  }
0x9: {  	[smem:$0x3FA6] =	sst s1  }
0xa: {  	[smem:$0x3FA7] =	sst s2  }
0xb: {  	[smem:$0x3FA8] =	sst s3  }
0xc: {  	[smem:$0x3FA9] =	sst s4  }
0xd: {  	[smem:$0x3FAA] =	sst s5  }
0xe: {  	[smem:$0x3FAB] =	sst s6  }
0xf: {  	[smem:$0x3FAC] =	sst s7  }
0x10: {  	[smem:$0x3FAD] =	sst s8  }
0x11: {  	[smem:$0x3FAE] =	sst s9;
	s0 =	simm.s32 @!p0 $0x0  }
0x12: {  	s1 =	sld [smem:$0x3F94];
	s0 =	simm.s32 @p0 $0x1  }
0x13: {  	[smem:$0x3FAF] =	sst s0;
	s0 =	simm.s32 @!p1 $0x0  }
0x14: {  	s2 =	sld [smem:$0x3F93];
	s0 =	simm.s32 @p1 $0x1  }
0x15: {  	[smem:$0x3FB0] =	sst s0;
	s0 =	simm.s32 @!p2 $0x0  }
0x16: {  	s3 =	sld [smem:$0x3FDB];
	s0 =	simm.s32 @p2 $0x1  }
0x17: {  	s4 =	simm.s32 $0x1BF5;
	[smem:$0x3FB2] =	sst s0  }
0x18: {  	s0 =	sld [smem:$0x3F95];
	_ =	swait.ge [sflag:s4], $0x0  }
0x19: {  	s7 =	sld [smem:$0x3F96]  }
0x1a: {  	s8 =	sadd.s32 $0xFFFFE003, lr  }
0x1b: {  	s9 =	sadd.s32 $0xFFFFFEF7, lr;
	s5 =	simm.s32 $0xFFFFFFFF;
	p2 =	slt.u32 s8, $0xFFFFF086  }
0x1c: {  	p1 =	slt.u32 s9, $0xF7A;
	s5 =	simm.s32 @!p2 $0x0  }
0x1d: {  	s5 =	simm.s32 @p1 $0x1;
	p0 =	seq.s32 s7, s2  }
0x1e: {  	s7 =	smul.u32 @!p0 $0xF7A, s2;
	p2 =	seq.s32 @!p0 s5, $0x0  }
0x1f: {  	s9 =	smul.u32 $0xF7A, s1;
	s8 =	simm.s32 @!p0 $0x1BF5;
	p2 =	por !p2, p0  }
0x20: {  	[sflag:s8] =	ssyncset.s32 @!p0 $0xFFFFF086;
	s6 =	sadd.s32 @!p0 s3, s7;
	s7 =	simm.s32 @!p0 $0x108  }
0x21: {  	s3 =	sadd.s32 s3, s9;
	s6 =	sadd.s32 @!p0 $0x88, s6;
	s7 =	simm.s32 @p2 $0x1082  }
0x22: {  	[simem:s7], [sflag:s8] =	dma.local @!p0 [hbm:s6], $0xF7A  }
0x23: {  	s9 =	sor.u32 $0xD0000000, s2;
	s6 =	simm.s32 $0x108;
	_ =	swait.ge @!p0 [sflag:s8], $0x0  }
0x24: {  	s3 =	sadd.s32 $0x88, s3;
	s6 =	simm.s32 @!p1 $0x1082;
	[sflag:s4] =	ssyncset.s32 $0xFFFFF086  }
0x25: {  	[simem:s6], [sflag:s4] =	dma.local [hbm:s3], $0xF7A  }
0x26: {  	[smem:$0x3F96] =	sst s1;
	(tag) =	ssettag s2;
	_ =	strace s9  }
0x27: {  	s1 =	sld [smem:$0x3FA6]  }
0x28: {  	s2 =	sld [smem:$0x3FA7]  }
0x29: {  	s4 =	sld [smem:$0x3FA9]  }
0x2a: {  	p0 =	seq.s32 s5, $0x0;
	s5 =	sld [smem:$0x3FAA]  }
0x2b: {  	s6 =	sld [smem:$0x3FAB]  }
0x2c: {  	s7 =	sld [smem:$0x3FAC]  }
0x2d: {  	s3 =	simm.s32 $0x108;
	s8 =	sld [smem:$0x3FAD]  }
0x2e: {  	s3 =	simm.s32 @!p0 $0x1082;
	s9 =	sld [smem:$0x3FAE]  }
0x2f: {  	lr =	sadd.s32 s0, s3;
	s0 =	sld [smem:$0x3FA5]  }
0x30: {  	s3 =	sld [smem:$0x3FA8]  }
0x31: {  	[smem:$0x3FB1] =	sst s10  }
0x32: {  	s10 =	sld [smem:$0x3FAF];
	_ =	sdelay $0x3  }
0x33: {  	p0 =	seq.s32 s10, $0x1;
	s10 =	sld [smem:$0x3FB1];
	_ =	sdelay $0x3  }
0x34: {  	[smem:$0x3FB1] =	sst s10  }
0x35: {  	s10 =	sld [smem:$0x3FB0];
	_ =	sdelay $0x3  }
0x36: {  	p1 =	seq.s32 s10, $0x1;
	s10 =	sld [smem:$0x3FB1];
	_ =	sdelay $0x3  }
0x37: {  	[smem:$0x3FB1] =	sst s10  }
0x38: {  	s10 =	sld [smem:$0x3FB2]  }
0x39: {  	_ = 	snop;
	(pc) =	sbr.ind lr, $3  }
0x3a: {  	_ = 	snop  }
0x3b: {  	_ = 	snop  }
0x3c: {  	p2 =	seq.s32 s10, $0x1;
	s10 =	sld [smem:$0x3FB1]  }
0x3d: {  	_ =	shalt  }
0x3e: {  	_ =	shalt  }
0x3f: {  	_ =	shalt  }
0x40: {  	_ =	shalt  }
0x41: {  	_ =	shalt  }
0x42: {  	_ =	shalt  }
0x43: {  	_ =	shalt  }
0x44: {  	_ =	shalt  }
0x45: {  	_ =	shalt  }
0x46: {  	_ =	shalt  }
0x47: {  	_ =	shalt  }
0x48: {  	_ =	shalt  }
0x49: {  	_ =	shalt  }
0x4a: {  	_ =	shalt  }
0x4b: {  	_ =	shalt  }
0x4c: {  	_ =	shalt  }
0x4d: {  	_ =	shalt  }
0x4e: {  	_ =	shalt  }
0x4f: {  	_ =	shalt  }
0x50: {  	_ =	shalt  }
0x51: {  	_ =	shalt  }
0x52: {  	_ =	shalt  }
0x53: {  	_ =	shalt  }
0x54: {  	_ =	shalt  }
0x55: {  	_ =	shalt  }
0x56: {  	_ =	shalt  }
0x57: {  	_ =	shalt  }
0x58: {  	_ =	shalt  }
0x59: {  	_ =	shalt  }
0x5a: {  	_ =	shalt  }
0x5b: {  	_ =	shalt  }
0x5c: {  	_ =	shalt  }
0x5d: {  	_ =	shalt  }
0x5e: {  	_ =	shalt  }
0x5f: {  	_ =	shalt  }
0x60: {  	_ =	shalt  }
0x61: {  	_ =	shalt  }
0x62: {  	_ =	shalt  }
0x63: {  	_ =	shalt  }
0x64: {  	_ =	shalt  }
0x65: {  	_ =	shalt  }
0x66: {  	_ =	shalt  }
0x67: {  	_ =	shalt  }
0x68: {  	_ =	shalt  }
0x69: {  	_ =	shalt  }
0x6a: {  	_ =	shalt  }
0x6b: {  	_ =	shalt  }
0x6c: {  	_ =	shalt  }
0x6d: {  	_ =	shalt  }
0x6e: {  	_ =	shalt  }
0x6f: {  	_ =	shalt  }
0x70: {  	_ =	shalt  }
0x71: {  	_ =	shalt  }
0x72: {  	_ =	shalt  }
0x73: {  	_ =	shalt  }
0x74: {  	_ =	shalt  }
0x75: {  	_ =	shalt  }
0x76: {  	_ =	shalt  }
0x77: {  	_ =	shalt  }
0x78: {  	_ =	shalt  }
0x79: {  	_ =	shalt  }
0x7a: {  	_ =	shalt  }
0x7b: {  	_ =	shalt  }
0x7c: {  	_ =	shalt  }
0x7d: {  	_ =	shalt  }
0x7e: {  	_ =	shalt  }
0x7f: {  	_ =	shalt  }
0x80: {  	_ =	shalt  }
0x81: {  	_ =	shalt  }
0x82: {  	_ =	shalt  }
0x83: {  	_ =	shalt  }
0x84: {  	_ =	shalt  }
0x85: {  	_ =	shalt  }
0x86: {  	_ =	shalt  }
0x87: {  	_ =	shalt  }
.Lfunc_end0:
.L_simem_size_0:
called_computation_lowered:
.L_overlay_start_0:
0x88: {  	s2 =	sld [smem:$0x3FD9]  }
0x89: {  	s3 =	sld [smem:$0x3FFE];
	_ =	sdelay $0x1  }
0x8a: {  	s1 =	srdreg.scid  }
0x8b: {  	s0 =	sand.u32 $0x1, s1  }
0x8c: {  	s16 =	sshll.u32 s0, $0xA;
	s2 =	sadd.s32 s3, s2  }
0x8d: {  	s2 =	sadd.s32 s2, s16  }
0x8e: {  	[smem:$0x3FBD] =	sst s2  }
0x8f: {  	_ = 	snop  }
0x90: {  	(tm) =	ssettm $0x1  }
0x91: {  	s17 =	sld [smem:$0x3FFB];
	_ =	sdelay $0x3  }
0x92: {  	_ =	strace s17  }
0x93: {  	s2 =	sld [smem:$0x3FFC];
	_ =	sdelay $0x3  }
0x94: {  	_ =	strace s2  }
0x95: {  	s2 =	sld [smem:$0x3FFD];
	_ =	sdelay $0x3  }
0x96: {  	_ =	strace s2  }
0x97: {  	_ =	strace $0x8FFFFFFF  }
0x98: {  	s18 =	sld [smem:$0x3FDB];
	_ =	sdelay $0x1  }
0x99: {  	s19 =	simm.s32 $_scs_section_size  }
0x9a: {  	s4 =	simm.s32 $_size__tile_overlayer_lowered;
	s5 =	simm.s32 $_tile_overlayer_lowered  }
0x9b: {  	s22 =	simm.s32 $0x1BFF;
	s21 =	sshll.u32 s5, $0x1;
	s2 =	sadd.s32 s19, s18  }
0x9c: {  	s6 =	simm.s32 $0x0;
	s20 =	sshll.u32 s4, $0x1;
	s4 =	sadd.s32 s21, s2  }
0x9d: {  	[timem:s6], [sflag:s22] =	dma.local [hbm:s4], s20  }
0x9e: {  	_ =	swait.ge [sflag:s22], s20  }
0x9f: {  	s3 =	ssub.s32 $0x0, s20;
	[sflag:s22] =	ssyncset.done $0x0  }
0xa0: {  	[sflag:s22] =	ssyncadd.s32 s3;
	_ =	sdelay $0x1  }
0xa1: {  	s23 =	simm.s32 $0x1B8B  }
0xa2: {  	_ =	swait.ge [sflag:s23], $0x1  }
0xa3: {  	[sflag:s23] =	ssyncset.done $0x0  }
0xa4: {  	s25 =	simm.s32 $0x1B8E;
	s24 =	sld [smem:$0x3FFE];
	[sflag:s23] =	ssyncadd.s32 $0xFFFFFFFF  }
0xa5: {  	s26 =	simm.s32 $execute0_lowered;
	[smem:$0x3FD2] =	sst s25  }
0xa6: {  	s4 =	sshll.u32 s26, $0x1;
	_ =	strace $0x80000046;
	[dreg:$0x1] =	wrdreg $0xFFFFFFFF  }
0xa7: {  	s28 =	simm.s32 $_size_execute0_lowered;
	s2 =	sadd.s32 s2, s4;
	[dreg:$0x0] =	wrdreg $0x0  }
0xa8: {  	s4 =	sshll.u32 s28, $0x1;
	[dreg:$0x2] =	wrdreg s2  }
0xa9: {  	[dreg:$0x3] =	wrdreg s4  }
0xaa: {  	[dreg:$0x4] =	wrdreg $0xC0  }
0xab: {  	_ =	task [dreg:s6], $0x5FFFF  }
0xac: {  	[dreg:$0x1] =	wrdreg $0xFFFFFFFF  }
0xad: {  	[dreg:$0x0] =	wrdreg $0x60  }
0xae: {  	[dreg:$0x2] =	wrdreg s24  }
0xaf: {  	[dreg:$0x3] =	wrdreg $0x52000  }
0xb0: {  	[dreg:$0x4] =	wrdreg $0x9  }
0xb1: {  	_ =	task.clear_ibuf [dreg:s6], $0x5FFFF;
	_ =	strace $0x90000046  }
0xb2: {  	s29 =	simm.s32 $0x9;
	_ =	strace $0x80000048  }
0xb3: {  	_ =	swait.ge [sflag:s29], $0x1  }
0xb4: {  	[sflag:s29] =	ssyncadd.s32 $0xFFFFFFFF  }
0xb5: {  	_ =	strace $0x90000048  }
0xb6: {  	_ =	sfence  }
0xb7: {  	s30 =	sld [smem:$0x0];
	_ =	sdelay $0x2  }
0xb8: {  	s31 =	sshll.u32 s1, $0xD;
	s1 =	sshrl.u32 s1, $0x2  }
0xb9: {  	s3 =	sand.u32 $0x4000, s31;
	s1 =	sadd.s32 s1, s30  }
0xba: {  	s0 =	sor.u32 s3, s0;
	s1 =	sshll.u32 s1, $0x11  }
0xbb: {  	s0 =	sor.u32 s1, s0  }
0xbc: {  	s0 =	sadd.s32 $0x8F2B, s0  }
0xbd: {  	[sflag:s0] =	ssyncadd.remote.s32 $0x1  }
0xbe: {  	_ =	sfence.sel $0xFFFF  }
0xbf: {  	[dreg:$0x0] =	wrdreg $0xFFFFFFFF;
	(pc) =	sbr.abs _section_cstart, $3  }
0xc0: {  	[dreg:$0x1] =	wrdreg $0xFFFFFFFF  }
0xc1: {  	_ =	task.clear_ibuf [dreg:s6], $0x2FFFF;
	_ =	strace $0x9FFFFFFF  }
0xc2: {  	(tm) =	ssettm $0x7FFFFFFF  }
0xc3: {  	_ =	shalt  }
tec
execute0_lowered:
.L_overlay_start_1:
0x0: {  	(tag) =	ssettag $0x1  }
0x1: {  	s0 =	srdreg.scid;
	s1 =	rddreg [dreg:$0x0]  }
0x2: {  	s7 =	stileid.u32;
	s5 =	rddreg [dreg:$0x1];
	s6 =	simm.s32 $0x0  }
0x3: {  	s23 =	simm.s32 $0x1;
	s24 =	simm.s32 $0x2780;
	s29 =	simm.s32 $0x4800  }
0x4: {  	s30 =	simm.s32 $0x4A80;
	s31 =	simm.s32 $0x4D00;
	s4 =	smul.u32 $0xA000, s7  }
0x5: {  	s0 =	sand.u32 $0x1, s0;
	[smem:$0x7FF] =	sst s6;
	s21 =	smul.u32 $0x280, s7  }
0x6: {  	s2 =	sshll.u32 s0, $0x4;
	s3 =	ssub.s32 $0x2, s0;
	_ =	strace $0x80000047  }
0x7: {  	p0 =	seq.s32 s0, $0x1;
	s0 =	simm.s32 $0x17800;
	s2 =	sor.u32 s7, s2  }
0x8: {  	s25 =	sshrl.u32 s3, $0x1;
	s26 =	sshrl.u32 s4, $0x2;
	s4 =	sadd.s32 s21, s5  }
0x9: {  	s0 =	simm.s32 @!p0 $0x17200;
	s28 =	sshrl.u32 s21, $0x3;
	s2 =	smul.u32 $0x4E2, s2  }
0xa: {  	s22 =	ssub.s32 s3, s25;
	s5 =	sadd.s32 s26, s5;
	s6 =	sadd.s32 $0x2800, s4  }
0xb: {  	s7 =	sadd.s32 $0x5000, s4;
	s8 =	sadd.s32 $0x7800, s4;
	s9 =	sadd.s32 $0xA000, s4  }
0xc: {  	s10 =	sadd.s32 $0xC800, s4;
	s11 =	sadd.s32 $0xF000, s4;
	s12 =	sadd.s32 $0x11800, s4  }
0xd: {  	s13 =	sadd.s32 $0x14000, s4;
	s14 =	sadd.s32 $0x16800, s4;
	s15 =	sadd.s32 $0x19000, s4  }
0xe: {  	s16 =	sadd.s32 $0x1B800, s4;
	s17 =	sadd.s32 $0x1E000, s4;
	s18 =	sadd.s32 $0x20800, s4  }
0xf: {  	s19 =	sadd.s32 $0x23000, s4;
	s20 =	sadd.s32 $0x25800, s4;
	s0 =	sadd.s32 s0, s1  }
0x10: {  	s21 =	smax.u32 s22, $0x1;
	s22 =	sadd.s32 s0, s28;
	s2 =	sadd.s32 s2, s1  }
0x11: {  	v0 =	vimm.f32 $0.0e+00;
	v1 =	vimm.f32 $1.000000000e+00;
	s0 =	simm.s32 $0x0;
	s1 =	simm.s32 $0x4F80;
	s3 =	sadd.s32 $0x3600, s2  }
.LBB2_1:
0x12: {  	s2 =	simm.s32 $0x40;
	s25 =	simm.s32 $0x0  }
.LBB2_2:
0x13: {  	p0 =	sne.s32 s2, $0x9FC0;
	[tilespmem:s25+$0x2780] =	vst v0;
	s25 =	smov.u32 s2;
	s2 =	sadd.s32 $0x40, s2  }
.Ltmp0:
0x14: {  	(pc) =	sbr.rel @p0 .LBB2_2-.Ltmp0, $2  }
0x15: {  	_ =	sdelay $0x2  }
0x16: {  	s25 =	sshra.s32 s25, $0x2  }
0x17: {  	[tilespmem:s25+$0x2780] =	vst v0;
	s2 =	simm.s32 $0x0  }
0x18: {  	[tilespmem:s2], [sflag:$0x1] =	stream.linear.gather [hbm4b:s3+s2], $0x2710, $0x38;
	[tilespmem:$0x7A00] =	vst v63  }
0x19: {  	_ =	swait.ge [sflag:s23], $0x2710  }
0x1a: {  	[sflag:s23] =	ssyncset.done $0x0  }
0x1b: {  	s25 =	simm.s32 $0x0;
	s2 =	simm.s32 $0x40;
	[sflag:s23] =	ssyncadd.s32 $0xFFFFD8F0  }
.LBB2_4:
0x1c: {  	p0 =	sne.s32 s2, $0x9C00;
	v2 =	vld [tilespmem:s25+$0x0];
	_ =	sdelay $0x3  }
.Ltmp1:
0x1d: {  	(pc) =	sbr.rel @p0 .LBB2_4-.Ltmp1, $2  }
0x1e: {  	_ =	sdelay $0x2  }
0x1f: {  	s25 =	sshra.s32 s2, $0x2;
	s2 =	sadd.s32 $0x40, s2;
	[tilespmem:v2+s24+$0x0] =	vst.idx.add.f32.msk $0xffff, v1  }
0x20: {  	v2 =	vld [tilespmem:s25+$0x0];
	_ =	sdelay $0x7  }
0x21: {  	s2 =	simm.s32 $0x2780;
	[tilespmem:v2+s24+$0x0] =	vst.idx.add.f32.msk $0xffff, v1  }
0x22: {  	[spmem:s5] =	stream.linear.scatter [tilespmem:s2], [sflag:$0x1], $0x2800, $0x38;
	[tilespmem:$0x7A00] =	vst v63  }
0x23: {  	_ =	swait.ge [sflag:s23], $0x2800  }
0x24: {  	[sflag:s23] =	ssyncset.done $0x0  }
0x25: {  	[sflag:s23] =	ssyncadd.s32 $0xFFFFD800  }
0x26: {  	[bflag:$0x0] =	sbarrier.arrive $0xFFFF  }
0x27: {  	[tilespmem:s2], [sflag:$0x1] =	stream.linear.gather [spmem:s4], $0x280, $0x38;
	[tilespmem:$0x7A00] =	vst v63  }
0x28: {  	_ =	swait.ge [sflag:s23], $0x280  }
0x29: {  	[sflag:s23] =	ssyncset.done $0x0  }
0x2a: {  	s26 =	simm.s32 $0x2A00;
	[sflag:s23] =	ssyncadd.s32 $0xFFFFFD80  }
0x2b: {  	[tilespmem:s26], [sflag:$0x1] =	stream.linear.gather [spmem:s6], $0x280, $0x38;
	[tilespmem:$0x7A00] =	vst v63  }
0x2c: {  	_ =	swait.ge [sflag:s23], $0x280  }
0x2d: {  	[sflag:s23] =	ssyncset.done $0x0  }
0x2e: {  	s26 =	simm.s32 $0x2C80;
	[sflag:s23] =	ssyncadd.s32 $0xFFFFFD80  }
0x2f: {  	[tilespmem:s26], [sflag:$0x1] =	stream.linear.gather [spmem:s7], $0x280, $0x38;
	[tilespmem:$0x7A00] =	vst v63  }
0x30: {  	_ =	swait.ge [sflag:s23], $0x280  }
0x31: {  	[sflag:s23] =	ssyncset.done $0x0  }
0x32: {  	s26 =	simm.s32 $0x2F00;
	[sflag:s23] =	ssyncadd.s32 $0xFFFFFD80  }
0x33: {  	[tilespmem:s26], [sflag:$0x1] =	stream.linear.gather [spmem:s8], $0x280, $0x38;
	[tilespmem:$0x7A00] =	vst v63  }
0x34: {  	_ =	swait.ge [sflag:s23], $0x280  }
0x35: {  	[sflag:s23] =	ssyncset.done $0x0  }
0x36: {  	s26 =	simm.s32 $0x3180;
	[sflag:s23] =	ssyncadd.s32 $0xFFFFFD80  }
0x37: {  	[tilespmem:s26], [sflag:$0x1] =	stream.linear.gather [spmem:s9], $0x280, $0x38;
	[tilespmem:$0x7A00] =	vst v63  }
0x38: {  	_ =	swait.ge [sflag:s23], $0x280  }
0x39: {  	[sflag:s23] =	ssyncset.done $0x0  }
0x3a: {  	s26 =	simm.s32 $0x3400;
	[sflag:s23] =	ssyncadd.s32 $0xFFFFFD80  }
0x3b: {  	[tilespmem:s26], [sflag:$0x1] =	stream.linear.gather [spmem:s10], $0x280, $0x38;
	[tilespmem:$0x7A00] =	vst v63  }
0x3c: {  	_ =	swait.ge [sflag:s23], $0x280  }
0x3d: {  	[sflag:s23] =	ssyncset.done $0x0  }
0x3e: {  	s26 =	simm.s32 $0x3680;
	[sflag:s23] =	ssyncadd.s32 $0xFFFFFD80  }
0x3f: {  	[tilespmem:s26], [sflag:$0x1] =	stream.linear.gather [spmem:s11], $0x280, $0x38;
	[tilespmem:$0x7A00] =	vst v63  }
0x40: {  	_ =	swait.ge [sflag:s23], $0x280  }
0x41: {  	[sflag:s23] =	ssyncset.done $0x0  }
0x42: {  	s26 =	simm.s32 $0x3900;
	[sflag:s23] =	ssyncadd.s32 $0xFFFFFD80  }
0x43: {  	[tilespmem:s26], [sflag:$0x1] =	stream.linear.gather [spmem:s12], $0x280, $0x38;
	[tilespmem:$0x7A00] =	vst v63  }
0x44: {  	_ =	swait.ge [sflag:s23], $0x280  }
0x45: {  	[sflag:s23] =	ssyncset.done $0x0  }
0x46: {  	s26 =	simm.s32 $0x3B80;
	[sflag:s23] =	ssyncadd.s32 $0xFFFFFD80  }
0x47: {  	[tilespmem:s26], [sflag:$0x1] =	stream.linear.gather [spmem:s13], $0x280, $0x38;
	[tilespmem:$0x7A00] =	vst v63  }
0x48: {  	_ =	swait.ge [sflag:s23], $0x280  }
0x49: {  	[sflag:s23] =	ssyncset.done $0x0  }
0x4a: {  	s26 =	simm.s32 $0x3E00;
	[sflag:s23] =	ssyncadd.s32 $0xFFFFFD80  }
0x4b: {  	[tilespmem:s26], [sflag:$0x1] =	stream.linear.gather [spmem:s14], $0x280, $0x38;
	[tilespmem:$0x7A00] =	vst v63  }
0x4c: {  	_ =	swait.ge [sflag:s23], $0x280  }
0x4d: {  	[sflag:s23] =	ssyncset.done $0x0  }
0x4e: {  	s26 =	simm.s32 $0x4080;
	[sflag:s23] =	ssyncadd.s32 $0xFFFFFD80  }
0x4f: {  	[tilespmem:s26], [sflag:$0x1] =	stream.linear.gather [spmem:s15], $0x280, $0x38;
	[tilespmem:$0x7A00] =	vst v63  }
0x50: {  	_ =	swait.ge [sflag:s23], $0x280  }
0x51: {  	[sflag:s23] =	ssyncset.done $0x0  }
0x52: {  	s26 =	simm.s32 $0x4300;
	[sflag:s23] =	ssyncadd.s32 $0xFFFFFD80  }
0x53: {  	[tilespmem:s26], [sflag:$0x1] =	stream.linear.gather [spmem:s16], $0x280, $0x38;
	[tilespmem:$0x7A00] =	vst v63  }
0x54: {  	_ =	swait.ge [sflag:s23], $0x280  }
0x55: {  	[sflag:s23] =	ssyncset.done $0x0  }
0x56: {  	s26 =	simm.s32 $0x4580;
	[sflag:s23] =	ssyncadd.s32 $0xFFFFFD80  }
0x57: {  	[tilespmem:s26], [sflag:$0x1] =	stream.linear.gather [spmem:s17], $0x280, $0x38;
	[tilespmem:$0x7A00] =	vst v63  }
0x58: {  	_ =	swait.ge [sflag:s23], $0x280  }
0x59: {  	[sflag:s23] =	ssyncset.done $0x0  }
0x5a: {  	[sflag:s23] =	ssyncadd.s32 $0xFFFFFD80  }
0x5b: {  	[tilespmem:s29], [sflag:$0x1] =	stream.linear.gather [spmem:s18], $0x280, $0x38;
	[tilespmem:$0x7A00] =	vst v63  }
0x5c: {  	_ =	swait.ge [sflag:s23], $0x280  }
0x5d: {  	[sflag:s23] =	ssyncset.done $0x0  }
0x5e: {  	[sflag:s23] =	ssyncadd.s32 $0xFFFFFD80  }
0x5f: {  	[tilespmem:s30], [sflag:$0x1] =	stream.linear.gather [spmem:s19], $0x280, $0x38;
	[tilespmem:$0x7A00] =	vst v63  }
0x60: {  	_ =	swait.ge [sflag:s23], $0x280  }
0x61: {  	[sflag:s23] =	ssyncset.done $0x0  }
0x62: {  	[sflag:s23] =	ssyncadd.s32 $0xFFFFFD80  }
0x63: {  	[tilespmem:s31], [sflag:$0x1] =	stream.linear.gather [spmem:s20], $0x280, $0x38;
	[tilespmem:$0x7A00] =	vst v63  }
0x64: {  	_ =	swait.ge [sflag:s23], $0x280  }
0x65: {  	s26 =	simm.s32 $0x0;
	[sflag:s23] =	ssyncset.done $0x0  }
0x66: {  	s25 =	sand.u32 $0x3F0, s26;
	[sflag:s23] =	ssyncadd.s32 $0xFFFFFD80  }
0x67: {  	v2 =	vld [tilespmem:s25+$0x2A00]  }
0x68: {  	v3 =	vld [tilespmem:s2+$0x0];
	_ =	sdelay $0x1  }
0x69: {  	v4 =	vld [tilespmem:s25+$0x2C80];
	_ =	sdelay $0x1  }
0x6a: {  	v5 =	vld [tilespmem:s25+$0x2F00]  }
0x6b: {  	v2 =	vadd.f32 v2, v3  }
0x6c: {  	v3 =	vld [tilespmem:s25+$0x3180]  }
0x6d: {  	v2 =	vadd.f32 v4, v2  }
0x6e: {  	v56 =	vld [tilespmem:s25+$0x3400]  }
0x6f: {  	v2 =	vadd.f32 v5, v2  }
0x70: {  	v57 =	vld [tilespmem:s25+$0x3680]  }
0x71: {  	v2 =	vadd.f32 v3, v2  }
0x72: {  	v3 =	vld [tilespmem:s25+$0x3900]  }
0x73: {  	v2 =	vadd.f32 v56, v2  }
0x74: {  	v58 =	vld [tilespmem:s25+$0x3B80]  }
0x75: {  	v2 =	vadd.f32 v57, v2  }
0x76: {  	v59 =	vld [tilespmem:s25+$0x3E00]  }
0x77: {  	v2 =	vadd.f32 v3, v2  }
0x78: {  	v3 =	vld [tilespmem:s25+$0x4080]  }
0x79: {  	v2 =	vadd.f32 v58, v2  }
0x7a: {  	v60 =	vld [tilespmem:s25+$0x4300]  }
0x7b: {  	v2 =	vadd.f32 v59, v2  }
0x7c: {  	v61 =	vld [tilespmem:s25+$0x4580]  }
0x7d: {  	v2 =	vadd.f32 v3, v2  }
0x7e: {  	v3 =	vld [tilespmem:s25+$0x4800]  }
0x7f: {  	v2 =	vadd.f32 v60, v2  }
0x80: {  	v62 =	vld [tilespmem:s25+$0x4A80]  }
0x81: {  	v2 =	vadd.f32 v61, v2  }
0x82: {  	v63 =	vld [tilespmem:s25+$0x4D00]  }
0x83: {  	v2 =	vadd.f32 v3, v2;
	_ =	sdelay $0x1  }
0x84: {  	v2 =	vadd.f32 v62, v2;
	_ =	sdelay $0x1  }
0x85: {  	v2 =	vadd.f32 v63, v2  }
0x86: {  	s26 =	simm.s32 $0x10;
	s2 =	simm.s32 $0x4F80  }
0x87: {  	s25 =	sand.u32 $0x3F0, s26;
	[tilespmem:s2+$0x0] =	vst v2  }
0x88: {  	s28 =	simm.s32 $0x20;
	s26 =	simm.s32 $0x2790;
	v2 =	vld [tilespmem:s25+$0x2A00]  }
.LBB2_6:
0x89: {  	p0 =	sne.s32 s28, $0x270;
	v3 =	vld [tilespmem:s26+$0x0];
	_ =	sdelay $0x1  }
0x8a: {  	v4 =	vld [tilespmem:s25+$0x2C80];
	_ =	sdelay $0x1  }
0x8b: {  	v5 =	vld [tilespmem:s25+$0x2F00]  }
0x8c: {  	v2 =	vadd.f32 v2, v3  }
0x8d: {  	v3 =	vld [tilespmem:s25+$0x3180]  }
0x8e: {  	v2 =	vadd.f32 v4, v2  }
0x8f: {  	v4 =	vld [tilespmem:s25+$0x3400]  }
0x90: {  	v2 =	vadd.f32 v5, v2  }
0x91: {  	v5 =	vld [tilespmem:s25+$0x3680]  }
0x92: {  	v2 =	vadd.f32 v3, v2  }
0x93: {  	v3 =	vld [tilespmem:s25+$0x3900]  }
0x94: {  	v2 =	vadd.f32 v4, v2  }
0x95: {  	v4 =	vld [tilespmem:s25+$0x3B80]  }
0x96: {  	v2 =	vadd.f32 v5, v2  }
0x97: {  	v5 =	vld [tilespmem:s25+$0x3E00]  }
0x98: {  	v2 =	vadd.f32 v3, v2  }
0x99: {  	v3 =	vld [tilespmem:s25+$0x4080]  }
0x9a: {  	v2 =	vadd.f32 v4, v2  }
0x9b: {  	v4 =	vld [tilespmem:s25+$0x4300]  }
0x9c: {  	v2 =	vadd.f32 v5, v2  }
0x9d: {  	v5 =	vld [tilespmem:s25+$0x4580]  }
0x9e: {  	v2 =	vadd.f32 v3, v2  }
0x9f: {  	v3 =	vld [tilespmem:s25+$0x4800]  }
0xa0: {  	v2 =	vadd.f32 v4, v2  }
0xa1: {  	v4 =	vld [tilespmem:s25+$0x4A80]  }
0xa2: {  	v2 =	vadd.f32 v5, v2  }
0xa3: {  	v5 =	vld [tilespmem:s25+$0x4D00]  }
0xa4: {  	v2 =	vadd.f32 v3, v2;
	_ =	sdelay $0x1  }
0xa5: {  	v2 =	vadd.f32 v4, v2  }
.Ltmp2:
0xa6: {  	(pc) =	sbr.rel @p0 .LBB2_6-.Ltmp2, $4  }
0xa7: {  	v2 =	vadd.f32 v5, v2  }
0xa8: {  	s2 =	sadd.s32 $0x10, s2  }
0xa9: {  	s25 =	sand.u32 $0x3F0, s28;
	[tilespmem:s2+$0x0] =	vst v2  }
0xaa: {  	s26 =	sadd.s32 $0x10, s26;
	s28 =	sadd.s32 $0x10, s28;
	v2 =	vld [tilespmem:s25+$0x2A00]  }
0xab: {  	v3 =	vld [tilespmem:s26+$0x0];
	_ =	sdelay $0x1  }
0xac: {  	v4 =	vld [tilespmem:s25+$0x2C80];
	_ =	sdelay $0x1  }
0xad: {  	v5 =	vld [tilespmem:s25+$0x2F00]  }
0xae: {  	v2 =	vadd.f32 v2, v3  }
0xaf: {  	v3 =	vld [tilespmem:s25+$0x3180]  }
0xb0: {  	v2 =	vadd.f32 v4, v2  }
0xb1: {  	v56 =	vld [tilespmem:s25+$0x3400]  }
0xb2: {  	v2 =	vadd.f32 v5, v2  }
0xb3: {  	v57 =	vld [tilespmem:s25+$0x3680]  }
0xb4: {  	v2 =	vadd.f32 v3, v2  }
0xb5: {  	v3 =	vld [tilespmem:s25+$0x3900]  }
0xb6: {  	v2 =	vadd.f32 v56, v2  }
0xb7: {  	v58 =	vld [tilespmem:s25+$0x3B80]  }
0xb8: {  	v2 =	vadd.f32 v57, v2  }
0xb9: {  	v59 =	vld [tilespmem:s25+$0x3E00]  }
0xba: {  	v2 =	vadd.f32 v3, v2  }
0xbb: {  	v3 =	vld [tilespmem:s25+$0x4080]  }
0xbc: {  	v2 =	vadd.f32 v58, v2  }
0xbd: {  	v60 =	vld [tilespmem:s25+$0x4300]  }
0xbe: {  	v2 =	vadd.f32 v59, v2  }
0xbf: {  	v61 =	vld [tilespmem:s25+$0x4580]  }
0xc0: {  	v2 =	vadd.f32 v3, v2  }
0xc1: {  	v3 =	vld [tilespmem:s25+$0x4800]  }
0xc2: {  	v2 =	vadd.f32 v60, v2  }
0xc3: {  	v62 =	vld [tilespmem:s25+$0x4A80]  }
0xc4: {  	v2 =	vadd.f32 v61, v2  }
0xc5: {  	v63 =	vld [tilespmem:s25+$0x4D00]  }
0xc6: {  	v2 =	vadd.f32 v3, v2;
	_ =	sdelay $0x1  }
0xc7: {  	v2 =	vadd.f32 v62, v2;
	_ =	sdelay $0x1  }
0xc8: {  	s0 =	sadd.s32 $0x1, s0;
	v2 =	vadd.f32 v63, v2  }
0xc9: {  	s2 =	sadd.s32 $0x10, s2;
	p0 =	sne.s32 s0, s21  }
.Ltmp3:
0xca: {  	s28 =	simm.s32 $0x0;
	[tilespmem:s2+$0x0] =	vst v2;
	(pc) =	sbr.rel @p0 .LBB2_1-.Ltmp3, $4  }
0xcb: {  	[hbm4b:s22+s28] =	stream.linear.scatter [tilespmem:s1], [sflag:$0x1], $0x280, $0x38;
	[tilespmem:$0x7A00] =	vst v63  }
0xcc: {  	_ =	swait.ge [sflag:s23], $0x280  }
0xcd: {  	[sflag:s23] =	ssyncset.done $0x0  }
0xce: {  	[sflag:s23] =	ssyncadd.s32 $0xFFFFFD80  }
0xcf: {  	_ =	sfence.sel $0x180000  }
0xd0: {  	[bflag:$0x0] =	sbarrier.arrive $0xFFFF  }
0xd1: {  	_ =	strace $0x90000047  }
0xd2: {  	s0 =	stileid.u32;
	[bflag:$0x2] =	sbarrier.arrive $0xFFFF  }
0xd3: {  	p0 =	sne.s32 s0, $0x0;
	s0 =	rddreg [dreg:$0x2]  }
0xd4: {  	s0 =	sadd.s32 @!p0 $0x100000, s0  }
0xd5: {  	[sflag:s0] =	ssyncadd.tile.s32 @!p0 $0x1;
	_ =	shalt  }
.Lfunc_end2:
_tile_overlayer_lowered:
.L_overlay_start_2:
0xd6: {  	(tag) =	ssettag $0x2  }
0xd7: {  	s0 =	rddreg [dreg:$0x0];
	s2 =	stileid.u32  }
0xd8: {  	s1 =	rddreg [dreg:$0x1];
	p0 =	sne.s32 s2, $0x0  }
0xd9: {  	s3 =	rddreg [dreg:$0x2];
	[bflag:$0x3] =	sbarrier.arrive $0xFFFF;
	s2 =	simm.s32 @!p0 $0x1C01  }
0xda: {  	[timem:s3], [sflag:s2] =	dma.local @!p0 [hbm:s0], s1  }
0xdb: {  	s0 =	simm.s32 @!p0 $0x1  }
0xdc: {  	_ =	swait.ge @!p0 [sflag:s0], s1  }
0xdd: {  	s1 =	ssub.s32 @!p0 $0x0, s1;
	[sflag:s0] =	ssyncset.done @!p0 $0x0  }
0xde: {  	[sflag:s0] =	ssyncadd.s32 @!p0 s1  }
0xdf: {  	[bflag:$0x3] =	sbarrier.arrive $0xFFFF  }
0xe0: {  	_ =	shalt  }

// kernel: kernel.13.cloned.1.call-start
scs
__scs_entry_jumppad:
0x0: {  	(pc) =	sbr.rel $0x88, $3  }
0x1: {  	(tag) =	ssettag $0x0;
	lr =	simm.s32 $0x1  }
0x2: {  	[smem:$0x3F96] =	sst lr;
	_ =	strace $0xD0000000  }
0x3: {  	_ = 	snop  }
0x4: {  	_ = 	snop  }
0x5: {  	_ = 	snop  }
0x6: {  	_ = 	snop  }
0x7: {  	_ = 	snop  }
__scs_overlays_trampoline_lowered:
0x8: {  	[smem:$0x3FA5] =	sst s0  }
0x9: {  	[smem:$0x3FA6] =	sst s1  }
0xa: {  	[smem:$0x3FA7] =	sst s2  }
0xb: {  	[smem:$0x3FA8] =	sst s3  }
0xc: {  	[smem:$0x3FA9] =	sst s4  }
0xd: {  	[smem:$0x3FAA] =	sst s5  }
0xe: {  	[smem:$0x3FAB] =	sst s6  }
0xf: {  	[smem:$0x3FAC] =	sst s7  }
0x10: {  	[smem:$0x3FAD] =	sst s8  }
0x11: {  	[smem:$0x3FAE] =	sst s9;
	s0 =	simm.s32 @!p0 $0x0  }
0x12: {  	s1 =	sld [smem:$0x3F94];
	s0 =	simm.s32 @p0 $0x1  }
0x13: {  	[smem:$0x3FAF] =	sst s0;
	s0 =	simm.s32 @!p1 $0x0  }
0x14: {  	s2 =	sld [smem:$0x3F93];
	s0 =	simm.s32 @p1 $0x1  }
0x15: {  	[smem:$0x3FB0] =	sst s0;
	s0 =	simm.s32 @!p2 $0x0  }
0x16: {  	s3 =	sld [smem:$0x3FDB];
	s0 =	simm.s32 @p2 $0x1  }
0x17: {  	s4 =	simm.s32 $0x1BF5;
	[smem:$0x3FB2] =	sst s0  }
0x18: {  	s0 =	sld [smem:$0x3F95];
	_ =	swait.ge [sflag:s4], $0x0  }
0x19: {  	s7 =	sld [smem:$0x3F96]  }
0x1a: {  	s8 =	sadd.s32 $0xFFFFE003, lr  }
0x1b: {  	s9 =	sadd.s32 $0xFFFFFEF7, lr;
	s5 =	simm.s32 $0xFFFFFFFF;
	p2 =	slt.u32 s8, $0xFFFFF086  }
0x1c: {  	p1 =	slt.u32 s9, $0xF7A;
	s5 =	simm.s32 @!p2 $0x0  }
0x1d: {  	s5 =	simm.s32 @p1 $0x1;
	p0 =	seq.s32 s7, s2  }
0x1e: {  	s7 =	smul.u32 @!p0 $0xF7A, s2;
	p2 =	seq.s32 @!p0 s5, $0x0  }
0x1f: {  	s9 =	smul.u32 $0xF7A, s1;
	s8 =	simm.s32 @!p0 $0x1BF5;
	p2 =	por !p2, p0  }
0x20: {  	[sflag:s8] =	ssyncset.s32 @!p0 $0xFFFFF086;
	s6 =	sadd.s32 @!p0 s3, s7;
	s7 =	simm.s32 @!p0 $0x108  }
0x21: {  	s3 =	sadd.s32 s3, s9;
	s6 =	sadd.s32 @!p0 $0x88, s6;
	s7 =	simm.s32 @p2 $0x1082  }
0x22: {  	[simem:s7], [sflag:s8] =	dma.local @!p0 [hbm:s6], $0xF7A  }
0x23: {  	s9 =	sor.u32 $0xD0000000, s2;
	s6 =	simm.s32 $0x108;
	_ =	swait.ge @!p0 [sflag:s8], $0x0  }
0x24: {  	s3 =	sadd.s32 $0x88, s3;
	s6 =	simm.s32 @!p1 $0x1082;
	[sflag:s4] =	ssyncset.s32 $0xFFFFF086  }
0x25: {  	[simem:s6], [sflag:s4] =	dma.local [hbm:s3], $0xF7A  }
0x26: {  	[smem:$0x3F96] =	sst s1;
	(tag) =	ssettag s2;
	_ =	strace s9  }
0x27: {  	s1 =	sld [smem:$0x3FA6]  }
0x28: {  	s2 =	sld [smem:$0x3FA7]  }
0x29: {  	s4 =	sld [smem:$0x3FA9]  }
0x2a: {  	p0 =	seq.s32 s5, $0x0;
	s5 =	sld [smem:$0x3FAA]  }
0x2b: {  	s6 =	sld [smem:$0x3FAB]  }
0x2c: {  	s7 =	sld [smem:$0x3FAC]  }
0x2d: {  	s3 =	simm.s32 $0x108;
	s8 =	sld [smem:$0x3FAD]  }
0x2e: {  	s3 =	simm.s32 @!p0 $0x1082;
	s9 =	sld [smem:$0x3FAE]  }
0x2f: {  	lr =	sadd.s32 s0, s3;
	s0 =	sld [smem:$0x3FA5]  }
0x30: {  	s3 =	sld [smem:$0x3FA8]  }
0x31: {  	[smem:$0x3FB1] =	sst s10  }
0x32: {  	s10 =	sld [smem:$0x3FAF];
	_ =	sdelay $0x3  }
0x33: {  	p0 =	seq.s32 s10, $0x1;
	s10 =	sld [smem:$0x3FB1];
	_ =	sdelay $0x3  }
0x34: {  	[smem:$0x3FB1] =	sst s10  }
0x35: {  	s10 =	sld [smem:$0x3FB0];
	_ =	sdelay $0x3  }
0x36: {  	p1 =	seq.s32 s10, $0x1;
	s10 =	sld [smem:$0x3FB1];
	_ =	sdelay $0x3  }
0x37: {  	[smem:$0x3FB1] =	sst s10  }
0x38: {  	s10 =	sld [smem:$0x3FB2]  }
0x39: {  	_ = 	snop;
	(pc) =	sbr.ind lr, $3  }
0x3a: {  	_ = 	snop  }
0x3b: {  	_ = 	snop  }
0x3c: {  	p2 =	seq.s32 s10, $0x1;
	s10 =	sld [smem:$0x3FB1]  }
0x3d: {  	_ =	shalt  }
0x3e: {  	_ =	shalt  }
0x3f: {  	_ =	shalt  }
0x40: {  	_ =	shalt  }
0x41: {  	_ =	shalt  }
0x42: {  	_ =	shalt  }
0x43: {  	_ =	shalt  }
0x44: {  	_ =	shalt  }
0x45: {  	_ =	shalt  }
0x46: {  	_ =	shalt  }
0x47: {  	_ =	shalt  }
0x48: {  	_ =	shalt  }
0x49: {  	_ =	shalt  }
0x4a: {  	_ =	shalt  }
0x4b: {  	_ =	shalt  }
0x4c: {  	_ =	shalt  }
0x4d: {  	_ =	shalt  }
0x4e: {  	_ =	shalt  }
0x4f: {  	_ =	shalt  }
0x50: {  	_ =	shalt  }
0x51: {  	_ =	shalt  }
0x52: {  	_ =	shalt  }
0x53: {  	_ =	shalt  }
0x54: {  	_ =	shalt  }
0x55: {  	_ =	shalt  }
0x56: {  	_ =	shalt  }
0x57: {  	_ =	shalt  }
0x58: {  	_ =	shalt  }
0x59: {  	_ =	shalt  }
0x5a: {  	_ =	shalt  }
0x5b: {  	_ =	shalt  }
0x5c: {  	_ =	shalt  }
0x5d: {  	_ =	shalt  }
0x5e: {  	_ =	shalt  }
0x5f: {  	_ =	shalt  }
0x60: {  	_ =	shalt  }
0x61: {  	_ =	shalt  }
0x62: {  	_ =	shalt  }
0x63: {  	_ =	shalt  }
0x64: {  	_ =	shalt  }
0x65: {  	_ =	shalt  }
0x66: {  	_ =	shalt  }
0x67: {  	_ =	shalt  }
0x68: {  	_ =	shalt  }
0x69: {  	_ =	shalt  }
0x6a: {  	_ =	shalt  }
0x6b: {  	_ =	shalt  }
0x6c: {  	_ =	shalt  }
0x6d: {  	_ =	shalt  }
0x6e: {  	_ =	shalt  }
0x6f: {  	_ =	shalt  }
0x70: {  	_ =	shalt  }
0x71: {  	_ =	shalt  }
0x72: {  	_ =	shalt  }
0x73: {  	_ =	shalt  }
0x74: {  	_ =	shalt  }
0x75: {  	_ =	shalt  }
0x76: {  	_ =	shalt  }
0x77: {  	_ =	shalt  }
0x78: {  	_ =	shalt  }
0x79: {  	_ =	shalt  }
0x7a: {  	_ =	shalt  }
0x7b: {  	_ =	shalt  }
0x7c: {  	_ =	shalt  }
0x7d: {  	_ =	shalt  }
0x7e: {  	_ =	shalt  }
0x7f: {  	_ =	shalt  }
0x80: {  	_ =	shalt  }
0x81: {  	_ =	shalt  }
0x82: {  	_ =	shalt  }
0x83: {  	_ =	shalt  }
0x84: {  	_ =	shalt  }
0x85: {  	_ =	shalt  }
0x86: {  	_ =	shalt  }
0x87: {  	_ =	shalt  }
.Lfunc_end0:
.L_simem_size_0:
called_computation.1_lowered:
.L_overlay_start_0:
0x88: {  	s2 =	sld [smem:$0x3FD9]  }
0x89: {  	s3 =	sld [smem:$0x3FFE];
	_ =	sdelay $0x1  }
0x8a: {  	s1 =	srdreg.scid  }
0x8b: {  	s0 =	sand.u32 $0x1, s1  }
0x8c: {  	s16 =	sshll.u32 s0, $0xA;
	s2 =	sadd.s32 s3, s2  }
0x8d: {  	s2 =	sadd.s32 s2, s16  }
0x8e: {  	[smem:$0x3FBD] =	sst s2  }
0x8f: {  	_ = 	snop  }
0x90: {  	(tm) =	ssettm $0x1  }
0x91: {  	s17 =	sld [smem:$0x3FFB];
	_ =	sdelay $0x3  }
0x92: {  	_ =	strace s17  }
0x93: {  	s2 =	sld [smem:$0x3FFC];
	_ =	sdelay $0x3  }
0x94: {  	_ =	strace s2  }
0x95: {  	s2 =	sld [smem:$0x3FFD];
	_ =	sdelay $0x3  }
0x96: {  	_ =	strace s2  }
0x97: {  	_ =	strace $0x8FFFFFFF  }
0x98: {  	s18 =	sld [smem:$0x3FDB];
	_ =	sdelay $0x1  }
0x99: {  	s19 =	simm.s32 $_scs_section_size  }
0x9a: {  	s4 =	simm.s32 $_size__tile_overlayer_lowered;
	s5 =	simm.s32 $_tile_overlayer_lowered  }
0x9b: {  	s22 =	simm.s32 $0x1BFF;
	s21 =	sshll.u32 s5, $0x1;
	s2 =	sadd.s32 s19, s18  }
0x9c: {  	s6 =	simm.s32 $0x0;
	s20 =	sshll.u32 s4, $0x1;
	s4 =	sadd.s32 s21, s2  }
0x9d: {  	[timem:s6], [sflag:s22] =	dma.local [hbm:s4], s20  }
0x9e: {  	_ =	swait.ge [sflag:s22], s20  }
0x9f: {  	s3 =	ssub.s32 $0x0, s20;
	[sflag:s22] =	ssyncset.done $0x0  }
0xa0: {  	[sflag:s22] =	ssyncadd.s32 s3;
	_ =	sdelay $0x1  }
0xa1: {  	s23 =	simm.s32 $0x1B8B  }
0xa2: {  	_ =	swait.ge [sflag:s23], $0x1  }
0xa3: {  	[sflag:s23] =	ssyncset.done $0x0  }
0xa4: {  	s25 =	simm.s32 $0x1B8E;
	s24 =	sld [smem:$0x3FFE];
	[sflag:s23] =	ssyncadd.s32 $0xFFFFFFFF  }
0xa5: {  	s26 =	simm.s32 $execute0_lowered;
	[smem:$0x3FD2] =	sst s25  }
0xa6: {  	s4 =	sshll.u32 s26, $0x1;
	_ =	strace $0x80000049;
	[dreg:$0x1] =	wrdreg $0xFFFFFFFF  }
0xa7: {  	s28 =	simm.s32 $_size_execute0_lowered;
	s2 =	sadd.s32 s2, s4;
	[dreg:$0x0] =	wrdreg $0x0  }
0xa8: {  	s4 =	sshll.u32 s28, $0x1;
	[dreg:$0x2] =	wrdreg s2  }
0xa9: {  	[dreg:$0x3] =	wrdreg s4  }
0xaa: {  	[dreg:$0x4] =	wrdreg $0xC0  }
0xab: {  	_ =	task [dreg:s6], $0x5FFFF  }
0xac: {  	[dreg:$0x1] =	wrdreg $0xFFFFFFFF  }
0xad: {  	[dreg:$0x0] =	wrdreg $0x60  }
0xae: {  	[dreg:$0x2] =	wrdreg s24  }
0xaf: {  	[dreg:$0x3] =	wrdreg $0xA1000  }
0xb0: {  	[dreg:$0x4] =	wrdreg $0x9  }
0xb1: {  	_ =	task.clear_ibuf [dreg:s6], $0x5FFFF;
	_ =	strace $0x90000049  }
0xb2: {  	s29 =	simm.s32 $0x9;
	_ =	strace $0x8000004B  }
0xb3: {  	_ =	swait.ge [sflag:s29], $0x1  }
0xb4: {  	[sflag:s29] =	ssyncadd.s32 $0xFFFFFFFF  }
0xb5: {  	_ =	strace $0x9000004B  }
0xb6: {  	_ =	sfence  }
0xb7: {  	s30 =	sld [smem:$0x0];
	_ =	sdelay $0x2  }
0xb8: {  	s31 =	sshll.u32 s1, $0xD;
	s1 =	sshrl.u32 s1, $0x2  }
0xb9: {  	s3 =	sand.u32 $0x4000, s31;
	s1 =	sadd.s32 s1, s30  }
0xba: {  	s0 =	sor.u32 s3, s0;
	s1 =	sshll.u32 s1, $0x11  }
0xbb: {  	s0 =	sor.u32 s1, s0  }
0xbc: {  	s0 =	sadd.s32 $0x8F2B, s0  }
0xbd: {  	[sflag:s0] =	ssyncadd.remote.s32 $0x1  }
0xbe: {  	_ =	sfence.sel $0xFFFF  }
0xbf: {  	[dreg:$0x0] =	wrdreg $0xFFFFFFFF;
	(pc) =	sbr.abs _section_cstart, $3  }
0xc0: {  	[dreg:$0x1] =	wrdreg $0xFFFFFFFF  }
0xc1: {  	_ =	task.clear_ibuf [dreg:s6], $0x2FFFF;
	_ =	strace $0x9FFFFFFF  }
0xc2: {  	(tm) =	ssettm $0x7FFFFFFF  }
0xc3: {  	_ =	shalt  }
tec
execute0_lowered:
.L_overlay_start_1:
0x0: {  	(tag) =	ssettag $0x1  }
0x1: {  	s0 =	rddreg [dreg:$0x0]  }
0x2: {  	s2 =	rddreg [dreg:$0x1]  }
0x3: {  	s1 =	srdreg.scid;
	s11 =	stileid.u32;
	s3 =	simm.s32 $0x0  }
0x4: {  	s1 =	sand.u32 $0x1, s1;
	s5 =	smul.u32 $0x280, s11;
	[smem:$0x7FF] =	sst s3  }
0x5: {  	p0 =	seq.s32 s11, $0xF;
	s4 =	sshll.u32 s1, $0x4;
	s6 =	smul.u32 $0x2710, s1  }
0x6: {  	_ =	strace $0x8000004A;
	s1 =	ssub.s32 $0x2, s1;
	s8 =	sor.u32 s11, s4  }
0x7: {  	s29 =	sshrl.u32 s1, $0x1;
	s7 =	smul.u32 $0x4E2, s8;
	s5 =	sadd.s32 s5, s6  }
0x8: {  	s1 =	ssub.s32 s1, s29;
	s10 =	sshll.u32 s8, $0xB;
	s6 =	sshll.u32 s5, $0x4  }
0x9: {  	s5 =	sadd.s32 $0x17E00, s0;
	s23 =	smax.u32 s1, $0x1;
	s9 =	sadd.s32 s7, s0  }
0xa: {  	s7 =	simm.s32 $0x5;
	s31 =	sadd.s32 s5, s10;
	[dreg:$0x12] =	wrdreg s23  }
0xb: {  	s11 =	smul.u32 $0x50000, s11;
	s7 =	simm.s32 @!p0 $0x8;
	[dreg:$0x5] =	wrdreg s31  }
0xc: {  	s4 =	sadd.s32 $0x27E00, s0;
	s30 =	sadd.s32 $0xD400, s9;
	[dreg:$0x3] =	wrdreg s7  }
0xd: {  	s13 =	sshrl.u32 s11, $0x2;
	s10 =	sadd.s32 $0x10, s31;
	[dreg:$0x4] =	wrdreg s30  }
0xe: {  	s15 =	sadd.s32 s13, s2;
	s12 =	sadd.s32 $0x20, s31;
	[dreg:$0x6] =	wrdreg s10  }
0xf: {  	s0 =	sadd.s32 s6, s0;
	s14 =	sadd.s32 $0x2800, s15;
	[dreg:$0x7] =	wrdreg s12  }
0x10: {  	s28 =	simm.s32 $0x0;
	s16 =	sadd.s32 $0x4F000, s0;
	[dreg:$0xa] =	wrdreg s14  }
0x11: {  	s1 =	simm.s32 $0x2900;
	s17 =	sadd.s32 $0x4F500, s0;
	[dreg:$0xb] =	wrdreg s16  }
0x12: {  	s11 =	simm.s32 $0x2780;
	s18 =	sadd.s32 $0x4FA00, s0;
	[dreg:$0xc] =	wrdreg s17  }
0x13: {  	s6 =	simm.s32 $0x5;
	s19 =	sadd.s32 $0x4FF00, s0;
	[dreg:$0xd] =	wrdreg s18  }
0x14: {  	s13 =	simm.s32 $0x2800;
	s20 =	sadd.s32 $0x50900, s0;
	[dreg:$0xe] =	wrdreg s19  }
0x15: {  	s23 =	simm.s32 $0x4;
	s22 =	sadd.s32 $0x50E00, s0;
	[dreg:$0xf] =	wrdreg s20  }
0x16: {  	s21 =	sadd.s32 $0x50400, s0;
	s0 =	sadd.s32 $0x51300, s0;
	[dreg:$0x10] =	wrdreg s22  }
0x17: {  	s9 =	sshll.u32 s8, $0xE;
	s24 =	sadd.s32 $0x5000, s15;
	[dreg:$0x11] =	wrdreg s0  }
0x18: {  	s25 =	sadd.s32 $0x7800, s15;
	s26 =	sadd.s32 $0xA000, s15;
	[dreg:$0x13] =	wrdreg s24  }
0x19: {  	s29 =	sadd.s32 $0xC800, s15;
	s8 =	simm.s32 $0xA;
	[dreg:$0x14] =	wrdreg s25  }
0x1a: {  	s10 =	sadd.s32 $0x30, s31;
	s7 =	sadd.s32 $0x40, s31;
	[dreg:$0x15] =	wrdreg s26  }
0x1b: {  	[dreg:$0x16] =	wrdreg s29;
	s30 =	sadd.s32 $0xF000, s15;
	s31 =	sadd.s32 $0x11800, s15  }
0x1c: {  	s12 =	simm.s32 $0x50;
	s14 =	simm.s32 $0x5100;
	s16 =	simm.s32 $0x1  }
0x1d: {  	s17 =	simm.s32 $0x7;
	s18 =	simm.s32 $0x2880;
	[dreg:$0x8] =	wrdreg s10  }
0x1e: {  	s19 =	simm.s32 $0x7900;
	s20 =	simm.s32 $0x2;
	[dreg:$0x9] =	wrdreg s7  }
0x1f: {  	s22 =	simm.s32 $0x8;
	s24 =	simm.s32 $0x3;
	[dreg:$0x17] =	wrdreg s30  }
0x20: {  	v0 =	vimm.f32 $0.0e+00;
	s25 =	simm.s32 $0x9;
	s26 =	simm.s32 $0x6;
	[dreg:$0x18] =	wrdreg s31  }
.LBB2_1:
0x21: {  	s0 =	simm.s32 $0x0;
	s29 =	simm.s32 $0x200  }
.LBB2_2:
0x22: {  	p1 =	sne.s32 s29, $0x9E00;
	[tilespmem:s0+$0x2970] =	vst v0  }
0x23: {  	[tilespmem:s0+$0x2900] =	vst v0  }
0x24: {  	[tilespmem:s0+$0x2910] =	vst v0  }
.Ltmp0:
0x25: {  	[tilespmem:s0+$0x2920] =	vst v0;
	(pc) =	sbr.rel @p1 .LBB2_2-.Ltmp0, $4  }
0x26: {  	[tilespmem:s0+$0x2930] =	vst v0  }
0x27: {  	[tilespmem:s0+$0x2940] =	vst v0  }
0x28: {  	[tilespmem:s0+$0x2950] =	vst v0  }
0x29: {  	[tilespmem:s0+$0x2960] =	vst v0;
	s0 =	sshra.s32 s29, $0x2;
	s29 =	sadd.s32 $0x200, s29  }
0x2a: {  	[tilespmem:s0+$0x2970] =	vst v0  }
0x2b: {  	[tilespmem:s0+$0x2900] =	vst v0  }
0x2c: {  	[tilespmem:s0+$0x2910] =	vst v0  }
0x2d: {  	[tilespmem:s0+$0x2920] =	vst v0  }
0x2e: {  	[tilespmem:s0+$0x2930] =	vst v0;
	s31 =	rddreg [dreg:$0x3]  }
0x2f: {  	[tilespmem:s0+$0x2940] =	vst v0;
	p1 =	sne.s32 s31, $0x1  }
.Ltmp1:
0x30: {  	[tilespmem:s0+$0x2950] =	vst v0;
	(pc) =	sbr.rel @!p1 .LBB2_5-.Ltmp1, $4  }
0x31: {  	[tilespmem:s0+$0x2960] =	vst v0  }
0x32: {  	[spmem:s15] =	stream.linear.scatter [tilespmem:s1], [sflag:$0xA], $0x2800, $0x38;
	[tilespmem:$0x1D980] =	vst v63  }
0x33: {  	_ =	swait.ge [sflag:s8], $0x2800  }
0x34: {  	s29 =	smov.u32 s15;
	s0 =	sadd.s32 $0xFFFFFFFF, s31;
	[sflag:s8] =	ssyncset.done $0x0  }
.LBB2_4:
0x35: {  	p1 =	sne.s32 s0, $0x1;
	[sflag:s8] =	ssyncadd.s32 $0xFFFFD800;
	s29 =	sadd.s32 $0x2800, s29  }
.Ltmp2:
0x36: {  	s0 =	sadd.s32 $0xFFFFFFFF, s0;
	(pc) =	sbr.rel @p1 .LBB2_4-.Ltmp2, $4  }
0x37: {  	_ = 	snop  }
0x38: {  	[spmem:s29] =	stream.linear.scatter [tilespmem:s1], [sflag:$0xA], $0x2800, $0x38;
	[tilespmem:$0x1D980] =	vst v63  }
0x39: {  	_ =	swait.ge [sflag:s8], $0x2800  }
0x3a: {  	[sflag:s8] =	ssyncset.done $0x0  }
.LBB2_5:
0x3b: {  	[sflag:s8] =	ssyncadd.s32 $0xFFFFD800;
	s0 =	rddreg [dreg:$0x4]  }
0x3c: {  	[tilespmem:s3], [sflag:$0xA] =	stream.linear.gather [hbm4b:s0+s3], $0x2710, $0x38;
	[tilespmem:$0x1D980] =	vst v63  }
0x3d: {  	_ =	swait.ge [sflag:s8], $0x2710  }
0x3e: {  	[sflag:s8] =	ssyncset.done $0x0  }
0x3f: {  	[sflag:s8] =	ssyncadd.s32 $0xFFFFD8F0  }
0x40: {  	[bflag:$0x0] =	sbarrier.arrive $0xFFFF  }
0x41: {  	s10 =	rddreg [dreg:$0x5]  }
0x42: {  	[tilespmem:s11], [sflag:$0x7] =	stream.linear.gather [hbm4b:s10+s3], $0x80, $0x38;
	[tilespmem:$0x1D980] =	vst v63  }
0x43: {  	_ = 	snop  }
0x44: {  	[tilespmem:s1], [sflag:$0x1] =	stream.indirect.gather [hbm4b:s4+s12], $0x80, s3, s12, $0xb8;
	[tilespmem:$0x1D980] =	vst v63  }
0x45: {  	s7 =	rddreg [dreg:$0x6]  }
0x46: {  	[tilespmem:s13], [sflag:$0x8] =	stream.linear.gather [hbm4b:s7+s3], $0x80, $0x38;
	[tilespmem:$0x1D980] =	vst v63  }
0x47: {  	_ = 	snop  }
0x48: {  	[tilespmem:s14], [sflag:$0x2] =	stream.indirect.gather [hbm4b:s4+s12], $0x80, s12, s12, $0xb8;
	[tilespmem:$0x1D980] =	vst v63  }
0x49: {  	_ =	swait.ge [sflag:s16], $0x2800  }
0x4a: {  	[sflag:s16] =	ssyncset.done $0x0  }
0x4b: {  	[sflag:s16] =	ssyncadd.s32 $0xFFFFD800  }
0x4c: {  	_ =	swait.ge [sflag:s17], $0x80  }
0x4d: {  	[sflag:s17] =	ssyncset.done $0x0  }
0x4e: {  	[sflag:s17] =	ssyncadd.s32 $0xFFFFFF80  }
0x4f: {  	[spmem:s2] =	stream.indirect.scatter.add.f32 [tilespmem:s1], [sflag:$0x4], $0x80, s11, s12, $0xb8;
	[tilespmem:$0x1D980] =	vst v63  }
0x50: {  	s10 =	rddreg [dreg:$0x7]  }
0x51: {  	[tilespmem:s18], [sflag:$0x9] =	stream.linear.gather [hbm4b:s10+s3], $0x80, $0x38;
	[tilespmem:$0x1D980] =	vst v63  }
0x52: {  	s7 =	simm.s32 $0xA0  }
0x53: {  	[tilespmem:s19], [sflag:$0x3] =	stream.indirect.gather [hbm4b:s4+s12], $0x80, s7, s12, $0xb8;
	[tilespmem:$0x1D980] =	vst v63  }
0x54: {  	_ =	swait.ge [sflag:s20], $0x2800  }
0x55: {  	[sflag:s20] =	ssyncset.done $0x0  }
0x56: {  	[sflag:s20] =	ssyncadd.s32 $0xFFFFD800  }
0x57: {  	_ =	swait.ge [sflag:s22], $0x80  }
0x58: {  	[sflag:s22] =	ssyncset.done $0x0  }
0x59: {  	[sflag:s22] =	ssyncadd.s32 $0xFFFFFF80  }
0x5a: {  	[spmem:s2] =	stream.indirect.scatter.add.f32 [tilespmem:s14], [sflag:$0x5], $0x80, s13, s12, $0xb8;
	[tilespmem:$0x1D980] =	vst v63  }
0x5b: {  	_ =	swait.ge [sflag:s23], $0x2800  }
0x5c: {  	[sflag:s23] =	ssyncset.done $0x0  }
0x5d: {  	s10 =	rddreg [dreg:$0x8];
	[sflag:s23] =	ssyncadd.s32 $0xFFFFD800  }
0x5e: {  	[tilespmem:s11], [sflag:$0x7] =	stream.linear.gather [hbm4b:s10+s3], $0x80, $0x38;
	[tilespmem:$0x1D980] =	vst v63  }
0x5f: {  	s7 =	simm.s32 $0xF0  }
0x60: {  	[tilespmem:s1], [sflag:$0x1] =	stream.indirect.gather [hbm4b:s4+s12], $0x80, s7, s12, $0xb8;
	[tilespmem:$0x1D980] =	vst v63  }
0x61: {  	_ =	swait.ge [sflag:s24], $0x2800  }
0x62: {  	[sflag:s24] =	ssyncset.done $0x0  }
0x63: {  	[sflag:s24] =	ssyncadd.s32 $0xFFFFD800  }
0x64: {  	_ =	swait.ge [sflag:s25], $0x80  }
0x65: {  	[sflag:s25] =	ssyncset.done $0x0  }
0x66: {  	[sflag:s25] =	ssyncadd.s32 $0xFFFFFF80  }
0x67: {  	[spmem:s2] =	stream.indirect.scatter.add.f32 [tilespmem:s19], [sflag:$0x6], $0x80, s18, s12, $0xb8;
	[tilespmem:$0x1D980] =	vst v63  }
0x68: {  	_ =	swait.ge [sflag:s6], $0x2800  }
0x69: {  	[sflag:s6] =	ssyncset.done $0x0  }
0x6a: {  	s10 =	rddreg [dreg:$0x9];
	[sflag:s6] =	ssyncadd.s32 $0xFFFFD800  }
0x6b: {  	[tilespmem:s13], [sflag:$0x8] =	stream.linear.gather [hbm4b:s10+s3], $0x80, $0x38;
	[tilespmem:$0x1D980] =	vst v63  }
0x6c: {  	s7 =	simm.s32 $0x140  }
0x6d: {  	[tilespmem:s14], [sflag:$0x2] =	stream.indirect.gather [hbm4b:s4+s12], $0x80, s7, s12, $0xb8;
	[tilespmem:$0x1D980] =	vst v63  }
0x6e: {  	_ =	swait.ge [sflag:s16], $0x2800  }
0x6f: {  	[sflag:s16] =	ssyncset.done $0x0  }
0x70: {  	[sflag:s16] =	ssyncadd.s32 $0xFFFFD800  }
0x71: {  	s10 =	simm.s32 $0x280;
	_ =	swait.ge [sflag:s17], $0x80  }
0x72: {  	s29 =	sand.u32 $0xFC00, s10;
	[sflag:s17] =	ssyncset.done $0x0  }
0x73: {  	s0 =	sand.u32 $0x380, s10;
	s29 =	sadd.s32 s9, s29;
	[sflag:s17] =	ssyncadd.s32 $0xFFFFFF80  }
0x74: {  	[spmem:s2] =	stream.indirect.scatter.add.f32 [tilespmem:s1], [sflag:$0x4], $0x80, s11, s12, $0xb8;
	[tilespmem:$0x1D980] =	vst v63  }
0x75: {  	s0 =	sor.u32 s0, s29;
	_ =	swait.ge [sflag:s26], $0x2800  }
0x76: {  	s0 =	sshrl.u32 s0, $0x3;
	[sflag:s26] =	ssyncset.done $0x0  }
0x77: {  	s0 =	sadd.s32 s5, s0;
	[sflag:s26] =	ssyncadd.s32 $0xFFFFD800  }
0x78: {  	[tilespmem:s18], [sflag:$0x9] =	stream.linear.gather [hbm4b:s0+s3], $0x80, $0x38;
	[tilespmem:$0x1D980] =	vst v63  }
0x79: {  	s7 =	simm.s32 $0x190  }
0x7a: {  	[tilespmem:s19], [sflag:$0x3] =	stream.indirect.gather [hbm4b:s4+s12], $0x80, s7, s12, $0xb8;
	[tilespmem:$0x1D980] =	vst v63  }
0x7b: {  	_ =	swait.ge [sflag:s20], $0x2800  }
0x7c: {  	[sflag:s20] =	ssyncset.done $0x0  }
0x7d: {  	[sflag:s20] =	ssyncadd.s32 $0xFFFFD800  }
0x7e: {  	s10 =	simm.s32 $0x300;
	_ =	swait.ge [sflag:s22], $0x80  }
0x7f: {  	s29 =	sand.u32 $0xFC00, s10;
	[sflag:s22] =	ssyncset.done $0x0  }
0x80: {  	s29 =	sadd.s32 s9, s29;
	s0 =	sand.u32 $0x380, s10;
	[sflag:s22] =	ssyncadd.s32 $0xFFFFFF80  }
0x81: {  	[spmem:s2] =	stream.indirect.scatter.add.f32 [tilespmem:s14], [sflag:$0x5], $0x80, s13, s12, $0xb8;
	[tilespmem:$0x1D980] =	vst v63  }
0x82: {  	s0 =	sor.u32 s0, s29;
	_ =	swait.ge [sflag:s23], $0x2800  }
0x83: {  	s0 =	sshrl.u32 s0, $0x3;
	[sflag:s23] =	ssyncset.done $0x0  }
0x84: {  	s0 =	sadd.s32 s5, s0;
	[sflag:s23] =	ssyncadd.s32 $0xFFFFD800  }
0x85: {  	[tilespmem:s11], [sflag:$0x7] =	stream.linear.gather [hbm4b:s0+s3], $0x80, $0x38;
	[tilespmem:$0x1D980] =	vst v63  }
0x86: {  	s7 =	simm.s32 $0x1E0  }
0x87: {  	[tilespmem:s1], [sflag:$0x1] =	stream.indirect.gather [hbm4b:s4+s12], $0x80, s7, s12, $0xb8;
	[tilespmem:$0x1D980] =	vst v63  }
0x88: {  	_ =	swait.ge [sflag:s24], $0x2800  }
0x89: {  	[sflag:s24] =	ssyncset.done $0x0  }
0x8a: {  	[sflag:s24] =	ssyncadd.s32 $0xFFFFD800  }
0x8b: {  	s10 =	simm.s32 $0x380;
	_ =	swait.ge [sflag:s25], $0x80  }
0x8c: {  	s29 =	sand.u32 $0xFC00, s10;
	[sflag:s25] =	ssyncset.done $0x0  }
0x8d: {  	s29 =	sadd.s32 s9, s29;
	s0 =	sand.u32 $0x380, s10;
	[sflag:s25] =	ssyncadd.s32 $0xFFFFFF80  }
0x8e: {  	[spmem:s2] =	stream.indirect.scatter.add.f32 [tilespmem:s19], [sflag:$0x6], $0x80, s18, s12, $0xb8;
	[tilespmem:$0x1D980] =	vst v63  }
0x8f: {  	s30 =	simm.s32 $0x500;
	s0 =	sor.u32 s0, s29;
	_ =	swait.ge [sflag:s6], $0x2800  }
0x90: {  	s31 =	simm.s32 $0x230;
	s0 =	sshrl.u32 s0, $0x3;
	[sflag:s6] =	ssyncset.done $0x0  }
0x91: {  	s29 =	simm.s32 $0x230;
	s0 =	sadd.s32 s5, s0;
	[sflag:s6] =	ssyncadd.s32 $0xFFFFD800  }
0x92: {  	[tilespmem:s13], [sflag:$0x8] =	stream.linear.gather [hbm4b:s0+s3], $0x80, $0x38;
	[tilespmem:$0x1D980] =	vst v63  }
.LBB2_6:
0x93: {  	p1 =	sne.s32 s30, $0x3E00  }
0x94: {  	s29 =	sadd.s32 $0xF0, s29;
	s0 =	smov.u32 s30;
	s30 =	sadd.s32 $0x180, s30  }
0x95: {  	[tilespmem:s14], [sflag:$0x2] =	stream.indirect.gather [hbm4b:s4+s12], $0x80, s31, s12, $0xb8;
	[tilespmem:$0x1D980] =	vst v63  }
0x96: {  	s31 =	smov.u32 s29;
	_ =	swait.ge [sflag:s16], $0x2800  }
0x97: {  	[sflag:s16] =	ssyncset.done $0x0  }
0x98: {  	[sflag:s16] =	ssyncadd.s32 $0xFFFFD800  }
0x99: {  	_ =	swait.ge [sflag:s17], $0x80  }
0x9a: {  	s10 =	sadd.s32 $0xFFFFFF00, s0;
	[sflag:s17] =	ssyncset.done $0x0  }
0x9b: {  	s7 =	sand.u32 $0xFC00, s10;
	s10 =	sand.u32 $0x380, s10;
	[sflag:s17] =	ssyncadd.s32 $0xFFFFFF80  }
0x9c: {  	[spmem:s2] =	stream.indirect.scatter.add.f32 [tilespmem:s1], [sflag:$0x4], $0x80, s11, s12, $0xb8;
	[tilespmem:$0x1D980] =	vst v63  }
0x9d: {  	s7 =	sadd.s32 s9, s7;
	_ =	swait.ge [sflag:s26], $0x2800  }
0x9e: {  	s7 =	sor.u32 s10, s7;
	[sflag:s26] =	ssyncset.done $0x0  }
0x9f: {  	s7 =	sshrl.u32 s7, $0x3;
	[sflag:s26] =	ssyncadd.s32 $0xFFFFD800  }
0xa0: {  	s10 =	sadd.s32 $0xFFFFFF60, s29;
	s7 =	sadd.s32 s5, s7  }
0xa1: {  	[tilespmem:s18], [sflag:$0x9] =	stream.linear.gather [hbm4b:s7+s3], $0x80, $0x38;
	[tilespmem:$0x1D980] =	vst v63  }
0xa2: {  	_ = 	snop  }
0xa3: {  	[tilespmem:s19], [sflag:$0x3] =	stream.indirect.gather [hbm4b:s4+s12], $0x80, s10, s12, $0xb8;
	[tilespmem:$0x1D980] =	vst v63  }
0xa4: {  	_ =	swait.ge [sflag:s20], $0x2800  }
0xa5: {  	[sflag:s20] =	ssyncset.done $0x0  }
0xa6: {  	[sflag:s20] =	ssyncadd.s32 $0xFFFFD800  }
0xa7: {  	s7 =	sadd.s32 $0xFFFFFF80, s0;
	_ =	swait.ge [sflag:s22], $0x80  }
0xa8: {  	s10 =	sand.u32 $0xFC00, s7;
	s7 =	sand.u32 $0x380, s7;
	[sflag:s22] =	ssyncset.done $0x0  }
0xa9: {  	s10 =	sadd.s32 s9, s10;
	[sflag:s22] =	ssyncadd.s32 $0xFFFFFF80  }
0xaa: {  	[spmem:s2] =	stream.indirect.scatter.add.f32 [tilespmem:s14], [sflag:$0x5], $0x80, s13, s12, $0xb8;
	[tilespmem:$0x1D980] =	vst v63  }
0xab: {  	s7 =	sor.u32 s7, s10;
	_ =	swait.ge [sflag:s23], $0x2800  }
0xac: {  	s7 =	sshrl.u32 s7, $0x3;
	[sflag:s23] =	ssyncset.done $0x0  }
0xad: {  	s10 =	sadd.s32 $0xFFFFFFB0, s29;
	s7 =	sadd.s32 s5, s7;
	[sflag:s23] =	ssyncadd.s32 $0xFFFFD800  }
0xae: {  	[tilespmem:s11], [sflag:$0x7] =	stream.linear.gather [hbm4b:s7+s3], $0x80, $0x38;
	[tilespmem:$0x1D980] =	vst v63  }
0xaf: {  	_ = 	snop  }
0xb0: {  	[tilespmem:s1], [sflag:$0x1] =	stream.indirect.gather [hbm4b:s4+s12], $0x80, s10, s12, $0xb8;
	[tilespmem:$0x1D980] =	vst v63  }
0xb1: {  	_ =	swait.ge [sflag:s24], $0x2800  }
0xb2: {  	[sflag:s24] =	ssyncset.done $0x0  }
0xb3: {  	[sflag:s24] =	ssyncadd.s32 $0xFFFFD800  }
0xb4: {  	_ =	swait.ge [sflag:s25], $0x80  }
0xb5: {  	s7 =	sand.u32 $0xFC00, s0;
	[sflag:s25] =	ssyncset.done $0x0  }
0xb6: {  	s0 =	sand.u32 $0x380, s0;
	s7 =	sadd.s32 s9, s7;
	[sflag:s25] =	ssyncadd.s32 $0xFFFFFF80  }
0xb7: {  	[spmem:s2] =	stream.indirect.scatter.add.f32 [tilespmem:s19], [sflag:$0x6], $0x80, s18, s12, $0xb8;
	[tilespmem:$0x1D980] =	vst v63  }
.Ltmp3:
0xb8: {  	_ = 	snop;
	(pc) =	sbr.rel @p1 .LBB2_6-.Ltmp3, $4  }
0xb9: {  	s0 =	sor.u32 s0, s7;
	_ =	swait.ge [sflag:s6], $0x2800  }
0xba: {  	s0 =	sshrl.u32 s0, $0x3;
	[sflag:s6] =	ssyncset.done $0x0  }
0xbb: {  	s0 =	sadd.s32 s5, s0;
	[sflag:s6] =	ssyncadd.s32 $0xFFFFD800  }
0xbc: {  	[tilespmem:s13], [sflag:$0x8] =	stream.linear.gather [hbm4b:s0+s3], $0x80, $0x38;
	[tilespmem:$0x1D980] =	vst v63  }
0xbd: {  	[tilespmem:s14], [sflag:$0x2] =	stream.indirect.gather [hbm4b:s4+s12], $0x80, s31, s12, $0xb8;
	[tilespmem:$0x1D980] =	vst v63  }
0xbe: {  	_ =	swait.ge [sflag:s16], $0x2800  }
0xbf: {  	[sflag:s16] =	ssyncset.done $0x0  }
0xc0: {  	[sflag:s16] =	ssyncadd.s32 $0xFFFFD800  }
0xc1: {  	_ =	swait.ge [sflag:s17], $0x80  }
0xc2: {  	[sflag:s17] =	ssyncset.done $0x0  }
0xc3: {  	[sflag:s17] =	ssyncadd.s32 $0xFFFFFF80  }
0xc4: {  	[spmem:s2] =	stream.indirect.scatter.add.f32 [tilespmem:s1], [sflag:$0x4], $0x80, s11, s12, $0xb8;
	[tilespmem:$0x1D980] =	vst v63  }
0xc5: {  	_ =	swait.ge [sflag:s20], $0x2800  }
0xc6: {  	[sflag:s20] =	ssyncset.done $0x0  }
0xc7: {  	[sflag:s20] =	ssyncadd.s32 $0xFFFFD800  }
0xc8: {  	_ =	swait.ge [sflag:s22], $0x80  }
0xc9: {  	[sflag:s22] =	ssyncset.done $0x0  }
0xca: {  	[sflag:s22] =	ssyncadd.s32 $0xFFFFFF80  }
0xcb: {  	[spmem:s2] =	stream.indirect.scatter.add.f32 [tilespmem:s14], [sflag:$0x5], $0x80, s13, s12, $0xb8;
	[tilespmem:$0x1D980] =	vst v63  }
0xcc: {  	_ =	swait.ge [sflag:s26], $0x2800  }
0xcd: {  	[sflag:s26] =	ssyncset.done $0x0  }
0xce: {  	[sflag:s26] =	ssyncadd.s32 $0xFFFFD800  }
0xcf: {  	_ =	swait.ge [sflag:s23], $0x2800  }
0xd0: {  	[sflag:s23] =	ssyncset.done $0x0  }
0xd1: {  	[sflag:s23] =	ssyncadd.s32 $0xFFFFD800  }
0xd2: {  	_ =	swait.ge [sflag:s6], $0x2800  }
0xd3: {  	[sflag:s6] =	ssyncset.done $0x0  }
0xd4: {  	[sflag:s6] =	ssyncadd.s32 $0xFFFFD800  }
0xd5: {  	[bflag:$0x0] =	sbarrier.arrive $0xFFFF  }
0xd6: {  	[tilespmem:s1], [sflag:$0x1] =	stream.linear.gather [spmem:s15], $0x2800, $0x38;
	[tilespmem:$0x1D980] =	vst v63  }
0xd7: {  	_ =	swait.ge [sflag:s16], $0x2800  }
0xd8: {  	[sflag:s16] =	ssyncset.done $0x0  }
0xd9: {  	s0 =	rddreg [dreg:$0xa];
	[sflag:s16] =	ssyncadd.s32 $0xFFFFD800  }
0xda: {  	[tilespmem:s14], [sflag:$0x2] =	stream.linear.gather [spmem:s0], $0x2800, $0x38;
	[tilespmem:$0x1D980] =	vst v63  }
0xdb: {  	s29 =	rddreg [dreg:$0xb]  }
0xdc: {  	[hbm4b:s29+s3] =	stream.linear.scatter [tilespmem:s1], [sflag:$0x4], $0x2800, $0x38;
	[tilespmem:$0x1D980] =	vst v63  }
0xdd: {  	_ =	swait.ge [sflag:s20], $0x2800  }
0xde: {  	[sflag:s20] =	ssyncset.done $0x0  }
0xdf: {  	[sflag:s20] =	ssyncadd.s32 $0xFFFFD800  }
0xe0: {  	_ =	swait.ge [sflag:s23], $0x2800  }
0xe1: {  	[sflag:s23] =	ssyncset.done $0x0  }
0xe2: {  	s30 =	rddreg [dreg:$0x13];
	[sflag:s23] =	ssyncadd.s32 $0xFFFFD800  }
0xe3: {  	[tilespmem:s1], [sflag:$0x1] =	stream.linear.gather [spmem:s30], $0x2800, $0x38;
	[tilespmem:$0x1D980] =	vst v63  }
0xe4: {  	s31 =	rddreg [dreg:$0xc]  }
0xe5: {  	[hbm4b:s31+s3] =	stream.linear.scatter [tilespmem:s14], [sflag:$0x5], $0x2800, $0x38;
	[tilespmem:$0x1D980] =	vst v63  }
0xe6: {  	_ =	swait.ge [sflag:s16], $0x2800  }
0xe7: {  	[sflag:s16] =	ssyncset.done $0x0  }
0xe8: {  	[sflag:s16] =	ssyncadd.s32 $0xFFFFD800  }
0xe9: {  	_ =	swait.ge [sflag:s6], $0x2800  }
0xea: {  	[sflag:s6] =	ssyncset.done $0x0  }
0xeb: {  	s7 =	rddreg [dreg:$0x14];
	[sflag:s6] =	ssyncadd.s32 $0xFFFFD800  }
0xec: {  	[tilespmem:s14], [sflag:$0x2] =	stream.linear.gather [spmem:s7], $0x2800, $0x38;
	[tilespmem:$0x1D980] =	vst v63  }
0xed: {  	s10 =	rddreg [dreg:$0xd]  }
0xee: {  	[hbm4b:s10+s3] =	stream.linear.scatter [tilespmem:s1], [sflag:$0x4], $0x2800, $0x38;
	[tilespmem:$0x1D980] =	vst v63  }
0xef: {  	_ =	swait.ge [sflag:s20], $0x2800  }
0xf0: {  	[sflag:s20] =	ssyncset.done $0x0  }
0xf1: {  	[sflag:s20] =	ssyncadd.s32 $0xFFFFD800  }
0xf2: {  	_ =	swait.ge [sflag:s23], $0x2800  }
0xf3: {  	[sflag:s23] =	ssyncset.done $0x0  }
0xf4: {  	s29 =	rddreg [dreg:$0x15];
	[sflag:s23] =	ssyncadd.s32 $0xFFFFD800  }
0xf5: {  	[tilespmem:s1], [sflag:$0x1] =	stream.linear.gather [spmem:s29], $0x2800, $0x38;
	[tilespmem:$0x1D980] =	vst v63  }
0xf6: {  	s30 =	rddreg [dreg:$0xe]  }
0xf7: {  	[hbm4b:s30+s3] =	stream.linear.scatter [tilespmem:s14], [sflag:$0x5], $0x2800, $0x38;
	[tilespmem:$0x1D980] =	vst v63  }
0xf8: {  	_ =	swait.ge [sflag:s16], $0x2800  }
0xf9: {  	[sflag:s16] =	ssyncset.done $0x0  }
0xfa: {  	s0 =	simm.s32 @p0 $0x0;
	s7 =	simm.s32 @p0 $0x2900;
	[sflag:s16] =	ssyncadd.s32 $0xFFFFD800  }
0xfb: {  	[hbm4b:s21+s0] =	stream.linear.scatter @p0 [tilespmem:s7], [sflag:$0x4], $0x2800, $0x38;
	[tilespmem:$0x1D980] =	vst v63  }
0xfc: {  	s0 =	simm.s32 @!p0 $0x5  }
0xfd: {  	_ =	swait.ge @!p0 [sflag:s0], $0x2800  }
0xfe: {  	[sflag:s0] =	ssyncset.done @!p0 $0x0  }
0xff: {  	s7 =	simm.s32 @!p0 $0x5100;
	s10 =	rddreg [dreg:$0x16];
	[sflag:s0] =	ssyncadd.s32 @!p0 $0xFFFFD800  }
0x100: {  	[tilespmem:s7], [sflag:$0x2] =	stream.linear.gather @!p0 [spmem:s10], $0x2800, $0x38;
	[tilespmem:$0x1D980] =	vst v63  }
0x101: {  	s29 =	simm.s32 @!p0 $0x2900;
	s30 =	simm.s32 @!p0 $0x2;
	s10 =	simm.s32 @!p0 $0x0  }
0x102: {  	[hbm4b:s21+s10] =	stream.linear.scatter @!p0 [tilespmem:s29], [sflag:$0x4], $0x2800, $0x38;
	[tilespmem:$0x1D980] =	vst v63  }
0x103: {  	_ =	swait.ge @!p0 [sflag:s30], $0x2800  }
0x104: {  	[sflag:s30] =	ssyncset.done @!p0 $0x0  }
0x105: {  	s31 =	simm.s32 @!p0 $0x4;
	[sflag:s30] =	ssyncadd.s32 @!p0 $0xFFFFD800  }
0x106: {  	_ =	swait.ge @!p0 [sflag:s31], $0x2800  }
0x107: {  	[sflag:s31] =	ssyncset.done @!p0 $0x0  }
0x108: {  	[sflag:s31] =	ssyncadd.s32 @!p0 $0xFFFFD800;
	s31 =	rddreg [dreg:$0x17]  }
0x109: {  	[tilespmem:s29], [sflag:$0x1] =	stream.linear.gather @!p0 [spmem:s31], $0x2800, $0x38;
	[tilespmem:$0x1D980] =	vst v63  }
0x10a: {  	s31 =	rddreg [dreg:$0xf]  }
0x10b: {  	[hbm4b:s31+s10] =	stream.linear.scatter @!p0 [tilespmem:s7], [sflag:$0x5], $0x2800, $0x38;
	[tilespmem:$0x1D980] =	vst v63  }
0x10c: {  	s31 =	simm.s32 @!p0 $0x1  }
0x10d: {  	_ =	swait.ge @!p0 [sflag:s31], $0x2800  }
0x10e: {  	[sflag:s31] =	ssyncset.done @!p0 $0x0  }
0x10f: {  	[sflag:s31] =	ssyncadd.s32 @!p0 $0xFFFFD800  }
0x110: {  	_ =	swait.ge @!p0 [sflag:s0], $0x2800  }
0x111: {  	[sflag:s0] =	ssyncset.done @!p0 $0x0  }
0x112: {  	[sflag:s0] =	ssyncadd.s32 @!p0 $0xFFFFD800;
	s0 =	rddreg [dreg:$0x18]  }
0x113: {  	[tilespmem:s7], [sflag:$0x2] =	stream.linear.gather @!p0 [spmem:s0], $0x2800, $0x38;
	[tilespmem:$0x1D980] =	vst v63  }
0x114: {  	s0 =	rddreg [dreg:$0x10]  }
0x115: {  	[hbm4b:s0+s10] =	stream.linear.scatter @!p0 [tilespmem:s29], [sflag:$0x4], $0x2800, $0x38;
	[tilespmem:$0x1D980] =	vst v63  }
0x116: {  	_ =	swait.ge @!p0 [sflag:s30], $0x2800  }
0x117: {  	[sflag:s30] =	ssyncset.done @!p0 $0x0  }
0x118: {  	s0 =	rddreg [dreg:$0x11];
	[sflag:s30] =	ssyncadd.s32 @!p0 $0xFFFFD800  }
0x119: {  	[hbm4b:s0+s10] =	stream.linear.scatter @!p0 [tilespmem:s7], [sflag:$0x5], $0x2800, $0x38;
	[tilespmem:$0x1D980] =	vst v63  }
0x11a: {  	_ =	swait.ge [sflag:s23], $0x2800  }
0x11b: {  	[sflag:s23] =	ssyncset.done $0x0  }
0x11c: {  	[sflag:s23] =	ssyncadd.s32 $0xFFFFD800  }
0x11d: {  	_ =	swait.ge [sflag:s6], $0x2800  }
0x11e: {  	s28 =	sadd.s32 $0x1, s28;
	s31 =	rddreg [dreg:$0x12]  }
0x11f: {  	p1 =	sne.s32 s28, s31  }
.Ltmp4:
0x120: {  	_ = 	snop;
	(pc) =	sbr.rel @p1 .LBB2_1-.Ltmp4, $3  }
0x121: {  	_ =	sdelay $0x1  }
0x122: {  	[sflag:s6] =	ssyncset.done $0x0  }
0x123: {  	[sflag:s6] =	ssyncadd.s32 $0xFFFFD800  }
0x124: {  	_ =	sfence.sel $0x180000  }
0x125: {  	[bflag:$0x0] =	sbarrier.arrive $0xFFFF  }
0x126: {  	_ =	strace $0x9000004A  }
0x127: {  	s0 =	stileid.u32;
	[bflag:$0x2] =	sbarrier.arrive $0xFFFF  }
0x128: {  	p0 =	sne.s32 s0, $0x0;
	s0 =	rddreg [dreg:$0x2]  }
0x129: {  	s0 =	sadd.s32 @!p0 $0x100000, s0  }
0x12a: {  	[sflag:s0] =	ssyncadd.tile.s32 @!p0 $0x1;
	_ =	shalt  }
.Lfunc_end2:
_tile_overlayer_lowered:
.L_overlay_start_2:
0x12b: {  	(tag) =	ssettag $0x2  }
0x12c: {  	s0 =	rddreg [dreg:$0x0];
	s2 =	stileid.u32  }
0x12d: {  	s1 =	rddreg [dreg:$0x1];
	p0 =	sne.s32 s2, $0x0  }
0x12e: {  	s3 =	rddreg [dreg:$0x2];
	[bflag:$0x3] =	sbarrier.arrive $0xFFFF;
	s2 =	simm.s32 @!p0 $0x1C0A  }
0x12f: {  	[timem:s3], [sflag:s2] =	dma.local @!p0 [hbm:s0], s1  }
0x130: {  	s0 =	simm.s32 @!p0 $0xA  }
0x131: {  	_ =	swait.ge @!p0 [sflag:s0], s1  }
0x132: {  	s1 =	ssub.s32 @!p0 $0x0, s1;
	[sflag:s0] =	ssyncset.done @!p0 $0x0  }
0x133: {  	[sflag:s0] =	ssyncadd.s32 @!p0 s1  }
0x134: {  	[bflag:$0x3] =	sbarrier.arrive $0xFFFF  }
0x135: {  	_ =	shalt  }

// kernel: kernel.16.cloned.1.call-start
scs
__scs_entry_jumppad:
0x0: {  	(pc) =	sbr.rel $0x88, $3  }
0x1: {  	(tag) =	ssettag $0x0;
	lr =	simm.s32 $0x1  }
0x2: {  	[smem:$0x3F96] =	sst lr;
	_ =	strace $0xD0000000  }
0x3: {  	_ = 	snop  }
0x4: {  	_ = 	snop  }
0x5: {  	_ = 	snop  }
0x6: {  	_ = 	snop  }
0x7: {  	_ = 	snop  }
__scs_overlays_trampoline_lowered:
0x8: {  	[smem:$0x3FA5] =	sst s0  }
0x9: {  	[smem:$0x3FA6] =	sst s1  }
0xa: {  	[smem:$0x3FA7] =	sst s2  }
0xb: {  	[smem:$0x3FA8] =	sst s3  }
0xc: {  	[smem:$0x3FA9] =	sst s4  }
0xd: {  	[smem:$0x3FAA] =	sst s5  }
0xe: {  	[smem:$0x3FAB] =	sst s6  }
0xf: {  	[smem:$0x3FAC] =	sst s7  }
0x10: {  	[smem:$0x3FAD] =	sst s8  }
0x11: {  	[smem:$0x3FAE] =	sst s9;
	s0 =	simm.s32 @!p0 $0x0  }
0x12: {  	s1 =	sld [smem:$0x3F94];
	s0 =	simm.s32 @p0 $0x1  }
0x13: {  	[smem:$0x3FAF] =	sst s0;
	s0 =	simm.s32 @!p1 $0x0  }
0x14: {  	s2 =	sld [smem:$0x3F93];
	s0 =	simm.s32 @p1 $0x1  }
0x15: {  	[smem:$0x3FB0] =	sst s0;
	s0 =	simm.s32 @!p2 $0x0  }
0x16: {  	s3 =	sld [smem:$0x3FDB];
	s0 =	simm.s32 @p2 $0x1  }
0x17: {  	s4 =	simm.s32 $0x1BF5;
	[smem:$0x3FB2] =	sst s0  }
0x18: {  	s0 =	sld [smem:$0x3F95];
	_ =	swait.ge [sflag:s4], $0x0  }
0x19: {  	s7 =	sld [smem:$0x3F96]  }
0x1a: {  	s8 =	sadd.s32 $0xFFFFE003, lr  }
0x1b: {  	s9 =	sadd.s32 $0xFFFFFEF7, lr;
	s5 =	simm.s32 $0xFFFFFFFF;
	p2 =	slt.u32 s8, $0xFFFFF086  }
0x1c: {  	p1 =	slt.u32 s9, $0xF7A;
	s5 =	simm.s32 @!p2 $0x0  }
0x1d: {  	s5 =	simm.s32 @p1 $0x1;
	p0 =	seq.s32 s7, s2  }
0x1e: {  	s7 =	smul.u32 @!p0 $0xF7A, s2;
	p2 =	seq.s32 @!p0 s5, $0x0  }
0x1f: {  	s9 =	smul.u32 $0xF7A, s1;
	s8 =	simm.s32 @!p0 $0x1BF5;
	p2 =	por !p2, p0  }
0x20: {  	[sflag:s8] =	ssyncset.s32 @!p0 $0xFFFFF086;
	s6 =	sadd.s32 @!p0 s3, s7;
	s7 =	simm.s32 @!p0 $0x108  }
0x21: {  	s3 =	sadd.s32 s3, s9;
	s6 =	sadd.s32 @!p0 $0x88, s6;
	s7 =	simm.s32 @p2 $0x1082  }
0x22: {  	[simem:s7], [sflag:s8] =	dma.local @!p0 [hbm:s6], $0xF7A  }
0x23: {  	s9 =	sor.u32 $0xD0000000, s2;
	s6 =	simm.s32 $0x108;
	_ =	swait.ge @!p0 [sflag:s8], $0x0  }
0x24: {  	s3 =	sadd.s32 $0x88, s3;
	s6 =	simm.s32 @!p1 $0x1082;
	[sflag:s4] =	ssyncset.s32 $0xFFFFF086  }
0x25: {  	[simem:s6], [sflag:s4] =	dma.local [hbm:s3], $0xF7A  }
0x26: {  	[smem:$0x3F96] =	sst s1;
	(tag) =	ssettag s2;
	_ =	strace s9  }
0x27: {  	s1 =	sld [smem:$0x3FA6]  }
0x28: {  	s2 =	sld [smem:$0x3FA7]  }
0x29: {  	s4 =	sld [smem:$0x3FA9]  }
0x2a: {  	p0 =	seq.s32 s5, $0x0;
	s5 =	sld [smem:$0x3FAA]  }
0x2b: {  	s6 =	sld [smem:$0x3FAB]  }
0x2c: {  	s7 =	sld [smem:$0x3FAC]  }
0x2d: {  	s3 =	simm.s32 $0x108;
	s8 =	sld [smem:$0x3FAD]  }
0x2e: {  	s3 =	simm.s32 @!p0 $0x1082;
	s9 =	sld [smem:$0x3FAE]  }
0x2f: {  	lr =	sadd.s32 s0, s3;
	s0 =	sld [smem:$0x3FA5]  }
0x30: {  	s3 =	sld [smem:$0x3FA8]  }
0x31: {  	[smem:$0x3FB1] =	sst s10  }
0x32: {  	s10 =	sld [smem:$0x3FAF];
	_ =	sdelay $0x3  }
0x33: {  	p0 =	seq.s32 s10, $0x1;
	s10 =	sld [smem:$0x3FB1];
	_ =	sdelay $0x3  }
0x34: {  	[smem:$0x3FB1] =	sst s10  }
0x35: {  	s10 =	sld [smem:$0x3FB0];
	_ =	sdelay $0x3  }
0x36: {  	p1 =	seq.s32 s10, $0x1;
	s10 =	sld [smem:$0x3FB1];
	_ =	sdelay $0x3  }
0x37: {  	[smem:$0x3FB1] =	sst s10  }
0x38: {  	s10 =	sld [smem:$0x3FB2]  }
0x39: {  	_ = 	snop;
	(pc) =	sbr.ind lr, $3  }
0x3a: {  	_ = 	snop  }
0x3b: {  	_ = 	snop  }
0x3c: {  	p2 =	seq.s32 s10, $0x1;
	s10 =	sld [smem:$0x3FB1]  }
0x3d: {  	_ =	shalt  }
0x3e: {  	_ =	shalt  }
0x3f: {  	_ =	shalt  }
0x40: {  	_ =	shalt  }
0x41: {  	_ =	shalt  }
0x42: {  	_ =	shalt  }
0x43: {  	_ =	shalt  }
0x44: {  	_ =	shalt  }
0x45: {  	_ =	shalt  }
0x46: {  	_ =	shalt  }
0x47: {  	_ =	shalt  }
0x48: {  	_ =	shalt  }
0x49: {  	_ =	shalt  }
0x4a: {  	_ =	shalt  }
0x4b: {  	_ =	shalt  }
0x4c: {  	_ =	shalt  }
0x4d: {  	_ =	shalt  }
0x4e: {  	_ =	shalt  }
0x4f: {  	_ =	shalt  }
0x50: {  	_ =	shalt  }
0x51: {  	_ =	shalt  }
0x52: {  	_ =	shalt  }
0x53: {  	_ =	shalt  }
0x54: {  	_ =	shalt  }
0x55: {  	_ =	shalt  }
0x56: {  	_ =	shalt  }
0x57: {  	_ =	shalt  }
0x58: {  	_ =	shalt  }
0x59: {  	_ =	shalt  }
0x5a: {  	_ =	shalt  }
0x5b: {  	_ =	shalt  }
0x5c: {  	_ =	shalt  }
0x5d: {  	_ =	shalt  }
0x5e: {  	_ =	shalt  }
0x5f: {  	_ =	shalt  }
0x60: {  	_ =	shalt  }
0x61: {  	_ =	shalt  }
0x62: {  	_ =	shalt  }
0x63: {  	_ =	shalt  }
0x64: {  	_ =	shalt  }
0x65: {  	_ =	shalt  }
0x66: {  	_ =	shalt  }
0x67: {  	_ =	shalt  }
0x68: {  	_ =	shalt  }
0x69: {  	_ =	shalt  }
0x6a: {  	_ =	shalt  }
0x6b: {  	_ =	shalt  }
0x6c: {  	_ =	shalt  }
0x6d: {  	_ =	shalt  }
0x6e: {  	_ =	shalt  }
0x6f: {  	_ =	shalt  }
0x70: {  	_ =	shalt  }
0x71: {  	_ =	shalt  }
0x72: {  	_ =	shalt  }
0x73: {  	_ =	shalt  }
0x74: {  	_ =	shalt  }
0x75: {  	_ =	shalt  }
0x76: {  	_ =	shalt  }
0x77: {  	_ =	shalt  }
0x78: {  	_ =	shalt  }
0x79: {  	_ =	shalt  }
0x7a: {  	_ =	shalt  }
0x7b: {  	_ =	shalt  }
0x7c: {  	_ =	shalt  }
0x7d: {  	_ =	shalt  }
0x7e: {  	_ =	shalt  }
0x7f: {  	_ =	shalt  }
0x80: {  	_ =	shalt  }
0x81: {  	_ =	shalt  }
0x82: {  	_ =	shalt  }
0x83: {  	_ =	shalt  }
0x84: {  	_ =	shalt  }
0x85: {  	_ =	shalt  }
0x86: {  	_ =	shalt  }
0x87: {  	_ =	shalt  }
.Lfunc_end0:
.L_simem_size_0:
called_computation.2_lowered:
.L_overlay_start_0:
0x88: {  	s2 =	sld [smem:$0x3FD9]  }
0x89: {  	s3 =	sld [smem:$0x3FFE];
	_ =	sdelay $0x1  }
0x8a: {  	s1 =	srdreg.scid  }
0x8b: {  	s0 =	sand.u32 $0x1, s1  }
0x8c: {  	s16 =	sshll.u32 s0, $0xA;
	s2 =	sadd.s32 s3, s2  }
0x8d: {  	s2 =	sadd.s32 s2, s16  }
0x8e: {  	[smem:$0x3FBD] =	sst s2  }
0x8f: {  	_ = 	snop  }
0x90: {  	(tm) =	ssettm $0x1  }
0x91: {  	s17 =	sld [smem:$0x3FFB];
	_ =	sdelay $0x3  }
0x92: {  	_ =	strace s17  }
0x93: {  	s2 =	sld [smem:$0x3FFC];
	_ =	sdelay $0x3  }
0x94: {  	_ =	strace s2  }
0x95: {  	s2 =	sld [smem:$0x3FFD];
	_ =	sdelay $0x3  }
0x96: {  	_ =	strace s2  }
0x97: {  	_ =	strace $0x8FFFFFFF  }
0x98: {  	s18 =	sld [smem:$0x3FDB];
	_ =	sdelay $0x1  }
0x99: {  	s19 =	simm.s32 $_scs_section_size  }
0x9a: {  	s4 =	simm.s32 $_size__tile_overlayer_lowered;
	s5 =	simm.s32 $_tile_overlayer_lowered  }
0x9b: {  	s22 =	simm.s32 $0x1BFF;
	s21 =	sshll.u32 s5, $0x1;
	s2 =	sadd.s32 s19, s18  }
0x9c: {  	s6 =	simm.s32 $0x0;
	s20 =	sshll.u32 s4, $0x1;
	s4 =	sadd.s32 s21, s2  }
0x9d: {  	[timem:s6], [sflag:s22] =	dma.local [hbm:s4], s20  }
0x9e: {  	_ =	swait.ge [sflag:s22], s20  }
0x9f: {  	s3 =	ssub.s32 $0x0, s20;
	[sflag:s22] =	ssyncset.done $0x0  }
0xa0: {  	[sflag:s22] =	ssyncadd.s32 s3;
	_ =	sdelay $0x1  }
0xa1: {  	s23 =	simm.s32 $0x1B8B  }
0xa2: {  	_ =	swait.ge [sflag:s23], $0x1  }
0xa3: {  	[sflag:s23] =	ssyncset.done $0x0  }
0xa4: {  	s25 =	simm.s32 $0x1B8E;
	s24 =	sld [smem:$0x3FFE];
	[sflag:s23] =	ssyncadd.s32 $0xFFFFFFFF  }
0xa5: {  	s26 =	simm.s32 $execute0_lowered;
	[smem:$0x3FD2] =	sst s25  }
0xa6: {  	s4 =	sshll.u32 s26, $0x1;
	_ =	strace $0x8000004C;
	[dreg:$0x1] =	wrdreg $0xFFFFFFFF  }
0xa7: {  	s28 =	simm.s32 $_size_execute0_lowered;
	s2 =	sadd.s32 s2, s4;
	[dreg:$0x0] =	wrdreg $0x0  }
0xa8: {  	s4 =	sshll.u32 s28, $0x1;
	[dreg:$0x2] =	wrdreg s2  }
0xa9: {  	[dreg:$0x3] =	wrdreg s4  }
0xaa: {  	[dreg:$0x4] =	wrdreg $0xC0  }
0xab: {  	_ =	task [dreg:s6], $0x5FFFF  }
0xac: {  	[dreg:$0x1] =	wrdreg $0xFFFFFFFF  }
0xad: {  	[dreg:$0x0] =	wrdreg $0x60  }
0xae: {  	[dreg:$0x2] =	wrdreg s24  }
0xaf: {  	[dreg:$0x3] =	wrdreg $0xA1000  }
0xb0: {  	[dreg:$0x4] =	wrdreg $0x9  }
0xb1: {  	_ =	task.clear_ibuf [dreg:s6], $0x5FFFF;
	_ =	strace $0x9000004C  }
0xb2: {  	s29 =	simm.s32 $0x9;
	_ =	strace $0x8000004E  }
0xb3: {  	_ =	swait.ge [sflag:s29], $0x1  }
0xb4: {  	[sflag:s29] =	ssyncadd.s32 $0xFFFFFFFF  }
0xb5: {  	_ =	strace $0x9000004E  }
0xb6: {  	_ =	sfence  }
0xb7: {  	s30 =	sld [smem:$0x0];
	_ =	sdelay $0x2  }
0xb8: {  	s31 =	sshll.u32 s1, $0xD;
	s1 =	sshrl.u32 s1, $0x2  }
0xb9: {  	s3 =	sand.u32 $0x4000, s31;
	s1 =	sadd.s32 s1, s30  }
0xba: {  	s0 =	sor.u32 s3, s0;
	s1 =	sshll.u32 s1, $0x11  }
0xbb: {  	s0 =	sor.u32 s1, s0  }
0xbc: {  	s0 =	sadd.s32 $0x8F2B, s0  }
0xbd: {  	[sflag:s0] =	ssyncadd.remote.s32 $0x1  }
0xbe: {  	_ =	sfence.sel $0xFFFF  }
0xbf: {  	[dreg:$0x0] =	wrdreg $0xFFFFFFFF;
	(pc) =	sbr.abs _section_cstart, $3  }
0xc0: {  	[dreg:$0x1] =	wrdreg $0xFFFFFFFF  }
0xc1: {  	_ =	task.clear_ibuf [dreg:s6], $0x2FFFF;
	_ =	strace $0x9FFFFFFF  }
0xc2: {  	(tm) =	ssettm $0x7FFFFFFF  }
0xc3: {  	_ =	shalt  }
tec
execute0_lowered:
.L_overlay_start_1:
0x0: {  	(tag) =	ssettag $0x1  }
0x1: {  	s0 =	rddreg [dreg:$0x0]  }
0x2: {  	s2 =	rddreg [dreg:$0x1]  }
0x3: {  	s1 =	srdreg.scid;
	s11 =	stileid.u32;
	s3 =	simm.s32 $0x0  }
0x4: {  	s1 =	sand.u32 $0x1, s1;
	s5 =	smul.u32 $0x280, s11;
	[smem:$0x7FF] =	sst s3  }
0x5: {  	p0 =	seq.s32 s11, $0xF;
	s4 =	sshll.u32 s1, $0x4;
	s6 =	smul.u32 $0x2710, s1  }
0x6: {  	_ =	strace $0x8000004D;
	s1 =	ssub.s32 $0x2, s1;
	s8 =	sor.u32 s11, s4  }
0x7: {  	s29 =	sshrl.u32 s1, $0x1;
	s7 =	smul.u32 $0x4E2, s8;
	s5 =	sadd.s32 s5, s6  }
0x8: {  	s1 =	ssub.s32 s1, s29;
	s10 =	sshll.u32 s8, $0xB;
	s6 =	sshll.u32 s5, $0x4  }
0x9: {  	s5 =	sadd.s32 $0x17E00, s0;
	s23 =	smax.u32 s1, $0x1;
	s9 =	sadd.s32 s7, s0  }
0xa: {  	s7 =	simm.s32 $0x5;
	s31 =	sadd.s32 s5, s10;
	[dreg:$0x12] =	wrdreg s23  }
0xb: {  	s11 =	smul.u32 $0x50000, s11;
	s7 =	simm.s32 @!p0 $0x8;
	[dreg:$0x5] =	wrdreg s31  }
0xc: {  	s4 =	sadd.s32 $0x27E00, s0;
	s30 =	sadd.s32 $0xD400, s9;
	[dreg:$0x3] =	wrdreg s7  }
0xd: {  	s13 =	sshrl.u32 s11, $0x2;
	s10 =	sadd.s32 $0x10, s31;
	[dreg:$0x4] =	wrdreg s30  }
0xe: {  	s15 =	sadd.s32 s13, s2;
	s12 =	sadd.s32 $0x20, s31;
	[dreg:$0x6] =	wrdreg s10  }
0xf: {  	s0 =	sadd.s32 s6, s0;
	s14 =	sadd.s32 $0x2800, s15;
	[dreg:$0x7] =	wrdreg s12  }
0x10: {  	s28 =	simm.s32 $0x0;
	s16 =	sadd.s32 $0x4F000, s0;
	[dreg:$0xa] =	wrdreg s14  }
0x11: {  	s1 =	simm.s32 $0x2900;
	s17 =	sadd.s32 $0x4F500, s0;
	[dreg:$0xb] =	wrdreg s16  }
0x12: {  	s11 =	simm.s32 $0x2780;
	s18 =	sadd.s32 $0x4FA00, s0;
	[dreg:$0xc] =	wrdreg s17  }
0x13: {  	s6 =	simm.s32 $0x5;
	s19 =	sadd.s32 $0x4FF00, s0;
	[dreg:$0xd] =	wrdreg s18  }
0x14: {  	s13 =	simm.s32 $0x2800;
	s20 =	sadd.s32 $0x50900, s0;
	[dreg:$0xe] =	wrdreg s19  }
0x15: {  	s23 =	simm.s32 $0x4;
	s22 =	sadd.s32 $0x50E00, s0;
	[dreg:$0xf] =	wrdreg s20  }
0x16: {  	s21 =	sadd.s32 $0x50400, s0;
	s0 =	sadd.s32 $0x51300, s0;
	[dreg:$0x10] =	wrdreg s22  }
0x17: {  	s9 =	sshll.u32 s8, $0xE;
	s24 =	sadd.s32 $0x5000, s15;
	[dreg:$0x11] =	wrdreg s0  }
0x18: {  	s25 =	sadd.s32 $0x7800, s15;
	s26 =	sadd.s32 $0xA000, s15;
	[dreg:$0x13] =	wrdreg s24  }
0x19: {  	s29 =	sadd.s32 $0xC800, s15;
	s8 =	simm.s32 $0xA;
	[dreg:$0x14] =	wrdreg s25  }
0x1a: {  	s10 =	sadd.s32 $0x30, s31;
	s7 =	sadd.s32 $0x40, s31;
	[dreg:$0x15] =	wrdreg s26  }
0x1b: {  	[dreg:$0x16] =	wrdreg s29;
	s30 =	sadd.s32 $0xF000, s15;
	s31 =	sadd.s32 $0x11800, s15  }
0x1c: {  	s12 =	simm.s32 $0x50;
	s14 =	simm.s32 $0x5100;
	s16 =	simm.s32 $0x1  }
0x1d: {  	s17 =	simm.s32 $0x7;
	s18 =	simm.s32 $0x2880;
	[dreg:$0x8] =	wrdreg s10  }
0x1e: {  	s19 =	simm.s32 $0x7900;
	s20 =	simm.s32 $0x2;
	[dreg:$0x9] =	wrdreg s7  }
0x1f: {  	s22 =	simm.s32 $0x8;
	s24 =	simm.s32 $0x3;
	[dreg:$0x17] =	wrdreg s30  }
0x20: {  	v0 =	vimm.f32 $0.0e+00;
	s25 =	simm.s32 $0x9;
	s26 =	simm.s32 $0x6;
	[dreg:$0x18] =	wrdreg s31  }
.LBB2_1:
0x21: {  	s0 =	simm.s32 $0x0;
	s29 =	simm.s32 $0x200  }
.LBB2_2:
0x22: {  	p1 =	sne.s32 s29, $0x9E00;
	[tilespmem:s0+$0x2970] =	vst v0  }
0x23: {  	[tilespmem:s0+$0x2900] =	vst v0  }
0x24: {  	[tilespmem:s0+$0x2910] =	vst v0  }
.Ltmp0:
0x25: {  	[tilespmem:s0+$0x2920] =	vst v0;
	(pc) =	sbr.rel @p1 .LBB2_2-.Ltmp0, $4  }
0x26: {  	[tilespmem:s0+$0x2930] =	vst v0  }
0x27: {  	[tilespmem:s0+$0x2940] =	vst v0  }
0x28: {  	[tilespmem:s0+$0x2950] =	vst v0  }
0x29: {  	[tilespmem:s0+$0x2960] =	vst v0;
	s0 =	sshra.s32 s29, $0x2;
	s29 =	sadd.s32 $0x200, s29  }
0x2a: {  	[tilespmem:s0+$0x2970] =	vst v0  }
0x2b: {  	[tilespmem:s0+$0x2900] =	vst v0  }
0x2c: {  	[tilespmem:s0+$0x2910] =	vst v0  }
0x2d: {  	[tilespmem:s0+$0x2920] =	vst v0  }
0x2e: {  	[tilespmem:s0+$0x2930] =	vst v0;
	s31 =	rddreg [dreg:$0x3]  }
0x2f: {  	[tilespmem:s0+$0x2940] =	vst v0;
	p1 =	sne.s32 s31, $0x1  }
.Ltmp1:
0x30: {  	[tilespmem:s0+$0x2950] =	vst v0;
	(pc) =	sbr.rel @!p1 .LBB2_5-.Ltmp1, $4  }
0x31: {  	[tilespmem:s0+$0x2960] =	vst v0  }
0x32: {  	[spmem:s15] =	stream.linear.scatter [tilespmem:s1], [sflag:$0xA], $0x2800, $0x38;
	[tilespmem:$0x1D980] =	vst v63  }
0x33: {  	_ =	swait.ge [sflag:s8], $0x2800  }
0x34: {  	s29 =	smov.u32 s15;
	s0 =	sadd.s32 $0xFFFFFFFF, s31;
	[sflag:s8] =	ssyncset.done $0x0  }
.LBB2_4:
0x35: {  	p1 =	sne.s32 s0, $0x1;
	[sflag:s8] =	ssyncadd.s32 $0xFFFFD800;
	s29 =	sadd.s32 $0x2800, s29  }
.Ltmp2:
0x36: {  	s0 =	sadd.s32 $0xFFFFFFFF, s0;
	(pc) =	sbr.rel @p1 .LBB2_4-.Ltmp2, $4  }
0x37: {  	_ = 	snop  }
0x38: {  	[spmem:s29] =	stream.linear.scatter [tilespmem:s1], [sflag:$0xA], $0x2800, $0x38;
	[tilespmem:$0x1D980] =	vst v63  }
0x39: {  	_ =	swait.ge [sflag:s8], $0x2800  }
0x3a: {  	[sflag:s8] =	ssyncset.done $0x0  }
.LBB2_5:
0x3b: {  	[sflag:s8] =	ssyncadd.s32 $0xFFFFD800;
	s0 =	rddreg [dreg:$0x4]  }
0x3c: {  	[tilespmem:s3], [sflag:$0xA] =	stream.linear.gather [hbm4b:s0+s3], $0x2710, $0x38;
	[tilespmem:$0x1D980] =	vst v63  }
0x3d: {  	_ =	swait.ge [sflag:s8], $0x2710  }
0x3e: {  	[sflag:s8] =	ssyncset.done $0x0  }
0x3f: {  	[sflag:s8] =	ssyncadd.s32 $0xFFFFD8F0  }
0x40: {  	[bflag:$0x0] =	sbarrier.arrive $0xFFFF  }
0x41: {  	s10 =	rddreg [dreg:$0x5]  }
0x42: {  	[tilespmem:s11], [sflag:$0x7] =	stream.linear.gather [hbm4b:s10+s3], $0x80, $0x38;
	[tilespmem:$0x1D980] =	vst v63  }
0x43: {  	_ = 	snop  }
0x44: {  	[tilespmem:s1], [sflag:$0x1] =	stream.indirect.gather [hbm4b:s4+s12], $0x80, s3, s12, $0xb8;
	[tilespmem:$0x1D980] =	vst v63  }
0x45: {  	s7 =	rddreg [dreg:$0x6]  }
0x46: {  	[tilespmem:s13], [sflag:$0x8] =	stream.linear.gather [hbm4b:s7+s3], $0x80, $0x38;
	[tilespmem:$0x1D980] =	vst v63  }
0x47: {  	_ = 	snop  }
0x48: {  	[tilespmem:s14], [sflag:$0x2] =	stream.indirect.gather [hbm4b:s4+s12], $0x80, s12, s12, $0xb8;
	[tilespmem:$0x1D980] =	vst v63  }
0x49: {  	_ =	swait.ge [sflag:s16], $0x2800  }
0x4a: {  	[sflag:s16] =	ssyncset.done $0x0  }
0x4b: {  	[sflag:s16] =	ssyncadd.s32 $0xFFFFD800  }
0x4c: {  	_ =	swait.ge [sflag:s17], $0x80  }
0x4d: {  	[sflag:s17] =	ssyncset.done $0x0  }
0x4e: {  	[sflag:s17] =	ssyncadd.s32 $0xFFFFFF80  }
0x4f: {  	[spmem:s2] =	stream.indirect.scatter.add.f32 [tilespmem:s1], [sflag:$0x4], $0x80, s11, s12, $0xb8;
	[tilespmem:$0x1D980] =	vst v63  }
0x50: {  	s10 =	rddreg [dreg:$0x7]  }
0x51: {  	[tilespmem:s18], [sflag:$0x9] =	stream.linear.gather [hbm4b:s10+s3], $0x80, $0x38;
	[tilespmem:$0x1D980] =	vst v63  }
0x52: {  	s7 =	simm.s32 $0xA0  }
0x53: {  	[tilespmem:s19], [sflag:$0x3] =	stream.indirect.gather [hbm4b:s4+s12], $0x80, s7, s12, $0xb8;
	[tilespmem:$0x1D980] =	vst v63  }
0x54: {  	_ =	swait.ge [sflag:s20], $0x2800  }
0x55: {  	[sflag:s20] =	ssyncset.done $0x0  }
0x56: {  	[sflag:s20] =	ssyncadd.s32 $0xFFFFD800  }
0x57: {  	_ =	swait.ge [sflag:s22], $0x80  }
0x58: {  	[sflag:s22] =	ssyncset.done $0x0  }
0x59: {  	[sflag:s22] =	ssyncadd.s32 $0xFFFFFF80  }
0x5a: {  	[spmem:s2] =	stream.indirect.scatter.add.f32 [tilespmem:s14], [sflag:$0x5], $0x80, s13, s12, $0xb8;
	[tilespmem:$0x1D980] =	vst v63  }
0x5b: {  	_ =	swait.ge [sflag:s23], $0x2800  }
0x5c: {  	[sflag:s23] =	ssyncset.done $0x0  }
0x5d: {  	s10 =	rddreg [dreg:$0x8];
	[sflag:s23] =	ssyncadd.s32 $0xFFFFD800  }
0x5e: {  	[tilespmem:s11], [sflag:$0x7] =	stream.linear.gather [hbm4b:s10+s3], $0x80, $0x38;
	[tilespmem:$0x1D980] =	vst v63  }
0x5f: {  	s7 =	simm.s32 $0xF0  }
0x60: {  	[tilespmem:s1], [sflag:$0x1] =	stream.indirect.gather [hbm4b:s4+s12], $0x80, s7, s12, $0xb8;
	[tilespmem:$0x1D980] =	vst v63  }
0x61: {  	_ =	swait.ge [sflag:s24], $0x2800  }
0x62: {  	[sflag:s24] =	ssyncset.done $0x0  }
0x63: {  	[sflag:s24] =	ssyncadd.s32 $0xFFFFD800  }
0x64: {  	_ =	swait.ge [sflag:s25], $0x80  }
0x65: {  	[sflag:s25] =	ssyncset.done $0x0  }
0x66: {  	[sflag:s25] =	ssyncadd.s32 $0xFFFFFF80  }
0x67: {  	[spmem:s2] =	stream.indirect.scatter.add.f32 [tilespmem:s19], [sflag:$0x6], $0x80, s18, s12, $0xb8;
	[tilespmem:$0x1D980] =	vst v63  }
0x68: {  	_ =	swait.ge [sflag:s6], $0x2800  }
0x69: {  	[sflag:s6] =	ssyncset.done $0x0  }
0x6a: {  	s10 =	rddreg [dreg:$0x9];
	[sflag:s6] =	ssyncadd.s32 $0xFFFFD800  }
0x6b: {  	[tilespmem:s13], [sflag:$0x8] =	stream.linear.gather [hbm4b:s10+s3], $0x80, $0x38;
	[tilespmem:$0x1D980] =	vst v63  }
0x6c: {  	s7 =	simm.s32 $0x140  }
0x6d: {  	[tilespmem:s14], [sflag:$0x2] =	stream.indirect.gather [hbm4b:s4+s12], $0x80, s7, s12, $0xb8;
	[tilespmem:$0x1D980] =	vst v63  }
0x6e: {  	_ =	swait.ge [sflag:s16], $0x2800  }
0x6f: {  	[sflag:s16] =	ssyncset.done $0x0  }
0x70: {  	[sflag:s16] =	ssyncadd.s32 $0xFFFFD800  }
0x71: {  	s10 =	simm.s32 $0x280;
	_ =	swait.ge [sflag:s17], $0x80  }
0x72: {  	s29 =	sand.u32 $0xFC00, s10;
	[sflag:s17] =	ssyncset.done $0x0  }
0x73: {  	s0 =	sand.u32 $0x380, s10;
	s29 =	sadd.s32 s9, s29;
	[sflag:s17] =	ssyncadd.s32 $0xFFFFFF80  }
0x74: {  	[spmem:s2] =	stream.indirect.scatter.add.f32 [tilespmem:s1], [sflag:$0x4], $0x80, s11, s12, $0xb8;
	[tilespmem:$0x1D980] =	vst v63  }
0x75: {  	s0 =	sor.u32 s0, s29;
	_ =	swait.ge [sflag:s26], $0x2800  }
0x76: {  	s0 =	sshrl.u32 s0, $0x3;
	[sflag:s26] =	ssyncset.done $0x0  }
0x77: {  	s0 =	sadd.s32 s5, s0;
	[sflag:s26] =	ssyncadd.s32 $0xFFFFD800  }
0x78: {  	[tilespmem:s18], [sflag:$0x9] =	stream.linear.gather [hbm4b:s0+s3], $0x80, $0x38;
	[tilespmem:$0x1D980] =	vst v63  }
0x79: {  	s7 =	simm.s32 $0x190  }
0x7a: {  	[tilespmem:s19], [sflag:$0x3] =	stream.indirect.gather [hbm4b:s4+s12], $0x80, s7, s12, $0xb8;
	[tilespmem:$0x1D980] =	vst v63  }
0x7b: {  	_ =	swait.ge [sflag:s20], $0x2800  }
0x7c: {  	[sflag:s20] =	ssyncset.done $0x0  }
0x7d: {  	[sflag:s20] =	ssyncadd.s32 $0xFFFFD800  }
0x7e: {  	s10 =	simm.s32 $0x300;
	_ =	swait.ge [sflag:s22], $0x80  }
0x7f: {  	s29 =	sand.u32 $0xFC00, s10;
	[sflag:s22] =	ssyncset.done $0x0  }
0x80: {  	s29 =	sadd.s32 s9, s29;
	s0 =	sand.u32 $0x380, s10;
	[sflag:s22] =	ssyncadd.s32 $0xFFFFFF80  }
0x81: {  	[spmem:s2] =	stream.indirect.scatter.add.f32 [tilespmem:s14], [sflag:$0x5], $0x80, s13, s12, $0xb8;
	[tilespmem:$0x1D980] =	vst v63  }
0x82: {  	s0 =	sor.u32 s0, s29;
	_ =	swait.ge [sflag:s23], $0x2800  }
0x83: {  	s0 =	sshrl.u32 s0, $0x3;
	[sflag:s23] =	ssyncset.done $0x0  }
0x84: {  	s0 =	sadd.s32 s5, s0;
	[sflag:s23] =	ssyncadd.s32 $0xFFFFD800  }
0x85: {  	[tilespmem:s11], [sflag:$0x7] =	stream.linear.gather [hbm4b:s0+s3], $0x80, $0x38;
	[tilespmem:$0x1D980] =	vst v63  }
0x86: {  	s7 =	simm.s32 $0x1E0  }
0x87: {  	[tilespmem:s1], [sflag:$0x1] =	stream.indirect.gather [hbm4b:s4+s12], $0x80, s7, s12, $0xb8;
	[tilespmem:$0x1D980] =	vst v63  }
0x88: {  	_ =	swait.ge [sflag:s24], $0x2800  }
0x89: {  	[sflag:s24] =	ssyncset.done $0x0  }
0x8a: {  	[sflag:s24] =	ssyncadd.s32 $0xFFFFD800  }
0x8b: {  	s10 =	simm.s32 $0x380;
	_ =	swait.ge [sflag:s25], $0x80  }
0x8c: {  	s29 =	sand.u32 $0xFC00, s10;
	[sflag:s25] =	ssyncset.done $0x0  }
0x8d: {  	s29 =	sadd.s32 s9, s29;
	s0 =	sand.u32 $0x380, s10;
	[sflag:s25] =	ssyncadd.s32 $0xFFFFFF80  }
0x8e: {  	[spmem:s2] =	stream.indirect.scatter.add.f32 [tilespmem:s19], [sflag:$0x6], $0x80, s18, s12, $0xb8;
	[tilespmem:$0x1D980] =	vst v63  }
0x8f: {  	s30 =	simm.s32 $0x500;
	s0 =	sor.u32 s0, s29;
	_ =	swait.ge [sflag:s6], $0x2800  }
0x90: {  	s31 =	simm.s32 $0x230;
	s0 =	sshrl.u32 s0, $0x3;
	[sflag:s6] =	ssyncset.done $0x0  }
0x91: {  	s29 =	simm.s32 $0x230;
	s0 =	sadd.s32 s5, s0;
	[sflag:s6] =	ssyncadd.s32 $0xFFFFD800  }
0x92: {  	[tilespmem:s13], [sflag:$0x8] =	stream.linear.gather [hbm4b:s0+s3], $0x80, $0x38;
	[tilespmem:$0x1D980] =	vst v63  }
.LBB2_6:
0x93: {  	p1 =	sne.s32 s30, $0x3E00  }
0x94: {  	s29 =	sadd.s32 $0xF0, s29;
	s0 =	smov.u32 s30;
	s30 =	sadd.s32 $0x180, s30  }
0x95: {  	[tilespmem:s14], [sflag:$0x2] =	stream.indirect.gather [hbm4b:s4+s12], $0x80, s31, s12, $0xb8;
	[tilespmem:$0x1D980] =	vst v63  }
0x96: {  	s31 =	smov.u32 s29;
	_ =	swait.ge [sflag:s16], $0x2800  }
0x97: {  	[sflag:s16] =	ssyncset.done $0x0  }
0x98: {  	[sflag:s16] =	ssyncadd.s32 $0xFFFFD800  }
0x99: {  	_ =	swait.ge [sflag:s17], $0x80  }
0x9a: {  	s10 =	sadd.s32 $0xFFFFFF00, s0;
	[sflag:s17] =	ssyncset.done $0x0  }
0x9b: {  	s7 =	sand.u32 $0xFC00, s10;
	s10 =	sand.u32 $0x380, s10;
	[sflag:s17] =	ssyncadd.s32 $0xFFFFFF80  }
0x9c: {  	[spmem:s2] =	stream.indirect.scatter.add.f32 [tilespmem:s1], [sflag:$0x4], $0x80, s11, s12, $0xb8;
	[tilespmem:$0x1D980] =	vst v63  }
0x9d: {  	s7 =	sadd.s32 s9, s7;
	_ =	swait.ge [sflag:s26], $0x2800  }
0x9e: {  	s7 =	sor.u32 s10, s7;
	[sflag:s26] =	ssyncset.done $0x0  }
0x9f: {  	s7 =	sshrl.u32 s7, $0x3;
	[sflag:s26] =	ssyncadd.s32 $0xFFFFD800  }
0xa0: {  	s10 =	sadd.s32 $0xFFFFFF60, s29;
	s7 =	sadd.s32 s5, s7  }
0xa1: {  	[tilespmem:s18], [sflag:$0x9] =	stream.linear.gather [hbm4b:s7+s3], $0x80, $0x38;
	[tilespmem:$0x1D980] =	vst v63  }
0xa2: {  	_ = 	snop  }
0xa3: {  	[tilespmem:s19], [sflag:$0x3] =	stream.indirect.gather [hbm4b:s4+s12], $0x80, s10, s12, $0xb8;
	[tilespmem:$0x1D980] =	vst v63  }
0xa4: {  	_ =	swait.ge [sflag:s20], $0x2800  }
0xa5: {  	[sflag:s20] =	ssyncset.done $0x0  }
0xa6: {  	[sflag:s20] =	ssyncadd.s32 $0xFFFFD800  }
0xa7: {  	s7 =	sadd.s32 $0xFFFFFF80, s0;
	_ =	swait.ge [sflag:s22], $0x80  }
0xa8: {  	s10 =	sand.u32 $0xFC00, s7;
	s7 =	sand.u32 $0x380, s7;
	[sflag:s22] =	ssyncset.done $0x0  }
0xa9: {  	s10 =	sadd.s32 s9, s10;
	[sflag:s22] =	ssyncadd.s32 $0xFFFFFF80  }
0xaa: {  	[spmem:s2] =	stream.indirect.scatter.add.f32 [tilespmem:s14], [sflag:$0x5], $0x80, s13, s12, $0xb8;
	[tilespmem:$0x1D980] =	vst v63  }
0xab: {  	s7 =	sor.u32 s7, s10;
	_ =	swait.ge [sflag:s23], $0x2800  }
0xac: {  	s7 =	sshrl.u32 s7, $0x3;
	[sflag:s23] =	ssyncset.done $0x0  }
0xad: {  	s10 =	sadd.s32 $0xFFFFFFB0, s29;
	s7 =	sadd.s32 s5, s7;
	[sflag:s23] =	ssyncadd.s32 $0xFFFFD800  }
0xae: {  	[tilespmem:s11], [sflag:$0x7] =	stream.linear.gather [hbm4b:s7+s3], $0x80, $0x38;
	[tilespmem:$0x1D980] =	vst v63  }
0xaf: {  	_ = 	snop  }
0xb0: {  	[tilespmem:s1], [sflag:$0x1] =	stream.indirect.gather [hbm4b:s4+s12], $0x80, s10, s12, $0xb8;
	[tilespmem:$0x1D980] =	vst v63  }
0xb1: {  	_ =	swait.ge [sflag:s24], $0x2800  }
0xb2: {  	[sflag:s24] =	ssyncset.done $0x0  }
0xb3: {  	[sflag:s24] =	ssyncadd.s32 $0xFFFFD800  }
0xb4: {  	_ =	swait.ge [sflag:s25], $0x80  }
0xb5: {  	s7 =	sand.u32 $0xFC00, s0;
	[sflag:s25] =	ssyncset.done $0x0  }
0xb6: {  	s0 =	sand.u32 $0x380, s0;
	s7 =	sadd.s32 s9, s7;
	[sflag:s25] =	ssyncadd.s32 $0xFFFFFF80  }
0xb7: {  	[spmem:s2] =	stream.indirect.scatter.add.f32 [tilespmem:s19], [sflag:$0x6], $0x80, s18, s12, $0xb8;
	[tilespmem:$0x1D980] =	vst v63  }
.Ltmp3:
0xb8: {  	_ = 	snop;
	(pc) =	sbr.rel @p1 .LBB2_6-.Ltmp3, $4  }
0xb9: {  	s0 =	sor.u32 s0, s7;
	_ =	swait.ge [sflag:s6], $0x2800  }
0xba: {  	s0 =	sshrl.u32 s0, $0x3;
	[sflag:s6] =	ssyncset.done $0x0  }
0xbb: {  	s0 =	sadd.s32 s5, s0;
	[sflag:s6] =	ssyncadd.s32 $0xFFFFD800  }
0xbc: {  	[tilespmem:s13], [sflag:$0x8] =	stream.linear.gather [hbm4b:s0+s3], $0x80, $0x38;
	[tilespmem:$0x1D980] =	vst v63  }
0xbd: {  	[tilespmem:s14], [sflag:$0x2] =	stream.indirect.gather [hbm4b:s4+s12], $0x80, s31, s12, $0xb8;
	[tilespmem:$0x1D980] =	vst v63  }
0xbe: {  	_ =	swait.ge [sflag:s16], $0x2800  }
0xbf: {  	[sflag:s16] =	ssyncset.done $0x0  }
0xc0: {  	[sflag:s16] =	ssyncadd.s32 $0xFFFFD800  }
0xc1: {  	_ =	swait.ge [sflag:s17], $0x80  }
0xc2: {  	[sflag:s17] =	ssyncset.done $0x0  }
0xc3: {  	[sflag:s17] =	ssyncadd.s32 $0xFFFFFF80  }
0xc4: {  	[spmem:s2] =	stream.indirect.scatter.add.f32 [tilespmem:s1], [sflag:$0x4], $0x80, s11, s12, $0xb8;
	[tilespmem:$0x1D980] =	vst v63  }
0xc5: {  	_ =	swait.ge [sflag:s20], $0x2800  }
0xc6: {  	[sflag:s20] =	ssyncset.done $0x0  }
0xc7: {  	[sflag:s20] =	ssyncadd.s32 $0xFFFFD800  }
0xc8: {  	_ =	swait.ge [sflag:s22], $0x80  }
0xc9: {  	[sflag:s22] =	ssyncset.done $0x0  }
0xca: {  	[sflag:s22] =	ssyncadd.s32 $0xFFFFFF80  }
0xcb: {  	[spmem:s2] =	stream.indirect.scatter.add.f32 [tilespmem:s14], [sflag:$0x5], $0x80, s13, s12, $0xb8;
	[tilespmem:$0x1D980] =	vst v63  }
0xcc: {  	_ =	swait.ge [sflag:s26], $0x2800  }
0xcd: {  	[sflag:s26] =	ssyncset.done $0x0  }
0xce: {  	[sflag:s26] =	ssyncadd.s32 $0xFFFFD800  }
0xcf: {  	_ =	swait.ge [sflag:s23], $0x2800  }
0xd0: {  	[sflag:s23] =	ssyncset.done $0x0  }
0xd1: {  	[sflag:s23] =	ssyncadd.s32 $0xFFFFD800  }
0xd2: {  	_ =	swait.ge [sflag:s6], $0x2800  }
0xd3: {  	[sflag:s6] =	ssyncset.done $0x0  }
0xd4: {  	[sflag:s6] =	ssyncadd.s32 $0xFFFFD800  }
0xd5: {  	[bflag:$0x0] =	sbarrier.arrive $0xFFFF  }
0xd6: {  	[tilespmem:s1], [sflag:$0x1] =	stream.linear.gather [spmem:s15], $0x2800, $0x38;
	[tilespmem:$0x1D980] =	vst v63  }
0xd7: {  	_ =	swait.ge [sflag:s16], $0x2800  }
0xd8: {  	[sflag:s16] =	ssyncset.done $0x0  }
0xd9: {  	s0 =	rddreg [dreg:$0xa];
	[sflag:s16] =	ssyncadd.s32 $0xFFFFD800  }
0xda: {  	[tilespmem:s14], [sflag:$0x2] =	stream.linear.gather [spmem:s0], $0x2800, $0x38;
	[tilespmem:$0x1D980] =	vst v63  }
0xdb: {  	s29 =	rddreg [dreg:$0xb]  }
0xdc: {  	[hbm4b:s29+s3] =	stream.linear.scatter [tilespmem:s1], [sflag:$0x4], $0x2800, $0x38;
	[tilespmem:$0x1D980] =	vst v63  }
0xdd: {  	_ =	swait.ge [sflag:s20], $0x2800  }
0xde: {  	[sflag:s20] =	ssyncset.done $0x0  }
0xdf: {  	[sflag:s20] =	ssyncadd.s32 $0xFFFFD800  }
0xe0: {  	_ =	swait.ge [sflag:s23], $0x2800  }
0xe1: {  	[sflag:s23] =	ssyncset.done $0x0  }
0xe2: {  	s30 =	rddreg [dreg:$0x13];
	[sflag:s23] =	ssyncadd.s32 $0xFFFFD800  }
0xe3: {  	[tilespmem:s1], [sflag:$0x1] =	stream.linear.gather [spmem:s30], $0x2800, $0x38;
	[tilespmem:$0x1D980] =	vst v63  }
0xe4: {  	s31 =	rddreg [dreg:$0xc]  }
0xe5: {  	[hbm4b:s31+s3] =	stream.linear.scatter [tilespmem:s14], [sflag:$0x5], $0x2800, $0x38;
	[tilespmem:$0x1D980] =	vst v63  }
0xe6: {  	_ =	swait.ge [sflag:s16], $0x2800  }
0xe7: {  	[sflag:s16] =	ssyncset.done $0x0  }
0xe8: {  	[sflag:s16] =	ssyncadd.s32 $0xFFFFD800  }
0xe9: {  	_ =	swait.ge [sflag:s6], $0x2800  }
0xea: {  	[sflag:s6] =	ssyncset.done $0x0  }
0xeb: {  	s7 =	rddreg [dreg:$0x14];
	[sflag:s6] =	ssyncadd.s32 $0xFFFFD800  }
0xec: {  	[tilespmem:s14], [sflag:$0x2] =	stream.linear.gather [spmem:s7], $0x2800, $0x38;
	[tilespmem:$0x1D980] =	vst v63  }
0xed: {  	s10 =	rddreg [dreg:$0xd]  }
0xee: {  	[hbm4b:s10+s3] =	stream.linear.scatter [tilespmem:s1], [sflag:$0x4], $0x2800, $0x38;
	[tilespmem:$0x1D980] =	vst v63  }
0xef: {  	_ =	swait.ge [sflag:s20], $0x2800  }
0xf0: {  	[sflag:s20] =	ssyncset.done $0x0  }
0xf1: {  	[sflag:s20] =	ssyncadd.s32 $0xFFFFD800  }
0xf2: {  	_ =	swait.ge [sflag:s23], $0x2800  }
0xf3: {  	[sflag:s23] =	ssyncset.done $0x0  }
0xf4: {  	s29 =	rddreg [dreg:$0x15];
	[sflag:s23] =	ssyncadd.s32 $0xFFFFD800  }
0xf5: {  	[tilespmem:s1], [sflag:$0x1] =	stream.linear.gather [spmem:s29], $0x2800, $0x38;
	[tilespmem:$0x1D980] =	vst v63  }
0xf6: {  	s30 =	rddreg [dreg:$0xe]  }
0xf7: {  	[hbm4b:s30+s3] =	stream.linear.scatter [tilespmem:s14], [sflag:$0x5], $0x2800, $0x38;
	[tilespmem:$0x1D980] =	vst v63  }
0xf8: {  	_ =	swait.ge [sflag:s16], $0x2800  }
0xf9: {  	[sflag:s16] =	ssyncset.done $0x0  }
0xfa: {  	s0 =	simm.s32 @p0 $0x0;
	s7 =	simm.s32 @p0 $0x2900;
	[sflag:s16] =	ssyncadd.s32 $0xFFFFD800  }
0xfb: {  	[hbm4b:s21+s0] =	stream.linear.scatter @p0 [tilespmem:s7], [sflag:$0x4], $0x2800, $0x38;
	[tilespmem:$0x1D980] =	vst v63  }
0xfc: {  	s0 =	simm.s32 @!p0 $0x5  }
0xfd: {  	_ =	swait.ge @!p0 [sflag:s0], $0x2800  }
0xfe: {  	[sflag:s0] =	ssyncset.done @!p0 $0x0  }
0xff: {  	s7 =	simm.s32 @!p0 $0x5100;
	s10 =	rddreg [dreg:$0x16];
	[sflag:s0] =	ssyncadd.s32 @!p0 $0xFFFFD800  }
0x100: {  	[tilespmem:s7], [sflag:$0x2] =	stream.linear.gather @!p0 [spmem:s10], $0x2800, $0x38;
	[tilespmem:$0x1D980] =	vst v63  }
0x101: {  	s29 =	simm.s32 @!p0 $0x2900;
	s30 =	simm.s32 @!p0 $0x2;
	s10 =	simm.s32 @!p0 $0x0  }
0x102: {  	[hbm4b:s21+s10] =	stream.linear.scatter @!p0 [tilespmem:s29], [sflag:$0x4], $0x2800, $0x38;
	[tilespmem:$0x1D980] =	vst v63  }
0x103: {  	_ =	swait.ge @!p0 [sflag:s30], $0x2800  }
0x104: {  	[sflag:s30] =	ssyncset.done @!p0 $0x0  }
0x105: {  	s31 =	simm.s32 @!p0 $0x4;
	[sflag:s30] =	ssyncadd.s32 @!p0 $0xFFFFD800  }
0x106: {  	_ =	swait.ge @!p0 [sflag:s31], $0x2800  }
0x107: {  	[sflag:s31] =	ssyncset.done @!p0 $0x0  }
0x108: {  	[sflag:s31] =	ssyncadd.s32 @!p0 $0xFFFFD800;
	s31 =	rddreg [dreg:$0x17]  }
0x109: {  	[tilespmem:s29], [sflag:$0x1] =	stream.linear.gather @!p0 [spmem:s31], $0x2800, $0x38;
	[tilespmem:$0x1D980] =	vst v63  }
0x10a: {  	s31 =	rddreg [dreg:$0xf]  }
0x10b: {  	[hbm4b:s31+s10] =	stream.linear.scatter @!p0 [tilespmem:s7], [sflag:$0x5], $0x2800, $0x38;
	[tilespmem:$0x1D980] =	vst v63  }
0x10c: {  	s31 =	simm.s32 @!p0 $0x1  }
0x10d: {  	_ =	swait.ge @!p0 [sflag:s31], $0x2800  }
0x10e: {  	[sflag:s31] =	ssyncset.done @!p0 $0x0  }
0x10f: {  	[sflag:s31] =	ssyncadd.s32 @!p0 $0xFFFFD800  }
0x110: {  	_ =	swait.ge @!p0 [sflag:s0], $0x2800  }
0x111: {  	[sflag:s0] =	ssyncset.done @!p0 $0x0  }
0x112: {  	[sflag:s0] =	ssyncadd.s32 @!p0 $0xFFFFD800;
	s0 =	rddreg [dreg:$0x18]  }
0x113: {  	[tilespmem:s7], [sflag:$0x2] =	stream.linear.gather @!p0 [spmem:s0], $0x2800, $0x38;
	[tilespmem:$0x1D980] =	vst v63  }
0x114: {  	s0 =	rddreg [dreg:$0x10]  }
0x115: {  	[hbm4b:s0+s10] =	stream.linear.scatter @!p0 [tilespmem:s29], [sflag:$0x4], $0x2800, $0x38;
	[tilespmem:$0x1D980] =	vst v63  }
0x116: {  	_ =	swait.ge @!p0 [sflag:s30], $0x2800  }
0x117: {  	[sflag:s30] =	ssyncset.done @!p0 $0x0  }
0x118: {  	s0 =	rddreg [dreg:$0x11];
	[sflag:s30] =	ssyncadd.s32 @!p0 $0xFFFFD800  }
0x119: {  	[hbm4b:s0+s10] =	stream.linear.scatter @!p0 [tilespmem:s7], [sflag:$0x5], $0x2800, $0x38;
	[tilespmem:$0x1D980] =	vst v63  }
0x11a: {  	_ =	swait.ge [sflag:s23], $0x2800  }
0x11b: {  	[sflag:s23] =	ssyncset.done $0x0  }
0x11c: {  	[sflag:s23] =	ssyncadd.s32 $0xFFFFD800  }
0x11d: {  	_ =	swait.ge [sflag:s6], $0x2800  }
0x11e: {  	s28 =	sadd.s32 $0x1, s28;
	s31 =	rddreg [dreg:$0x12]  }
0x11f: {  	p1 =	sne.s32 s28, s31  }
.Ltmp4:
0x120: {  	_ = 	snop;
	(pc) =	sbr.rel @p1 .LBB2_1-.Ltmp4, $3  }
0x121: {  	_ =	sdelay $0x1  }
0x122: {  	[sflag:s6] =	ssyncset.done $0x0  }
0x123: {  	[sflag:s6] =	ssyncadd.s32 $0xFFFFD800  }
0x124: {  	_ =	sfence.sel $0x180000  }
0x125: {  	[bflag:$0x0] =	sbarrier.arrive $0xFFFF  }
0x126: {  	_ =	strace $0x9000004D  }
0x127: {  	s0 =	stileid.u32;
	[bflag:$0x2] =	sbarrier.arrive $0xFFFF  }
0x128: {  	p0 =	sne.s32 s0, $0x0;
	s0 =	rddreg [dreg:$0x2]  }
0x129: {  	s0 =	sadd.s32 @!p0 $0x100000, s0  }
0x12a: {  	[sflag:s0] =	ssyncadd.tile.s32 @!p0 $0x1;
	_ =	shalt  }
.Lfunc_end2:
_tile_overlayer_lowered:
.L_overlay_start_2:
0x12b: {  	(tag) =	ssettag $0x2  }
0x12c: {  	s0 =	rddreg [dreg:$0x0];
	s2 =	stileid.u32  }
0x12d: {  	s1 =	rddreg [dreg:$0x1];
	p0 =	sne.s32 s2, $0x0  }
0x12e: {  	s3 =	rddreg [dreg:$0x2];
	[bflag:$0x3] =	sbarrier.arrive $0xFFFF;
	s2 =	simm.s32 @!p0 $0x1C0A  }
0x12f: {  	[timem:s3], [sflag:s2] =	dma.local @!p0 [hbm:s0], s1  }
0x130: {  	s0 =	simm.s32 @!p0 $0xA  }
0x131: {  	_ =	swait.ge @!p0 [sflag:s0], s1  }
0x132: {  	s1 =	ssub.s32 @!p0 $0x0, s1;
	[sflag:s0] =	ssyncset.done @!p0 $0x0  }
0x133: {  	[sflag:s0] =	ssyncadd.s32 @!p0 s1  }
0x134: {  	[bflag:$0x3] =	sbarrier.arrive $0xFFFF  }
0x135: {  	_ =	shalt  }

// kernel: kernel.19.cloned.1.call-start
scs
__scs_entry_jumppad:
0x0: {  	(pc) =	sbr.rel $0x88, $3  }
0x1: {  	(tag) =	ssettag $0x0;
	lr =	simm.s32 $0x1  }
0x2: {  	[smem:$0x3F96] =	sst lr;
	_ =	strace $0xD0000000  }
0x3: {  	_ = 	snop  }
0x4: {  	_ = 	snop  }
0x5: {  	_ = 	snop  }
0x6: {  	_ = 	snop  }
0x7: {  	_ = 	snop  }
__scs_overlays_trampoline_lowered:
0x8: {  	[smem:$0x3FA5] =	sst s0  }
0x9: {  	[smem:$0x3FA6] =	sst s1  }
0xa: {  	[smem:$0x3FA7] =	sst s2  }
0xb: {  	[smem:$0x3FA8] =	sst s3  }
0xc: {  	[smem:$0x3FA9] =	sst s4  }
0xd: {  	[smem:$0x3FAA] =	sst s5  }
0xe: {  	[smem:$0x3FAB] =	sst s6  }
0xf: {  	[smem:$0x3FAC] =	sst s7  }
0x10: {  	[smem:$0x3FAD] =	sst s8  }
0x11: {  	[smem:$0x3FAE] =	sst s9;
	s0 =	simm.s32 @!p0 $0x0  }
0x12: {  	s1 =	sld [smem:$0x3F94];
	s0 =	simm.s32 @p0 $0x1  }
0x13: {  	[smem:$0x3FAF] =	sst s0;
	s0 =	simm.s32 @!p1 $0x0  }
0x14: {  	s2 =	sld [smem:$0x3F93];
	s0 =	simm.s32 @p1 $0x1  }
0x15: {  	[smem:$0x3FB0] =	sst s0;
	s0 =	simm.s32 @!p2 $0x0  }
0x16: {  	s3 =	sld [smem:$0x3FDB];
	s0 =	simm.s32 @p2 $0x1  }
0x17: {  	s4 =	simm.s32 $0x1BF5;
	[smem:$0x3FB2] =	sst s0  }
0x18: {  	s0 =	sld [smem:$0x3F95];
	_ =	swait.ge [sflag:s4], $0x0  }
0x19: {  	s7 =	sld [smem:$0x3F96]  }
0x1a: {  	s8 =	sadd.s32 $0xFFFFE003, lr  }
0x1b: {  	s9 =	sadd.s32 $0xFFFFFEF7, lr;
	s5 =	simm.s32 $0xFFFFFFFF;
	p2 =	slt.u32 s8, $0xFFFFF086  }
0x1c: {  	p1 =	slt.u32 s9, $0xF7A;
	s5 =	simm.s32 @!p2 $0x0  }
0x1d: {  	s5 =	simm.s32 @p1 $0x1;
	p0 =	seq.s32 s7, s2  }
0x1e: {  	s7 =	smul.u32 @!p0 $0xF7A, s2;
	p2 =	seq.s32 @!p0 s5, $0x0  }
0x1f: {  	s9 =	smul.u32 $0xF7A, s1;
	s8 =	simm.s32 @!p0 $0x1BF5;
	p2 =	por !p2, p0  }
0x20: {  	[sflag:s8] =	ssyncset.s32 @!p0 $0xFFFFF086;
	s6 =	sadd.s32 @!p0 s3, s7;
	s7 =	simm.s32 @!p0 $0x108  }
0x21: {  	s3 =	sadd.s32 s3, s9;
	s6 =	sadd.s32 @!p0 $0x88, s6;
	s7 =	simm.s32 @p2 $0x1082  }
0x22: {  	[simem:s7], [sflag:s8] =	dma.local @!p0 [hbm:s6], $0xF7A  }
0x23: {  	s9 =	sor.u32 $0xD0000000, s2;
	s6 =	simm.s32 $0x108;
	_ =	swait.ge @!p0 [sflag:s8], $0x0  }
0x24: {  	s3 =	sadd.s32 $0x88, s3;
	s6 =	simm.s32 @!p1 $0x1082;
	[sflag:s4] =	ssyncset.s32 $0xFFFFF086  }
0x25: {  	[simem:s6], [sflag:s4] =	dma.local [hbm:s3], $0xF7A  }
0x26: {  	[smem:$0x3F96] =	sst s1;
	(tag) =	ssettag s2;
	_ =	strace s9  }
0x27: {  	s1 =	sld [smem:$0x3FA6]  }
0x28: {  	s2 =	sld [smem:$0x3FA7]  }
0x29: {  	s4 =	sld [smem:$0x3FA9]  }
0x2a: {  	p0 =	seq.s32 s5, $0x0;
	s5 =	sld [smem:$0x3FAA]  }
0x2b: {  	s6 =	sld [smem:$0x3FAB]  }
0x2c: {  	s7 =	sld [smem:$0x3FAC]  }
0x2d: {  	s3 =	simm.s32 $0x108;
	s8 =	sld [smem:$0x3FAD]  }
0x2e: {  	s3 =	simm.s32 @!p0 $0x1082;
	s9 =	sld [smem:$0x3FAE]  }
0x2f: {  	lr =	sadd.s32 s0, s3;
	s0 =	sld [smem:$0x3FA5]  }
0x30: {  	s3 =	sld [smem:$0x3FA8]  }
0x31: {  	[smem:$0x3FB1] =	sst s10  }
0x32: {  	s10 =	sld [smem:$0x3FAF];
	_ =	sdelay $0x3  }
0x33: {  	p0 =	seq.s32 s10, $0x1;
	s10 =	sld [smem:$0x3FB1];
	_ =	sdelay $0x3  }
0x34: {  	[smem:$0x3FB1] =	sst s10  }
0x35: {  	s10 =	sld [smem:$0x3FB0];
	_ =	sdelay $0x3  }
0x36: {  	p1 =	seq.s32 s10, $0x1;
	s10 =	sld [smem:$0x3FB1];
	_ =	sdelay $0x3  }
0x37: {  	[smem:$0x3FB1] =	sst s10  }
0x38: {  	s10 =	sld [smem:$0x3FB2]  }
0x39: {  	_ = 	snop;
	(pc) =	sbr.ind lr, $3  }
0x3a: {  	_ = 	snop  }
0x3b: {  	_ = 	snop  }
0x3c: {  	p2 =	seq.s32 s10, $0x1;
	s10 =	sld [smem:$0x3FB1]  }
0x3d: {  	_ =	shalt  }
0x3e: {  	_ =	shalt  }
0x3f: {  	_ =	shalt  }
0x40: {  	_ =	shalt  }
0x41: {  	_ =	shalt  }
0x42: {  	_ =	shalt  }
0x43: {  	_ =	shalt  }
0x44: {  	_ =	shalt  }
0x45: {  	_ =	shalt  }
0x46: {  	_ =	shalt  }
0x47: {  	_ =	shalt  }
0x48: {  	_ =	shalt  }
0x49: {  	_ =	shalt  }
0x4a: {  	_ =	shalt  }
0x4b: {  	_ =	shalt  }
0x4c: {  	_ =	shalt  }
0x4d: {  	_ =	shalt  }
0x4e: {  	_ =	shalt  }
0x4f: {  	_ =	shalt  }
0x50: {  	_ =	shalt  }
0x51: {  	_ =	shalt  }
0x52: {  	_ =	shalt  }
0x53: {  	_ =	shalt  }
0x54: {  	_ =	shalt  }
0x55: {  	_ =	shalt  }
0x56: {  	_ =	shalt  }
0x57: {  	_ =	shalt  }
0x58: {  	_ =	shalt  }
0x59: {  	_ =	shalt  }
0x5a: {  	_ =	shalt  }
0x5b: {  	_ =	shalt  }
0x5c: {  	_ =	shalt  }
0x5d: {  	_ =	shalt  }
0x5e: {  	_ =	shalt  }
0x5f: {  	_ =	shalt  }
0x60: {  	_ =	shalt  }
0x61: {  	_ =	shalt  }
0x62: {  	_ =	shalt  }
0x63: {  	_ =	shalt  }
0x64: {  	_ =	shalt  }
0x65: {  	_ =	shalt  }
0x66: {  	_ =	shalt  }
0x67: {  	_ =	shalt  }
0x68: {  	_ =	shalt  }
0x69: {  	_ =	shalt  }
0x6a: {  	_ =	shalt  }
0x6b: {  	_ =	shalt  }
0x6c: {  	_ =	shalt  }
0x6d: {  	_ =	shalt  }
0x6e: {  	_ =	shalt  }
0x6f: {  	_ =	shalt  }
0x70: {  	_ =	shalt  }
0x71: {  	_ =	shalt  }
0x72: {  	_ =	shalt  }
0x73: {  	_ =	shalt  }
0x74: {  	_ =	shalt  }
0x75: {  	_ =	shalt  }
0x76: {  	_ =	shalt  }
0x77: {  	_ =	shalt  }
0x78: {  	_ =	shalt  }
0x79: {  	_ =	shalt  }
0x7a: {  	_ =	shalt  }
0x7b: {  	_ =	shalt  }
0x7c: {  	_ =	shalt  }
0x7d: {  	_ =	shalt  }
0x7e: {  	_ =	shalt  }
0x7f: {  	_ =	shalt  }
0x80: {  	_ =	shalt  }
0x81: {  	_ =	shalt  }
0x82: {  	_ =	shalt  }
0x83: {  	_ =	shalt  }
0x84: {  	_ =	shalt  }
0x85: {  	_ =	shalt  }
0x86: {  	_ =	shalt  }
0x87: {  	_ =	shalt  }
.Lfunc_end0:
.L_simem_size_0:
called_computation.3_lowered:
.L_overlay_start_0:
0x88: {  	s2 =	sld [smem:$0x3FD9]  }
0x89: {  	s3 =	sld [smem:$0x3FFE];
	_ =	sdelay $0x1  }
0x8a: {  	s1 =	srdreg.scid  }
0x8b: {  	s0 =	sand.u32 $0x1, s1  }
0x8c: {  	s16 =	sshll.u32 s0, $0xA;
	s2 =	sadd.s32 s3, s2  }
0x8d: {  	s2 =	sadd.s32 s2, s16  }
0x8e: {  	[smem:$0x3FBD] =	sst s2  }
0x8f: {  	_ = 	snop  }
0x90: {  	(tm) =	ssettm $0x1  }
0x91: {  	s17 =	sld [smem:$0x3FFB];
	_ =	sdelay $0x3  }
0x92: {  	_ =	strace s17  }
0x93: {  	s2 =	sld [smem:$0x3FFC];
	_ =	sdelay $0x3  }
0x94: {  	_ =	strace s2  }
0x95: {  	s2 =	sld [smem:$0x3FFD];
	_ =	sdelay $0x3  }
0x96: {  	_ =	strace s2  }
0x97: {  	_ =	strace $0x8FFFFFFF  }
0x98: {  	s18 =	sld [smem:$0x3FDB];
	_ =	sdelay $0x1  }
0x99: {  	s19 =	simm.s32 $_scs_section_size  }
0x9a: {  	s4 =	simm.s32 $_size__tile_overlayer_lowered;
	s5 =	simm.s32 $_tile_overlayer_lowered  }
0x9b: {  	s22 =	simm.s32 $0x1BFF;
	s21 =	sshll.u32 s5, $0x1;
	s2 =	sadd.s32 s19, s18  }
0x9c: {  	s6 =	simm.s32 $0x0;
	s20 =	sshll.u32 s4, $0x1;
	s4 =	sadd.s32 s21, s2  }
0x9d: {  	[timem:s6], [sflag:s22] =	dma.local [hbm:s4], s20  }
0x9e: {  	_ =	swait.ge [sflag:s22], s20  }
0x9f: {  	s3 =	ssub.s32 $0x0, s20;
	[sflag:s22] =	ssyncset.done $0x0  }
0xa0: {  	[sflag:s22] =	ssyncadd.s32 s3;
	_ =	sdelay $0x1  }
0xa1: {  	s23 =	simm.s32 $0x1B8B  }
0xa2: {  	_ =	swait.ge [sflag:s23], $0x1  }
0xa3: {  	[sflag:s23] =	ssyncset.done $0x0  }
0xa4: {  	s25 =	simm.s32 $0x1B8E;
	s24 =	sld [smem:$0x3FFE];
	[sflag:s23] =	ssyncadd.s32 $0xFFFFFFFF  }
0xa5: {  	s26 =	simm.s32 $execute0_lowered;
	[smem:$0x3FD2] =	sst s25  }
0xa6: {  	s4 =	sshll.u32 s26, $0x1;
	_ =	strace $0x8000004F;
	[dreg:$0x1] =	wrdreg $0xFFFFFFFF  }
0xa7: {  	s28 =	simm.s32 $_size_execute0_lowered;
	s2 =	sadd.s32 s2, s4;
	[dreg:$0x0] =	wrdreg $0x0  }
0xa8: {  	s4 =	sshll.u32 s28, $0x1;
	[dreg:$0x2] =	wrdreg s2  }
0xa9: {  	[dreg:$0x3] =	wrdreg s4  }
0xaa: {  	[dreg:$0x4] =	wrdreg $0xC0  }
0xab: {  	_ =	task [dreg:s6], $0x5FFFF  }
0xac: {  	[dreg:$0x1] =	wrdreg $0xFFFFFFFF  }
0xad: {  	[dreg:$0x0] =	wrdreg $0x60  }
0xae: {  	[dreg:$0x2] =	wrdreg s24  }
0xaf: {  	[dreg:$0x3] =	wrdreg $0xA1000  }
0xb0: {  	[dreg:$0x4] =	wrdreg $0x9  }
0xb1: {  	_ =	task.clear_ibuf [dreg:s6], $0x5FFFF;
	_ =	strace $0x9000004F  }
0xb2: {  	s29 =	simm.s32 $0x9;
	_ =	strace $0x80000051  }
0xb3: {  	_ =	swait.ge [sflag:s29], $0x1  }
0xb4: {  	[sflag:s29] =	ssyncadd.s32 $0xFFFFFFFF  }
0xb5: {  	_ =	strace $0x90000051  }
0xb6: {  	_ =	sfence  }
0xb7: {  	s30 =	sld [smem:$0x0];
	_ =	sdelay $0x2  }
0xb8: {  	s31 =	sshll.u32 s1, $0xD;
	s1 =	sshrl.u32 s1, $0x2  }
0xb9: {  	s3 =	sand.u32 $0x4000, s31;
	s1 =	sadd.s32 s1, s30  }
0xba: {  	s0 =	sor.u32 s3, s0;
	s1 =	sshll.u32 s1, $0x11  }
0xbb: {  	s0 =	sor.u32 s1, s0  }
0xbc: {  	s0 =	sadd.s32 $0x8F2B, s0  }
0xbd: {  	[sflag:s0] =	ssyncadd.remote.s32 $0x1  }
0xbe: {  	_ =	sfence.sel $0xFFFF  }
0xbf: {  	[dreg:$0x0] =	wrdreg $0xFFFFFFFF;
	(pc) =	sbr.abs _section_cstart, $3  }
0xc0: {  	[dreg:$0x1] =	wrdreg $0xFFFFFFFF  }
0xc1: {  	_ =	task.clear_ibuf [dreg:s6], $0x2FFFF;
	_ =	strace $0x9FFFFFFF  }
0xc2: {  	(tm) =	ssettm $0x7FFFFFFF  }
0xc3: {  	_ =	shalt  }
tec
execute0_lowered:
.L_overlay_start_1:
0x0: {  	(tag) =	ssettag $0x1  }
0x1: {  	s0 =	rddreg [dreg:$0x0]  }
0x2: {  	s2 =	rddreg [dreg:$0x1]  }
0x3: {  	s1 =	srdreg.scid;
	s11 =	stileid.u32;
	s3 =	simm.s32 $0x0  }
0x4: {  	s1 =	sand.u32 $0x1, s1;
	s5 =	smul.u32 $0x280, s11;
	[smem:$0x7FF] =	sst s3  }
0x5: {  	p0 =	seq.s32 s11, $0xF;
	s4 =	sshll.u32 s1, $0x4;
	s6 =	smul.u32 $0x2710, s1  }
0x6: {  	_ =	strace $0x80000050;
	s1 =	ssub.s32 $0x2, s1;
	s8 =	sor.u32 s11, s4  }
0x7: {  	s29 =	sshrl.u32 s1, $0x1;
	s7 =	smul.u32 $0x4E2, s8;
	s5 =	sadd.s32 s5, s6  }
0x8: {  	s1 =	ssub.s32 s1, s29;
	s10 =	sshll.u32 s8, $0xB;
	s6 =	sshll.u32 s5, $0x4  }
0x9: {  	s5 =	sadd.s32 $0x17E00, s0;
	s23 =	smax.u32 s1, $0x1;
	s9 =	sadd.s32 s7, s0  }
0xa: {  	s7 =	simm.s32 $0x5;
	s31 =	sadd.s32 s5, s10;
	[dreg:$0x12] =	wrdreg s23  }
0xb: {  	s11 =	smul.u32 $0x50000, s11;
	s7 =	simm.s32 @!p0 $0x8;
	[dreg:$0x5] =	wrdreg s31  }
0xc: {  	s4 =	sadd.s32 $0x27E00, s0;
	s30 =	sadd.s32 $0xD400, s9;
	[dreg:$0x3] =	wrdreg s7  }
0xd: {  	s13 =	sshrl.u32 s11, $0x2;
	s10 =	sadd.s32 $0x10, s31;
	[dreg:$0x4] =	wrdreg s30  }
0xe: {  	s15 =	sadd.s32 s13, s2;
	s12 =	sadd.s32 $0x20, s31;
	[dreg:$0x6] =	wrdreg s10  }
0xf: {  	s0 =	sadd.s32 s6, s0;
	s14 =	sadd.s32 $0x2800, s15;
	[dreg:$0x7] =	wrdreg s12  }
0x10: {  	s28 =	simm.s32 $0x0;
	s16 =	sadd.s32 $0x4F000, s0;
	[dreg:$0xa] =	wrdreg s14  }
0x11: {  	s1 =	simm.s32 $0x2900;
	s17 =	sadd.s32 $0x4F500, s0;
	[dreg:$0xb] =	wrdreg s16  }
0x12: {  	s11 =	simm.s32 $0x2780;
	s18 =	sadd.s32 $0x4FA00, s0;
	[dreg:$0xc] =	wrdreg s17  }
0x13: {  	s6 =	simm.s32 $0x5;
	s19 =	sadd.s32 $0x4FF00, s0;
	[dreg:$0xd] =	wrdreg s18  }
0x14: {  	s13 =	simm.s32 $0x2800;
	s20 =	sadd.s32 $0x50900, s0;
	[dreg:$0xe] =	wrdreg s19  }
0x15: {  	s23 =	simm.s32 $0x4;
	s22 =	sadd.s32 $0x50E00, s0;
	[dreg:$0xf] =	wrdreg s20  }
0x16: {  	s21 =	sadd.s32 $0x50400, s0;
	s0 =	sadd.s32 $0x51300, s0;
	[dreg:$0x10] =	wrdreg s22  }
0x17: {  	s9 =	sshll.u32 s8, $0xE;
	s24 =	sadd.s32 $0x5000, s15;
	[dreg:$0x11] =	wrdreg s0  }
0x18: {  	s25 =	sadd.s32 $0x7800, s15;
	s26 =	sadd.s32 $0xA000, s15;
	[dreg:$0x13] =	wrdreg s24  }
0x19: {  	s29 =	sadd.s32 $0xC800, s15;
	s8 =	simm.s32 $0xA;
	[dreg:$0x14] =	wrdreg s25  }
0x1a: {  	s10 =	sadd.s32 $0x30, s31;
	s7 =	sadd.s32 $0x40, s31;
	[dreg:$0x15] =	wrdreg s26  }
0x1b: {  	[dreg:$0x16] =	wrdreg s29;
	s30 =	sadd.s32 $0xF000, s15;
	s31 =	sadd.s32 $0x11800, s15  }
0x1c: {  	s12 =	simm.s32 $0x50;
	s14 =	simm.s32 $0x5100;
	s16 =	simm.s32 $0x1  }
0x1d: {  	s17 =	simm.s32 $0x7;
	s18 =	simm.s32 $0x2880;
	[dreg:$0x8] =	wrdreg s10  }
0x1e: {  	s19 =	simm.s32 $0x7900;
	s20 =	simm.s32 $0x2;
	[dreg:$0x9] =	wrdreg s7  }
0x1f: {  	s22 =	simm.s32 $0x8;
	s24 =	simm.s32 $0x3;
	[dreg:$0x17] =	wrdreg s30  }
0x20: {  	v0 =	vimm.f32 $0.0e+00;
	s25 =	simm.s32 $0x9;
	s26 =	simm.s32 $0x6;
	[dreg:$0x18] =	wrdreg s31  }
.LBB2_1:
0x21: {  	s0 =	simm.s32 $0x0;
	s29 =	simm.s32 $0x200  }
.LBB2_2:
0x22: {  	p1 =	sne.s32 s29, $0x9E00;
	[tilespmem:s0+$0x2970] =	vst v0  }
0x23: {  	[tilespmem:s0+$0x2900] =	vst v0  }
0x24: {  	[tilespmem:s0+$0x2910] =	vst v0  }
.Ltmp0:
0x25: {  	[tilespmem:s0+$0x2920] =	vst v0;
	(pc) =	sbr.rel @p1 .LBB2_2-.Ltmp0, $4  }
0x26: {  	[tilespmem:s0+$0x2930] =	vst v0  }
0x27: {  	[tilespmem:s0+$0x2940] =	vst v0  }
0x28: {  	[tilespmem:s0+$0x2950] =	vst v0  }
0x29: {  	[tilespmem:s0+$0x2960] =	vst v0;
	s0 =	sshra.s32 s29, $0x2;
	s29 =	sadd.s32 $0x200, s29  }
0x2a: {  	[tilespmem:s0+$0x2970] =	vst v0  }
0x2b: {  	[tilespmem:s0+$0x2900] =	vst v0  }
0x2c: {  	[tilespmem:s0+$0x2910] =	vst v0  }
0x2d: {  	[tilespmem:s0+$0x2920] =	vst v0  }
0x2e: {  	[tilespmem:s0+$0x2930] =	vst v0;
	s31 =	rddreg [dreg:$0x3]  }
0x2f: {  	[tilespmem:s0+$0x2940] =	vst v0;
	p1 =	sne.s32 s31, $0x1  }
.Ltmp1:
0x30: {  	[tilespmem:s0+$0x2950] =	vst v0;
	(pc) =	sbr.rel @!p1 .LBB2_5-.Ltmp1, $4  }
0x31: {  	[tilespmem:s0+$0x2960] =	vst v0  }
0x32: {  	[spmem:s15] =	stream.linear.scatter [tilespmem:s1], [sflag:$0xA], $0x2800, $0x38;
	[tilespmem:$0x1D980] =	vst v63  }
0x33: {  	_ =	swait.ge [sflag:s8], $0x2800  }
0x34: {  	s29 =	smov.u32 s15;
	s0 =	sadd.s32 $0xFFFFFFFF, s31;
	[sflag:s8] =	ssyncset.done $0x0  }
.LBB2_4:
0x35: {  	p1 =	sne.s32 s0, $0x1;
	[sflag:s8] =	ssyncadd.s32 $0xFFFFD800;
	s29 =	sadd.s32 $0x2800, s29  }
.Ltmp2:
0x36: {  	s0 =	sadd.s32 $0xFFFFFFFF, s0;
	(pc) =	sbr.rel @p1 .LBB2_4-.Ltmp2, $4  }
0x37: {  	_ = 	snop  }
0x38: {  	[spmem:s29] =	stream.linear.scatter [tilespmem:s1], [sflag:$0xA], $0x2800, $0x38;
	[tilespmem:$0x1D980] =	vst v63  }
0x39: {  	_ =	swait.ge [sflag:s8], $0x2800  }
0x3a: {  	[sflag:s8] =	ssyncset.done $0x0  }
.LBB2_5:
0x3b: {  	[sflag:s8] =	ssyncadd.s32 $0xFFFFD800;
	s0 =	rddreg [dreg:$0x4]  }
0x3c: {  	[tilespmem:s3], [sflag:$0xA] =	stream.linear.gather [hbm4b:s0+s3], $0x2710, $0x38;
	[tilespmem:$0x1D980] =	vst v63  }
0x3d: {  	_ =	swait.ge [sflag:s8], $0x2710  }
0x3e: {  	[sflag:s8] =	ssyncset.done $0x0  }
0x3f: {  	[sflag:s8] =	ssyncadd.s32 $0xFFFFD8F0  }
0x40: {  	[bflag:$0x0] =	sbarrier.arrive $0xFFFF  }
0x41: {  	s10 =	rddreg [dreg:$0x5]  }
0x42: {  	[tilespmem:s11], [sflag:$0x7] =	stream.linear.gather [hbm4b:s10+s3], $0x80, $0x38;
	[tilespmem:$0x1D980] =	vst v63  }
0x43: {  	_ = 	snop  }
0x44: {  	[tilespmem:s1], [sflag:$0x1] =	stream.indirect.gather [hbm4b:s4+s12], $0x80, s3, s12, $0xb8;
	[tilespmem:$0x1D980] =	vst v63  }
0x45: {  	s7 =	rddreg [dreg:$0x6]  }
0x46: {  	[tilespmem:s13], [sflag:$0x8] =	stream.linear.gather [hbm4b:s7+s3], $0x80, $0x38;
	[tilespmem:$0x1D980] =	vst v63  }
0x47: {  	_ = 	snop  }
0x48: {  	[tilespmem:s14], [sflag:$0x2] =	stream.indirect.gather [hbm4b:s4+s12], $0x80, s12, s12, $0xb8;
	[tilespmem:$0x1D980] =	vst v63  }
0x49: {  	_ =	swait.ge [sflag:s16], $0x2800  }
0x4a: {  	[sflag:s16] =	ssyncset.done $0x0  }
0x4b: {  	[sflag:s16] =	ssyncadd.s32 $0xFFFFD800  }
0x4c: {  	_ =	swait.ge [sflag:s17], $0x80  }
0x4d: {  	[sflag:s17] =	ssyncset.done $0x0  }
0x4e: {  	[sflag:s17] =	ssyncadd.s32 $0xFFFFFF80  }
0x4f: {  	[spmem:s2] =	stream.indirect.scatter.add.f32 [tilespmem:s1], [sflag:$0x4], $0x80, s11, s12, $0xb8;
	[tilespmem:$0x1D980] =	vst v63  }
0x50: {  	s10 =	rddreg [dreg:$0x7]  }
0x51: {  	[tilespmem:s18], [sflag:$0x9] =	stream.linear.gather [hbm4b:s10+s3], $0x80, $0x38;
	[tilespmem:$0x1D980] =	vst v63  }
0x52: {  	s7 =	simm.s32 $0xA0  }
0x53: {  	[tilespmem:s19], [sflag:$0x3] =	stream.indirect.gather [hbm4b:s4+s12], $0x80, s7, s12, $0xb8;
	[tilespmem:$0x1D980] =	vst v63  }
0x54: {  	_ =	swait.ge [sflag:s20], $0x2800  }
0x55: {  	[sflag:s20] =	ssyncset.done $0x0  }
0x56: {  	[sflag:s20] =	ssyncadd.s32 $0xFFFFD800  }
0x57: {  	_ =	swait.ge [sflag:s22], $0x80  }
0x58: {  	[sflag:s22] =	ssyncset.done $0x0  }
0x59: {  	[sflag:s22] =	ssyncadd.s32 $0xFFFFFF80  }
0x5a: {  	[spmem:s2] =	stream.indirect.scatter.add.f32 [tilespmem:s14], [sflag:$0x5], $0x80, s13, s12, $0xb8;
	[tilespmem:$0x1D980] =	vst v63  }
0x5b: {  	_ =	swait.ge [sflag:s23], $0x2800  }
0x5c: {  	[sflag:s23] =	ssyncset.done $0x0  }
0x5d: {  	s10 =	rddreg [dreg:$0x8];
	[sflag:s23] =	ssyncadd.s32 $0xFFFFD800  }
0x5e: {  	[tilespmem:s11], [sflag:$0x7] =	stream.linear.gather [hbm4b:s10+s3], $0x80, $0x38;
	[tilespmem:$0x1D980] =	vst v63  }
0x5f: {  	s7 =	simm.s32 $0xF0  }
0x60: {  	[tilespmem:s1], [sflag:$0x1] =	stream.indirect.gather [hbm4b:s4+s12], $0x80, s7, s12, $0xb8;
	[tilespmem:$0x1D980] =	vst v63  }
0x61: {  	_ =	swait.ge [sflag:s24], $0x2800  }
0x62: {  	[sflag:s24] =	ssyncset.done $0x0  }
0x63: {  	[sflag:s24] =	ssyncadd.s32 $0xFFFFD800  }
0x64: {  	_ =	swait.ge [sflag:s25], $0x80  }
0x65: {  	[sflag:s25] =	ssyncset.done $0x0  }
0x66: {  	[sflag:s25] =	ssyncadd.s32 $0xFFFFFF80  }
0x67: {  	[spmem:s2] =	stream.indirect.scatter.add.f32 [tilespmem:s19], [sflag:$0x6], $0x80, s18, s12, $0xb8;
	[tilespmem:$0x1D980] =	vst v63  }
0x68: {  	_ =	swait.ge [sflag:s6], $0x2800  }
0x69: {  	[sflag:s6] =	ssyncset.done $0x0  }
0x6a: {  	s10 =	rddreg [dreg:$0x9];
	[sflag:s6] =	ssyncadd.s32 $0xFFFFD800  }
0x6b: {  	[tilespmem:s13], [sflag:$0x8] =	stream.linear.gather [hbm4b:s10+s3], $0x80, $0x38;
	[tilespmem:$0x1D980] =	vst v63  }
0x6c: {  	s7 =	simm.s32 $0x140  }
0x6d: {  	[tilespmem:s14], [sflag:$0x2] =	stream.indirect.gather [hbm4b:s4+s12], $0x80, s7, s12, $0xb8;
	[tilespmem:$0x1D980] =	vst v63  }
0x6e: {  	_ =	swait.ge [sflag:s16], $0x2800  }
0x6f: {  	[sflag:s16] =	ssyncset.done $0x0  }
0x70: {  	[sflag:s16] =	ssyncadd.s32 $0xFFFFD800  }
0x71: {  	s10 =	simm.s32 $0x280;
	_ =	swait.ge [sflag:s17], $0x80  }
0x72: {  	s29 =	sand.u32 $0xFC00, s10;
	[sflag:s17] =	ssyncset.done $0x0  }
0x73: {  	s0 =	sand.u32 $0x380, s10;
	s29 =	sadd.s32 s9, s29;
	[sflag:s17] =	ssyncadd.s32 $0xFFFFFF80  }
0x74: {  	[spmem:s2] =	stream.indirect.scatter.add.f32 [tilespmem:s1], [sflag:$0x4], $0x80, s11, s12, $0xb8;
	[tilespmem:$0x1D980] =	vst v63  }
0x75: {  	s0 =	sor.u32 s0, s29;
	_ =	swait.ge [sflag:s26], $0x2800  }
0x76: {  	s0 =	sshrl.u32 s0, $0x3;
	[sflag:s26] =	ssyncset.done $0x0  }
0x77: {  	s0 =	sadd.s32 s5, s0;
	[sflag:s26] =	ssyncadd.s32 $0xFFFFD800  }
0x78: {  	[tilespmem:s18], [sflag:$0x9] =	stream.linear.gather [hbm4b:s0+s3], $0x80, $0x38;
	[tilespmem:$0x1D980] =	vst v63  }
0x79: {  	s7 =	simm.s32 $0x190  }
0x7a: {  	[tilespmem:s19], [sflag:$0x3] =	stream.indirect.gather [hbm4b:s4+s12], $0x80, s7, s12, $0xb8;
	[tilespmem:$0x1D980] =	vst v63  }
0x7b: {  	_ =	swait.ge [sflag:s20], $0x2800  }
0x7c: {  	[sflag:s20] =	ssyncset.done $0x0  }
0x7d: {  	[sflag:s20] =	ssyncadd.s32 $0xFFFFD800  }
0x7e: {  	s10 =	simm.s32 $0x300;
	_ =	swait.ge [sflag:s22], $0x80  }
0x7f: {  	s29 =	sand.u32 $0xFC00, s10;
	[sflag:s22] =	ssyncset.done $0x0  }
0x80: {  	s29 =	sadd.s32 s9, s29;
	s0 =	sand.u32 $0x380, s10;
	[sflag:s22] =	ssyncadd.s32 $0xFFFFFF80  }
0x81: {  	[spmem:s2] =	stream.indirect.scatter.add.f32 [tilespmem:s14], [sflag:$0x5], $0x80, s13, s12, $0xb8;
	[tilespmem:$0x1D980] =	vst v63  }
0x82: {  	s0 =	sor.u32 s0, s29;
	_ =	swait.ge [sflag:s23], $0x2800  }
0x83: {  	s0 =	sshrl.u32 s0, $0x3;
	[sflag:s23] =	ssyncset.done $0x0  }
0x84: {  	s0 =	sadd.s32 s5, s0;
	[sflag:s23] =	ssyncadd.s32 $0xFFFFD800  }
0x85: {  	[tilespmem:s11], [sflag:$0x7] =	stream.linear.gather [hbm4b:s0+s3], $0x80, $0x38;
	[tilespmem:$0x1D980] =	vst v63  }
0x86: {  	s7 =	simm.s32 $0x1E0  }
0x87: {  	[tilespmem:s1], [sflag:$0x1] =	stream.indirect.gather [hbm4b:s4+s12], $0x80, s7, s12, $0xb8;
	[tilespmem:$0x1D980] =	vst v63  }
0x88: {  	_ =	swait.ge [sflag:s24], $0x2800  }
0x89: {  	[sflag:s24] =	ssyncset.done $0x0  }
0x8a: {  	[sflag:s24] =	ssyncadd.s32 $0xFFFFD800  }
0x8b: {  	s10 =	simm.s32 $0x380;
	_ =	swait.ge [sflag:s25], $0x80  }
0x8c: {  	s29 =	sand.u32 $0xFC00, s10;
	[sflag:s25] =	ssyncset.done $0x0  }
0x8d: {  	s29 =	sadd.s32 s9, s29;
	s0 =	sand.u32 $0x380, s10;
	[sflag:s25] =	ssyncadd.s32 $0xFFFFFF80  }
0x8e: {  	[spmem:s2] =	stream.indirect.scatter.add.f32 [tilespmem:s19], [sflag:$0x6], $0x80, s18, s12, $0xb8;
	[tilespmem:$0x1D980] =	vst v63  }
0x8f: {  	s30 =	simm.s32 $0x500;
	s0 =	sor.u32 s0, s29;
	_ =	swait.ge [sflag:s6], $0x2800  }
0x90: {  	s31 =	simm.s32 $0x230;
	s0 =	sshrl.u32 s0, $0x3;
	[sflag:s6] =	ssyncset.done $0x0  }
0x91: {  	s29 =	simm.s32 $0x230;
	s0 =	sadd.s32 s5, s0;
	[sflag:s6] =	ssyncadd.s32 $0xFFFFD800  }
0x92: {  	[tilespmem:s13], [sflag:$0x8] =	stream.linear.gather [hbm4b:s0+s3], $0x80, $0x38;
	[tilespmem:$0x1D980] =	vst v63  }
.LBB2_6:
0x93: {  	p1 =	sne.s32 s30, $0x3E00  }
0x94: {  	s29 =	sadd.s32 $0xF0, s29;
	s0 =	smov.u32 s30;
	s30 =	sadd.s32 $0x180, s30  }
0x95: {  	[tilespmem:s14], [sflag:$0x2] =	stream.indirect.gather [hbm4b:s4+s12], $0x80, s31, s12, $0xb8;
	[tilespmem:$0x1D980] =	vst v63  }
0x96: {  	s31 =	smov.u32 s29;
	_ =	swait.ge [sflag:s16], $0x2800  }
0x97: {  	[sflag:s16] =	ssyncset.done $0x0  }
0x98: {  	[sflag:s16] =	ssyncadd.s32 $0xFFFFD800  }
0x99: {  	_ =	swait.ge [sflag:s17], $0x80  }
0x9a: {  	s10 =	sadd.s32 $0xFFFFFF00, s0;
	[sflag:s17] =	ssyncset.done $0x0  }
0x9b: {  	s7 =	sand.u32 $0xFC00, s10;
	s10 =	sand.u32 $0x380, s10;
	[sflag:s17] =	ssyncadd.s32 $0xFFFFFF80  }
0x9c: {  	[spmem:s2] =	stream.indirect.scatter.add.f32 [tilespmem:s1], [sflag:$0x4], $0x80, s11, s12, $0xb8;
	[tilespmem:$0x1D980] =	vst v63  }
0x9d: {  	s7 =	sadd.s32 s9, s7;
	_ =	swait.ge [sflag:s26], $0x2800  }
0x9e: {  	s7 =	sor.u32 s10, s7;
	[sflag:s26] =	ssyncset.done $0x0  }
0x9f: {  	s7 =	sshrl.u32 s7, $0x3;
	[sflag:s26] =	ssyncadd.s32 $0xFFFFD800  }
0xa0: {  	s10 =	sadd.s32 $0xFFFFFF60, s29;
	s7 =	sadd.s32 s5, s7  }
0xa1: {  	[tilespmem:s18], [sflag:$0x9] =	stream.linear.gather [hbm4b:s7+s3], $0x80, $0x38;
	[tilespmem:$0x1D980] =	vst v63  }
0xa2: {  	_ = 	snop  }
0xa3: {  	[tilespmem:s19], [sflag:$0x3] =	stream.indirect.gather [hbm4b:s4+s12], $0x80, s10, s12, $0xb8;
	[tilespmem:$0x1D980] =	vst v63  }
0xa4: {  	_ =	swait.ge [sflag:s20], $0x2800  }
0xa5: {  	[sflag:s20] =	ssyncset.done $0x0  }
0xa6: {  	[sflag:s20] =	ssyncadd.s32 $0xFFFFD800  }
0xa7: {  	s7 =	sadd.s32 $0xFFFFFF80, s0;
	_ =	swait.ge [sflag:s22], $0x80  }
0xa8: {  	s10 =	sand.u32 $0xFC00, s7;
	s7 =	sand.u32 $0x380, s7;
	[sflag:s22] =	ssyncset.done $0x0  }
0xa9: {  	s10 =	sadd.s32 s9, s10;
	[sflag:s22] =	ssyncadd.s32 $0xFFFFFF80  }
0xaa: {  	[spmem:s2] =	stream.indirect.scatter.add.f32 [tilespmem:s14], [sflag:$0x5], $0x80, s13, s12, $0xb8;
	[tilespmem:$0x1D980] =	vst v63  }
0xab: {  	s7 =	sor.u32 s7, s10;
	_ =	swait.ge [sflag:s23], $0x2800  }
0xac: {  	s7 =	sshrl.u32 s7, $0x3;
	[sflag:s23] =	ssyncset.done $0x0  }
0xad: {  	s10 =	sadd.s32 $0xFFFFFFB0, s29;
	s7 =	sadd.s32 s5, s7;
	[sflag:s23] =	ssyncadd.s32 $0xFFFFD800  }
0xae: {  	[tilespmem:s11], [sflag:$0x7] =	stream.linear.gather [hbm4b:s7+s3], $0x80, $0x38;
	[tilespmem:$0x1D980] =	vst v63  }
0xaf: {  	_ = 	snop  }
0xb0: {  	[tilespmem:s1], [sflag:$0x1] =	stream.indirect.gather [hbm4b:s4+s12], $0x80, s10, s12, $0xb8;
	[tilespmem:$0x1D980] =	vst v63  }
0xb1: {  	_ =	swait.ge [sflag:s24], $0x2800  }
0xb2: {  	[sflag:s24] =	ssyncset.done $0x0  }
0xb3: {  	[sflag:s24] =	ssyncadd.s32 $0xFFFFD800  }
0xb4: {  	_ =	swait.ge [sflag:s25], $0x80  }
0xb5: {  	s7 =	sand.u32 $0xFC00, s0;
	[sflag:s25] =	ssyncset.done $0x0  }
0xb6: {  	s0 =	sand.u32 $0x380, s0;
	s7 =	sadd.s32 s9, s7;
	[sflag:s25] =	ssyncadd.s32 $0xFFFFFF80  }
0xb7: {  	[spmem:s2] =	stream.indirect.scatter.add.f32 [tilespmem:s19], [sflag:$0x6], $0x80, s18, s12, $0xb8;
	[tilespmem:$0x1D980] =	vst v63  }
.Ltmp3:
0xb8: {  	_ = 	snop;
	(pc) =	sbr.rel @p1 .LBB2_6-.Ltmp3, $4  }
0xb9: {  	s0 =	sor.u32 s0, s7;
	_ =	swait.ge [sflag:s6], $0x2800  }
0xba: {  	s0 =	sshrl.u32 s0, $0x3;
	[sflag:s6] =	ssyncset.done $0x0  }
0xbb: {  	s0 =	sadd.s32 s5, s0;
	[sflag:s6] =	ssyncadd.s32 $0xFFFFD800  }
0xbc: {  	[tilespmem:s13], [sflag:$0x8] =	stream.linear.gather [hbm4b:s0+s3], $0x80, $0x38;
	[tilespmem:$0x1D980] =	vst v63  }
0xbd: {  	[tilespmem:s14], [sflag:$0x2] =	stream.indirect.gather [hbm4b:s4+s12], $0x80, s31, s12, $0xb8;
	[tilespmem:$0x1D980] =	vst v63  }
0xbe: {  	_ =	swait.ge [sflag:s16], $0x2800  }
0xbf: {  	[sflag:s16] =	ssyncset.done $0x0  }
0xc0: {  	[sflag:s16] =	ssyncadd.s32 $0xFFFFD800  }
0xc1: {  	_ =	swait.ge [sflag:s17], $0x80  }
0xc2: {  	[sflag:s17] =	ssyncset.done $0x0  }
0xc3: {  	[sflag:s17] =	ssyncadd.s32 $0xFFFFFF80  }
0xc4: {  	[spmem:s2] =	stream.indirect.scatter.add.f32 [tilespmem:s1], [sflag:$0x4], $0x80, s11, s12, $0xb8;
	[tilespmem:$0x1D980] =	vst v63  }
0xc5: {  	_ =	swait.ge [sflag:s20], $0x2800  }
0xc6: {  	[sflag:s20] =	ssyncset.done $0x0  }
0xc7: {  	[sflag:s20] =	ssyncadd.s32 $0xFFFFD800  }
0xc8: {  	_ =	swait.ge [sflag:s22], $0x80  }
0xc9: {  	[sflag:s22] =	ssyncset.done $0x0  }
0xca: {  	[sflag:s22] =	ssyncadd.s32 $0xFFFFFF80  }
0xcb: {  	[spmem:s2] =	stream.indirect.scatter.add.f32 [tilespmem:s14], [sflag:$0x5], $0x80, s13, s12, $0xb8;
	[tilespmem:$0x1D980] =	vst v63  }
0xcc: {  	_ =	swait.ge [sflag:s26], $0x2800  }
0xcd: {  	[sflag:s26] =	ssyncset.done $0x0  }
0xce: {  	[sflag:s26] =	ssyncadd.s32 $0xFFFFD800  }
0xcf: {  	_ =	swait.ge [sflag:s23], $0x2800  }
0xd0: {  	[sflag:s23] =	ssyncset.done $0x0  }
0xd1: {  	[sflag:s23] =	ssyncadd.s32 $0xFFFFD800  }
0xd2: {  	_ =	swait.ge [sflag:s6], $0x2800  }
0xd3: {  	[sflag:s6] =	ssyncset.done $0x0  }
0xd4: {  	[sflag:s6] =	ssyncadd.s32 $0xFFFFD800  }
0xd5: {  	[bflag:$0x0] =	sbarrier.arrive $0xFFFF  }
0xd6: {  	[tilespmem:s1], [sflag:$0x1] =	stream.linear.gather [spmem:s15], $0x2800, $0x38;
	[tilespmem:$0x1D980] =	vst v63  }
0xd7: {  	_ =	swait.ge [sflag:s16], $0x2800  }
0xd8: {  	[sflag:s16] =	ssyncset.done $0x0  }
0xd9: {  	s0 =	rddreg [dreg:$0xa];
	[sflag:s16] =	ssyncadd.s32 $0xFFFFD800  }
0xda: {  	[tilespmem:s14], [sflag:$0x2] =	stream.linear.gather [spmem:s0], $0x2800, $0x38;
	[tilespmem:$0x1D980] =	vst v63  }
0xdb: {  	s29 =	rddreg [dreg:$0xb]  }
0xdc: {  	[hbm4b:s29+s3] =	stream.linear.scatter [tilespmem:s1], [sflag:$0x4], $0x2800, $0x38;
	[tilespmem:$0x1D980] =	vst v63  }
0xdd: {  	_ =	swait.ge [sflag:s20], $0x2800  }
0xde: {  	[sflag:s20] =	ssyncset.done $0x0  }
0xdf: {  	[sflag:s20] =	ssyncadd.s32 $0xFFFFD800  }
0xe0: {  	_ =	swait.ge [sflag:s23], $0x2800  }
0xe1: {  	[sflag:s23] =	ssyncset.done $0x0  }
0xe2: {  	s30 =	rddreg [dreg:$0x13];
	[sflag:s23] =	ssyncadd.s32 $0xFFFFD800  }
0xe3: {  	[tilespmem:s1], [sflag:$0x1] =	stream.linear.gather [spmem:s30], $0x2800, $0x38;
	[tilespmem:$0x1D980] =	vst v63  }
0xe4: {  	s31 =	rddreg [dreg:$0xc]  }
0xe5: {  	[hbm4b:s31+s3] =	stream.linear.scatter [tilespmem:s14], [sflag:$0x5], $0x2800, $0x38;
	[tilespmem:$0x1D980] =	vst v63  }
0xe6: {  	_ =	swait.ge [sflag:s16], $0x2800  }
0xe7: {  	[sflag:s16] =	ssyncset.done $0x0  }
0xe8: {  	[sflag:s16] =	ssyncadd.s32 $0xFFFFD800  }
0xe9: {  	_ =	swait.ge [sflag:s6], $0x2800  }
0xea: {  	[sflag:s6] =	ssyncset.done $0x0  }
0xeb: {  	s7 =	rddreg [dreg:$0x14];
	[sflag:s6] =	ssyncadd.s32 $0xFFFFD800  }
0xec: {  	[tilespmem:s14], [sflag:$0x2] =	stream.linear.gather [spmem:s7], $0x2800, $0x38;
	[tilespmem:$0x1D980] =	vst v63  }
0xed: {  	s10 =	rddreg [dreg:$0xd]  }
0xee: {  	[hbm4b:s10+s3] =	stream.linear.scatter [tilespmem:s1], [sflag:$0x4], $0x2800, $0x38;
	[tilespmem:$0x1D980] =	vst v63  }
0xef: {  	_ =	swait.ge [sflag:s20], $0x2800  }
0xf0: {  	[sflag:s20] =	ssyncset.done $0x0  }
0xf1: {  	[sflag:s20] =	ssyncadd.s32 $0xFFFFD800  }
0xf2: {  	_ =	swait.ge [sflag:s23], $0x2800  }
0xf3: {  	[sflag:s23] =	ssyncset.done $0x0  }
0xf4: {  	s29 =	rddreg [dreg:$0x15];
	[sflag:s23] =	ssyncadd.s32 $0xFFFFD800  }
0xf5: {  	[tilespmem:s1], [sflag:$0x1] =	stream.linear.gather [spmem:s29], $0x2800, $0x38;
	[tilespmem:$0x1D980] =	vst v63  }
0xf6: {  	s30 =	rddreg [dreg:$0xe]  }
0xf7: {  	[hbm4b:s30+s3] =	stream.linear.scatter [tilespmem:s14], [sflag:$0x5], $0x2800, $0x38;
	[tilespmem:$0x1D980] =	vst v63  }
0xf8: {  	_ =	swait.ge [sflag:s16], $0x2800  }
0xf9: {  	[sflag:s16] =	ssyncset.done $0x0  }
0xfa: {  	s0 =	simm.s32 @p0 $0x0;
	s7 =	simm.s32 @p0 $0x2900;
	[sflag:s16] =	ssyncadd.s32 $0xFFFFD800  }
0xfb: {  	[hbm4b:s21+s0] =	stream.linear.scatter @p0 [tilespmem:s7], [sflag:$0x4], $0x2800, $0x38;
	[tilespmem:$0x1D980] =	vst v63  }
0xfc: {  	s0 =	simm.s32 @!p0 $0x5  }
0xfd: {  	_ =	swait.ge @!p0 [sflag:s0], $0x2800  }
0xfe: {  	[sflag:s0] =	ssyncset.done @!p0 $0x0  }
0xff: {  	s7 =	simm.s32 @!p0 $0x5100;
	s10 =	rddreg [dreg:$0x16];
	[sflag:s0] =	ssyncadd.s32 @!p0 $0xFFFFD800  }
0x100: {  	[tilespmem:s7], [sflag:$0x2] =	stream.linear.gather @!p0 [spmem:s10], $0x2800, $0x38;
	[tilespmem:$0x1D980] =	vst v63  }
0x101: {  	s29 =	simm.s32 @!p0 $0x2900;
	s30 =	simm.s32 @!p0 $0x2;
	s10 =	simm.s32 @!p0 $0x0  }
0x102: {  	[hbm4b:s21+s10] =	stream.linear.scatter @!p0 [tilespmem:s29], [sflag:$0x4], $0x2800, $0x38;
	[tilespmem:$0x1D980] =	vst v63  }
0x103: {  	_ =	swait.ge @!p0 [sflag:s30], $0x2800  }
0x104: {  	[sflag:s30] =	ssyncset.done @!p0 $0x0  }
0x105: {  	s31 =	simm.s32 @!p0 $0x4;
	[sflag:s30] =	ssyncadd.s32 @!p0 $0xFFFFD800  }
0x106: {  	_ =	swait.ge @!p0 [sflag:s31], $0x2800  }
0x107: {  	[sflag:s31] =	ssyncset.done @!p0 $0x0  }
0x108: {  	[sflag:s31] =	ssyncadd.s32 @!p0 $0xFFFFD800;
	s31 =	rddreg [dreg:$0x17]  }
0x109: {  	[tilespmem:s29], [sflag:$0x1] =	stream.linear.gather @!p0 [spmem:s31], $0x2800, $0x38;
	[tilespmem:$0x1D980] =	vst v63  }
0x10a: {  	s31 =	rddreg [dreg:$0xf]  }
0x10b: {  	[hbm4b:s31+s10] =	stream.linear.scatter @!p0 [tilespmem:s7], [sflag:$0x5], $0x2800, $0x38;
	[tilespmem:$0x1D980] =	vst v63  }
0x10c: {  	s31 =	simm.s32 @!p0 $0x1  }
0x10d: {  	_ =	swait.ge @!p0 [sflag:s31], $0x2800  }
0x10e: {  	[sflag:s31] =	ssyncset.done @!p0 $0x0  }
0x10f: {  	[sflag:s31] =	ssyncadd.s32 @!p0 $0xFFFFD800  }
0x110: {  	_ =	swait.ge @!p0 [sflag:s0], $0x2800  }
0x111: {  	[sflag:s0] =	ssyncset.done @!p0 $0x0  }
0x112: {  	[sflag:s0] =	ssyncadd.s32 @!p0 $0xFFFFD800;
	s0 =	rddreg [dreg:$0x18]  }
0x113: {  	[tilespmem:s7], [sflag:$0x2] =	stream.linear.gather @!p0 [spmem:s0], $0x2800, $0x38;
	[tilespmem:$0x1D980] =	vst v63  }
0x114: {  	s0 =	rddreg [dreg:$0x10]  }
0x115: {  	[hbm4b:s0+s10] =	stream.linear.scatter @!p0 [tilespmem:s29], [sflag:$0x4], $0x2800, $0x38;
	[tilespmem:$0x1D980] =	vst v63  }
0x116: {  	_ =	swait.ge @!p0 [sflag:s30], $0x2800  }
0x117: {  	[sflag:s30] =	ssyncset.done @!p0 $0x0  }
0x118: {  	s0 =	rddreg [dreg:$0x11];
	[sflag:s30] =	ssyncadd.s32 @!p0 $0xFFFFD800  }
0x119: {  	[hbm4b:s0+s10] =	stream.linear.scatter @!p0 [tilespmem:s7], [sflag:$0x5], $0x2800, $0x38;
	[tilespmem:$0x1D980] =	vst v63  }
0x11a: {  	_ =	swait.ge [sflag:s23], $0x2800  }
0x11b: {  	[sflag:s23] =	ssyncset.done $0x0  }
0x11c: {  	[sflag:s23] =	ssyncadd.s32 $0xFFFFD800  }
0x11d: {  	_ =	swait.ge [sflag:s6], $0x2800  }
0x11e: {  	s28 =	sadd.s32 $0x1, s28;
	s31 =	rddreg [dreg:$0x12]  }
0x11f: {  	p1 =	sne.s32 s28, s31  }
.Ltmp4:
0x120: {  	_ = 	snop;
	(pc) =	sbr.rel @p1 .LBB2_1-.Ltmp4, $3  }
0x121: {  	_ =	sdelay $0x1  }
0x122: {  	[sflag:s6] =	ssyncset.done $0x0  }
0x123: {  	[sflag:s6] =	ssyncadd.s32 $0xFFFFD800  }
0x124: {  	_ =	sfence.sel $0x180000  }
0x125: {  	[bflag:$0x0] =	sbarrier.arrive $0xFFFF  }
0x126: {  	_ =	strace $0x90000050  }
0x127: {  	s0 =	stileid.u32;
	[bflag:$0x2] =	sbarrier.arrive $0xFFFF  }
0x128: {  	p0 =	sne.s32 s0, $0x0;
	s0 =	rddreg [dreg:$0x2]  }
0x129: {  	s0 =	sadd.s32 @!p0 $0x100000, s0  }
0x12a: {  	[sflag:s0] =	ssyncadd.tile.s32 @!p0 $0x1;
	_ =	shalt  }
.Lfunc_end2:
_tile_overlayer_lowered:
.L_overlay_start_2:
0x12b: {  	(tag) =	ssettag $0x2  }
0x12c: {  	s0 =	rddreg [dreg:$0x0];
	s2 =	stileid.u32  }
0x12d: {  	s1 =	rddreg [dreg:$0x1];
	p0 =	sne.s32 s2, $0x0  }
0x12e: {  	s3 =	rddreg [dreg:$0x2];
	[bflag:$0x3] =	sbarrier.arrive $0xFFFF;
	s2 =	simm.s32 @!p0 $0x1C0A  }
0x12f: {  	[timem:s3], [sflag:s2] =	dma.local @!p0 [hbm:s0], s1  }
0x130: {  	s0 =	simm.s32 @!p0 $0xA  }
0x131: {  	_ =	swait.ge @!p0 [sflag:s0], s1  }
0x132: {  	s1 =	ssub.s32 @!p0 $0x0, s1;
	[sflag:s0] =	ssyncset.done @!p0 $0x0  }
0x133: {  	[sflag:s0] =	ssyncadd.s32 @!p0 s1  }
0x134: {  	[bflag:$0x3] =	sbarrier.arrive $0xFFFF  }
0x135: {  	_ =	shalt  }

</sc_bundles>
